<compile_context>
chip_gen: v7x
topology: tpu7x:2x2x1
jax: 0.10.2.dev20260603
libtpu: 0.0.44.dev20260713+nightly
codegen_flags: <defaults>
</compile_context>

<pallas_src>
import functools

import jax
import jax.numpy as jnp
from jax import lax
from jax.experimental import pallas as pl
from jax.experimental.pallas import tpu as pltpu
from jax.experimental.pallas import tpu_sc as plsc

_EPS = 1e-5
_B, _N = 4, 1024
_INTERPRET = False



def _fps_body(x_ref, y_ref, z_ref, nx_ref, ny_ref, nz_ref, *, npoint):
    X = x_ref[...]
    Y = y_ref[...]
    Z = z_ref[...]
    b, n = X.shape
    col = lax.broadcasted_iota(jnp.int32, (b, n), 1)
    col_s = lax.broadcasted_iota(jnp.int32, (b, npoint), 1)

    def step(t, carry):
        dist, far, ax, ay, az = carry
        sel = col == far
        cx = jnp.sum(jnp.where(sel, X, 0.0), axis=1, keepdims=True)
        cy = jnp.sum(jnp.where(sel, Y, 0.0), axis=1, keepdims=True)
        cz = jnp.sum(jnp.where(sel, Z, 0.0), axis=1, keepdims=True)
        hit = col_s == t
        ax = jnp.where(hit, cx, ax)
        ay = jnp.where(hit, cy, ay)
        az = jnp.where(hit, cz, az)
        dx = X - cx
        dy = Y - cy
        dz = Z - cz
        d = dx * dx + dy * dy + dz * dz
        dist = jnp.minimum(dist, d)
        mx = jnp.max(dist, axis=1, keepdims=True)
        far_new = jnp.min(
            jnp.where(dist == mx, col, jnp.int32(n)), axis=1, keepdims=True
        )
        return dist, far_new, ax, ay, az

    init = (
        jnp.full((b, n), 1e10, jnp.float32),
        jnp.zeros((b, 1), jnp.int32),
        jnp.zeros((b, npoint), jnp.float32),
        jnp.zeros((b, npoint), jnp.float32),
        jnp.zeros((b, npoint), jnp.float32),
    )
    _, _, ax, ay, az = lax.fori_loop(0, npoint, step, init)
    nx_ref[...] = ax
    ny_ref[...] = ay
    nz_ref[...] = az


def _fps(X, Y, Z, npoint):
    b, n = X.shape
    out = jax.ShapeDtypeStruct((b, npoint), jnp.float32)
    nx, ny, nz = pl.pallas_call(
        functools.partial(_fps_body, npoint=npoint),
        out_shape=(out, out, out),
        interpret=_INTERPRET,
    )(X, Y, Z)
    return nx, ny, nz



def _mask_body(new_ref, ptsT_ref, o_ref, *, r2s):
    new = new_ref[0]
    ptsT = ptsT_ref[0]
    pn2 = jnp.sum(ptsT * ptsT, axis=0, keepdims=True)
    cn2 = jnp.sum(new * new, axis=1, keepdims=True)
    d = (cn2 + pn2) - 2.0 * jnp.dot(new, ptsT,
                                    preferred_element_type=jnp.float32)
    w = jnp.zeros(d.shape, jnp.int32)
    for i, r2 in enumerate(r2s):
        w = w + jnp.where(d <= jnp.float32(r2), jnp.int32(1 << i),
                          jnp.int32(0))
    o_ref[0] = w


def _masks(new_xyz, ptsT, r2s):
    b, s, _ = new_xyz.shape
    n = ptsT.shape[2]
    out = pl.pallas_call(
        functools.partial(_mask_body, r2s=tuple(r2s)),
        grid=(b,),
        in_specs=[
            pl.BlockSpec((1, s, 3), lambda i: (i, 0, 0)),
            pl.BlockSpec((1, 3, n), lambda i: (i, 0, 0)),
        ],
        out_specs=pl.BlockSpec((1, s, n), lambda i: (i, 0, 0)),
        out_shape=jax.ShapeDtypeStruct((b, s, n), jnp.int32),
        interpret=_INTERPRET,
    )(new_xyz, ptsT)
    return out.reshape(b * s, n)



def _table_body(*refs, nw):
    pts = refs[0][...]
    idx = 1
    xyzv = None
    if nw == 2:
        xyzv = refs[1][...]
        idx = 2
    n_br = (len(refs) - idx) // (nw + 2)
    ins = refs[idx:]
    outs = refs[idx + n_br * (nw + 1):]
    for br in range(n_br):
        wp = ins[br * (nw + 1)][...]
        t = jnp.dot(pts, wp, preferred_element_type=jnp.float32)
        if nw == 2:
            wx = ins[br * (nw + 1) + 1][...]
            t = t + jnp.dot(xyzv, wx, preferred_element_type=jnp.float32)
        bias = ins[br * (nw + 1) + nw][...]
        outs[br][...] = t + bias


def _tables(pts, xyz, weights):
    nw = 2 if xyz is not None else 1
    ins = [pts] + ([xyz] if xyz is not None else [])
    for wset in weights:
        ins.extend(wset)
    outs = tuple(
        jax.ShapeDtypeStruct((pts.shape[0], w[0].shape[1]), jnp.float32)
        for w in weights
    )
    return pl.pallas_call(
        functools.partial(_table_body, nw=nw),
        out_shape=outs,
        interpret=_INTERPRET,
    )(*ins)



@functools.lru_cache(maxsize=None)
def _sc_group_builder(BS, N, S, Ks, Cs):
    info = plsc.get_sparse_core_info()
    NC, NS = info.num_cores, info.num_subcores
    NW = NC * NS
    per_w = BS // NW
    nch = N // 16
    BN = (BS // S) * N

    out_type = tuple(
        jax.ShapeDtypeStruct((BS * K, C), jnp.float32)
        for K, C in zip(Ks, Cs)
    )
    scratch = [pltpu.VMEM((per_w * N,), jnp.int32)]
    for K in Ks:
        scratch += [
            pltpu.VMEM((N + 16,), jnp.int32),
            pltpu.VMEM((2 * K,), jnp.int32),
            pltpu.VMEM((2 * K, 128), jnp.float32),
        ]
    scratch += [pltpu.SemaphoreType.DMA] * 4
    mesh = plsc.VectorSubcoreMesh(core_axis_name="c", subcore_axis_name="s")

    @functools.partial(pl.kernel, mesh=mesh, out_type=out_type,
                       scratch_types=scratch,
                       compiler_params=pltpu.CompilerParams(
                           needs_layout_passes=False))
    def sc_kernel(mask_hbm, t0, t1, t2, g0, g1, g2,
                  mw, ib0, ix0, rw0, ib1, ix1, rw1, ib2, ix2, rw2,
                  semg0, semg1, semw0, semw1):
        T = (t0, t1, t2)
        G = (g0, g1, g2)
        IB = (ib0, ib1, ib2)
        IX = (ix0, ix1, ix2)
        RW = (rw0, rw1, rw2)
        SEMG = (semg0, semg1)
        SEMW = (semw0, semw1)
        wid = lax.axis_index("s") * NC + lax.axis_index("c")
        lane = lax.iota(jnp.int32, 16)
        zeros16 = jnp.zeros((16,), jnp.int32)
        ones16 = jnp.full((16,), 1, jnp.int32)

        def splat(x):
            return jnp.full((16,), x, jnp.int32)

        pmax16 = jnp.full((16,), N + 15, jnp.int32)
        imax16 = jnp.full((16,), BN - 1, jnp.int32)

        pltpu.sync_copy(mask_hbm.at[pl.ds(wid * per_w * N, per_w * N)], mw)

        def compact(ci, par):
            sg = wid * per_w + ci
            base = (sg // S) * N

            def chunk(ch, cnts):
                w = mw[pl.ds(ci * N + ch * 16, 16)]
                iv = lane + splat(ch * 16)
                new = []
                for br in range(3):
                    cv = cnts[br]
                    m = ((w >> splat(br)) & ones16) == ones16
                    mi = m.astype(jnp.int32)
                    pos = plsc.cumsum(mi) + cv - ones16
                    pos = jnp.minimum(jnp.maximum(pos, zeros16), pmax16)
                    plsc.store_scatter(IB[br], [pos], iv, mask=m)
                    new.append(cv + plsc.all_reduce_population_count(m))
                return tuple(new)

            cnts = lax.fori_loop(0, nch, chunk, (zeros16, zeros16, zeros16))
            for br in range(3):
                K = Ks[br]
                c0 = IB[br][pl.ds(0, 16)]
                first = splat(jnp.sum(jnp.where(lane == zeros16, c0,
                                                zeros16)))
                cb = cnts[br]
                first = jnp.where(cb == zeros16,
                                  jnp.full((16,), N - 1, jnp.int32), first)
                for j in range(K // 16):
                    li = lane + splat(j * 16)
                    v = IB[br][pl.ds(j * 16, 16)]
                    v = jnp.where(li < cb, v, first) + splat(base)
                    v = jnp.minimum(jnp.maximum(v, zeros16), imax16)
                    IX[br][pl.ds(par * K + j * 16, 16)] = v

        def fire_gathers(ci, par):
            for br in range(3):
                K = Ks[br]
                pltpu.async_copy(
                    T[br].at[IX[br].at[pl.ds(par * K, K)]],
                    RW[br].at[pl.ds(par * K, K)], SEMG[par])

        KSUM = sum(Ks)

        def drain_gathers(par):
            pltpu.make_async_copy(
                T[2].at[pl.ds(0, KSUM)],
                RW[2].at[pl.ds(0, KSUM)], SEMG[par]).wait()

        def fire_writes(ci, par):
            sg = wid * per_w + ci
            for br in range(3):
                K = Ks[br]
                pltpu.async_copy(
                    RW[br].at[pl.ds(par * K, K)],
                    G[br].at[pl.ds(sg * K, K)], SEMW[par])

        def drain_writes(par):
            pltpu.make_async_copy(
                RW[2].at[pl.ds(0, KSUM)],
                G[2].at[pl.ds(0, KSUM)], SEMW[par]).wait()

        compact(0, 0)
        fire_gathers(0, 0)
        compact(1, 1)
        fire_gathers(1, 1)

        def body(ip, _):
            for par in range(2):
                i = 2 * ip + par
                drain_gathers(par)
                fire_writes(i, par)
                nxt = jnp.minimum(i + 2, per_w - 1)
                compact(nxt, par)
                drain_writes(par)

                @pl.when(i + 2 < per_w)
                def _():
                    fire_gathers(i + 2, par)

            return 0

        lax.fori_loop(0, per_w // 2, body, 0)

    return sc_kernel


def _sc_group(mask, tables, BS, N, S, Ks, Cs):
    k = _sc_group_builder(BS, N, S, tuple(Ks), tuple(Cs))
    return k(mask.reshape(BS * N), *tables)



def _branch_body(g_ref, nxyz_ref, wx_ref, w2_ref, b2_ref, w3_ref, b3_ref,
                 o_ref, *, SB, K):
    D = jnp.dot(nxyz_ref[...], wx_ref[...],
                preferred_element_type=jnp.float32)
    G = g_ref[...]
    C1 = G.shape[1]
    h = jnp.maximum(G.reshape(SB, K, C1) - D[:, None, :], 0.0)
    h = h.reshape(SB * K, C1)
    h = jnp.maximum(
        jnp.dot(h, w2_ref[...], preferred_element_type=jnp.float32)
        + b2_ref[...], 0.0)
    h = jnp.maximum(
        jnp.dot(h, w3_ref[...], preferred_element_type=jnp.float32)
        + b3_ref[...], 0.0)
    C3 = h.shape[1]
    o_ref[...] = jnp.max(h.reshape(SB, K, C3), axis=1)


def _branch(G, nxyz, wx, w2, b2, w3, b3, K, SB):
    BS = nxyz.shape[0]
    C1 = wx.shape[1]
    C3 = w3.shape[1]
    grid = (BS // SB,)
    return pl.pallas_call(
        functools.partial(_branch_body, SB=SB, K=K),
        grid=grid,
        in_specs=[
            pl.BlockSpec((SB * K, C1), lambda i: (i, 0)),
            pl.BlockSpec((SB, 3), lambda i: (i, 0)),
            pl.BlockSpec(wx.shape, lambda i: (0, 0)),
            pl.BlockSpec(w2.shape, lambda i: (0, 0)),
            pl.BlockSpec(b2.shape, lambda i: (0, 0)),
            pl.BlockSpec(w3.shape, lambda i: (0, 0)),
            pl.BlockSpec(b3.shape, lambda i: (0, 0)),
        ],
        out_specs=pl.BlockSpec((SB, C3), lambda i: (i, 0)),
        out_shape=jax.ShapeDtypeStruct((BS, C3), jnp.float32),
        interpret=_INTERPRET,
    )(G, nxyz, wx, w2, b2, w3, b3)



def _final_body(xyz_ref, pts_ref, wx_ref, wp_ref, b1_ref, w2_ref, b2_ref,
                w3_ref, b3_ref, wf1_ref, bf1_ref, wf2_ref, bf2_ref,
                wf3_ref, bf3_ref, o_ref, *, b, s):
    h = jnp.dot(xyz_ref[...], wx_ref[...],
                preferred_element_type=jnp.float32)
    h = h + jnp.dot(pts_ref[...], wp_ref[...],
                    preferred_element_type=jnp.float32)
    h = jnp.maximum(h + b1_ref[...], 0.0)
    h = jnp.maximum(
        jnp.dot(h, w2_ref[...], preferred_element_type=jnp.float32)
        + b2_ref[...], 0.0)
    h = jnp.maximum(
        jnp.dot(h, w3_ref[...], preferred_element_type=jnp.float32)
        + b3_ref[...], 0.0)
    C = h.shape[1]
    hm = jnp.max(h.reshape(b, s, C), axis=1)
    f = jnp.maximum(
        jnp.dot(hm, wf1_ref[...], preferred_element_type=jnp.float32)
        + bf1_ref[...], 0.0)
    f = jnp.maximum(
        jnp.dot(f, wf2_ref[...], preferred_element_type=jnp.float32)
        + bf2_ref[...], 0.0)
    o_ref[...] = (
        jnp.dot(f, wf3_ref[...], preferred_element_type=jnp.float32)
        + bf3_ref[...])


def _final(xyz2, pts2, ws, b, s, ncls):
    return pl.pallas_call(
        functools.partial(_final_body, b=b, s=s),
        out_shape=jax.ShapeDtypeStruct((b, ncls), jnp.float32),
        interpret=_INTERPRET,
    )(xyz2, pts2, *ws)



def _fold(layer):
    w, bb, gamma, beta = layer
    s = gamma / jnp.sqrt(1.0 + _EPS)
    return (w * s[:, None]).T, (s * bb + beta)[None, :]


def _fold_split(layer, n_head):
    wf, bias = _fold(layer)
    return wf[:n_head], wf[n_head:], bias


_CP = 128


def _pad_cols(a):
    return jnp.pad(a, ((0, 0), (0, _CP - a.shape[1])))



_SA1 = dict(S=512, radii=(0.1, 0.2, 0.4), Ks=(16, 32, 128), SBs=(128, 128, 64))
_SA2 = dict(S=128, radii=(0.2, 0.4, 0.8), Ks=(32, 64, 128), SBs=(128, 64, 32))


def _sa_msg(pts_feat, X, Y, Z, cfg, branch_params, b, n):
    s = cfg["S"]
    nx, ny, nz = _fps(X, Y, Z, s)
    new_xyz = jnp.stack([nx, ny, nz], axis=-1)
    ptsT = jnp.stack([X, Y, Z], axis=1)
    mask = _masks(new_xyz, ptsT, [r * r for r in cfg["radii"]])

    xyz_flat = jnp.stack([X, Y, Z], axis=-1).reshape(b * n, 3)
    wsets = []
    folded = []
    for layers in branch_params:
        if pts_feat is None:
            wx, bias = _fold(layers[0])
            wsets.append((_pad_cols(wx), _pad_cols(bias)))
            rest = [_fold(l) for l in layers[1:]]
        else:
            cin = pts_feat.shape[2]
            wp, wx, bias = _fold_split(layers[0], cin)
            wsets.append((_pad_cols(wp), _pad_cols(wx), _pad_cols(bias)))
            rest = [_fold(l) for l in layers[1:]]
        (w2, b2), (w3, b3) = rest
        w2 = jnp.pad(w2, ((0, _CP - w2.shape[0]), (0, 0)))
        folded.append((_pad_cols(wx), (w2, b2), (w3, b3)))

    if pts_feat is None:
        tabs = _tables(xyz_flat, None, wsets)
    else:
        tabs = _tables(pts_feat.reshape(b * n, -1), xyz_flat, wsets)

    Cs = (_CP, _CP, _CP)
    Gs = _sc_group(mask, tabs, b * s, n, s, cfg["Ks"], Cs)

    new_flat = new_xyz.reshape(b * s, 3)
    outs = []
    for br in range(3):
        wx = folded[br][0]
        (w2, b2), (w3, b3) = folded[br][1], folded[br][2]
        o = _branch(Gs[br], new_flat, wx, w2, b2, w3, b3,
                    cfg["Ks"][br], cfg["SBs"][br])
        outs.append(o.reshape(b, s, -1))
    return new_xyz, jnp.concatenate(outs, axis=-1)


def kernel(xyz, params):
    b = xyz.shape[0]
    X, Y, Z = xyz[:, 0, :], xyz[:, 1, :], xyz[:, 2, :]

    l1_xyz, l1_pts = _sa_msg(None, X, Y, Z, _SA1, params["sa1"], b, _N)
    X2, Y2, Z2 = l1_xyz[..., 0], l1_xyz[..., 1], l1_xyz[..., 2]
    l2_xyz, l2_pts = _sa_msg(l1_pts, X2, Y2, Z2, _SA2, params["sa2"],
                             b, _SA1["S"])

    s2 = _SA2["S"]
    wx3, wp3, b31 = _fold_split(params["sa3"][0], 3)
    (w32, b32), (w33, b33) = (_fold(params["sa3"][1]),
                              _fold(params["sa3"][2]))
    wf1, bf1 = _fold(params["fc1"])
    wf2, bf2 = _fold(params["fc2"])
    w3, b3 = params["fc3"]
    ws = (wx3, wp3, b31, w32, b32, w33, b33,
          wf1, bf1, wf2, bf2, w3.T, b3[None, :])
    return _final(l2_xyz.reshape(b * s2, 3), l2_pts.reshape(b * s2, -1),
                  ws, b, s2, w3.shape[0])

# --- scband reference (transcript-rebuilt; emitter-appended) ---
"""Pipeline reference for scband-pointnet2-msg-8323646620001 (READ-ONLY COPY).

The authoritative reference and input builder live on the scoring server;
editing this copy changes nothing except your own understanding.
"""

import jax, jax.numpy as jnp
import numpy as np

EPS = 1e-5
B, N, NUM_CLASSES = 4, 1024, 10

def _make_layers(key, c_in, outs):
    layers = []
    last = c_in
    for i, o in enumerate(outs):
        k = jax.random.fold_in(key, i)
        w = jax.random.normal(k, (o, last), dtype=jnp.float32) * (1.0 / np.sqrt(last))
        layers.append((w, jnp.zeros((o,), jnp.float32), jnp.ones((o,), jnp.float32), jnp.zeros((o,), jnp.float32)))
        last = o
    return layers

def setup_inputs(seed: int = 0):
    key = jax.random.key(seed)
    xyz = jax.random.normal(jax.random.fold_in(key, 1), (B, 3, N), dtype=jnp.float32)
    params = {
        'sa1': [_make_layers(jax.random.fold_in(key, 10 + i), 3, m) for i, m in enumerate([[32, 32, 64], [64, 64, 128], [64, 96, 128]])],
        'sa2': [_make_layers(jax.random.fold_in(key, 20 + i), 323, m) for i, m in enumerate([[64, 64, 128], [128, 128, 256], [128, 128, 256]])],
        'sa3': _make_layers(jax.random.fold_in(key, 30), 643, [256, 512, 1024]),
        'fc1': _make_layers(jax.random.fold_in(key, 40), 1024, [512])[0],
        'fc2': _make_layers(jax.random.fold_in(key, 41), 512, [256])[0],
        'fc3': _make_layers(jax.random.fold_in(key, 42), 256, [NUM_CLASSES])[0][:2],
    }
    return {'xyz': xyz, 'params': params}

def square_distance(src, dst):
    return jnp.sum(src ** 2, -1)[:, :, None] + jnp.sum(dst ** 2, -1)[:, None, :] - 2.0 * jnp.matmul(src, jnp.transpose(dst, (0, 2, 1)))

def index_points(points, idx):
    return jax.vmap(lambda p, i: p[i])(points, idx)

def farthest_point_sample(xyz, npoint):
    b, n, _ = xyz.shape
    def step(state, _):
        distance, farthest = state
        centroid = xyz[jnp.arange(b), farthest][:, None, :]
        dist = jnp.sum((xyz - centroid) ** 2, axis=-1)
        distance = jnp.minimum(distance, dist)
        new_farthest = jnp.argmax(distance, axis=-1).astype(jnp.int32)
        return (distance, new_farthest), farthest
    init = (jnp.full((b, n), 1e10, jnp.float32), jnp.zeros((b,), jnp.int32))
    _, centroids = jax.lax.scan(step, init, None, length=npoint)
    return jnp.transpose(centroids)

def query_ball_point(radius, nsample, xyz, new_xyz):
    b, n, _ = xyz.shape
    s = new_xyz.shape[1]
    sqrdists = square_distance(new_xyz, xyz)
    group_idx = jnp.broadcast_to(jnp.arange(n, dtype=jnp.int32), (b, s, n))
    group_idx = jnp.where(sqrdists > radius ** 2, n, group_idx)
    group_idx = jnp.sort(group_idx, axis=-1)[:, :, :nsample]
    group_first = jnp.broadcast_to(group_idx[:, :, :1], group_idx.shape)
    return jnp.where(group_idx == n, group_first, group_idx)

def mlp_bn_relu(x, layers):
    for (w, bb, gamma, beta) in layers:
        x = jnp.matmul(x, w.T) + bb
        x = gamma * (x / jnp.sqrt(1.0 + EPS)) + beta
        x = jax.nn.relu(x)
    return x

def sa_msg(xyz, points, npoint, radii, nsamples, branches):
    fps_idx = farthest_point_sample(xyz, npoint)
    new_xyz = index_points(xyz, fps_idx)
    outs = []
    for radius, nsample, layers in zip(radii, nsamples, branches):
        gidx = query_ball_point(radius, nsample, xyz, new_xyz)
        g_xyz = index_points(xyz, gidx) - new_xyz[:, :, None, :]
        feat = g_xyz if points is None else jnp.concatenate([index_points(points, gidx), g_xyz], axis=-1)
        feat = mlp_bn_relu(feat, layers)
        outs.append(jnp.max(feat, axis=2))
    return new_xyz, jnp.concatenate(outs, axis=-1), fps_idx

def sa_all(xyz, points, layers):
    b = xyz.shape[0]
    feat = jnp.concatenate([xyz, points], axis=-1)[:, None, :, :]
    feat = mlp_bn_relu(feat, layers)
    return jnp.max(feat, axis=2).reshape(b, -1)

def _forward(xyz, params):
    pts = jnp.transpose(xyz, (0, 2, 1))
    l1_xyz, l1_pts, _ = sa_msg(pts, None, 512, [0.1, 0.2, 0.4], [16, 32, 128], params['sa1'])
    l2_xyz, l2_pts, _ = sa_msg(l1_xyz, l1_pts, 128, [0.2, 0.4, 0.8], [32, 64, 128], params['sa2'])
    x = sa_all(l2_xyz, l2_pts, params['sa3'])
    w1, b1, g1, be1 = params['fc1']
    x = jax.nn.relu(g1 * ((jnp.matmul(x, w1.T) + b1) / jnp.sqrt(1.0 + EPS)) + be1)
    w2, b2, g2, be2 = params['fc2']
    x = jax.nn.relu(g2 * ((jnp.matmul(x, w2.T) + b2) / jnp.sqrt(1.0 + EPS)) + be2)
    w3, b3 = params['fc3']
    return jnp.matmul(x, w3.T) + b3

def reference(xyz, params):
    return _forward(xyz, params)

if __name__ == "__main__":
    import jax
    _d = setup_inputs()
    print(jax.jit(kernel)(*tuple(_d.values())))

</pallas_src>

<mosaic_0001>
#map = affine_map<(d0, d1) -> (0)>
#map1 = affine_map<(d0, d1) -> (0, 0)>
module attributes {stable_mosaic.version = 14 : i64} {
  func.func @sc_kernel(%arg0: i32, %arg1: i32, %arg2: memref<2097152xi32, #tpu.memory_space<hbm>>, %arg3: memref<4096x128xf32, #tpu.memory_space<hbm>>, %arg4: memref<4096x128xf32, #tpu.memory_space<hbm>>, %arg5: memref<4096x128xf32, #tpu.memory_space<hbm>>, %arg6: memref<32768x128xf32, #tpu.memory_space<hbm>>, %arg7: memref<65536x128xf32, #tpu.memory_space<hbm>>, %arg8: memref<262144x128xf32, #tpu.memory_space<hbm>>, %arg9: memref<65536xi32, #tpu.memory_space<vmem>>, %arg10: memref<1040xi32, #tpu.memory_space<vmem>>, %arg11: memref<32xi32, #tpu.memory_space<vmem>>, %arg12: memref<32x128xf32, #tpu.memory_space<vmem>>, %arg13: memref<1040xi32, #tpu.memory_space<vmem>>, %arg14: memref<64xi32, #tpu.memory_space<vmem>>, %arg15: memref<64x128xf32, #tpu.memory_space<vmem>>, %arg16: memref<1040xi32, #tpu.memory_space<vmem>>, %arg17: memref<256xi32, #tpu.memory_space<vmem>>, %arg18: memref<256x128xf32, #tpu.memory_space<vmem>>, %arg19: memref<!tpu.dma_semaphore, #tpu.memory_space<semaphore_mem>>, %arg20: memref<!tpu.dma_semaphore, #tpu.memory_space<semaphore_mem>>, %arg21: memref<!tpu.dma_semaphore, #tpu.memory_space<semaphore_mem>>, %arg22: memref<!tpu.dma_semaphore, #tpu.memory_space<semaphore_mem>>) attributes {dimension_semantics = [#tpu.dimension_semantics<core_parallel>, #tpu.dimension_semantics<subcore_parallel>], iteration_bounds = array<i64: 2, 16>, scalar_prefetch = 0 : i64, scratch_operands = 14 : i64, tpu.core_type = #tpu.core_type<sc_vector_subcore>, window_params = [{transform_indices = #map}, {transform_indices = #map1}, {transform_indices = #map1}, {transform_indices = #map1}, {transform_indices = #map1}, {transform_indices = #map1}, {transform_indices = #map1}]} {
    %mul3A = arith.constant 2 : i32
    %mul3A_0 = arith.muli %arg1, %mul3A : i32
    %add3A = arith.addi %mul3A_0, %arg0 : i32
    %iota3A = tpu.iota {dimensions = array<i32: 0>} : vector<16xi32>
    %broadcast_in_dim3A = arith.constant 0 : i32
    %broadcast_in_dim3A_1 = vector.broadcast %broadcast_in_dim3A : i32 to vector<16xi32>
    %broadcast_in_dim3A_2 = arith.constant 1 : i32
    %broadcast_in_dim3A_3 = vector.broadcast %broadcast_in_dim3A_2 : i32 to vector<16xi32>
    %broadcast_in_dim3A_4 = arith.constant 1039 : i32
    %broadcast_in_dim3A_5 = vector.broadcast %broadcast_in_dim3A_4 : i32 to vector<16xi32>
    %broadcast_in_dim3A_6 = arith.constant 4095 : i32
    %broadcast_in_dim3A_7 = vector.broadcast %broadcast_in_dim3A_6 : i32 to vector<16xi32>
    %mul3A_8 = arith.constant 64 : i32
    %mul3A_9 = arith.muli %add3A, %mul3A_8 : i32
    %mul3A_10 = arith.constant 1024 : i32
    %mul3A_11 = arith.muli %mul3A_9, %mul3A_10 : i32
    "tpu.region"() ({
      %run_scoped3A = tpu.sem_alloc : memref<!tpu.dma_semaphore, #tpu.memory_space<semaphore_mem>>
      %dma_start3A_486 = tpu.memref_slice %arg2[%mul3A_11] : memref<2097152xi32, #tpu.memory_space<hbm>> -> memref<65536xi32, #tpu.memory_space<hbm>>
      %dma_start3A_487 = tpu.memref_slice %arg2[%mul3A_11] : memref<2097152xi32, #tpu.memory_space<hbm>> -> memref<65536xi32, #tpu.memory_space<hbm>>
      tpu.enqueue_dma source(%dma_start3A_487 : memref<65536xi32, #tpu.memory_space<hbm>>) target(%arg9 : memref<65536xi32, #tpu.memory_space<vmem>>) target_semaphore(%run_scoped3A : memref<!tpu.dma_semaphore, #tpu.memory_space<semaphore_mem>>)
      %dma_wait3A = tpu.memref_slice %arg2[%mul3A_11] : memref<2097152xi32, #tpu.memory_space<hbm>> -> memref<65536xi32, #tpu.memory_space<hbm>>
      %dma_wait3A_488 = tpu.memref_slice %arg2[%mul3A_11] : memref<2097152xi32, #tpu.memory_space<hbm>> -> memref<65536xi32, #tpu.memory_space<hbm>>
      tpu.wait_dma2 semaphore(%run_scoped3A : memref<!tpu.dma_semaphore, #tpu.memory_space<semaphore_mem>>) src(%dma_wait3A_488 : memref<65536xi32, #tpu.memory_space<hbm>>) dst(%arg9 : memref<65536xi32, #tpu.memory_space<vmem>>)
      tpu.yield
    }) : () -> ()
    %mul3A_12 = arith.constant 64 : i32
    %mul3A_13 = arith.muli %add3A, %mul3A_12 : i32
    %add3A_14 = arith.constant 0 : i32
    %add3A_15 = arith.addi %mul3A_13, %add3A_14 : i32
    %jit3A = arith.constant 512 : i32
    %div3A = arith.divsi %add3A_15, %jit3A : i32
    %sign3A = arith.constant 0 : i32
    %sign3A_16 = arith.cmpi sgt, %add3A_15, %sign3A : i32
    %sign3A_17 = arith.extui %sign3A_16 : i1 to i32
    %sign3A_18 = arith.constant 0 : i32
    %sign3A_19 = arith.cmpi slt, %add3A_15, %sign3A_18 : i32
    %sign3A_20 = arith.extui %sign3A_19 : i1 to i32
    %sign3A_21 = arith.subi %sign3A_17, %sign3A_20 : i32
    %sign3A_22 = arith.constant 0 : i32
    %sign3A_23 = arith.cmpi sgt, %jit3A, %sign3A_22 : i32
    %sign3A_24 = arith.extui %sign3A_23 : i1 to i32
    %sign3A_25 = arith.constant 0 : i32
    %sign3A_26 = arith.cmpi slt, %jit3A, %sign3A_25 : i32
    %sign3A_27 = arith.extui %sign3A_26 : i1 to i32
    %sign3A_28 = arith.subi %sign3A_24, %sign3A_27 : i32
    %ne3A = arith.cmpi ne, %sign3A_21, %sign3A_28 : i32
    %rem3A = arith.remsi %add3A_15, %jit3A : i32
    %ne3A_29 = arith.constant 0 : i32
    %ne3A_30 = arith.cmpi ne, %rem3A, %ne3A_29 : i32
    %and3A = arith.andi %ne3A, %ne3A_30 : i1
    %sub3A = arith.constant 1 : i32
    %sub3A_31 = arith.subi %div3A, %sub3A : i32
    %select_n3A = arith.select %and3A, %sub3A_31, %div3A : i32
    %mul3A_32 = arith.constant 1024 : i32
    %mul3A_33 = arith.muli %select_n3A, %mul3A_32 : i32
    %scan3A = arith.constant 0 : i32
    %scan3A_34 = arith.constant 64 : i32
    %scan3A_35 = arith.addi %scan3A, %scan3A_34 : i32
    %scan3A_36 = arith.constant 1 : i32
    %scan3A_37:3 = scf.for %scan3A_486 = %scan3A to %scan3A_35 step %scan3A_36 iter_args(%scan3A_487 = %broadcast_in_dim3A_1, %scan3A_488 = %broadcast_in_dim3A_1, %scan3A_489 = %broadcast_in_dim3A_1) -> (vector<16xi32>, vector<16xi32>, vector<16xi32>)  : i32 {
      %mul3A_490 = arith.constant 16 : i32
      %mul3A_491 = arith.muli %scan3A_486, %mul3A_490 : i32
      %add3A_492 = arith.constant 0 : i32
      %add3A_493 = arith.addi %add3A_492, %mul3A_491 : i32
      %get3A_494 = arith.index_cast %add3A_493 : i32 to index
      %get3A_495 = tpu.vector_load %arg9[%get3A_494] {strides = array<i32>} : memref<65536xi32, #tpu.memory_space<vmem>>, vector<16xi32>,
      %mul3A_496 = arith.constant 16 : i32
      %mul3A_497 = arith.muli %scan3A_486, %mul3A_496 : i32
      %broadcast_in_dim3A_498 = vector.broadcast %mul3A_497 : i32 to vector<16xi32>
      %add3A_499 = arith.addi %iota3A, %broadcast_in_dim3A_498 : vector<16xi32>
      %broadcast_in_dim3A_500 = arith.constant 0 : i32
      %broadcast_in_dim3A_501 = vector.broadcast %broadcast_in_dim3A_500 : i32 to vector<16xi32>
      %shift_right_arithmetic3A = arith.shrsi %get3A_495, %broadcast_in_dim3A_501 : vector<16xi32>
      %and3A_502 = arith.andi %shift_right_arithmetic3A, %broadcast_in_dim3A_3 : vector<16xi32>
      %eq3A_503 = arith.cmpi eq, %and3A_502, %broadcast_in_dim3A_3 : vector<16xi32>
      %convert_element_type3A = arith.extui %eq3A_503 : vector<16xi1> to vector<16xi32>
      %broadcast_in_dim3A_504 = arith.constant true
      %broadcast_in_dim3A_505 = vector.broadcast %broadcast_in_dim3A_504 : i1 to vector<16xi1>
      %masked_cumsum3A = tpu.scan <sum>, %convert_element_type3A masked %broadcast_in_dim3A_505 : vector<16xi32>, vector<16xi1> -> vector<16xi32>
      %add3A_506 = arith.addi %masked_cumsum3A, %scan3A_487 : vector<16xi32>
      %sub3A_507 = arith.subi %add3A_506, %broadcast_in_dim3A_3 : vector<16xi32>
      %max3A_508 = arith.maxsi %sub3A_507, %broadcast_in_dim3A_1 : vector<16xi32>
      %min3A_509 = arith.minsi %max3A_508, %broadcast_in_dim3A_5 : vector<16xi32>
      tpu.vector_store_idx %arg10[%min3A_509], %add3A_499 masked %eq3A_503 : memref<1040xi32, #tpu.memory_space<vmem>>[vector<16xi32>], vector<16xi32>, vector<16xi1>
      %all_reduce_population_count3A = tpu.all_reduce %eq3A_503 {dim = 0 : i64, kind = #tpu.reduction_kind<sum>} : vector<16xi1> -> vector<16xi32>
      %add3A_510 = arith.addi %scan3A_487, %all_reduce_population_count3A : vector<16xi32>
      %broadcast_in_dim3A_511 = arith.constant 1 : i32
      %broadcast_in_dim3A_512 = vector.broadcast %broadcast_in_dim3A_511 : i32 to vector<16xi32>
      %shift_right_arithmetic3A_513 = arith.shrsi %get3A_495, %broadcast_in_dim3A_512 : vector<16xi32>
      %and3A_514 = arith.andi %shift_right_arithmetic3A_513, %broadcast_in_dim3A_3 : vector<16xi32>
      %eq3A_515 = arith.cmpi eq, %and3A_514, %broadcast_in_dim3A_3 : vector<16xi32>
      %convert_element_type3A_516 = arith.extui %eq3A_515 : vector<16xi1> to vector<16xi32>
      %broadcast_in_dim3A_517 = arith.constant true
      %broadcast_in_dim3A_518 = vector.broadcast %broadcast_in_dim3A_517 : i1 to vector<16xi1>
      %masked_cumsum3A_519 = tpu.scan <sum>, %convert_element_type3A_516 masked %broadcast_in_dim3A_518 : vector<16xi32>, vector<16xi1> -> vector<16xi32>
      %add3A_520 = arith.addi %masked_cumsum3A_519, %scan3A_488 : vector<16xi32>
      %sub3A_521 = arith.subi %add3A_520, %broadcast_in_dim3A_3 : vector<16xi32>
      %max3A_522 = arith.maxsi %sub3A_521, %broadcast_in_dim3A_1 : vector<16xi32>
      %min3A_523 = arith.minsi %max3A_522, %broadcast_in_dim3A_5 : vector<16xi32>
      tpu.vector_store_idx %arg13[%min3A_523], %add3A_499 masked %eq3A_515 : memref<1040xi32, #tpu.memory_space<vmem>>[vector<16xi32>], vector<16xi32>, vector<16xi1>
      %all_reduce_population_count3A_524 = tpu.all_reduce %eq3A_515 {dim = 0 : i64, kind = #tpu.reduction_kind<sum>} : vector<16xi1> -> vector<16xi32>
      %add3A_525 = arith.addi %scan3A_488, %all_reduce_population_count3A_524 : vector<16xi32>
      %broadcast_in_dim3A_526 = arith.constant 2 : i32
      %broadcast_in_dim3A_527 = vector.broadcast %broadcast_in_dim3A_526 : i32 to vector<16xi32>
      %shift_right_arithmetic3A_528 = arith.shrsi %get3A_495, %broadcast_in_dim3A_527 : vector<16xi32>
      %and3A_529 = arith.andi %shift_right_arithmetic3A_528, %broadcast_in_dim3A_3 : vector<16xi32>
      %eq3A_530 = arith.cmpi eq, %and3A_529, %broadcast_in_dim3A_3 : vector<16xi32>
      %convert_element_type3A_531 = arith.extui %eq3A_530 : vector<16xi1> to vector<16xi32>
      %broadcast_in_dim3A_532 = arith.constant true
      %broadcast_in_dim3A_533 = vector.broadcast %broadcast_in_dim3A_532 : i1 to vector<16xi1>
      %masked_cumsum3A_534 = tpu.scan <sum>, %convert_element_type3A_531 masked %broadcast_in_dim3A_533 : vector<16xi32>, vector<16xi1> -> vector<16xi32>
      %add3A_535 = arith.addi %masked_cumsum3A_534, %scan3A_489 : vector<16xi32>
      %sub3A_536 = arith.subi %add3A_535, %broadcast_in_dim3A_3 : vector<16xi32>
      %max3A_537 = arith.maxsi %sub3A_536, %broadcast_in_dim3A_1 : vector<16xi32>
      %min3A_538 = arith.minsi %max3A_537, %broadcast_in_dim3A_5 : vector<16xi32>
      tpu.vector_store_idx %arg16[%min3A_538], %add3A_499 masked %eq3A_530 : memref<1040xi32, #tpu.memory_space<vmem>>[vector<16xi32>], vector<16xi32>, vector<16xi1>
      %all_reduce_population_count3A_539 = tpu.all_reduce %eq3A_530 {dim = 0 : i64, kind = #tpu.reduction_kind<sum>} : vector<16xi1> -> vector<16xi32>
      %add3A_540 = arith.addi %scan3A_489, %all_reduce_population_count3A_539 : vector<16xi32>
      scf.yield %add3A_510, %add3A_525, %add3A_540 : vector<16xi32>, vector<16xi32>, vector<16xi32>
    }
    %scan3A_38 = arith.constant 64 : i32
    %get3A = arith.constant 0 : index
    %get3A_39 = tpu.vector_load %arg10[%get3A] {strides = array<i32>} : memref<1040xi32, #tpu.memory_space<vmem>>, vector<16xi32>,
    %eq3A = arith.cmpi eq, %iota3A, %broadcast_in_dim3A_1 : vector<16xi32>
    %select_n3A_40 = arith.select %eq3A, %get3A_39, %broadcast_in_dim3A_1 : vector<16xi1>, vector<16xi32>
    %reduce_sum3A = arith.constant true
    %reduce_sum3A_41 = vector.broadcast %reduce_sum3A : i1 to vector<16xi1>
    %reduce_sum3A_42 = tpu.scan <sum>, %select_n3A_40 masked %reduce_sum3A_41 : vector<16xi32>, vector<16xi1> -> vector<16xi32>
    %reduce_sum3A_43 = vector.extract %reduce_sum3A_42[15] : i32 from vector<16xi32>
    %broadcast_in_dim3A_44 = vector.broadcast %reduce_sum3A_43 : i32 to vector<16xi32>
    %eq3A_45 = arith.cmpi eq, %scan3A_37#0, %broadcast_in_dim3A_1 : vector<16xi32>
    %broadcast_in_dim3A_46 = arith.constant 1023 : i32
    %broadcast_in_dim3A_47 = vector.broadcast %broadcast_in_dim3A_46 : i32 to vector<16xi32>
    %select_n3A_48 = arith.select %eq3A_45, %broadcast_in_dim3A_47, %broadcast_in_dim3A_44 : vector<16xi1>, vector<16xi32>
    %broadcast_in_dim3A_49 = arith.constant 0 : i32
    %broadcast_in_dim3A_50 = vector.broadcast %broadcast_in_dim3A_49 : i32 to vector<16xi32>
    %add3A_51 = arith.addi %iota3A, %broadcast_in_dim3A_50 : vector<16xi32>
    %get3A_52 = arith.constant 0 : index
    %get3A_53 = tpu.vector_load %arg10[%get3A_52] {strides = array<i32>} : memref<1040xi32, #tpu.memory_space<vmem>>, vector<16xi32>,
    %lt3A = arith.cmpi slt, %add3A_51, %scan3A_37#0 : vector<16xi32>
    %select_n3A_54 = arith.select %lt3A, %get3A_53, %select_n3A_48 : vector<16xi1>, vector<16xi32>
    %broadcast_in_dim3A_55 = vector.broadcast %mul3A_33 : i32 to vector<16xi32>
    %add3A_56 = arith.addi %select_n3A_54, %broadcast_in_dim3A_55 : vector<16xi32>
    %max3A = arith.maxsi %add3A_56, %broadcast_in_dim3A_1 : vector<16xi32>
    %min3A = arith.minsi %max3A, %broadcast_in_dim3A_7 : vector<16xi32>
    %swap3A = arith.constant 0 : index
    %swap3A_57 = tpu.vector_load %arg11[%swap3A] {strides = array<i32>} : memref<32xi32, #tpu.memory_space<vmem>>, vector<16xi32>,
    tpu.vector_store %arg11[%swap3A], %min3A {strides = array<i32>} : memref<32xi32, #tpu.memory_space<vmem>>, vector<16xi32>,
    %get3A_58 = arith.constant 0 : index
    %get3A_59 = tpu.vector_load %arg13[%get3A_58] {strides = array<i32>} : memref<1040xi32, #tpu.memory_space<vmem>>, vector<16xi32>,
    %eq3A_60 = arith.cmpi eq, %iota3A, %broadcast_in_dim3A_1 : vector<16xi32>
    %select_n3A_61 = arith.select %eq3A_60, %get3A_59, %broadcast_in_dim3A_1 : vector<16xi1>, vector<16xi32>
    %reduce_sum3A_62 = arith.constant true
    %reduce_sum3A_63 = vector.broadcast %reduce_sum3A_62 : i1 to vector<16xi1>
    %reduce_sum3A_64 = tpu.scan <sum>, %select_n3A_61 masked %reduce_sum3A_63 : vector<16xi32>, vector<16xi1> -> vector<16xi32>
    %reduce_sum3A_65 = vector.extract %reduce_sum3A_64[15] : i32 from vector<16xi32>
    %broadcast_in_dim3A_66 = vector.broadcast %reduce_sum3A_65 : i32 to vector<16xi32>
    %eq3A_67 = arith.cmpi eq, %scan3A_37#1, %broadcast_in_dim3A_1 : vector<16xi32>
    %broadcast_in_dim3A_68 = arith.constant 1023 : i32
    %broadcast_in_dim3A_69 = vector.broadcast %broadcast_in_dim3A_68 : i32 to vector<16xi32>
    %select_n3A_70 = arith.select %eq3A_67, %broadcast_in_dim3A_69, %broadcast_in_dim3A_66 : vector<16xi1>, vector<16xi32>
    %broadcast_in_dim3A_71 = arith.constant 0 : i32
    %broadcast_in_dim3A_72 = vector.broadcast %broadcast_in_dim3A_71 : i32 to vector<16xi32>
    %add3A_73 = arith.addi %iota3A, %broadcast_in_dim3A_72 : vector<16xi32>
    %get3A_74 = arith.constant 0 : index
    %get3A_75 = tpu.vector_load %arg13[%get3A_74] {strides = array<i32>} : memref<1040xi32, #tpu.memory_space<vmem>>, vector<16xi32>,
    %lt3A_76 = arith.cmpi slt, %add3A_73, %scan3A_37#1 : vector<16xi32>
    %select_n3A_77 = arith.select %lt3A_76, %get3A_75, %select_n3A_70 : vector<16xi1>, vector<16xi32>
    %broadcast_in_dim3A_78 = vector.broadcast %mul3A_33 : i32 to vector<16xi32>
    %add3A_79 = arith.addi %select_n3A_77, %broadcast_in_dim3A_78 : vector<16xi32>
    %max3A_80 = arith.maxsi %add3A_79, %broadcast_in_dim3A_1 : vector<16xi32>
    %min3A_81 = arith.minsi %max3A_80, %broadcast_in_dim3A_7 : vector<16xi32>
    %swap3A_82 = arith.constant 0 : index
    %swap3A_83 = tpu.vector_load %arg14[%swap3A_82] {strides = array<i32>} : memref<64xi32, #tpu.memory_space<vmem>>, vector<16xi32>,
    tpu.vector_store %arg14[%swap3A_82], %min3A_81 {strides = array<i32>} : memref<64xi32, #tpu.memory_space<vmem>>, vector<16xi32>,
    %broadcast_in_dim3A_84 = arith.constant 16 : i32
    %broadcast_in_dim3A_85 = vector.broadcast %broadcast_in_dim3A_84 : i32 to vector<16xi32>
    %add3A_86 = arith.addi %iota3A, %broadcast_in_dim3A_85 : vector<16xi32>
    %get3A_87 = arith.constant 16 : index
    %get3A_88 = tpu.vector_load %arg13[%get3A_87] {strides = array<i32>} : memref<1040xi32, #tpu.memory_space<vmem>>, vector<16xi32>,
    %lt3A_89 = arith.cmpi slt, %add3A_86, %scan3A_37#1 : vector<16xi32>
    %select_n3A_90 = arith.select %lt3A_89, %get3A_88, %select_n3A_70 : vector<16xi1>, vector<16xi32>
    %broadcast_in_dim3A_91 = vector.broadcast %mul3A_33 : i32 to vector<16xi32>
    %add3A_92 = arith.addi %select_n3A_90, %broadcast_in_dim3A_91 : vector<16xi32>
    %max3A_93 = arith.maxsi %add3A_92, %broadcast_in_dim3A_1 : vector<16xi32>
    %min3A_94 = arith.minsi %max3A_93, %broadcast_in_dim3A_7 : vector<16xi32>
    %swap3A_95 = arith.constant 16 : index
    %swap3A_96 = tpu.vector_load %arg14[%swap3A_95] {strides = array<i32>} : memref<64xi32, #tpu.memory_space<vmem>>, vector<16xi32>,
    tpu.vector_store %arg14[%swap3A_95], %min3A_94 {strides = array<i32>} : memref<64xi32, #tpu.memory_space<vmem>>, vector<16xi32>,
    %get3A_97 = arith.constant 0 : index
    %get3A_98 = tpu.vector_load %arg16[%get3A_97] {strides = array<i32>} : memref<1040xi32, #tpu.memory_space<vmem>>, vector<16xi32>,
    %eq3A_99 = arith.cmpi eq, %iota3A, %broadcast_in_dim3A_1 : vector<16xi32>
    %select_n3A_100 = arith.select %eq3A_99, %get3A_98, %broadcast_in_dim3A_1 : vector<16xi1>, vector<16xi32>
    %reduce_sum3A_101 = arith.constant true
    %reduce_sum3A_102 = vector.broadcast %reduce_sum3A_101 : i1 to vector<16xi1>
    %reduce_sum3A_103 = tpu.scan <sum>, %select_n3A_100 masked %reduce_sum3A_102 : vector<16xi32>, vector<16xi1> -> vector<16xi32>
    %reduce_sum3A_104 = vector.extract %reduce_sum3A_103[15] : i32 from vector<16xi32>
    %broadcast_in_dim3A_105 = vector.broadcast %reduce_sum3A_104 : i32 to vector<16xi32>
    %eq3A_106 = arith.cmpi eq, %scan3A_37#2, %broadcast_in_dim3A_1 : vector<16xi32>
    %broadcast_in_dim3A_107 = arith.constant 1023 : i32
    %broadcast_in_dim3A_108 = vector.broadcast %broadcast_in_dim3A_107 : i32 to vector<16xi32>
    %select_n3A_109 = arith.select %eq3A_106, %broadcast_in_dim3A_108, %broadcast_in_dim3A_105 : vector<16xi1>, vector<16xi32>
    %broadcast_in_dim3A_110 = arith.constant 0 : i32
    %broadcast_in_dim3A_111 = vector.broadcast %broadcast_in_dim3A_110 : i32 to vector<16xi32>
    %add3A_112 = arith.addi %iota3A, %broadcast_in_dim3A_111 : vector<16xi32>
    %get3A_113 = arith.constant 0 : index
    %get3A_114 = tpu.vector_load %arg16[%get3A_113] {strides = array<i32>} : memref<1040xi32, #tpu.memory_space<vmem>>, vector<16xi32>,
    %lt3A_115 = arith.cmpi slt, %add3A_112, %scan3A_37#2 : vector<16xi32>
    %select_n3A_116 = arith.select %lt3A_115, %get3A_114, %select_n3A_109 : vector<16xi1>, vector<16xi32>
    %broadcast_in_dim3A_117 = vector.broadcast %mul3A_33 : i32 to vector<16xi32>
    %add3A_118 = arith.addi %select_n3A_116, %broadcast_in_dim3A_117 : vector<16xi32>
    %max3A_119 = arith.maxsi %add3A_118, %broadcast_in_dim3A_1 : vector<16xi32>
    %min3A_120 = arith.minsi %max3A_119, %broadcast_in_dim3A_7 : vector<16xi32>
    %swap3A_121 = arith.constant 0 : index
    %swap3A_122 = tpu.vector_load %arg17[%swap3A_121] {strides = array<i32>} : memref<256xi32, #tpu.memory_space<vmem>>, vector<16xi32>,
    tpu.vector_store %arg17[%swap3A_121], %min3A_120 {strides = array<i32>} : memref<256xi32, #tpu.memory_space<vmem>>, vector<16xi32>,
    %broadcast_in_dim3A_123 = arith.constant 16 : i32
    %broadcast_in_dim3A_124 = vector.broadcast %broadcast_in_dim3A_123 : i32 to vector<16xi32>
    %add3A_125 = arith.addi %iota3A, %broadcast_in_dim3A_124 : vector<16xi32>
    %get3A_126 = arith.constant 16 : index
    %get3A_127 = tpu.vector_load %arg16[%get3A_126] {strides = array<i32>} : memref<1040xi32, #tpu.memory_space<vmem>>, vector<16xi32>,
    %lt3A_128 = arith.cmpi slt, %add3A_125, %scan3A_37#2 : vector<16xi32>
    %select_n3A_129 = arith.select %lt3A_128, %get3A_127, %select_n3A_109 : vector<16xi1>, vector<16xi32>
    %broadcast_in_dim3A_130 = vector.broadcast %mul3A_33 : i32 to vector<16xi32>
    %add3A_131 = arith.addi %select_n3A_129, %broadcast_in_dim3A_130 : vector<16xi32>
    %max3A_132 = arith.maxsi %add3A_131, %broadcast_in_dim3A_1 : vector<16xi32>
    %min3A_133 = arith.minsi %max3A_132, %broadcast_in_dim3A_7 : vector<16xi32>
    %swap3A_134 = arith.constant 16 : index
    %swap3A_135 = tpu.vector_load %arg17[%swap3A_134] {strides = array<i32>} : memref<256xi32, #tpu.memory_space<vmem>>, vector<16xi32>,
    tpu.vector_store %arg17[%swap3A_134], %min3A_133 {strides = array<i32>} : memref<256xi32, #tpu.memory_space<vmem>>, vector<16xi32>,
    %broadcast_in_dim3A_136 = arith.constant 32 : i32
    %broadcast_in_dim3A_137 = vector.broadcast %broadcast_in_dim3A_136 : i32 to vector<16xi32>
    %add3A_138 = arith.addi %iota3A, %broadcast_in_dim3A_137 : vector<16xi32>
    %get3A_139 = arith.constant 32 : index
    %get3A_140 = tpu.vector_load %arg16[%get3A_139] {strides = array<i32>} : memref<1040xi32, #tpu.memory_space<vmem>>, vector<16xi32>,
    %lt3A_141 = arith.cmpi slt, %add3A_138, %scan3A_37#2 : vector<16xi32>
    %select_n3A_142 = arith.select %lt3A_141, %get3A_140, %select_n3A_109 : vector<16xi1>, vector<16xi32>
    %broadcast_in_dim3A_143 = vector.broadcast %mul3A_33 : i32 to vector<16xi32>
    %add3A_144 = arith.addi %select_n3A_142, %broadcast_in_dim3A_143 : vector<16xi32>
    %max3A_145 = arith.maxsi %add3A_144, %broadcast_in_dim3A_1 : vector<16xi32>
    %min3A_146 = arith.minsi %max3A_145, %broadcast_in_dim3A_7 : vector<16xi32>
    %swap3A_147 = arith.constant 32 : index
    %swap3A_148 = tpu.vector_load %arg17[%swap3A_147] {strides = array<i32>} : memref<256xi32, #tpu.memory_space<vmem>>, vector<16xi32>,
    tpu.vector_store %arg17[%swap3A_147], %min3A_146 {strides = array<i32>} : memref<256xi32, #tpu.memory_space<vmem>>, vector<16xi32>,
    %broadcast_in_dim3A_149 = arith.constant 48 : i32
    %broadcast_in_dim3A_150 = vector.broadcast %broadcast_in_dim3A_149 : i32 to vector<16xi32>
    %add3A_151 = arith.addi %iota3A, %broadcast_in_dim3A_150 : vector<16xi32>
    %get3A_152 = arith.constant 48 : index
    %get3A_153 = tpu.vector_load %arg16[%get3A_152] {strides = array<i32>} : memref<1040xi32, #tpu.memory_space<vmem>>, vector<16xi32>,
    %lt3A_154 = arith.cmpi slt, %add3A_151, %scan3A_37#2 : vector<16xi32>
    %select_n3A_155 = arith.select %lt3A_154, %get3A_153, %select_n3A_109 : vector<16xi1>, vector<16xi32>
    %broadcast_in_dim3A_156 = vector.broadcast %mul3A_33 : i32 to vector<16xi32>
    %add3A_157 = arith.addi %select_n3A_155, %broadcast_in_dim3A_156 : vector<16xi32>
    %max3A_158 = arith.maxsi %add3A_157, %broadcast_in_dim3A_1 : vector<16xi32>
    %min3A_159 = arith.minsi %max3A_158, %broadcast_in_dim3A_7 : vector<16xi32>
    %swap3A_160 = arith.constant 48 : index
    %swap3A_161 = tpu.vector_load %arg17[%swap3A_160] {strides = array<i32>} : memref<256xi32, #tpu.memory_space<vmem>>, vector<16xi32>,
    tpu.vector_store %arg17[%swap3A_160], %min3A_159 {strides = array<i32>} : memref<256xi32, #tpu.memory_space<vmem>>, vector<16xi32>,
    %broadcast_in_dim3A_162 = arith.constant 64 : i32
    %broadcast_in_dim3A_163 = vector.broadcast %broadcast_in_dim3A_162 : i32 to vector<16xi32>
    %add3A_164 = arith.addi %iota3A, %broadcast_in_dim3A_163 : vector<16xi32>
    %get3A_165 = arith.constant 64 : index
    %get3A_166 = tpu.vector_load %arg16[%get3A_165] {strides = array<i32>} : memref<1040xi32, #tpu.memory_space<vmem>>, vector<16xi32>,
    %lt3A_167 = arith.cmpi slt, %add3A_164, %scan3A_37#2 : vector<16xi32>
    %select_n3A_168 = arith.select %lt3A_167, %get3A_166, %select_n3A_109 : vector<16xi1>, vector<16xi32>
    %broadcast_in_dim3A_169 = vector.broadcast %mul3A_33 : i32 to vector<16xi32>
    %add3A_170 = arith.addi %select_n3A_168, %broadcast_in_dim3A_169 : vector<16xi32>
    %max3A_171 = arith.maxsi %add3A_170, %broadcast_in_dim3A_1 : vector<16xi32>
    %min3A_172 = arith.minsi %max3A_171, %broadcast_in_dim3A_7 : vector<16xi32>
    %swap3A_173 = arith.constant 64 : index
    %swap3A_174 = tpu.vector_load %arg17[%swap3A_173] {strides = array<i32>} : memref<256xi32, #tpu.memory_space<vmem>>, vector<16xi32>,
    tpu.vector_store %arg17[%swap3A_173], %min3A_172 {strides = array<i32>} : memref<256xi32, #tpu.memory_space<vmem>>, vector<16xi32>,
    %broadcast_in_dim3A_175 = arith.constant 80 : i32
    %broadcast_in_dim3A_176 = vector.broadcast %broadcast_in_dim3A_175 : i32 to vector<16xi32>
    %add3A_177 = arith.addi %iota3A, %broadcast_in_dim3A_176 : vector<16xi32>
    %get3A_178 = arith.constant 80 : index
    %get3A_179 = tpu.vector_load %arg16[%get3A_178] {strides = array<i32>} : memref<1040xi32, #tpu.memory_space<vmem>>, vector<16xi32>,
    %lt3A_180 = arith.cmpi slt, %add3A_177, %scan3A_37#2 : vector<16xi32>
    %select_n3A_181 = arith.select %lt3A_180, %get3A_179, %select_n3A_109 : vector<16xi1>, vector<16xi32>
    %broadcast_in_dim3A_182 = vector.broadcast %mul3A_33 : i32 to vector<16xi32>
    %add3A_183 = arith.addi %select_n3A_181, %broadcast_in_dim3A_182 : vector<16xi32>
    %max3A_184 = arith.maxsi %add3A_183, %broadcast_in_dim3A_1 : vector<16xi32>
    %min3A_185 = arith.minsi %max3A_184, %broadcast_in_dim3A_7 : vector<16xi32>
    %swap3A_186 = arith.constant 80 : index
    %swap3A_187 = tpu.vector_load %arg17[%swap3A_186] {strides = array<i32>} : memref<256xi32, #tpu.memory_space<vmem>>, vector<16xi32>,
    tpu.vector_store %arg17[%swap3A_186], %min3A_185 {strides = array<i32>} : memref<256xi32, #tpu.memory_space<vmem>>, vector<16xi32>,
    %broadcast_in_dim3A_188 = arith.constant 96 : i32
    %broadcast_in_dim3A_189 = vector.broadcast %broadcast_in_dim3A_188 : i32 to vector<16xi32>
    %add3A_190 = arith.addi %iota3A, %broadcast_in_dim3A_189 : vector<16xi32>
    %get3A_191 = arith.constant 96 : index
    %get3A_192 = tpu.vector_load %arg16[%get3A_191] {strides = array<i32>} : memref<1040xi32, #tpu.memory_space<vmem>>, vector<16xi32>,
    %lt3A_193 = arith.cmpi slt, %add3A_190, %scan3A_37#2 : vector<16xi32>
    %select_n3A_194 = arith.select %lt3A_193, %get3A_192, %select_n3A_109 : vector<16xi1>, vector<16xi32>
    %broadcast_in_dim3A_195 = vector.broadcast %mul3A_33 : i32 to vector<16xi32>
    %add3A_196 = arith.addi %select_n3A_194, %broadcast_in_dim3A_195 : vector<16xi32>
    %max3A_197 = arith.maxsi %add3A_196, %broadcast_in_dim3A_1 : vector<16xi32>
    %min3A_198 = arith.minsi %max3A_197, %broadcast_in_dim3A_7 : vector<16xi32>
    %swap3A_199 = arith.constant 96 : index
    %swap3A_200 = tpu.vector_load %arg17[%swap3A_199] {strides = array<i32>} : memref<256xi32, #tpu.memory_space<vmem>>, vector<16xi32>,
    tpu.vector_store %arg17[%swap3A_199], %min3A_198 {strides = array<i32>} : memref<256xi32, #tpu.memory_space<vmem>>, vector<16xi32>,
    %broadcast_in_dim3A_201 = arith.constant 112 : i32
    %broadcast_in_dim3A_202 = vector.broadcast %broadcast_in_dim3A_201 : i32 to vector<16xi32>
    %add3A_203 = arith.addi %iota3A, %broadcast_in_dim3A_202 : vector<16xi32>
    %get3A_204 = arith.constant 112 : index
    %get3A_205 = tpu.vector_load %arg16[%get3A_204] {strides = array<i32>} : memref<1040xi32, #tpu.memory_space<vmem>>, vector<16xi32>,
    %lt3A_206 = arith.cmpi slt, %add3A_203, %scan3A_37#2 : vector<16xi32>
    %select_n3A_207 = arith.select %lt3A_206, %get3A_205, %select_n3A_109 : vector<16xi1>, vector<16xi32>
    %broadcast_in_dim3A_208 = vector.broadcast %mul3A_33 : i32 to vector<16xi32>
    %add3A_209 = arith.addi %select_n3A_207, %broadcast_in_dim3A_208 : vector<16xi32>
    %max3A_210 = arith.maxsi %add3A_209, %broadcast_in_dim3A_1 : vector<16xi32>
    %min3A_211 = arith.minsi %max3A_210, %broadcast_in_dim3A_7 : vector<16xi32>
    %swap3A_212 = arith.constant 112 : index
    %swap3A_213 = tpu.vector_load %arg17[%swap3A_212] {strides = array<i32>} : memref<256xi32, #tpu.memory_space<vmem>>, vector<16xi32>,
    tpu.vector_store %arg17[%swap3A_212], %min3A_211 {strides = array<i32>} : memref<256xi32, #tpu.memory_space<vmem>>, vector<16xi32>,
    %dma_start3A = arith.constant 0 : i32
    %dma_start3A_214 = arith.constant 0 : i32
    %dma_start3A_215 = tpu.memref_slice %arg12[%dma_start3A, %dma_start3A_214] : memref<32x128xf32, #tpu.memory_space<vmem>> -> memref<16x128xf32, #tpu.memory_space<vmem>>
    %dma_start3A_216 = arith.constant 0 : i32
    %dma_start3A_217 = tpu.memref_slice %arg11[%dma_start3A_216] : memref<32xi32, #tpu.memory_space<vmem>> -> memref<16xi32, #tpu.memory_space<vmem>>
    %dma_start3A_218 = arith.constant 0 : i32
    %dma_start3A_219 = arith.constant 0 : i32
    %dma_start3A_220 = tpu.memref_slice %arg3[%dma_start3A_218, %dma_start3A_219] : memref<4096x128xf32, #tpu.memory_space<hbm>> -> memref<4096x128xf32, #tpu.memory_space<hbm>>
    tpu.enqueue_indirect_dma source(%dma_start3A_220 : memref<4096x128xf32, #tpu.memory_space<hbm>>) target(%dma_start3A_215 : memref<16x128xf32, #tpu.memory_space<vmem>>) offsets(%dma_start3A_217 : memref<16xi32, #tpu.memory_space<vmem>>) semaphore(%arg19 : memref<!tpu.dma_semaphore, #tpu.memory_space<semaphore_mem>>)
    %dma_start3A_221 = arith.constant 0 : i32
    %dma_start3A_222 = arith.constant 0 : i32
    %dma_start3A_223 = tpu.memref_slice %arg15[%dma_start3A_221, %dma_start3A_222] : memref<64x128xf32, #tpu.memory_space<vmem>> -> memref<32x128xf32, #tpu.memory_space<vmem>>
    %dma_start3A_224 = arith.constant 0 : i32
    %dma_start3A_225 = tpu.memref_slice %arg14[%dma_start3A_224] : memref<64xi32, #tpu.memory_space<vmem>> -> memref<32xi32, #tpu.memory_space<vmem>>
    %dma_start3A_226 = arith.constant 0 : i32
    %dma_start3A_227 = arith.constant 0 : i32
    %dma_start3A_228 = tpu.memref_slice %arg4[%dma_start3A_226, %dma_start3A_227] : memref<4096x128xf32, #tpu.memory_space<hbm>> -> memref<4096x128xf32, #tpu.memory_space<hbm>>
    tpu.enqueue_indirect_dma source(%dma_start3A_228 : memref<4096x128xf32, #tpu.memory_space<hbm>>) target(%dma_start3A_223 : memref<32x128xf32, #tpu.memory_space<vmem>>) offsets(%dma_start3A_225 : memref<32xi32, #tpu.memory_space<vmem>>) semaphore(%arg19 : memref<!tpu.dma_semaphore, #tpu.memory_space<semaphore_mem>>)
    %dma_start3A_229 = arith.constant 0 : i32
    %dma_start3A_230 = arith.constant 0 : i32
    %dma_start3A_231 = tpu.memref_slice %arg18[%dma_start3A_229, %dma_start3A_230] : memref<256x128xf32, #tpu.memory_space<vmem>> -> memref<128x128xf32, #tpu.memory_space<vmem>>
    %dma_start3A_232 = arith.constant 0 : i32
    %dma_start3A_233 = tpu.memref_slice %arg17[%dma_start3A_232] : memref<256xi32, #tpu.memory_space<vmem>> -> memref<128xi32, #tpu.memory_space<vmem>>
    %dma_start3A_234 = arith.constant 0 : i32
    %dma_start3A_235 = arith.constant 0 : i32
    %dma_start3A_236 = tpu.memref_slice %arg5[%dma_start3A_234, %dma_start3A_235] : memref<4096x128xf32, #tpu.memory_space<hbm>> -> memref<4096x128xf32, #tpu.memory_space<hbm>>
    tpu.enqueue_indirect_dma source(%dma_start3A_236 : memref<4096x128xf32, #tpu.memory_space<hbm>>) target(%dma_start3A_231 : memref<128x128xf32, #tpu.memory_space<vmem>>) offsets(%dma_start3A_233 : memref<128xi32, #tpu.memory_space<vmem>>) semaphore(%arg19 : memref<!tpu.dma_semaphore, #tpu.memory_space<semaphore_mem>>)
    %mul3A_237 = arith.constant 64 : i32
    %mul3A_238 = arith.muli %add3A, %mul3A_237 : i32
    %add3A_239 = arith.constant 1 : i32
    %add3A_240 = arith.addi %mul3A_238, %add3A_239 : i32
    %jit3A_241 = arith.constant 512 : i32
    %div3A_242 = arith.divsi %add3A_240, %jit3A_241 : i32
    %sign3A_243 = arith.constant 0 : i32
    %sign3A_244 = arith.cmpi sgt, %add3A_240, %sign3A_243 : i32
    %sign3A_245 = arith.extui %sign3A_244 : i1 to i32
    %sign3A_246 = arith.constant 0 : i32
    %sign3A_247 = arith.cmpi slt, %add3A_240, %sign3A_246 : i32
    %sign3A_248 = arith.extui %sign3A_247 : i1 to i32
    %sign3A_249 = arith.subi %sign3A_245, %sign3A_248 : i32
    %sign3A_250 = arith.constant 0 : i32
    %sign3A_251 = arith.cmpi sgt, %jit3A_241, %sign3A_250 : i32
    %sign3A_252 = arith.extui %sign3A_251 : i1 to i32
    %sign3A_253 = arith.constant 0 : i32
    %sign3A_254 = arith.cmpi slt, %jit3A_241, %sign3A_253 : i32
    %sign3A_255 = arith.extui %sign3A_254 : i1 to i32
    %sign3A_256 = arith.subi %sign3A_252, %sign3A_255 : i32
    %ne3A_257 = arith.cmpi ne, %sign3A_249, %sign3A_256 : i32
    %rem3A_258 = arith.remsi %add3A_240, %jit3A_241 : i32
    %ne3A_259 = arith.constant 0 : i32
    %ne3A_260 = arith.cmpi ne, %rem3A_258, %ne3A_259 : i32
    %and3A_261 = arith.andi %ne3A_257, %ne3A_260 : i1
    %sub3A_262 = arith.constant 1 : i32
    %sub3A_263 = arith.subi %div3A_242, %sub3A_262 : i32
    %select_n3A_264 = arith.select %and3A_261, %sub3A_263, %div3A_242 : i32
    %mul3A_265 = arith.constant 1024 : i32
    %mul3A_266 = arith.muli %select_n3A_264, %mul3A_265 : i32
    %scan3A_267 = arith.constant 0 : i32
    %scan3A_268 = arith.constant 64 : i32
    %scan3A_269 = arith.addi %scan3A_267, %scan3A_268 : i32
    %scan3A_270 = arith.constant 1 : i32
    %scan3A_271:3 = scf.for %scan3A_486 = %scan3A_267 to %scan3A_269 step %scan3A_270 iter_args(%scan3A_487 = %broadcast_in_dim3A_1, %scan3A_488 = %broadcast_in_dim3A_1, %scan3A_489 = %broadcast_in_dim3A_1) -> (vector<16xi32>, vector<16xi32>, vector<16xi32>)  : i32 {
      %mul3A_490 = arith.constant 16 : i32
      %mul3A_491 = arith.muli %scan3A_486, %mul3A_490 : i32
      %add3A_492 = arith.constant 1024 : i32
      %add3A_493 = arith.addi %add3A_492, %mul3A_491 : i32
      %get3A_494 = arith.index_cast %add3A_493 : i32 to index
      %get3A_495 = tpu.vector_load %arg9[%get3A_494] {strides = array<i32>} : memref<65536xi32, #tpu.memory_space<vmem>>, vector<16xi32>,
      %mul3A_496 = arith.constant 16 : i32
      %mul3A_497 = arith.muli %scan3A_486, %mul3A_496 : i32
      %broadcast_in_dim3A_498 = vector.broadcast %mul3A_497 : i32 to vector<16xi32>
      %add3A_499 = arith.addi %iota3A, %broadcast_in_dim3A_498 : vector<16xi32>
      %broadcast_in_dim3A_500 = arith.constant 0 : i32
      %broadcast_in_dim3A_501 = vector.broadcast %broadcast_in_dim3A_500 : i32 to vector<16xi32>
      %shift_right_arithmetic3A = arith.shrsi %get3A_495, %broadcast_in_dim3A_501 : vector<16xi32>
      %and3A_502 = arith.andi %shift_right_arithmetic3A, %broadcast_in_dim3A_3 : vector<16xi32>
      %eq3A_503 = arith.cmpi eq, %and3A_502, %broadcast_in_dim3A_3 : vector<16xi32>
      %convert_element_type3A = arith.extui %eq3A_503 : vector<16xi1> to vector<16xi32>
      %broadcast_in_dim3A_504 = arith.constant true
      %broadcast_in_dim3A_505 = vector.broadcast %broadcast_in_dim3A_504 : i1 to vector<16xi1>
      %masked_cumsum3A = tpu.scan <sum>, %convert_element_type3A masked %broadcast_in_dim3A_505 : vector<16xi32>, vector<16xi1> -> vector<16xi32>
      %add3A_506 = arith.addi %masked_cumsum3A, %scan3A_487 : vector<16xi32>
      %sub3A_507 = arith.subi %add3A_506, %broadcast_in_dim3A_3 : vector<16xi32>
      %max3A_508 = arith.maxsi %sub3A_507, %broadcast_in_dim3A_1 : vector<16xi32>
      %min3A_509 = arith.minsi %max3A_508, %broadcast_in_dim3A_5 : vector<16xi32>
      tpu.vector_store_idx %arg10[%min3A_509], %add3A_499 masked %eq3A_503 : memref<1040xi32, #tpu.memory_space<vmem>>[vector<16xi32>], vector<16xi32>, vector<16xi1>
      %all_reduce_population_count3A = tpu.all_reduce %eq3A_503 {dim = 0 : i64, kind = #tpu.reduction_kind<sum>} : vector<16xi1> -> vector<16xi32>
      %add3A_510 = arith.addi %scan3A_487, %all_reduce_population_count3A : vector<16xi32>
      %broadcast_in_dim3A_511 = arith.constant 1 : i32
      %broadcast_in_dim3A_512 = vector.broadcast %broadcast_in_dim3A_511 : i32 to vector<16xi32>
      %shift_right_arithmetic3A_513 = arith.shrsi %get3A_495, %broadcast_in_dim3A_512 : vector<16xi32>
      %and3A_514 = arith.andi %shift_right_arithmetic3A_513, %broadcast_in_dim3A_3 : vector<16xi32>
      %eq3A_515 = arith.cmpi eq, %and3A_514, %broadcast_in_dim3A_3 : vector<16xi32>
      %convert_element_type3A_516 = arith.extui %eq3A_515 : vector<16xi1> to vector<16xi32>
      %broadcast_in_dim3A_517 = arith.constant true
      %broadcast_in_dim3A_518 = vector.broadcast %broadcast_in_dim3A_517 : i1 to vector<16xi1>
      %masked_cumsum3A_519 = tpu.scan <sum>, %convert_element_type3A_516 masked %broadcast_in_dim3A_518 : vector<16xi32>, vector<16xi1> -> vector<16xi32>
      %add3A_520 = arith.addi %masked_cumsum3A_519, %scan3A_488 : vector<16xi32>
      %sub3A_521 = arith.subi %add3A_520, %broadcast_in_dim3A_3 : vector<16xi32>
      %max3A_522 = arith.maxsi %sub3A_521, %broadcast_in_dim3A_1 : vector<16xi32>
      %min3A_523 = arith.minsi %max3A_522, %broadcast_in_dim3A_5 : vector<16xi32>
      tpu.vector_store_idx %arg13[%min3A_523], %add3A_499 masked %eq3A_515 : memref<1040xi32, #tpu.memory_space<vmem>>[vector<16xi32>], vector<16xi32>, vector<16xi1>
      %all_reduce_population_count3A_524 = tpu.all_reduce %eq3A_515 {dim = 0 : i64, kind = #tpu.reduction_kind<sum>} : vector<16xi1> -> vector<16xi32>
      %add3A_525 = arith.addi %scan3A_488, %all_reduce_population_count3A_524 : vector<16xi32>
      %broadcast_in_dim3A_526 = arith.constant 2 : i32
      %broadcast_in_dim3A_527 = vector.broadcast %broadcast_in_dim3A_526 : i32 to vector<16xi32>
      %shift_right_arithmetic3A_528 = arith.shrsi %get3A_495, %broadcast_in_dim3A_527 : vector<16xi32>
      %and3A_529 = arith.andi %shift_right_arithmetic3A_528, %broadcast_in_dim3A_3 : vector<16xi32>
      %eq3A_530 = arith.cmpi eq, %and3A_529, %broadcast_in_dim3A_3 : vector<16xi32>
      %convert_element_type3A_531 = arith.extui %eq3A_530 : vector<16xi1> to vector<16xi32>
      %broadcast_in_dim3A_532 = arith.constant true
      %broadcast_in_dim3A_533 = vector.broadcast %broadcast_in_dim3A_532 : i1 to vector<16xi1>
      %masked_cumsum3A_534 = tpu.scan <sum>, %convert_element_type3A_531 masked %broadcast_in_dim3A_533 : vector<16xi32>, vector<16xi1> -> vector<16xi32>
      %add3A_535 = arith.addi %masked_cumsum3A_534, %scan3A_489 : vector<16xi32>
      %sub3A_536 = arith.subi %add3A_535, %broadcast_in_dim3A_3 : vector<16xi32>
      %max3A_537 = arith.maxsi %sub3A_536, %broadcast_in_dim3A_1 : vector<16xi32>
      %min3A_538 = arith.minsi %max3A_537, %broadcast_in_dim3A_5 : vector<16xi32>
      tpu.vector_store_idx %arg16[%min3A_538], %add3A_499 masked %eq3A_530 : memref<1040xi32, #tpu.memory_space<vmem>>[vector<16xi32>], vector<16xi32>, vector<16xi1>
      %all_reduce_population_count3A_539 = tpu.all_reduce %eq3A_530 {dim = 0 : i64, kind = #tpu.reduction_kind<sum>} : vector<16xi1> -> vector<16xi32>
      %add3A_540 = arith.addi %scan3A_489, %all_reduce_population_count3A_539 : vector<16xi32>
      scf.yield %add3A_510, %add3A_525, %add3A_540 : vector<16xi32>, vector<16xi32>, vector<16xi32>
    }
    %scan3A_272 = arith.constant 64 : i32
    %get3A_273 = arith.constant 0 : index
    %get3A_274 = tpu.vector_load %arg10[%get3A_273] {strides = array<i32>} : memref<1040xi32, #tpu.memory_space<vmem>>, vector<16xi32>,
    %eq3A_275 = arith.cmpi eq, %iota3A, %broadcast_in_dim3A_1 : vector<16xi32>
    %select_n3A_276 = arith.select %eq3A_275, %get3A_274, %broadcast_in_dim3A_1 : vector<16xi1>, vector<16xi32>
    %reduce_sum3A_277 = arith.constant true
    %reduce_sum3A_278 = vector.broadcast %reduce_sum3A_277 : i1 to vector<16xi1>
    %reduce_sum3A_279 = tpu.scan <sum>, %select_n3A_276 masked %reduce_sum3A_278 : vector<16xi32>, vector<16xi1> -> vector<16xi32>
    %reduce_sum3A_280 = vector.extract %reduce_sum3A_279[15] : i32 from vector<16xi32>
    %broadcast_in_dim3A_281 = vector.broadcast %reduce_sum3A_280 : i32 to vector<16xi32>
    %eq3A_282 = arith.cmpi eq, %scan3A_271#0, %broadcast_in_dim3A_1 : vector<16xi32>
    %broadcast_in_dim3A_283 = arith.constant 1023 : i32
    %broadcast_in_dim3A_284 = vector.broadcast %broadcast_in_dim3A_283 : i32 to vector<16xi32>
    %select_n3A_285 = arith.select %eq3A_282, %broadcast_in_dim3A_284, %broadcast_in_dim3A_281 : vector<16xi1>, vector<16xi32>
    %broadcast_in_dim3A_286 = arith.constant 0 : i32
    %broadcast_in_dim3A_287 = vector.broadcast %broadcast_in_dim3A_286 : i32 to vector<16xi32>
    %add3A_288 = arith.addi %iota3A, %broadcast_in_dim3A_287 : vector<16xi32>
    %get3A_289 = arith.constant 0 : index
    %get3A_290 = tpu.vector_load %arg10[%get3A_289] {strides = array<i32>} : memref<1040xi32, #tpu.memory_space<vmem>>, vector<16xi32>,
    %lt3A_291 = arith.cmpi slt, %add3A_288, %scan3A_271#0 : vector<16xi32>
    %select_n3A_292 = arith.select %lt3A_291, %get3A_290, %select_n3A_285 : vector<16xi1>, vector<16xi32>
    %broadcast_in_dim3A_293 = vector.broadcast %mul3A_266 : i32 to vector<16xi32>
    %add3A_294 = arith.addi %select_n3A_292, %broadcast_in_dim3A_293 : vector<16xi32>
    %max3A_295 = arith.maxsi %add3A_294, %broadcast_in_dim3A_1 : vector<16xi32>
    %min3A_296 = arith.minsi %max3A_295, %broadcast_in_dim3A_7 : vector<16xi32>
    %swap3A_297 = arith.constant 16 : index
    %swap3A_298 = tpu.vector_load %arg11[%swap3A_297] {strides = array<i32>} : memref<32xi32, #tpu.memory_space<vmem>>, vector<16xi32>,
    tpu.vector_store %arg11[%swap3A_297], %min3A_296 {strides = array<i32>} : memref<32xi32, #tpu.memory_space<vmem>>, vector<16xi32>,
    %get3A_299 = arith.constant 0 : index
    %get3A_300 = tpu.vector_load %arg13[%get3A_299] {strides = array<i32>} : memref<1040xi32, #tpu.memory_space<vmem>>, vector<16xi32>,
    %eq3A_301 = arith.cmpi eq, %iota3A, %broadcast_in_dim3A_1 : vector<16xi32>
    %select_n3A_302 = arith.select %eq3A_301, %get3A_300, %broadcast_in_dim3A_1 : vector<16xi1>, vector<16xi32>
    %reduce_sum3A_303 = arith.constant true
    %reduce_sum3A_304 = vector.broadcast %reduce_sum3A_303 : i1 to vector<16xi1>
    %reduce_sum3A_305 = tpu.scan <sum>, %select_n3A_302 masked %reduce_sum3A_304 : vector<16xi32>, vector<16xi1> -> vector<16xi32>
    %reduce_sum3A_306 = vector.extract %reduce_sum3A_305[15] : i32 from vector<16xi32>
    %broadcast_in_dim3A_307 = vector.broadcast %reduce_sum3A_306 : i32 to vector<16xi32>
    %eq3A_308 = arith.cmpi eq, %scan3A_271#1, %broadcast_in_dim3A_1 : vector<16xi32>
    %broadcast_in_dim3A_309 = arith.constant 1023 : i32
    %broadcast_in_dim3A_310 = vector.broadcast %broadcast_in_dim3A_309 : i32 to vector<16xi32>
    %select_n3A_311 = arith.select %eq3A_308, %broadcast_in_dim3A_310, %broadcast_in_dim3A_307 : vector<16xi1>, vector<16xi32>
    %broadcast_in_dim3A_312 = arith.constant 0 : i32
    %broadcast_in_dim3A_313 = vector.broadcast %broadcast_in_dim3A_312 : i32 to vector<16xi32>
    %add3A_314 = arith.addi %iota3A, %broadcast_in_dim3A_313 : vector<16xi32>
    %get3A_315 = arith.constant 0 : index
    %get3A_316 = tpu.vector_load %arg13[%get3A_315] {strides = array<i32>} : memref<1040xi32, #tpu.memory_space<vmem>>, vector<16xi32>,
    %lt3A_317 = arith.cmpi slt, %add3A_314, %scan3A_271#1 : vector<16xi32>
    %select_n3A_318 = arith.select %lt3A_317, %get3A_316, %select_n3A_311 : vector<16xi1>, vector<16xi32>
    %broadcast_in_dim3A_319 = vector.broadcast %mul3A_266 : i32 to vector<16xi32>
    %add3A_320 = arith.addi %select_n3A_318, %broadcast_in_dim3A_319 : vector<16xi32>
    %max3A_321 = arith.maxsi %add3A_320, %broadcast_in_dim3A_1 : vector<16xi32>
    %min3A_322 = arith.minsi %max3A_321, %broadcast_in_dim3A_7 : vector<16xi32>
    %swap3A_323 = arith.constant 32 : index
    %swap3A_324 = tpu.vector_load %arg14[%swap3A_323] {strides = array<i32>} : memref<64xi32, #tpu.memory_space<vmem>>, vector<16xi32>,
    tpu.vector_store %arg14[%swap3A_323], %min3A_322 {strides = array<i32>} : memref<64xi32, #tpu.memory_space<vmem>>, vector<16xi32>,
    %broadcast_in_dim3A_325 = arith.constant 16 : i32
    %broadcast_in_dim3A_326 = vector.broadcast %broadcast_in_dim3A_325 : i32 to vector<16xi32>
    %add3A_327 = arith.addi %iota3A, %broadcast_in_dim3A_326 : vector<16xi32>
    %get3A_328 = arith.constant 16 : index
    %get3A_329 = tpu.vector_load %arg13[%get3A_328] {strides = array<i32>} : memref<1040xi32, #tpu.memory_space<vmem>>, vector<16xi32>,
    %lt3A_330 = arith.cmpi slt, %add3A_327, %scan3A_271#1 : vector<16xi32>
    %select_n3A_331 = arith.select %lt3A_330, %get3A_329, %select_n3A_311 : vector<16xi1>, vector<16xi32>
    %broadcast_in_dim3A_332 = vector.broadcast %mul3A_266 : i32 to vector<16xi32>
    %add3A_333 = arith.addi %select_n3A_331, %broadcast_in_dim3A_332 : vector<16xi32>
    %max3A_334 = arith.maxsi %add3A_333, %broadcast_in_dim3A_1 : vector<16xi32>
    %min3A_335 = arith.minsi %max3A_334, %broadcast_in_dim3A_7 : vector<16xi32>
    %swap3A_336 = arith.constant 48 : index
    %swap3A_337 = tpu.vector_load %arg14[%swap3A_336] {strides = array<i32>} : memref<64xi32, #tpu.memory_space<vmem>>, vector<16xi32>,
    tpu.vector_store %arg14[%swap3A_336], %min3A_335 {strides = array<i32>} : memref<64xi32, #tpu.memory_space<vmem>>, vector<16xi32>,
    %get3A_338 = arith.constant 0 : index
    %get3A_339 = tpu.vector_load %arg16[%get3A_338] {strides = array<i32>} : memref<1040xi32, #tpu.memory_space<vmem>>, vector<16xi32>,
    %eq3A_340 = arith.cmpi eq, %iota3A, %broadcast_in_dim3A_1 : vector<16xi32>
    %select_n3A_341 = arith.select %eq3A_340, %get3A_339, %broadcast_in_dim3A_1 : vector<16xi1>, vector<16xi32>
    %reduce_sum3A_342 = arith.constant true
    %reduce_sum3A_343 = vector.broadcast %reduce_sum3A_342 : i1 to vector<16xi1>
    %reduce_sum3A_344 = tpu.scan <sum>, %select_n3A_341 masked %reduce_sum3A_343 : vector<16xi32>, vector<16xi1> -> vector<16xi32>
    %reduce_sum3A_345 = vector.extract %reduce_sum3A_344[15] : i32 from vector<16xi32>
    %broadcast_in_dim3A_346 = vector.broadcast %reduce_sum3A_345 : i32 to vector<16xi32>
    %eq3A_347 = arith.cmpi eq, %scan3A_271#2, %broadcast_in_dim3A_1 : vector<16xi32>
    %broadcast_in_dim3A_348 = arith.constant 1023 : i32
    %broadcast_in_dim3A_349 = vector.broadcast %broadcast_in_dim3A_348 : i32 to vector<16xi32>
    %select_n3A_350 = arith.select %eq3A_347, %broadcast_in_dim3A_349, %broadcast_in_dim3A_346 : vector<16xi1>, vector<16xi32>
    %broadcast_in_dim3A_351 = arith.constant 0 : i32
    %broadcast_in_dim3A_352 = vector.broadcast %broadcast_in_dim3A_351 : i32 to vector<16xi32>
    %add3A_353 = arith.addi %iota3A, %broadcast_in_dim3A_352 : vector<16xi32>
    %get3A_354 = arith.constant 0 : index
    %get3A_355 = tpu.vector_load %arg16[%get3A_354] {strides = array<i32>} : memref<1040xi32, #tpu.memory_space<vmem>>, vector<16xi32>,
    %lt3A_356 = arith.cmpi slt, %add3A_353, %scan3A_271#2 : vector<16xi32>
    %select_n3A_357 = arith.select %lt3A_356, %get3A_355, %select_n3A_350 : vector<16xi1>, vector<16xi32>
    %broadcast_in_dim3A_358 = vector.broadcast %mul3A_266 : i32 to vector<16xi32>
    %add3A_359 = arith.addi %select_n3A_357, %broadcast_in_dim3A_358 : vector<16xi32>
    %max3A_360 = arith.maxsi %add3A_359, %broadcast_in_dim3A_1 : vector<16xi32>
    %min3A_361 = arith.minsi %max3A_360, %broadcast_in_dim3A_7 : vector<16xi32>
    %swap3A_362 = arith.constant 128 : index
    %swap3A_363 = tpu.vector_load %arg17[%swap3A_362] {strides = array<i32>} : memref<256xi32, #tpu.memory_space<vmem>>, vector<16xi32>,
    tpu.vector_store %arg17[%swap3A_362], %min3A_361 {strides = array<i32>} : memref<256xi32, #tpu.memory_space<vmem>>, vector<16xi32>,
    %broadcast_in_dim3A_364 = arith.constant 16 : i32
    %broadcast_in_dim3A_365 = vector.broadcast %broadcast_in_dim3A_364 : i32 to vector<16xi32>
    %add3A_366 = arith.addi %iota3A, %broadcast_in_dim3A_365 : vector<16xi32>
    %get3A_367 = arith.constant 16 : index
    %get3A_368 = tpu.vector_load %arg16[%get3A_367] {strides = array<i32>} : memref<1040xi32, #tpu.memory_space<vmem>>, vector<16xi32>,
    %lt3A_369 = arith.cmpi slt, %add3A_366, %scan3A_271#2 : vector<16xi32>
    %select_n3A_370 = arith.select %lt3A_369, %get3A_368, %select_n3A_350 : vector<16xi1>, vector<16xi32>
    %broadcast_in_dim3A_371 = vector.broadcast %mul3A_266 : i32 to vector<16xi32>
    %add3A_372 = arith.addi %select_n3A_370, %broadcast_in_dim3A_371 : vector<16xi32>
    %max3A_373 = arith.maxsi %add3A_372, %broadcast_in_dim3A_1 : vector<16xi32>
    %min3A_374 = arith.minsi %max3A_373, %broadcast_in_dim3A_7 : vector<16xi32>
    %swap3A_375 = arith.constant 144 : index
    %swap3A_376 = tpu.vector_load %arg17[%swap3A_375] {strides = array<i32>} : memref<256xi32, #tpu.memory_space<vmem>>, vector<16xi32>,
    tpu.vector_store %arg17[%swap3A_375], %min3A_374 {strides = array<i32>} : memref<256xi32, #tpu.memory_space<vmem>>, vector<16xi32>,
    %broadcast_in_dim3A_377 = arith.constant 32 : i32
    %broadcast_in_dim3A_378 = vector.broadcast %broadcast_in_dim3A_377 : i32 to vector<16xi32>
    %add3A_379 = arith.addi %iota3A, %broadcast_in_dim3A_378 : vector<16xi32>
    %get3A_380 = arith.constant 32 : index
    %get3A_381 = tpu.vector_load %arg16[%get3A_380] {strides = array<i32>} : memref<1040xi32, #tpu.memory_space<vmem>>, vector<16xi32>,
    %lt3A_382 = arith.cmpi slt, %add3A_379, %scan3A_271#2 : vector<16xi32>
    %select_n3A_383 = arith.select %lt3A_382, %get3A_381, %select_n3A_350 : vector<16xi1>, vector<16xi32>
    %broadcast_in_dim3A_384 = vector.broadcast %mul3A_266 : i32 to vector<16xi32>
    %add3A_385 = arith.addi %select_n3A_383, %broadcast_in_dim3A_384 : vector<16xi32>
    %max3A_386 = arith.maxsi %add3A_385, %broadcast_in_dim3A_1 : vector<16xi32>
    %min3A_387 = arith.minsi %max3A_386, %broadcast_in_dim3A_7 : vector<16xi32>
    %swap3A_388 = arith.constant 160 : index
    %swap3A_389 = tpu.vector_load %arg17[%swap3A_388] {strides = array<i32>} : memref<256xi32, #tpu.memory_space<vmem>>, vector<16xi32>,
    tpu.vector_store %arg17[%swap3A_388], %min3A_387 {strides = array<i32>} : memref<256xi32, #tpu.memory_space<vmem>>, vector<16xi32>,
    %broadcast_in_dim3A_390 = arith.constant 48 : i32
    %broadcast_in_dim3A_391 = vector.broadcast %broadcast_in_dim3A_390 : i32 to vector<16xi32>
    %add3A_392 = arith.addi %iota3A, %broadcast_in_dim3A_391 : vector<16xi32>
    %get3A_393 = arith.constant 48 : index
    %get3A_394 = tpu.vector_load %arg16[%get3A_393] {strides = array<i32>} : memref<1040xi32, #tpu.memory_space<vmem>>, vector<16xi32>,
    %lt3A_395 = arith.cmpi slt, %add3A_392, %scan3A_271#2 : vector<16xi32>
    %select_n3A_396 = arith.select %lt3A_395, %get3A_394, %select_n3A_350 : vector<16xi1>, vector<16xi32>
    %broadcast_in_dim3A_397 = vector.broadcast %mul3A_266 : i32 to vector<16xi32>
    %add3A_398 = arith.addi %select_n3A_396, %broadcast_in_dim3A_397 : vector<16xi32>
    %max3A_399 = arith.maxsi %add3A_398, %broadcast_in_dim3A_1 : vector<16xi32>
    %min3A_400 = arith.minsi %max3A_399, %broadcast_in_dim3A_7 : vector<16xi32>
    %swap3A_401 = arith.constant 176 : index
    %swap3A_402 = tpu.vector_load %arg17[%swap3A_401] {strides = array<i32>} : memref<256xi32, #tpu.memory_space<vmem>>, vector<16xi32>,
    tpu.vector_store %arg17[%swap3A_401], %min3A_400 {strides = array<i32>} : memref<256xi32, #tpu.memory_space<vmem>>, vector<16xi32>,
    %broadcast_in_dim3A_403 = arith.constant 64 : i32
    %broadcast_in_dim3A_404 = vector.broadcast %broadcast_in_dim3A_403 : i32 to vector<16xi32>
    %add3A_405 = arith.addi %iota3A, %broadcast_in_dim3A_404 : vector<16xi32>
    %get3A_406 = arith.constant 64 : index
    %get3A_407 = tpu.vector_load %arg16[%get3A_406] {strides = array<i32>} : memref<1040xi32, #tpu.memory_space<vmem>>, vector<16xi32>,
    %lt3A_408 = arith.cmpi slt, %add3A_405, %scan3A_271#2 : vector<16xi32>
    %select_n3A_409 = arith.select %lt3A_408, %get3A_407, %select_n3A_350 : vector<16xi1>, vector<16xi32>
    %broadcast_in_dim3A_410 = vector.broadcast %mul3A_266 : i32 to vector<16xi32>
    %add3A_411 = arith.addi %select_n3A_409, %broadcast_in_dim3A_410 : vector<16xi32>
    %max3A_412 = arith.maxsi %add3A_411, %broadcast_in_dim3A_1 : vector<16xi32>
    %min3A_413 = arith.minsi %max3A_412, %broadcast_in_dim3A_7 : vector<16xi32>
    %swap3A_414 = arith.constant 192 : index
    %swap3A_415 = tpu.vector_load %arg17[%swap3A_414] {strides = array<i32>} : memref<256xi32, #tpu.memory_space<vmem>>, vector<16xi32>,
    tpu.vector_store %arg17[%swap3A_414], %min3A_413 {strides = array<i32>} : memref<256xi32, #tpu.memory_space<vmem>>, vector<16xi32>,
    %broadcast_in_dim3A_416 = arith.constant 80 : i32
    %broadcast_in_dim3A_417 = vector.broadcast %broadcast_in_dim3A_416 : i32 to vector<16xi32>
    %add3A_418 = arith.addi %iota3A, %broadcast_in_dim3A_417 : vector<16xi32>
    %get3A_419 = arith.constant 80 : index
    %get3A_420 = tpu.vector_load %arg16[%get3A_419] {strides = array<i32>} : memref<1040xi32, #tpu.memory_space<vmem>>, vector<16xi32>,
    %lt3A_421 = arith.cmpi slt, %add3A_418, %scan3A_271#2 : vector<16xi32>
    %select_n3A_422 = arith.select %lt3A_421, %get3A_420, %select_n3A_350 : vector<16xi1>, vector<16xi32>
    %broadcast_in_dim3A_423 = vector.broadcast %mul3A_266 : i32 to vector<16xi32>
    %add3A_424 = arith.addi %select_n3A_422, %broadcast_in_dim3A_423 : vector<16xi32>
    %max3A_425 = arith.maxsi %add3A_424, %broadcast_in_dim3A_1 : vector<16xi32>
    %min3A_426 = arith.minsi %max3A_425, %broadcast_in_dim3A_7 : vector<16xi32>
    %swap3A_427 = arith.constant 208 : index
    %swap3A_428 = tpu.vector_load %arg17[%swap3A_427] {strides = array<i32>} : memref<256xi32, #tpu.memory_space<vmem>>, vector<16xi32>,
    tpu.vector_store %arg17[%swap3A_427], %min3A_426 {strides = array<i32>} : memref<256xi32, #tpu.memory_space<vmem>>, vector<16xi32>,
    %broadcast_in_dim3A_429 = arith.constant 96 : i32
    %broadcast_in_dim3A_430 = vector.broadcast %broadcast_in_dim3A_429 : i32 to vector<16xi32>
    %add3A_431 = arith.addi %iota3A, %broadcast_in_dim3A_430 : vector<16xi32>
    %get3A_432 = arith.constant 96 : index
    %get3A_433 = tpu.vector_load %arg16[%get3A_432] {strides = array<i32>} : memref<1040xi32, #tpu.memory_space<vmem>>, vector<16xi32>,
    %lt3A_434 = arith.cmpi slt, %add3A_431, %scan3A_271#2 : vector<16xi32>
    %select_n3A_435 = arith.select %lt3A_434, %get3A_433, %select_n3A_350 : vector<16xi1>, vector<16xi32>
    %broadcast_in_dim3A_436 = vector.broadcast %mul3A_266 : i32 to vector<16xi32>
    %add3A_437 = arith.addi %select_n3A_435, %broadcast_in_dim3A_436 : vector<16xi32>
    %max3A_438 = arith.maxsi %add3A_437, %broadcast_in_dim3A_1 : vector<16xi32>
    %min3A_439 = arith.minsi %max3A_438, %broadcast_in_dim3A_7 : vector<16xi32>
    %swap3A_440 = arith.constant 224 : index
    %swap3A_441 = tpu.vector_load %arg17[%swap3A_440] {strides = array<i32>} : memref<256xi32, #tpu.memory_space<vmem>>, vector<16xi32>,
    tpu.vector_store %arg17[%swap3A_440], %min3A_439 {strides = array<i32>} : memref<256xi32, #tpu.memory_space<vmem>>, vector<16xi32>,
    %broadcast_in_dim3A_442 = arith.constant 112 : i32
    %broadcast_in_dim3A_443 = vector.broadcast %broadcast_in_dim3A_442 : i32 to vector<16xi32>
    %add3A_444 = arith.addi %iota3A, %broadcast_in_dim3A_443 : vector<16xi32>
    %get3A_445 = arith.constant 112 : index
    %get3A_446 = tpu.vector_load %arg16[%get3A_445] {strides = array<i32>} : memref<1040xi32, #tpu.memory_space<vmem>>, vector<16xi32>,
    %lt3A_447 = arith.cmpi slt, %add3A_444, %scan3A_271#2 : vector<16xi32>
    %select_n3A_448 = arith.select %lt3A_447, %get3A_446, %select_n3A_350 : vector<16xi1>, vector<16xi32>
    %broadcast_in_dim3A_449 = vector.broadcast %mul3A_266 : i32 to vector<16xi32>
    %add3A_450 = arith.addi %select_n3A_448, %broadcast_in_dim3A_449 : vector<16xi32>
    %max3A_451 = arith.maxsi %add3A_450, %broadcast_in_dim3A_1 : vector<16xi32>
    %min3A_452 = arith.minsi %max3A_451, %broadcast_in_dim3A_7 : vector<16xi32>
    %swap3A_453 = arith.constant 240 : index
    %swap3A_454 = tpu.vector_load %arg17[%swap3A_453] {strides = array<i32>} : memref<256xi32, #tpu.memory_space<vmem>>, vector<16xi32>,
    tpu.vector_store %arg17[%swap3A_453], %min3A_452 {strides = array<i32>} : memref<256xi32, #tpu.memory_space<vmem>>, vector<16xi32>,
    %dma_start3A_455 = arith.constant 16 : i32
    %dma_start3A_456 = arith.constant 0 : i32
    %dma_start3A_457 = tpu.memref_slice %arg12[%dma_start3A_455, %dma_start3A_456] : memref<32x128xf32, #tpu.memory_space<vmem>> -> memref<16x128xf32, #tpu.memory_space<vmem>>
    %dma_start3A_458 = arith.constant 16 : i32
    %dma_start3A_459 = tpu.memref_slice %arg11[%dma_start3A_458] : memref<32xi32, #tpu.memory_space<vmem>> -> memref<16xi32, #tpu.memory_space<vmem>>
    %dma_start3A_460 = arith.constant 0 : i32
    %dma_start3A_461 = arith.constant 0 : i32
    %dma_start3A_462 = tpu.memref_slice %arg3[%dma_start3A_460, %dma_start3A_461] : memref<4096x128xf32, #tpu.memory_space<hbm>> -> memref<4096x128xf32, #tpu.memory_space<hbm>>
    tpu.enqueue_indirect_dma source(%dma_start3A_462 : memref<4096x128xf32, #tpu.memory_space<hbm>>) target(%dma_start3A_457 : memref<16x128xf32, #tpu.memory_space<vmem>>) offsets(%dma_start3A_459 : memref<16xi32, #tpu.memory_space<vmem>>) semaphore(%arg20 : memref<!tpu.dma_semaphore, #tpu.memory_space<semaphore_mem>>)
    %dma_start3A_463 = arith.constant 32 : i32
    %dma_start3A_464 = arith.constant 0 : i32
    %dma_start3A_465 = tpu.memref_slice %arg15[%dma_start3A_463, %dma_start3A_464] : memref<64x128xf32, #tpu.memory_space<vmem>> -> memref<32x128xf32, #tpu.memory_space<vmem>>
    %dma_start3A_466 = arith.constant 32 : i32
    %dma_start3A_467 = tpu.memref_slice %arg14[%dma_start3A_466] : memref<64xi32, #tpu.memory_space<vmem>> -> memref<32xi32, #tpu.memory_space<vmem>>
    %dma_start3A_468 = arith.constant 0 : i32
    %dma_start3A_469 = arith.constant 0 : i32
    %dma_start3A_470 = tpu.memref_slice %arg4[%dma_start3A_468, %dma_start3A_469] : memref<4096x128xf32, #tpu.memory_space<hbm>> -> memref<4096x128xf32, #tpu.memory_space<hbm>>
    tpu.enqueue_indirect_dma source(%dma_start3A_470 : memref<4096x128xf32, #tpu.memory_space<hbm>>) target(%dma_start3A_465 : memref<32x128xf32, #tpu.memory_space<vmem>>) offsets(%dma_start3A_467 : memref<32xi32, #tpu.memory_space<vmem>>) semaphore(%arg20 : memref<!tpu.dma_semaphore, #tpu.memory_space<semaphore_mem>>)
    %dma_start3A_471 = arith.constant 128 : i32
    %dma_start3A_472 = arith.constant 0 : i32
    %dma_start3A_473 = tpu.memref_slice %arg18[%dma_start3A_471, %dma_start3A_472] : memref<256x128xf32, #tpu.memory_space<vmem>> -> memref<128x128xf32, #tpu.memory_space<vmem>>
    %dma_start3A_474 = arith.constant 128 : i32
    %dma_start3A_475 = tpu.memref_slice %arg17[%dma_start3A_474] : memref<256xi32, #tpu.memory_space<vmem>> -> memref<128xi32, #tpu.memory_space<vmem>>
    %dma_start3A_476 = arith.constant 0 : i32
    %dma_start3A_477 = arith.constant 0 : i32
    %dma_start3A_478 = tpu.memref_slice %arg5[%dma_start3A_476, %dma_start3A_477] : memref<4096x128xf32, #tpu.memory_space<hbm>> -> memref<4096x128xf32, #tpu.memory_space<hbm>>
    tpu.enqueue_indirect_dma source(%dma_start3A_478 : memref<4096x128xf32, #tpu.memory_space<hbm>>) target(%dma_start3A_473 : memref<128x128xf32, #tpu.memory_space<vmem>>) offsets(%dma_start3A_475 : memref<128xi32, #tpu.memory_space<vmem>>) semaphore(%arg20 : memref<!tpu.dma_semaphore, #tpu.memory_space<semaphore_mem>>)
    %scan3A_479 = arith.constant 0 : i32
    %scan3A_480 = arith.constant 0 : i32
    %scan3A_481 = arith.constant 32 : i32
    %scan3A_482 = arith.addi %scan3A_480, %scan3A_481 : i32
    %scan3A_483 = arith.constant 1 : i32
    %scan3A_484 = scf.for %scan3A_486 = %scan3A_480 to %scan3A_482 step %scan3A_483 iter_args(%scan3A_487 = %scan3A_479) -> (i32)  : i32 {
      %mul3A_488 = arith.constant 2 : i32
      %mul3A_489 = arith.muli %mul3A_488, %scan3A_486 : i32
      %add3A_490 = arith.constant 0 : i32
      %add3A_491 = arith.addi %mul3A_489, %add3A_490 : i32
      %dma_wait3A = arith.constant 0 : i32
      %dma_wait3A_492 = arith.constant 0 : i32
      %dma_wait3A_493 = tpu.memref_slice %arg18[%dma_wait3A, %dma_wait3A_492] : memref<256x128xf32, #tpu.memory_space<vmem>> -> memref<176x128xf32, #tpu.memory_space<vmem>>
      %dma_wait3A_494 = arith.constant 0 : i32
      %dma_wait3A_495 = arith.constant 0 : i32
      %dma_wait3A_496 = tpu.memref_slice %arg5[%dma_wait3A_494, %dma_wait3A_495] : memref<4096x128xf32, #tpu.memory_space<hbm>> -> memref<176x128xf32, #tpu.memory_space<hbm>>
      %dma_wait3A_497 = arith.constant 0 : i32
      %dma_wait3A_498 = arith.constant 0 : i32
      %dma_wait3A_499 = tpu.memref_slice %arg18[%dma_wait3A_497, %dma_wait3A_498] : memref<256x128xf32, #tpu.memory_space<vmem>> -> memref<176x128xf32, #tpu.memory_space<vmem>>
      %dma_wait3A_500 = arith.constant 0 : i32
      %dma_wait3A_501 = arith.constant 0 : i32
      %dma_wait3A_502 = tpu.memref_slice %arg5[%dma_wait3A_500, %dma_wait3A_501] : memref<4096x128xf32, #tpu.memory_space<hbm>> -> memref<176x128xf32, #tpu.memory_space<hbm>>
      tpu.wait_dma2 semaphore(%arg19 : memref<!tpu.dma_semaphore, #tpu.memory_space<semaphore_mem>>) src(%dma_wait3A_502 : memref<176x128xf32, #tpu.memory_space<hbm>>) dst(%dma_wait3A_499 : memref<176x128xf32, #tpu.memory_space<vmem>>)
      %mul3A_503 = arith.constant 64 : i32
      %mul3A_504 = arith.muli %add3A, %mul3A_503 : i32
      %add3A_505 = arith.addi %mul3A_504, %add3A_491 : i32
      %mul3A_506 = arith.constant 16 : i32
      %mul3A_507 = arith.muli %add3A_505, %mul3A_506 : i32
      %dma_start3A_508 = arith.constant 0 : i32
      %dma_start3A_509 = arith.constant 0 : i32
      %dma_start3A_510 = tpu.memref_slice %arg12[%dma_start3A_508, %dma_start3A_509] : memref<32x128xf32, #tpu.memory_space<vmem>> -> memref<16x128xf32, #tpu.memory_space<vmem>>
      %dma_start3A_511 = arith.constant 0 : i32
      %dma_start3A_512 = tpu.memref_slice %arg6[%mul3A_507, %dma_start3A_511] : memref<32768x128xf32, #tpu.memory_space<hbm>> -> memref<16x128xf32, #tpu.memory_space<hbm>>
      %dma_start3A_513 = arith.constant 0 : i32
      %dma_start3A_514 = tpu.memref_slice %arg6[%mul3A_507, %dma_start3A_513] : memref<32768x128xf32, #tpu.memory_space<hbm>> -> memref<16x128xf32, #tpu.memory_space<hbm>>
      %dma_start3A_515 = arith.constant 0 : i32
      %dma_start3A_516 = arith.constant 0 : i32
      %dma_start3A_517 = tpu.memref_slice %arg12[%dma_start3A_515, %dma_start3A_516] : memref<32x128xf32, #tpu.memory_space<vmem>> -> memref<16x128xf32, #tpu.memory_space<vmem>>
      tpu.enqueue_dma source(%dma_start3A_517 : memref<16x128xf32, #tpu.memory_space<vmem>>) target(%dma_start3A_514 : memref<16x128xf32, #tpu.memory_space<hbm>>) target_semaphore(%arg21 : memref<!tpu.dma_semaphore, #tpu.memory_space<semaphore_mem>>)
      %mul3A_518 = arith.constant 32 : i32
      %mul3A_519 = arith.muli %add3A_505, %mul3A_518 : i32
      %dma_start3A_520 = arith.constant 0 : i32
      %dma_start3A_521 = arith.constant 0 : i32
      %dma_start3A_522 = tpu.memref_slice %arg15[%dma_start3A_520, %dma_start3A_521] : memref<64x128xf32, #tpu.memory_space<vmem>> -> memref<32x128xf32, #tpu.memory_space<vmem>>
      %dma_start3A_523 = arith.constant 0 : i32
      %dma_start3A_524 = tpu.memref_slice %arg7[%mul3A_519, %dma_start3A_523] : memref<65536x128xf32, #tpu.memory_space<hbm>> -> memref<32x128xf32, #tpu.memory_space<hbm>>
      %dma_start3A_525 = arith.constant 0 : i32
      %dma_start3A_526 = tpu.memref_slice %arg7[%mul3A_519, %dma_start3A_525] : memref<65536x128xf32, #tpu.memory_space<hbm>> -> memref<32x128xf32, #tpu.memory_space<hbm>>
      %dma_start3A_527 = arith.constant 0 : i32
      %dma_start3A_528 = arith.constant 0 : i32
      %dma_start3A_529 = tpu.memref_slice %arg15[%dma_start3A_527, %dma_start3A_528] : memref<64x128xf32, #tpu.memory_space<vmem>> -> memref<32x128xf32, #tpu.memory_space<vmem>>
      tpu.enqueue_dma source(%dma_start3A_529 : memref<32x128xf32, #tpu.memory_space<vmem>>) target(%dma_start3A_526 : memref<32x128xf32, #tpu.memory_space<hbm>>) target_semaphore(%arg21 : memref<!tpu.dma_semaphore, #tpu.memory_space<semaphore_mem>>)
      %mul3A_530 = arith.constant 128 : i32
      %mul3A_531 = arith.muli %add3A_505, %mul3A_530 : i32
      %dma_start3A_532 = arith.constant 0 : i32
      %dma_start3A_533 = arith.constant 0 : i32
      %dma_start3A_534 = tpu.memref_slice %arg18[%dma_start3A_532, %dma_start3A_533] : memref<256x128xf32, #tpu.memory_space<vmem>> -> memref<128x128xf32, #tpu.memory_space<vmem>>
      %dma_start3A_535 = arith.constant 0 : i32
      %dma_start3A_536 = tpu.memref_slice %arg8[%mul3A_531, %dma_start3A_535] : memref<262144x128xf32, #tpu.memory_space<hbm>> -> memref<128x128xf32, #tpu.memory_space<hbm>>
      %dma_start3A_537 = arith.constant 0 : i32
      %dma_start3A_538 = tpu.memref_slice %arg8[%mul3A_531, %dma_start3A_537] : memref<262144x128xf32, #tpu.memory_space<hbm>> -> memref<128x128xf32, #tpu.memory_space<hbm>>
      %dma_start3A_539 = arith.constant 0 : i32
      %dma_start3A_540 = arith.constant 0 : i32
      %dma_start3A_541 = tpu.memref_slice %arg18[%dma_start3A_539, %dma_start3A_540] : memref<256x128xf32, #tpu.memory_space<vmem>> -> memref<128x128xf32, #tpu.memory_space<vmem>>
      tpu.enqueue_dma source(%dma_start3A_541 : memref<128x128xf32, #tpu.memory_space<vmem>>) target(%dma_start3A_538 : memref<128x128xf32, #tpu.memory_space<hbm>>) target_semaphore(%arg21 : memref<!tpu.dma_semaphore, #tpu.memory_space<semaphore_mem>>)
      %add3A_542 = arith.constant 2 : i32
      %add3A_543 = arith.addi %add3A_491, %add3A_542 : i32
      %min3A_544 = arith.constant 63 : i32
      %min3A_545 = arith.minsi %add3A_543, %min3A_544 : i32
      %mul3A_546 = arith.constant 64 : i32
      %mul3A_547 = arith.muli %add3A, %mul3A_546 : i32
      %add3A_548 = arith.addi %mul3A_547, %min3A_545 : i32
      %jit3A_549 = arith.constant 512 : i32
      %div3A_550 = arith.divsi %add3A_548, %jit3A_549 : i32
      %sign3A_551 = arith.constant 0 : i32
      %sign3A_552 = arith.cmpi sgt, %add3A_548, %sign3A_551 : i32
      %sign3A_553 = arith.extui %sign3A_552 : i1 to i32
      %sign3A_554 = arith.constant 0 : i32
      %sign3A_555 = arith.cmpi slt, %add3A_548, %sign3A_554 : i32
      %sign3A_556 = arith.extui %sign3A_555 : i1 to i32
      %sign3A_557 = arith.subi %sign3A_553, %sign3A_556 : i32
      %sign3A_558 = arith.constant 0 : i32
      %sign3A_559 = arith.cmpi sgt, %jit3A_549, %sign3A_558 : i32
      %sign3A_560 = arith.extui %sign3A_559 : i1 to i32
      %sign3A_561 = arith.constant 0 : i32
      %sign3A_562 = arith.cmpi slt, %jit3A_549, %sign3A_561 : i32
      %sign3A_563 = arith.extui %sign3A_562 : i1 to i32
      %sign3A_564 = arith.subi %sign3A_560, %sign3A_563 : i32
      %ne3A_565 = arith.cmpi ne, %sign3A_557, %sign3A_564 : i32
      %rem3A_566 = arith.remsi %add3A_548, %jit3A_549 : i32
      %ne3A_567 = arith.constant 0 : i32
      %ne3A_568 = arith.cmpi ne, %rem3A_566, %ne3A_567 : i32
      %and3A_569 = arith.andi %ne3A_565, %ne3A_568 : i1
      %sub3A_570 = arith.constant 1 : i32
      %sub3A_571 = arith.subi %div3A_550, %sub3A_570 : i32
      %select_n3A_572 = arith.select %and3A_569, %sub3A_571, %div3A_550 : i32
      %mul3A_573 = arith.constant 1024 : i32
      %mul3A_574 = arith.muli %select_n3A_572, %mul3A_573 : i32
      %scan3A_575 = arith.constant 0 : i32
      %scan3A_576 = arith.constant 64 : i32
      %scan3A_577 = arith.addi %scan3A_575, %scan3A_576 : i32
      %scan3A_578 = arith.constant 1 : i32
      %scan3A_579:3 = scf.for %scan3A_1076 = %scan3A_575 to %scan3A_577 step %scan3A_578 iter_args(%scan3A_1077 = %broadcast_in_dim3A_1, %scan3A_1078 = %broadcast_in_dim3A_1, %scan3A_1079 = %broadcast_in_dim3A_1) -> (vector<16xi32>, vector<16xi32>, vector<16xi32>)  : i32 {
        %mul3A_1080 = arith.constant 1024 : i32
        %mul3A_1081 = arith.muli %min3A_545, %mul3A_1080 : i32
        %mul3A_1082 = arith.constant 16 : i32
        %mul3A_1083 = arith.muli %scan3A_1076, %mul3A_1082 : i32
        %add3A_1084 = arith.addi %mul3A_1081, %mul3A_1083 : i32
        %get3A_1085 = arith.index_cast %add3A_1084 : i32 to index
        %get3A_1086 = tpu.vector_load %arg9[%get3A_1085] {strides = array<i32>} : memref<65536xi32, #tpu.memory_space<vmem>>, vector<16xi32>,
        %mul3A_1087 = arith.constant 16 : i32
        %mul3A_1088 = arith.muli %scan3A_1076, %mul3A_1087 : i32
        %broadcast_in_dim3A_1089 = vector.broadcast %mul3A_1088 : i32 to vector<16xi32>
        %add3A_1090 = arith.addi %iota3A, %broadcast_in_dim3A_1089 : vector<16xi32>
        %broadcast_in_dim3A_1091 = arith.constant 0 : i32
        %broadcast_in_dim3A_1092 = vector.broadcast %broadcast_in_dim3A_1091 : i32 to vector<16xi32>
        %shift_right_arithmetic3A = arith.shrsi %get3A_1086, %broadcast_in_dim3A_1092 : vector<16xi32>
        %and3A_1093 = arith.andi %shift_right_arithmetic3A, %broadcast_in_dim3A_3 : vector<16xi32>
        %eq3A_1094 = arith.cmpi eq, %and3A_1093, %broadcast_in_dim3A_3 : vector<16xi32>
        %convert_element_type3A_1095 = arith.extui %eq3A_1094 : vector<16xi1> to vector<16xi32>
        %broadcast_in_dim3A_1096 = arith.constant true
        %broadcast_in_dim3A_1097 = vector.broadcast %broadcast_in_dim3A_1096 : i1 to vector<16xi1>
        %masked_cumsum3A = tpu.scan <sum>, %convert_element_type3A_1095 masked %broadcast_in_dim3A_1097 : vector<16xi32>, vector<16xi1> -> vector<16xi32>
        %add3A_1098 = arith.addi %masked_cumsum3A, %scan3A_1077 : vector<16xi32>
        %sub3A_1099 = arith.subi %add3A_1098, %broadcast_in_dim3A_3 : vector<16xi32>
        %max3A_1100 = arith.maxsi %sub3A_1099, %broadcast_in_dim3A_1 : vector<16xi32>
        %min3A_1101 = arith.minsi %max3A_1100, %broadcast_in_dim3A_5 : vector<16xi32>
        tpu.vector_store_idx %arg10[%min3A_1101], %add3A_1090 masked %eq3A_1094 : memref<1040xi32, #tpu.memory_space<vmem>>[vector<16xi32>], vector<16xi32>, vector<16xi1>
        %all_reduce_population_count3A = tpu.all_reduce %eq3A_1094 {dim = 0 : i64, kind = #tpu.reduction_kind<sum>} : vector<16xi1> -> vector<16xi32>
        %add3A_1102 = arith.addi %scan3A_1077, %all_reduce_population_count3A : vector<16xi32>
        %broadcast_in_dim3A_1103 = arith.constant 1 : i32
        %broadcast_in_dim3A_1104 = vector.broadcast %broadcast_in_dim3A_1103 : i32 to vector<16xi32>
        %shift_right_arithmetic3A_1105 = arith.shrsi %get3A_1086, %broadcast_in_dim3A_1104 : vector<16xi32>
        %and3A_1106 = arith.andi %shift_right_arithmetic3A_1105, %broadcast_in_dim3A_3 : vector<16xi32>
        %eq3A_1107 = arith.cmpi eq, %and3A_1106, %broadcast_in_dim3A_3 : vector<16xi32>
        %convert_element_type3A_1108 = arith.extui %eq3A_1107 : vector<16xi1> to vector<16xi32>
        %broadcast_in_dim3A_1109 = arith.constant true
        %broadcast_in_dim3A_1110 = vector.broadcast %broadcast_in_dim3A_1109 : i1 to vector<16xi1>
        %masked_cumsum3A_1111 = tpu.scan <sum>, %convert_element_type3A_1108 masked %broadcast_in_dim3A_1110 : vector<16xi32>, vector<16xi1> -> vector<16xi32>
        %add3A_1112 = arith.addi %masked_cumsum3A_1111, %scan3A_1078 : vector<16xi32>
        %sub3A_1113 = arith.subi %add3A_1112, %broadcast_in_dim3A_3 : vector<16xi32>
        %max3A_1114 = arith.maxsi %sub3A_1113, %broadcast_in_dim3A_1 : vector<16xi32>
        %min3A_1115 = arith.minsi %max3A_1114, %broadcast_in_dim3A_5 : vector<16xi32>
        tpu.vector_store_idx %arg13[%min3A_1115], %add3A_1090 masked %eq3A_1107 : memref<1040xi32, #tpu.memory_space<vmem>>[vector<16xi32>], vector<16xi32>, vector<16xi1>
        %all_reduce_population_count3A_1116 = tpu.all_reduce %eq3A_1107 {dim = 0 : i64, kind = #tpu.reduction_kind<sum>} : vector<16xi1> -> vector<16xi32>
        %add3A_1117 = arith.addi %scan3A_1078, %all_reduce_population_count3A_1116 : vector<16xi32>
        %broadcast_in_dim3A_1118 = arith.constant 2 : i32
        %broadcast_in_dim3A_1119 = vector.broadcast %broadcast_in_dim3A_1118 : i32 to vector<16xi32>
        %shift_right_arithmetic3A_1120 = arith.shrsi %get3A_1086, %broadcast_in_dim3A_1119 : vector<16xi32>
        %and3A_1121 = arith.andi %shift_right_arithmetic3A_1120, %broadcast_in_dim3A_3 : vector<16xi32>
        %eq3A_1122 = arith.cmpi eq, %and3A_1121, %broadcast_in_dim3A_3 : vector<16xi32>
        %convert_element_type3A_1123 = arith.extui %eq3A_1122 : vector<16xi1> to vector<16xi32>
        %broadcast_in_dim3A_1124 = arith.constant true
        %broadcast_in_dim3A_1125 = vector.broadcast %broadcast_in_dim3A_1124 : i1 to vector<16xi1>
        %masked_cumsum3A_1126 = tpu.scan <sum>, %convert_element_type3A_1123 masked %broadcast_in_dim3A_1125 : vector<16xi32>, vector<16xi1> -> vector<16xi32>
        %add3A_1127 = arith.addi %masked_cumsum3A_1126, %scan3A_1079 : vector<16xi32>
        %sub3A_1128 = arith.subi %add3A_1127, %broadcast_in_dim3A_3 : vector<16xi32>
        %max3A_1129 = arith.maxsi %sub3A_1128, %broadcast_in_dim3A_1 : vector<16xi32>
        %min3A_1130 = arith.minsi %max3A_1129, %broadcast_in_dim3A_5 : vector<16xi32>
        tpu.vector_store_idx %arg16[%min3A_1130], %add3A_1090 masked %eq3A_1122 : memref<1040xi32, #tpu.memory_space<vmem>>[vector<16xi32>], vector<16xi32>, vector<16xi1>
        %all_reduce_population_count3A_1131 = tpu.all_reduce %eq3A_1122 {dim = 0 : i64, kind = #tpu.reduction_kind<sum>} : vector<16xi1> -> vector<16xi32>
        %add3A_1132 = arith.addi %scan3A_1079, %all_reduce_population_count3A_1131 : vector<16xi32>
        scf.yield %add3A_1102, %add3A_1117, %add3A_1132 : vector<16xi32>, vector<16xi32>, vector<16xi32>
      }
      %scan3A_580 = arith.constant 64 : i32
      %get3A_581 = arith.constant 0 : index
      %get3A_582 = tpu.vector_load %arg10[%get3A_581] {strides = array<i32>} : memref<1040xi32, #tpu.memory_space<vmem>>, vector<16xi32>,
      %eq3A_583 = arith.cmpi eq, %iota3A, %broadcast_in_dim3A_1 : vector<16xi32>
      %select_n3A_584 = arith.select %eq3A_583, %get3A_582, %broadcast_in_dim3A_1 : vector<16xi1>, vector<16xi32>
      %reduce_sum3A_585 = arith.constant true
      %reduce_sum3A_586 = vector.broadcast %reduce_sum3A_585 : i1 to vector<16xi1>
      %reduce_sum3A_587 = tpu.scan <sum>, %select_n3A_584 masked %reduce_sum3A_586 : vector<16xi32>, vector<16xi1> -> vector<16xi32>
      %reduce_sum3A_588 = vector.extract %reduce_sum3A_587[15] : i32 from vector<16xi32>
      %broadcast_in_dim3A_589 = vector.broadcast %reduce_sum3A_588 : i32 to vector<16xi32>
      %eq3A_590 = arith.cmpi eq, %scan3A_579#0, %broadcast_in_dim3A_1 : vector<16xi32>
      %broadcast_in_dim3A_591 = arith.constant 1023 : i32
      %broadcast_in_dim3A_592 = vector.broadcast %broadcast_in_dim3A_591 : i32 to vector<16xi32>
      %select_n3A_593 = arith.select %eq3A_590, %broadcast_in_dim3A_592, %broadcast_in_dim3A_589 : vector<16xi1>, vector<16xi32>
      %broadcast_in_dim3A_594 = arith.constant 0 : i32
      %broadcast_in_dim3A_595 = vector.broadcast %broadcast_in_dim3A_594 : i32 to vector<16xi32>
      %add3A_596 = arith.addi %iota3A, %broadcast_in_dim3A_595 : vector<16xi32>
      %get3A_597 = arith.constant 0 : index
      %get3A_598 = tpu.vector_load %arg10[%get3A_597] {strides = array<i32>} : memref<1040xi32, #tpu.memory_space<vmem>>, vector<16xi32>,
      %lt3A_599 = arith.cmpi slt, %add3A_596, %scan3A_579#0 : vector<16xi32>
      %select_n3A_600 = arith.select %lt3A_599, %get3A_598, %select_n3A_593 : vector<16xi1>, vector<16xi32>
      %broadcast_in_dim3A_601 = vector.broadcast %mul3A_574 : i32 to vector<16xi32>
      %add3A_602 = arith.addi %select_n3A_600, %broadcast_in_dim3A_601 : vector<16xi32>
      %max3A_603 = arith.maxsi %add3A_602, %broadcast_in_dim3A_1 : vector<16xi32>
      %min3A_604 = arith.minsi %max3A_603, %broadcast_in_dim3A_7 : vector<16xi32>
      %swap3A_605 = arith.constant 0 : index
      %swap3A_606 = tpu.vector_load %arg11[%swap3A_605] {strides = array<i32>} : memref<32xi32, #tpu.memory_space<vmem>>, vector<16xi32>,
      tpu.vector_store %arg11[%swap3A_605], %min3A_604 {strides = array<i32>} : memref<32xi32, #tpu.memory_space<vmem>>, vector<16xi32>,
      %get3A_607 = arith.constant 0 : index
      %get3A_608 = tpu.vector_load %arg13[%get3A_607] {strides = array<i32>} : memref<1040xi32, #tpu.memory_space<vmem>>, vector<16xi32>,
      %eq3A_609 = arith.cmpi eq, %iota3A, %broadcast_in_dim3A_1 : vector<16xi32>
      %select_n3A_610 = arith.select %eq3A_609, %get3A_608, %broadcast_in_dim3A_1 : vector<16xi1>, vector<16xi32>
      %reduce_sum3A_611 = arith.constant true
      %reduce_sum3A_612 = vector.broadcast %reduce_sum3A_611 : i1 to vector<16xi1>
      %reduce_sum3A_613 = tpu.scan <sum>, %select_n3A_610 masked %reduce_sum3A_612 : vector<16xi32>, vector<16xi1> -> vector<16xi32>
      %reduce_sum3A_614 = vector.extract %reduce_sum3A_613[15] : i32 from vector<16xi32>
      %broadcast_in_dim3A_615 = vector.broadcast %reduce_sum3A_614 : i32 to vector<16xi32>
      %eq3A_616 = arith.cmpi eq, %scan3A_579#1, %broadcast_in_dim3A_1 : vector<16xi32>
      %broadcast_in_dim3A_617 = arith.constant 1023 : i32
      %broadcast_in_dim3A_618 = vector.broadcast %broadcast_in_dim3A_617 : i32 to vector<16xi32>
      %select_n3A_619 = arith.select %eq3A_616, %broadcast_in_dim3A_618, %broadcast_in_dim3A_615 : vector<16xi1>, vector<16xi32>
      %broadcast_in_dim3A_620 = arith.constant 0 : i32
      %broadcast_in_dim3A_621 = vector.broadcast %broadcast_in_dim3A_620 : i32 to vector<16xi32>
      %add3A_622 = arith.addi %iota3A, %broadcast_in_dim3A_621 : vector<16xi32>
      %get3A_623 = arith.constant 0 : index
      %get3A_624 = tpu.vector_load %arg13[%get3A_623] {strides = array<i32>} : memref<1040xi32, #tpu.memory_space<vmem>>, vector<16xi32>,
      %lt3A_625 = arith.cmpi slt, %add3A_622, %scan3A_579#1 : vector<16xi32>
      %select_n3A_626 = arith.select %lt3A_625, %get3A_624, %select_n3A_619 : vector<16xi1>, vector<16xi32>
      %broadcast_in_dim3A_627 = vector.broadcast %mul3A_574 : i32 to vector<16xi32>
      %add3A_628 = arith.addi %select_n3A_626, %broadcast_in_dim3A_627 : vector<16xi32>
      %max3A_629 = arith.maxsi %add3A_628, %broadcast_in_dim3A_1 : vector<16xi32>
      %min3A_630 = arith.minsi %max3A_629, %broadcast_in_dim3A_7 : vector<16xi32>
      %swap3A_631 = arith.constant 0 : index
      %swap3A_632 = tpu.vector_load %arg14[%swap3A_631] {strides = array<i32>} : memref<64xi32, #tpu.memory_space<vmem>>, vector<16xi32>,
      tpu.vector_store %arg14[%swap3A_631], %min3A_630 {strides = array<i32>} : memref<64xi32, #tpu.memory_space<vmem>>, vector<16xi32>,
      %broadcast_in_dim3A_633 = arith.constant 16 : i32
      %broadcast_in_dim3A_634 = vector.broadcast %broadcast_in_dim3A_633 : i32 to vector<16xi32>
      %add3A_635 = arith.addi %iota3A, %broadcast_in_dim3A_634 : vector<16xi32>
      %get3A_636 = arith.constant 16 : index
      %get3A_637 = tpu.vector_load %arg13[%get3A_636] {strides = array<i32>} : memref<1040xi32, #tpu.memory_space<vmem>>, vector<16xi32>,
      %lt3A_638 = arith.cmpi slt, %add3A_635, %scan3A_579#1 : vector<16xi32>
      %select_n3A_639 = arith.select %lt3A_638, %get3A_637, %select_n3A_619 : vector<16xi1>, vector<16xi32>
      %broadcast_in_dim3A_640 = vector.broadcast %mul3A_574 : i32 to vector<16xi32>
      %add3A_641 = arith.addi %select_n3A_639, %broadcast_in_dim3A_640 : vector<16xi32>
      %max3A_642 = arith.maxsi %add3A_641, %broadcast_in_dim3A_1 : vector<16xi32>
      %min3A_643 = arith.minsi %max3A_642, %broadcast_in_dim3A_7 : vector<16xi32>
      %swap3A_644 = arith.constant 16 : index
      %swap3A_645 = tpu.vector_load %arg14[%swap3A_644] {strides = array<i32>} : memref<64xi32, #tpu.memory_space<vmem>>, vector<16xi32>,
      tpu.vector_store %arg14[%swap3A_644], %min3A_643 {strides = array<i32>} : memref<64xi32, #tpu.memory_space<vmem>>, vector<16xi32>,
      %get3A_646 = arith.constant 0 : index
      %get3A_647 = tpu.vector_load %arg16[%get3A_646] {strides = array<i32>} : memref<1040xi32, #tpu.memory_space<vmem>>, vector<16xi32>,
      %eq3A_648 = arith.cmpi eq, %iota3A, %broadcast_in_dim3A_1 : vector<16xi32>
      %select_n3A_649 = arith.select %eq3A_648, %get3A_647, %broadcast_in_dim3A_1 : vector<16xi1>, vector<16xi32>
      %reduce_sum3A_650 = arith.constant true
      %reduce_sum3A_651 = vector.broadcast %reduce_sum3A_650 : i1 to vector<16xi1>
      %reduce_sum3A_652 = tpu.scan <sum>, %select_n3A_649 masked %reduce_sum3A_651 : vector<16xi32>, vector<16xi1> -> vector<16xi32>
      %reduce_sum3A_653 = vector.extract %reduce_sum3A_652[15] : i32 from vector<16xi32>
      %broadcast_in_dim3A_654 = vector.broadcast %reduce_sum3A_653 : i32 to vector<16xi32>
      %eq3A_655 = arith.cmpi eq, %scan3A_579#2, %broadcast_in_dim3A_1 : vector<16xi32>
      %broadcast_in_dim3A_656 = arith.constant 1023 : i32
      %broadcast_in_dim3A_657 = vector.broadcast %broadcast_in_dim3A_656 : i32 to vector<16xi32>
      %select_n3A_658 = arith.select %eq3A_655, %broadcast_in_dim3A_657, %broadcast_in_dim3A_654 : vector<16xi1>, vector<16xi32>
      %broadcast_in_dim3A_659 = arith.constant 0 : i32
      %broadcast_in_dim3A_660 = vector.broadcast %broadcast_in_dim3A_659 : i32 to vector<16xi32>
      %add3A_661 = arith.addi %iota3A, %broadcast_in_dim3A_660 : vector<16xi32>
      %get3A_662 = arith.constant 0 : index
      %get3A_663 = tpu.vector_load %arg16[%get3A_662] {strides = array<i32>} : memref<1040xi32, #tpu.memory_space<vmem>>, vector<16xi32>,
      %lt3A_664 = arith.cmpi slt, %add3A_661, %scan3A_579#2 : vector<16xi32>
      %select_n3A_665 = arith.select %lt3A_664, %get3A_663, %select_n3A_658 : vector<16xi1>, vector<16xi32>
      %broadcast_in_dim3A_666 = vector.broadcast %mul3A_574 : i32 to vector<16xi32>
      %add3A_667 = arith.addi %select_n3A_665, %broadcast_in_dim3A_666 : vector<16xi32>
      %max3A_668 = arith.maxsi %add3A_667, %broadcast_in_dim3A_1 : vector<16xi32>
      %min3A_669 = arith.minsi %max3A_668, %broadcast_in_dim3A_7 : vector<16xi32>
      %swap3A_670 = arith.constant 0 : index
      %swap3A_671 = tpu.vector_load %arg17[%swap3A_670] {strides = array<i32>} : memref<256xi32, #tpu.memory_space<vmem>>, vector<16xi32>,
      tpu.vector_store %arg17[%swap3A_670], %min3A_669 {strides = array<i32>} : memref<256xi32, #tpu.memory_space<vmem>>, vector<16xi32>,
      %broadcast_in_dim3A_672 = arith.constant 16 : i32
      %broadcast_in_dim3A_673 = vector.broadcast %broadcast_in_dim3A_672 : i32 to vector<16xi32>
      %add3A_674 = arith.addi %iota3A, %broadcast_in_dim3A_673 : vector<16xi32>
      %get3A_675 = arith.constant 16 : index
      %get3A_676 = tpu.vector_load %arg16[%get3A_675] {strides = array<i32>} : memref<1040xi32, #tpu.memory_space<vmem>>, vector<16xi32>,
      %lt3A_677 = arith.cmpi slt, %add3A_674, %scan3A_579#2 : vector<16xi32>
      %select_n3A_678 = arith.select %lt3A_677, %get3A_676, %select_n3A_658 : vector<16xi1>, vector<16xi32>
      %broadcast_in_dim3A_679 = vector.broadcast %mul3A_574 : i32 to vector<16xi32>
      %add3A_680 = arith.addi %select_n3A_678, %broadcast_in_dim3A_679 : vector<16xi32>
      %max3A_681 = arith.maxsi %add3A_680, %broadcast_in_dim3A_1 : vector<16xi32>
      %min3A_682 = arith.minsi %max3A_681, %broadcast_in_dim3A_7 : vector<16xi32>
      %swap3A_683 = arith.constant 16 : index
      %swap3A_684 = tpu.vector_load %arg17[%swap3A_683] {strides = array<i32>} : memref<256xi32, #tpu.memory_space<vmem>>, vector<16xi32>,
      tpu.vector_store %arg17[%swap3A_683], %min3A_682 {strides = array<i32>} : memref<256xi32, #tpu.memory_space<vmem>>, vector<16xi32>,
      %broadcast_in_dim3A_685 = arith.constant 32 : i32
      %broadcast_in_dim3A_686 = vector.broadcast %broadcast_in_dim3A_685 : i32 to vector<16xi32>
      %add3A_687 = arith.addi %iota3A, %broadcast_in_dim3A_686 : vector<16xi32>
      %get3A_688 = arith.constant 32 : index
      %get3A_689 = tpu.vector_load %arg16[%get3A_688] {strides = array<i32>} : memref<1040xi32, #tpu.memory_space<vmem>>, vector<16xi32>,
      %lt3A_690 = arith.cmpi slt, %add3A_687, %scan3A_579#2 : vector<16xi32>
      %select_n3A_691 = arith.select %lt3A_690, %get3A_689, %select_n3A_658 : vector<16xi1>, vector<16xi32>
      %broadcast_in_dim3A_692 = vector.broadcast %mul3A_574 : i32 to vector<16xi32>
      %add3A_693 = arith.addi %select_n3A_691, %broadcast_in_dim3A_692 : vector<16xi32>
      %max3A_694 = arith.maxsi %add3A_693, %broadcast_in_dim3A_1 : vector<16xi32>
      %min3A_695 = arith.minsi %max3A_694, %broadcast_in_dim3A_7 : vector<16xi32>
      %swap3A_696 = arith.constant 32 : index
      %swap3A_697 = tpu.vector_load %arg17[%swap3A_696] {strides = array<i32>} : memref<256xi32, #tpu.memory_space<vmem>>, vector<16xi32>,
      tpu.vector_store %arg17[%swap3A_696], %min3A_695 {strides = array<i32>} : memref<256xi32, #tpu.memory_space<vmem>>, vector<16xi32>,
      %broadcast_in_dim3A_698 = arith.constant 48 : i32
      %broadcast_in_dim3A_699 = vector.broadcast %broadcast_in_dim3A_698 : i32 to vector<16xi32>
      %add3A_700 = arith.addi %iota3A, %broadcast_in_dim3A_699 : vector<16xi32>
      %get3A_701 = arith.constant 48 : index
      %get3A_702 = tpu.vector_load %arg16[%get3A_701] {strides = array<i32>} : memref<1040xi32, #tpu.memory_space<vmem>>, vector<16xi32>,
      %lt3A_703 = arith.cmpi slt, %add3A_700, %scan3A_579#2 : vector<16xi32>
      %select_n3A_704 = arith.select %lt3A_703, %get3A_702, %select_n3A_658 : vector<16xi1>, vector<16xi32>
      %broadcast_in_dim3A_705 = vector.broadcast %mul3A_574 : i32 to vector<16xi32>
      %add3A_706 = arith.addi %select_n3A_704, %broadcast_in_dim3A_705 : vector<16xi32>
      %max3A_707 = arith.maxsi %add3A_706, %broadcast_in_dim3A_1 : vector<16xi32>
      %min3A_708 = arith.minsi %max3A_707, %broadcast_in_dim3A_7 : vector<16xi32>
      %swap3A_709 = arith.constant 48 : index
      %swap3A_710 = tpu.vector_load %arg17[%swap3A_709] {strides = array<i32>} : memref<256xi32, #tpu.memory_space<vmem>>, vector<16xi32>,
      tpu.vector_store %arg17[%swap3A_709], %min3A_708 {strides = array<i32>} : memref<256xi32, #tpu.memory_space<vmem>>, vector<16xi32>,
      %broadcast_in_dim3A_711 = arith.constant 64 : i32
      %broadcast_in_dim3A_712 = vector.broadcast %broadcast_in_dim3A_711 : i32 to vector<16xi32>
      %add3A_713 = arith.addi %iota3A, %broadcast_in_dim3A_712 : vector<16xi32>
      %get3A_714 = arith.constant 64 : index
      %get3A_715 = tpu.vector_load %arg16[%get3A_714] {strides = array<i32>} : memref<1040xi32, #tpu.memory_space<vmem>>, vector<16xi32>,
      %lt3A_716 = arith.cmpi slt, %add3A_713, %scan3A_579#2 : vector<16xi32>
      %select_n3A_717 = arith.select %lt3A_716, %get3A_715, %select_n3A_658 : vector<16xi1>, vector<16xi32>
      %broadcast_in_dim3A_718 = vector.broadcast %mul3A_574 : i32 to vector<16xi32>
      %add3A_719 = arith.addi %select_n3A_717, %broadcast_in_dim3A_718 : vector<16xi32>
      %max3A_720 = arith.maxsi %add3A_719, %broadcast_in_dim3A_1 : vector<16xi32>
      %min3A_721 = arith.minsi %max3A_720, %broadcast_in_dim3A_7 : vector<16xi32>
      %swap3A_722 = arith.constant 64 : index
      %swap3A_723 = tpu.vector_load %arg17[%swap3A_722] {strides = array<i32>} : memref<256xi32, #tpu.memory_space<vmem>>, vector<16xi32>,
      tpu.vector_store %arg17[%swap3A_722], %min3A_721 {strides = array<i32>} : memref<256xi32, #tpu.memory_space<vmem>>, vector<16xi32>,
      %broadcast_in_dim3A_724 = arith.constant 80 : i32
      %broadcast_in_dim3A_725 = vector.broadcast %broadcast_in_dim3A_724 : i32 to vector<16xi32>
      %add3A_726 = arith.addi %iota3A, %broadcast_in_dim3A_725 : vector<16xi32>
      %get3A_727 = arith.constant 80 : index
      %get3A_728 = tpu.vector_load %arg16[%get3A_727] {strides = array<i32>} : memref<1040xi32, #tpu.memory_space<vmem>>, vector<16xi32>,
      %lt3A_729 = arith.cmpi slt, %add3A_726, %scan3A_579#2 : vector<16xi32>
      %select_n3A_730 = arith.select %lt3A_729, %get3A_728, %select_n3A_658 : vector<16xi1>, vector<16xi32>
      %broadcast_in_dim3A_731 = vector.broadcast %mul3A_574 : i32 to vector<16xi32>
      %add3A_732 = arith.addi %select_n3A_730, %broadcast_in_dim3A_731 : vector<16xi32>
      %max3A_733 = arith.maxsi %add3A_732, %broadcast_in_dim3A_1 : vector<16xi32>
      %min3A_734 = arith.minsi %max3A_733, %broadcast_in_dim3A_7 : vector<16xi32>
      %swap3A_735 = arith.constant 80 : index
      %swap3A_736 = tpu.vector_load %arg17[%swap3A_735] {strides = array<i32>} : memref<256xi32, #tpu.memory_space<vmem>>, vector<16xi32>,
      tpu.vector_store %arg17[%swap3A_735], %min3A_734 {strides = array<i32>} : memref<256xi32, #tpu.memory_space<vmem>>, vector<16xi32>,
      %broadcast_in_dim3A_737 = arith.constant 96 : i32
      %broadcast_in_dim3A_738 = vector.broadcast %broadcast_in_dim3A_737 : i32 to vector<16xi32>
      %add3A_739 = arith.addi %iota3A, %broadcast_in_dim3A_738 : vector<16xi32>
      %get3A_740 = arith.constant 96 : index
      %get3A_741 = tpu.vector_load %arg16[%get3A_740] {strides = array<i32>} : memref<1040xi32, #tpu.memory_space<vmem>>, vector<16xi32>,
      %lt3A_742 = arith.cmpi slt, %add3A_739, %scan3A_579#2 : vector<16xi32>
      %select_n3A_743 = arith.select %lt3A_742, %get3A_741, %select_n3A_658 : vector<16xi1>, vector<16xi32>
      %broadcast_in_dim3A_744 = vector.broadcast %mul3A_574 : i32 to vector<16xi32>
      %add3A_745 = arith.addi %select_n3A_743, %broadcast_in_dim3A_744 : vector<16xi32>
      %max3A_746 = arith.maxsi %add3A_745, %broadcast_in_dim3A_1 : vector<16xi32>
      %min3A_747 = arith.minsi %max3A_746, %broadcast_in_dim3A_7 : vector<16xi32>
      %swap3A_748 = arith.constant 96 : index
      %swap3A_749 = tpu.vector_load %arg17[%swap3A_748] {strides = array<i32>} : memref<256xi32, #tpu.memory_space<vmem>>, vector<16xi32>,
      tpu.vector_store %arg17[%swap3A_748], %min3A_747 {strides = array<i32>} : memref<256xi32, #tpu.memory_space<vmem>>, vector<16xi32>,
      %broadcast_in_dim3A_750 = arith.constant 112 : i32
      %broadcast_in_dim3A_751 = vector.broadcast %broadcast_in_dim3A_750 : i32 to vector<16xi32>
      %add3A_752 = arith.addi %iota3A, %broadcast_in_dim3A_751 : vector<16xi32>
      %get3A_753 = arith.constant 112 : index
      %get3A_754 = tpu.vector_load %arg16[%get3A_753] {strides = array<i32>} : memref<1040xi32, #tpu.memory_space<vmem>>, vector<16xi32>,
      %lt3A_755 = arith.cmpi slt, %add3A_752, %scan3A_579#2 : vector<16xi32>
      %select_n3A_756 = arith.select %lt3A_755, %get3A_754, %select_n3A_658 : vector<16xi1>, vector<16xi32>
      %broadcast_in_dim3A_757 = vector.broadcast %mul3A_574 : i32 to vector<16xi32>
      %add3A_758 = arith.addi %select_n3A_756, %broadcast_in_dim3A_757 : vector<16xi32>
      %max3A_759 = arith.maxsi %add3A_758, %broadcast_in_dim3A_1 : vector<16xi32>
      %min3A_760 = arith.minsi %max3A_759, %broadcast_in_dim3A_7 : vector<16xi32>
      %swap3A_761 = arith.constant 112 : index
      %swap3A_762 = tpu.vector_load %arg17[%swap3A_761] {strides = array<i32>} : memref<256xi32, #tpu.memory_space<vmem>>, vector<16xi32>,
      tpu.vector_store %arg17[%swap3A_761], %min3A_760 {strides = array<i32>} : memref<256xi32, #tpu.memory_space<vmem>>, vector<16xi32>,
      %dma_wait3A_763 = arith.constant 0 : i32
      %dma_wait3A_764 = arith.constant 0 : i32
      %dma_wait3A_765 = tpu.memref_slice %arg18[%dma_wait3A_763, %dma_wait3A_764] : memref<256x128xf32, #tpu.memory_space<vmem>> -> memref<176x128xf32, #tpu.memory_space<vmem>>
      %dma_wait3A_766 = arith.constant 0 : i32
      %dma_wait3A_767 = arith.constant 0 : i32
      %dma_wait3A_768 = tpu.memref_slice %arg8[%dma_wait3A_766, %dma_wait3A_767] : memref<262144x128xf32, #tpu.memory_space<hbm>> -> memref<176x128xf32, #tpu.memory_space<hbm>>
      %dma_wait3A_769 = arith.constant 0 : i32
      %dma_wait3A_770 = arith.constant 0 : i32
      %dma_wait3A_771 = tpu.memref_slice %arg8[%dma_wait3A_769, %dma_wait3A_770] : memref<262144x128xf32, #tpu.memory_space<hbm>> -> memref<176x128xf32, #tpu.memory_space<hbm>>
      %dma_wait3A_772 = arith.constant 0 : i32
      %dma_wait3A_773 = arith.constant 0 : i32
      %dma_wait3A_774 = tpu.memref_slice %arg18[%dma_wait3A_772, %dma_wait3A_773] : memref<256x128xf32, #tpu.memory_space<vmem>> -> memref<176x128xf32, #tpu.memory_space<vmem>>
      tpu.wait_dma2 semaphore(%arg21 : memref<!tpu.dma_semaphore, #tpu.memory_space<semaphore_mem>>) src(%dma_wait3A_774 : memref<176x128xf32, #tpu.memory_space<vmem>>) dst(%dma_wait3A_771 : memref<176x128xf32, #tpu.memory_space<hbm>>)
      %add3A_775 = arith.constant 2 : i32
      %add3A_776 = arith.addi %add3A_491, %add3A_775 : i32
      %lt3A_777 = arith.constant 64 : i32
      %lt3A_778 = arith.cmpi slt, %add3A_776, %lt3A_777 : i32
      %convert_element_type3A = arith.extui %lt3A_778 : i1 to i32
      %cond3A = arith.constant 0 : i32
      %cond3A_779 = arith.cmpi ne, %convert_element_type3A, %cond3A : i32
      scf.if %cond3A_779 {
        %add3A_1076 = arith.constant 2 : i32
        %add3A_1077 = arith.addi %add3A_491, %add3A_1076 : i32
        %dma_start3A_1078 = arith.constant 0 : i32
        %dma_start3A_1079 = arith.constant 0 : i32
        %dma_start3A_1080 = tpu.memref_slice %arg12[%dma_start3A_1078, %dma_start3A_1079] : memref<32x128xf32, #tpu.memory_space<vmem>> -> memref<16x128xf32, #tpu.memory_space<vmem>>
        %dma_start3A_1081 = arith.constant 0 : i32
        %dma_start3A_1082 = tpu.memref_slice %arg11[%dma_start3A_1081] : memref<32xi32, #tpu.memory_space<vmem>> -> memref<16xi32, #tpu.memory_space<vmem>>
        %dma_start3A_1083 = arith.constant 0 : i32
        %dma_start3A_1084 = arith.constant 0 : i32
        %dma_start3A_1085 = tpu.memref_slice %arg3[%dma_start3A_1083, %dma_start3A_1084] : memref<4096x128xf32, #tpu.memory_space<hbm>> -> memref<4096x128xf32, #tpu.memory_space<hbm>>
        tpu.enqueue_indirect_dma source(%dma_start3A_1085 : memref<4096x128xf32, #tpu.memory_space<hbm>>) target(%dma_start3A_1080 : memref<16x128xf32, #tpu.memory_space<vmem>>) offsets(%dma_start3A_1082 : memref<16xi32, #tpu.memory_space<vmem>>) semaphore(%arg19 : memref<!tpu.dma_semaphore, #tpu.memory_space<semaphore_mem>>)
        %dma_start3A_1086 = arith.constant 0 : i32
        %dma_start3A_1087 = arith.constant 0 : i32
        %dma_start3A_1088 = tpu.memref_slice %arg15[%dma_start3A_1086, %dma_start3A_1087] : memref<64x128xf32, #tpu.memory_space<vmem>> -> memref<32x128xf32, #tpu.memory_space<vmem>>
        %dma_start3A_1089 = arith.constant 0 : i32
        %dma_start3A_1090 = tpu.memref_slice %arg14[%dma_start3A_1089] : memref<64xi32, #tpu.memory_space<vmem>> -> memref<32xi32, #tpu.memory_space<vmem>>
        %dma_start3A_1091 = arith.constant 0 : i32
        %dma_start3A_1092 = arith.constant 0 : i32
        %dma_start3A_1093 = tpu.memref_slice %arg4[%dma_start3A_1091, %dma_start3A_1092] : memref<4096x128xf32, #tpu.memory_space<hbm>> -> memref<4096x128xf32, #tpu.memory_space<hbm>>
        tpu.enqueue_indirect_dma source(%dma_start3A_1093 : memref<4096x128xf32, #tpu.memory_space<hbm>>) target(%dma_start3A_1088 : memref<32x128xf32, #tpu.memory_space<vmem>>) offsets(%dma_start3A_1090 : memref<32xi32, #tpu.memory_space<vmem>>) semaphore(%arg19 : memref<!tpu.dma_semaphore, #tpu.memory_space<semaphore_mem>>)
        %dma_start3A_1094 = arith.constant 0 : i32
        %dma_start3A_1095 = arith.constant 0 : i32
        %dma_start3A_1096 = tpu.memref_slice %arg18[%dma_start3A_1094, %dma_start3A_1095] : memref<256x128xf32, #tpu.memory_space<vmem>> -> memref<128x128xf32, #tpu.memory_space<vmem>>
        %dma_start3A_1097 = arith.constant 0 : i32
        %dma_start3A_1098 = tpu.memref_slice %arg17[%dma_start3A_1097] : memref<256xi32, #tpu.memory_space<vmem>> -> memref<128xi32, #tpu.memory_space<vmem>>
        %dma_start3A_1099 = arith.constant 0 : i32
        %dma_start3A_1100 = arith.constant 0 : i32
        %dma_start3A_1101 = tpu.memref_slice %arg5[%dma_start3A_1099, %dma_start3A_1100] : memref<4096x128xf32, #tpu.memory_space<hbm>> -> memref<4096x128xf32, #tpu.memory_space<hbm>>
        tpu.enqueue_indirect_dma source(%dma_start3A_1101 : memref<4096x128xf32, #tpu.memory_space<hbm>>) target(%dma_start3A_1096 : memref<128x128xf32, #tpu.memory_space<vmem>>) offsets(%dma_start3A_1098 : memref<128xi32, #tpu.memory_space<vmem>>) semaphore(%arg19 : memref<!tpu.dma_semaphore, #tpu.memory_space<semaphore_mem>>)
      } else {
      }
      %mul3A_780 = arith.constant 2 : i32
      %mul3A_781 = arith.muli %mul3A_780, %scan3A_486 : i32
      %add3A_782 = arith.constant 1 : i32
      %add3A_783 = arith.addi %mul3A_781, %add3A_782 : i32
      %dma_wait3A_784 = arith.constant 0 : i32
      %dma_wait3A_785 = arith.constant 0 : i32
      %dma_wait3A_786 = tpu.memref_slice %arg18[%dma_wait3A_784, %dma_wait3A_785] : memref<256x128xf32, #tpu.memory_space<vmem>> -> memref<176x128xf32, #tpu.memory_space<vmem>>
      %dma_wait3A_787 = arith.constant 0 : i32
      %dma_wait3A_788 = arith.constant 0 : i32
      %dma_wait3A_789 = tpu.memref_slice %arg5[%dma_wait3A_787, %dma_wait3A_788] : memref<4096x128xf32, #tpu.memory_space<hbm>> -> memref<176x128xf32, #tpu.memory_space<hbm>>
      %dma_wait3A_790 = arith.constant 0 : i32
      %dma_wait3A_791 = arith.constant 0 : i32
      %dma_wait3A_792 = tpu.memref_slice %arg18[%dma_wait3A_790, %dma_wait3A_791] : memref<256x128xf32, #tpu.memory_space<vmem>> -> memref<176x128xf32, #tpu.memory_space<vmem>>
      %dma_wait3A_793 = arith.constant 0 : i32
      %dma_wait3A_794 = arith.constant 0 : i32
      %dma_wait3A_795 = tpu.memref_slice %arg5[%dma_wait3A_793, %dma_wait3A_794] : memref<4096x128xf32, #tpu.memory_space<hbm>> -> memref<176x128xf32, #tpu.memory_space<hbm>>
      tpu.wait_dma2 semaphore(%arg20 : memref<!tpu.dma_semaphore, #tpu.memory_space<semaphore_mem>>) src(%dma_wait3A_795 : memref<176x128xf32, #tpu.memory_space<hbm>>) dst(%dma_wait3A_792 : memref<176x128xf32, #tpu.memory_space<vmem>>)
      %mul3A_796 = arith.constant 64 : i32
      %mul3A_797 = arith.muli %add3A, %mul3A_796 : i32
      %add3A_798 = arith.addi %mul3A_797, %add3A_783 : i32
      %mul3A_799 = arith.constant 16 : i32
      %mul3A_800 = arith.muli %add3A_798, %mul3A_799 : i32
      %dma_start3A_801 = arith.constant 16 : i32
      %dma_start3A_802 = arith.constant 0 : i32
      %dma_start3A_803 = tpu.memref_slice %arg12[%dma_start3A_801, %dma_start3A_802] : memref<32x128xf32, #tpu.memory_space<vmem>> -> memref<16x128xf32, #tpu.memory_space<vmem>>
      %dma_start3A_804 = arith.constant 0 : i32
      %dma_start3A_805 = tpu.memref_slice %arg6[%mul3A_800, %dma_start3A_804] : memref<32768x128xf32, #tpu.memory_space<hbm>> -> memref<16x128xf32, #tpu.memory_space<hbm>>
      %dma_start3A_806 = arith.constant 0 : i32
      %dma_start3A_807 = tpu.memref_slice %arg6[%mul3A_800, %dma_start3A_806] : memref<32768x128xf32, #tpu.memory_space<hbm>> -> memref<16x128xf32, #tpu.memory_space<hbm>>
      %dma_start3A_808 = arith.constant 16 : i32
      %dma_start3A_809 = arith.constant 0 : i32
      %dma_start3A_810 = tpu.memref_slice %arg12[%dma_start3A_808, %dma_start3A_809] : memref<32x128xf32, #tpu.memory_space<vmem>> -> memref<16x128xf32, #tpu.memory_space<vmem>>
      tpu.enqueue_dma source(%dma_start3A_810 : memref<16x128xf32, #tpu.memory_space<vmem>>) target(%dma_start3A_807 : memref<16x128xf32, #tpu.memory_space<hbm>>) target_semaphore(%arg22 : memref<!tpu.dma_semaphore, #tpu.memory_space<semaphore_mem>>)
      %mul3A_811 = arith.constant 32 : i32
      %mul3A_812 = arith.muli %add3A_798, %mul3A_811 : i32
      %dma_start3A_813 = arith.constant 32 : i32
      %dma_start3A_814 = arith.constant 0 : i32
      %dma_start3A_815 = tpu.memref_slice %arg15[%dma_start3A_813, %dma_start3A_814] : memref<64x128xf32, #tpu.memory_space<vmem>> -> memref<32x128xf32, #tpu.memory_space<vmem>>
      %dma_start3A_816 = arith.constant 0 : i32
      %dma_start3A_817 = tpu.memref_slice %arg7[%mul3A_812, %dma_start3A_816] : memref<65536x128xf32, #tpu.memory_space<hbm>> -> memref<32x128xf32, #tpu.memory_space<hbm>>
      %dma_start3A_818 = arith.constant 0 : i32
      %dma_start3A_819 = tpu.memref_slice %arg7[%mul3A_812, %dma_start3A_818] : memref<65536x128xf32, #tpu.memory_space<hbm>> -> memref<32x128xf32, #tpu.memory_space<hbm>>
      %dma_start3A_820 = arith.constant 32 : i32
      %dma_start3A_821 = arith.constant 0 : i32
      %dma_start3A_822 = tpu.memref_slice %arg15[%dma_start3A_820, %dma_start3A_821] : memref<64x128xf32, #tpu.memory_space<vmem>> -> memref<32x128xf32, #tpu.memory_space<vmem>>
      tpu.enqueue_dma source(%dma_start3A_822 : memref<32x128xf32, #tpu.memory_space<vmem>>) target(%dma_start3A_819 : memref<32x128xf32, #tpu.memory_space<hbm>>) target_semaphore(%arg22 : memref<!tpu.dma_semaphore, #tpu.memory_space<semaphore_mem>>)
      %mul3A_823 = arith.constant 128 : i32
      %mul3A_824 = arith.muli %add3A_798, %mul3A_823 : i32
      %dma_start3A_825 = arith.constant 128 : i32
      %dma_start3A_826 = arith.constant 0 : i32
      %dma_start3A_827 = tpu.memref_slice %arg18[%dma_start3A_825, %dma_start3A_826] : memref<256x128xf32, #tpu.memory_space<vmem>> -> memref<128x128xf32, #tpu.memory_space<vmem>>
      %dma_start3A_828 = arith.constant 0 : i32
      %dma_start3A_829 = tpu.memref_slice %arg8[%mul3A_824, %dma_start3A_828] : memref<262144x128xf32, #tpu.memory_space<hbm>> -> memref<128x128xf32, #tpu.memory_space<hbm>>
      %dma_start3A_830 = arith.constant 0 : i32
      %dma_start3A_831 = tpu.memref_slice %arg8[%mul3A_824, %dma_start3A_830] : memref<262144x128xf32, #tpu.memory_space<hbm>> -> memref<128x128xf32, #tpu.memory_space<hbm>>
      %dma_start3A_832 = arith.constant 128 : i32
      %dma_start3A_833 = arith.constant 0 : i32
      %dma_start3A_834 = tpu.memref_slice %arg18[%dma_start3A_832, %dma_start3A_833] : memref<256x128xf32, #tpu.memory_space<vmem>> -> memref<128x128xf32, #tpu.memory_space<vmem>>
      tpu.enqueue_dma source(%dma_start3A_834 : memref<128x128xf32, #tpu.memory_space<vmem>>) target(%dma_start3A_831 : memref<128x128xf32, #tpu.memory_space<hbm>>) target_semaphore(%arg22 : memref<!tpu.dma_semaphore, #tpu.memory_space<semaphore_mem>>)
      %add3A_835 = arith.constant 2 : i32
      %add3A_836 = arith.addi %add3A_783, %add3A_835 : i32
      %min3A_837 = arith.constant 63 : i32
      %min3A_838 = arith.minsi %add3A_836, %min3A_837 : i32
      %mul3A_839 = arith.constant 64 : i32
      %mul3A_840 = arith.muli %add3A, %mul3A_839 : i32
      %add3A_841 = arith.addi %mul3A_840, %min3A_838 : i32
      %jit3A_842 = arith.constant 512 : i32
      %div3A_843 = arith.divsi %add3A_841, %jit3A_842 : i32
      %sign3A_844 = arith.constant 0 : i32
      %sign3A_845 = arith.cmpi sgt, %add3A_841, %sign3A_844 : i32
      %sign3A_846 = arith.extui %sign3A_845 : i1 to i32
      %sign3A_847 = arith.constant 0 : i32
      %sign3A_848 = arith.cmpi slt, %add3A_841, %sign3A_847 : i32
      %sign3A_849 = arith.extui %sign3A_848 : i1 to i32
      %sign3A_850 = arith.subi %sign3A_846, %sign3A_849 : i32
      %sign3A_851 = arith.constant 0 : i32
      %sign3A_852 = arith.cmpi sgt, %jit3A_842, %sign3A_851 : i32
      %sign3A_853 = arith.extui %sign3A_852 : i1 to i32
      %sign3A_854 = arith.constant 0 : i32
      %sign3A_855 = arith.cmpi slt, %jit3A_842, %sign3A_854 : i32
      %sign3A_856 = arith.extui %sign3A_855 : i1 to i32
      %sign3A_857 = arith.subi %sign3A_853, %sign3A_856 : i32
      %ne3A_858 = arith.cmpi ne, %sign3A_850, %sign3A_857 : i32
      %rem3A_859 = arith.remsi %add3A_841, %jit3A_842 : i32
      %ne3A_860 = arith.constant 0 : i32
      %ne3A_861 = arith.cmpi ne, %rem3A_859, %ne3A_860 : i32
      %and3A_862 = arith.andi %ne3A_858, %ne3A_861 : i1
      %sub3A_863 = arith.constant 1 : i32
      %sub3A_864 = arith.subi %div3A_843, %sub3A_863 : i32
      %select_n3A_865 = arith.select %and3A_862, %sub3A_864, %div3A_843 : i32
      %mul3A_866 = arith.constant 1024 : i32
      %mul3A_867 = arith.muli %select_n3A_865, %mul3A_866 : i32
      %scan3A_868 = arith.constant 0 : i32
      %scan3A_869 = arith.constant 64 : i32
      %scan3A_870 = arith.addi %scan3A_868, %scan3A_869 : i32
      %scan3A_871 = arith.constant 1 : i32
      %scan3A_872:3 = scf.for %scan3A_1076 = %scan3A_868 to %scan3A_870 step %scan3A_871 iter_args(%scan3A_1077 = %broadcast_in_dim3A_1, %scan3A_1078 = %broadcast_in_dim3A_1, %scan3A_1079 = %broadcast_in_dim3A_1) -> (vector<16xi32>, vector<16xi32>, vector<16xi32>)  : i32 {
        %mul3A_1080 = arith.constant 1024 : i32
        %mul3A_1081 = arith.muli %min3A_838, %mul3A_1080 : i32
        %mul3A_1082 = arith.constant 16 : i32
        %mul3A_1083 = arith.muli %scan3A_1076, %mul3A_1082 : i32
        %add3A_1084 = arith.addi %mul3A_1081, %mul3A_1083 : i32
        %get3A_1085 = arith.index_cast %add3A_1084 : i32 to index
        %get3A_1086 = tpu.vector_load %arg9[%get3A_1085] {strides = array<i32>} : memref<65536xi32, #tpu.memory_space<vmem>>, vector<16xi32>,
        %mul3A_1087 = arith.constant 16 : i32
        %mul3A_1088 = arith.muli %scan3A_1076, %mul3A_1087 : i32
        %broadcast_in_dim3A_1089 = vector.broadcast %mul3A_1088 : i32 to vector<16xi32>
        %add3A_1090 = arith.addi %iota3A, %broadcast_in_dim3A_1089 : vector<16xi32>
        %broadcast_in_dim3A_1091 = arith.constant 0 : i32
        %broadcast_in_dim3A_1092 = vector.broadcast %broadcast_in_dim3A_1091 : i32 to vector<16xi32>
        %shift_right_arithmetic3A = arith.shrsi %get3A_1086, %broadcast_in_dim3A_1092 : vector<16xi32>
        %and3A_1093 = arith.andi %shift_right_arithmetic3A, %broadcast_in_dim3A_3 : vector<16xi32>
        %eq3A_1094 = arith.cmpi eq, %and3A_1093, %broadcast_in_dim3A_3 : vector<16xi32>
        %convert_element_type3A_1095 = arith.extui %eq3A_1094 : vector<16xi1> to vector<16xi32>
        %broadcast_in_dim3A_1096 = arith.constant true
        %broadcast_in_dim3A_1097 = vector.broadcast %broadcast_in_dim3A_1096 : i1 to vector<16xi1>
        %masked_cumsum3A = tpu.scan <sum>, %convert_element_type3A_1095 masked %broadcast_in_dim3A_1097 : vector<16xi32>, vector<16xi1> -> vector<16xi32>
        %add3A_1098 = arith.addi %masked_cumsum3A, %scan3A_1077 : vector<16xi32>
        %sub3A_1099 = arith.subi %add3A_1098, %broadcast_in_dim3A_3 : vector<16xi32>
        %max3A_1100 = arith.maxsi %sub3A_1099, %broadcast_in_dim3A_1 : vector<16xi32>
        %min3A_1101 = arith.minsi %max3A_1100, %broadcast_in_dim3A_5 : vector<16xi32>
        tpu.vector_store_idx %arg10[%min3A_1101], %add3A_1090 masked %eq3A_1094 : memref<1040xi32, #tpu.memory_space<vmem>>[vector<16xi32>], vector<16xi32>, vector<16xi1>
        %all_reduce_population_count3A = tpu.all_reduce %eq3A_1094 {dim = 0 : i64, kind = #tpu.reduction_kind<sum>} : vector<16xi1> -> vector<16xi32>
        %add3A_1102 = arith.addi %scan3A_1077, %all_reduce_population_count3A : vector<16xi32>
        %broadcast_in_dim3A_1103 = arith.constant 1 : i32
        %broadcast_in_dim3A_1104 = vector.broadcast %broadcast_in_dim3A_1103 : i32 to vector<16xi32>
        %shift_right_arithmetic3A_1105 = arith.shrsi %get3A_1086, %broadcast_in_dim3A_1104 : vector<16xi32>
        %and3A_1106 = arith.andi %shift_right_arithmetic3A_1105, %broadcast_in_dim3A_3 : vector<16xi32>
        %eq3A_1107 = arith.cmpi eq, %and3A_1106, %broadcast_in_dim3A_3 : vector<16xi32>
        %convert_element_type3A_1108 = arith.extui %eq3A_1107 : vector<16xi1> to vector<16xi32>
        %broadcast_in_dim3A_1109 = arith.constant true
        %broadcast_in_dim3A_1110 = vector.broadcast %broadcast_in_dim3A_1109 : i1 to vector<16xi1>
        %masked_cumsum3A_1111 = tpu.scan <sum>, %convert_element_type3A_1108 masked %broadcast_in_dim3A_1110 : vector<16xi32>, vector<16xi1> -> vector<16xi32>
        %add3A_1112 = arith.addi %masked_cumsum3A_1111, %scan3A_1078 : vector<16xi32>
        %sub3A_1113 = arith.subi %add3A_1112, %broadcast_in_dim3A_3 : vector<16xi32>
        %max3A_1114 = arith.maxsi %sub3A_1113, %broadcast_in_dim3A_1 : vector<16xi32>
        %min3A_1115 = arith.minsi %max3A_1114, %broadcast_in_dim3A_5 : vector<16xi32>
        tpu.vector_store_idx %arg13[%min3A_1115], %add3A_1090 masked %eq3A_1107 : memref<1040xi32, #tpu.memory_space<vmem>>[vector<16xi32>], vector<16xi32>, vector<16xi1>
        %all_reduce_population_count3A_1116 = tpu.all_reduce %eq3A_1107 {dim = 0 : i64, kind = #tpu.reduction_kind<sum>} : vector<16xi1> -> vector<16xi32>
        %add3A_1117 = arith.addi %scan3A_1078, %all_reduce_population_count3A_1116 : vector<16xi32>
        %broadcast_in_dim3A_1118 = arith.constant 2 : i32
        %broadcast_in_dim3A_1119 = vector.broadcast %broadcast_in_dim3A_1118 : i32 to vector<16xi32>
        %shift_right_arithmetic3A_1120 = arith.shrsi %get3A_1086, %broadcast_in_dim3A_1119 : vector<16xi32>
        %and3A_1121 = arith.andi %shift_right_arithmetic3A_1120, %broadcast_in_dim3A_3 : vector<16xi32>
        %eq3A_1122 = arith.cmpi eq, %and3A_1121, %broadcast_in_dim3A_3 : vector<16xi32>
        %convert_element_type3A_1123 = arith.extui %eq3A_1122 : vector<16xi1> to vector<16xi32>
        %broadcast_in_dim3A_1124 = arith.constant true
        %broadcast_in_dim3A_1125 = vector.broadcast %broadcast_in_dim3A_1124 : i1 to vector<16xi1>
        %masked_cumsum3A_1126 = tpu.scan <sum>, %convert_element_type3A_1123 masked %broadcast_in_dim3A_1125 : vector<16xi32>, vector<16xi1> -> vector<16xi32>
        %add3A_1127 = arith.addi %masked_cumsum3A_1126, %scan3A_1079 : vector<16xi32>
        %sub3A_1128 = arith.subi %add3A_1127, %broadcast_in_dim3A_3 : vector<16xi32>
        %max3A_1129 = arith.maxsi %sub3A_1128, %broadcast_in_dim3A_1 : vector<16xi32>
        %min3A_1130 = arith.minsi %max3A_1129, %broadcast_in_dim3A_5 : vector<16xi32>
        tpu.vector_store_idx %arg16[%min3A_1130], %add3A_1090 masked %eq3A_1122 : memref<1040xi32, #tpu.memory_space<vmem>>[vector<16xi32>], vector<16xi32>, vector<16xi1>
        %all_reduce_population_count3A_1131 = tpu.all_reduce %eq3A_1122 {dim = 0 : i64, kind = #tpu.reduction_kind<sum>} : vector<16xi1> -> vector<16xi32>
        %add3A_1132 = arith.addi %scan3A_1079, %all_reduce_population_count3A_1131 : vector<16xi32>
        scf.yield %add3A_1102, %add3A_1117, %add3A_1132 : vector<16xi32>, vector<16xi32>, vector<16xi32>
      }
      %scan3A_873 = arith.constant 64 : i32
      %get3A_874 = arith.constant 0 : index
      %get3A_875 = tpu.vector_load %arg10[%get3A_874] {strides = array<i32>} : memref<1040xi32, #tpu.memory_space<vmem>>, vector<16xi32>,
      %eq3A_876 = arith.cmpi eq, %iota3A, %broadcast_in_dim3A_1 : vector<16xi32>
      %select_n3A_877 = arith.select %eq3A_876, %get3A_875, %broadcast_in_dim3A_1 : vector<16xi1>, vector<16xi32>
      %reduce_sum3A_878 = arith.constant true
      %reduce_sum3A_879 = vector.broadcast %reduce_sum3A_878 : i1 to vector<16xi1>
      %reduce_sum3A_880 = tpu.scan <sum>, %select_n3A_877 masked %reduce_sum3A_879 : vector<16xi32>, vector<16xi1> -> vector<16xi32>
      %reduce_sum3A_881 = vector.extract %reduce_sum3A_880[15] : i32 from vector<16xi32>
      %broadcast_in_dim3A_882 = vector.broadcast %reduce_sum3A_881 : i32 to vector<16xi32>
      %eq3A_883 = arith.cmpi eq, %scan3A_872#0, %broadcast_in_dim3A_1 : vector<16xi32>
      %broadcast_in_dim3A_884 = arith.constant 1023 : i32
      %broadcast_in_dim3A_885 = vector.broadcast %broadcast_in_dim3A_884 : i32 to vector<16xi32>
      %select_n3A_886 = arith.select %eq3A_883, %broadcast_in_dim3A_885, %broadcast_in_dim3A_882 : vector<16xi1>, vector<16xi32>
      %broadcast_in_dim3A_887 = arith.constant 0 : i32
      %broadcast_in_dim3A_888 = vector.broadcast %broadcast_in_dim3A_887 : i32 to vector<16xi32>
      %add3A_889 = arith.addi %iota3A, %broadcast_in_dim3A_888 : vector<16xi32>
      %get3A_890 = arith.constant 0 : index
      %get3A_891 = tpu.vector_load %arg10[%get3A_890] {strides = array<i32>} : memref<1040xi32, #tpu.memory_space<vmem>>, vector<16xi32>,
      %lt3A_892 = arith.cmpi slt, %add3A_889, %scan3A_872#0 : vector<16xi32>
      %select_n3A_893 = arith.select %lt3A_892, %get3A_891, %select_n3A_886 : vector<16xi1>, vector<16xi32>
      %broadcast_in_dim3A_894 = vector.broadcast %mul3A_867 : i32 to vector<16xi32>
      %add3A_895 = arith.addi %select_n3A_893, %broadcast_in_dim3A_894 : vector<16xi32>
      %max3A_896 = arith.maxsi %add3A_895, %broadcast_in_dim3A_1 : vector<16xi32>
      %min3A_897 = arith.minsi %max3A_896, %broadcast_in_dim3A_7 : vector<16xi32>
      %swap3A_898 = arith.constant 16 : index
      %swap3A_899 = tpu.vector_load %arg11[%swap3A_898] {strides = array<i32>} : memref<32xi32, #tpu.memory_space<vmem>>, vector<16xi32>,
      tpu.vector_store %arg11[%swap3A_898], %min3A_897 {strides = array<i32>} : memref<32xi32, #tpu.memory_space<vmem>>, vector<16xi32>,
      %get3A_900 = arith.constant 0 : index
      %get3A_901 = tpu.vector_load %arg13[%get3A_900] {strides = array<i32>} : memref<1040xi32, #tpu.memory_space<vmem>>, vector<16xi32>,
      %eq3A_902 = arith.cmpi eq, %iota3A, %broadcast_in_dim3A_1 : vector<16xi32>
      %select_n3A_903 = arith.select %eq3A_902, %get3A_901, %broadcast_in_dim3A_1 : vector<16xi1>, vector<16xi32>
      %reduce_sum3A_904 = arith.constant true
      %reduce_sum3A_905 = vector.broadcast %reduce_sum3A_904 : i1 to vector<16xi1>
      %reduce_sum3A_906 = tpu.scan <sum>, %select_n3A_903 masked %reduce_sum3A_905 : vector<16xi32>, vector<16xi1> -> vector<16xi32>
      %reduce_sum3A_907 = vector.extract %reduce_sum3A_906[15] : i32 from vector<16xi32>
      %broadcast_in_dim3A_908 = vector.broadcast %reduce_sum3A_907 : i32 to vector<16xi32>
      %eq3A_909 = arith.cmpi eq, %scan3A_872#1, %broadcast_in_dim3A_1 : vector<16xi32>
      %broadcast_in_dim3A_910 = arith.constant 1023 : i32
      %broadcast_in_dim3A_911 = vector.broadcast %broadcast_in_dim3A_910 : i32 to vector<16xi32>
      %select_n3A_912 = arith.select %eq3A_909, %broadcast_in_dim3A_911, %broadcast_in_dim3A_908 : vector<16xi1>, vector<16xi32>
      %broadcast_in_dim3A_913 = arith.constant 0 : i32
      %broadcast_in_dim3A_914 = vector.broadcast %broadcast_in_dim3A_913 : i32 to vector<16xi32>
      %add3A_915 = arith.addi %iota3A, %broadcast_in_dim3A_914 : vector<16xi32>
      %get3A_916 = arith.constant 0 : index
      %get3A_917 = tpu.vector_load %arg13[%get3A_916] {strides = array<i32>} : memref<1040xi32, #tpu.memory_space<vmem>>, vector<16xi32>,
      %lt3A_918 = arith.cmpi slt, %add3A_915, %scan3A_872#1 : vector<16xi32>
      %select_n3A_919 = arith.select %lt3A_918, %get3A_917, %select_n3A_912 : vector<16xi1>, vector<16xi32>
      %broadcast_in_dim3A_920 = vector.broadcast %mul3A_867 : i32 to vector<16xi32>
      %add3A_921 = arith.addi %select_n3A_919, %broadcast_in_dim3A_920 : vector<16xi32>
      %max3A_922 = arith.maxsi %add3A_921, %broadcast_in_dim3A_1 : vector<16xi32>
      %min3A_923 = arith.minsi %max3A_922, %broadcast_in_dim3A_7 : vector<16xi32>
      %swap3A_924 = arith.constant 32 : index
      %swap3A_925 = tpu.vector_load %arg14[%swap3A_924] {strides = array<i32>} : memref<64xi32, #tpu.memory_space<vmem>>, vector<16xi32>,
      tpu.vector_store %arg14[%swap3A_924], %min3A_923 {strides = array<i32>} : memref<64xi32, #tpu.memory_space<vmem>>, vector<16xi32>,
      %broadcast_in_dim3A_926 = arith.constant 16 : i32
      %broadcast_in_dim3A_927 = vector.broadcast %broadcast_in_dim3A_926 : i32 to vector<16xi32>
      %add3A_928 = arith.addi %iota3A, %broadcast_in_dim3A_927 : vector<16xi32>
      %get3A_929 = arith.constant 16 : index
      %get3A_930 = tpu.vector_load %arg13[%get3A_929] {strides = array<i32>} : memref<1040xi32, #tpu.memory_space<vmem>>, vector<16xi32>,
      %lt3A_931 = arith.cmpi slt, %add3A_928, %scan3A_872#1 : vector<16xi32>
      %select_n3A_932 = arith.select %lt3A_931, %get3A_930, %select_n3A_912 : vector<16xi1>, vector<16xi32>
      %broadcast_in_dim3A_933 = vector.broadcast %mul3A_867 : i32 to vector<16xi32>
      %add3A_934 = arith.addi %select_n3A_932, %broadcast_in_dim3A_933 : vector<16xi32>
      %max3A_935 = arith.maxsi %add3A_934, %broadcast_in_dim3A_1 : vector<16xi32>
      %min3A_936 = arith.minsi %max3A_935, %broadcast_in_dim3A_7 : vector<16xi32>
      %swap3A_937 = arith.constant 48 : index
      %swap3A_938 = tpu.vector_load %arg14[%swap3A_937] {strides = array<i32>} : memref<64xi32, #tpu.memory_space<vmem>>, vector<16xi32>,
      tpu.vector_store %arg14[%swap3A_937], %min3A_936 {strides = array<i32>} : memref<64xi32, #tpu.memory_space<vmem>>, vector<16xi32>,
      %get3A_939 = arith.constant 0 : index
      %get3A_940 = tpu.vector_load %arg16[%get3A_939] {strides = array<i32>} : memref<1040xi32, #tpu.memory_space<vmem>>, vector<16xi32>,
      %eq3A_941 = arith.cmpi eq, %iota3A, %broadcast_in_dim3A_1 : vector<16xi32>
      %select_n3A_942 = arith.select %eq3A_941, %get3A_940, %broadcast_in_dim3A_1 : vector<16xi1>, vector<16xi32>
      %reduce_sum3A_943 = arith.constant true
      %reduce_sum3A_944 = vector.broadcast %reduce_sum3A_943 : i1 to vector<16xi1>
      %reduce_sum3A_945 = tpu.scan <sum>, %select_n3A_942 masked %reduce_sum3A_944 : vector<16xi32>, vector<16xi1> -> vector<16xi32>
      %reduce_sum3A_946 = vector.extract %reduce_sum3A_945[15] : i32 from vector<16xi32>
      %broadcast_in_dim3A_947 = vector.broadcast %reduce_sum3A_946 : i32 to vector<16xi32>
      %eq3A_948 = arith.cmpi eq, %scan3A_872#2, %broadcast_in_dim3A_1 : vector<16xi32>
      %broadcast_in_dim3A_949 = arith.constant 1023 : i32
      %broadcast_in_dim3A_950 = vector.broadcast %broadcast_in_dim3A_949 : i32 to vector<16xi32>
      %select_n3A_951 = arith.select %eq3A_948, %broadcast_in_dim3A_950, %broadcast_in_dim3A_947 : vector<16xi1>, vector<16xi32>
      %broadcast_in_dim3A_952 = arith.constant 0 : i32
      %broadcast_in_dim3A_953 = vector.broadcast %broadcast_in_dim3A_952 : i32 to vector<16xi32>
      %add3A_954 = arith.addi %iota3A, %broadcast_in_dim3A_953 : vector<16xi32>
      %get3A_955 = arith.constant 0 : index
      %get3A_956 = tpu.vector_load %arg16[%get3A_955] {strides = array<i32>} : memref<1040xi32, #tpu.memory_space<vmem>>, vector<16xi32>,
      %lt3A_957 = arith.cmpi slt, %add3A_954, %scan3A_872#2 : vector<16xi32>
      %select_n3A_958 = arith.select %lt3A_957, %get3A_956, %select_n3A_951 : vector<16xi1>, vector<16xi32>
      %broadcast_in_dim3A_959 = vector.broadcast %mul3A_867 : i32 to vector<16xi32>
      %add3A_960 = arith.addi %select_n3A_958, %broadcast_in_dim3A_959 : vector<16xi32>
      %max3A_961 = arith.maxsi %add3A_960, %broadcast_in_dim3A_1 : vector<16xi32>
      %min3A_962 = arith.minsi %max3A_961, %broadcast_in_dim3A_7 : vector<16xi32>
      %swap3A_963 = arith.constant 128 : index
      %swap3A_964 = tpu.vector_load %arg17[%swap3A_963] {strides = array<i32>} : memref<256xi32, #tpu.memory_space<vmem>>, vector<16xi32>,
      tpu.vector_store %arg17[%swap3A_963], %min3A_962 {strides = array<i32>} : memref<256xi32, #tpu.memory_space<vmem>>, vector<16xi32>,
      %broadcast_in_dim3A_965 = arith.constant 16 : i32
      %broadcast_in_dim3A_966 = vector.broadcast %broadcast_in_dim3A_965 : i32 to vector<16xi32>
      %add3A_967 = arith.addi %iota3A, %broadcast_in_dim3A_966 : vector<16xi32>
      %get3A_968 = arith.constant 16 : index
      %get3A_969 = tpu.vector_load %arg16[%get3A_968] {strides = array<i32>} : memref<1040xi32, #tpu.memory_space<vmem>>, vector<16xi32>,
      %lt3A_970 = arith.cmpi slt, %add3A_967, %scan3A_872#2 : vector<16xi32>
      %select_n3A_971 = arith.select %lt3A_970, %get3A_969, %select_n3A_951 : vector<16xi1>, vector<16xi32>
      %broadcast_in_dim3A_972 = vector.broadcast %mul3A_867 : i32 to vector<16xi32>
      %add3A_973 = arith.addi %select_n3A_971, %broadcast_in_dim3A_972 : vector<16xi32>
      %max3A_974 = arith.maxsi %add3A_973, %broadcast_in_dim3A_1 : vector<16xi32>
      %min3A_975 = arith.minsi %max3A_974, %broadcast_in_dim3A_7 : vector<16xi32>
      %swap3A_976 = arith.constant 144 : index
      %swap3A_977 = tpu.vector_load %arg17[%swap3A_976] {strides = array<i32>} : memref<256xi32, #tpu.memory_space<vmem>>, vector<16xi32>,
      tpu.vector_store %arg17[%swap3A_976], %min3A_975 {strides = array<i32>} : memref<256xi32, #tpu.memory_space<vmem>>, vector<16xi32>,
      %broadcast_in_dim3A_978 = arith.constant 32 : i32
      %broadcast_in_dim3A_979 = vector.broadcast %broadcast_in_dim3A_978 : i32 to vector<16xi32>
      %add3A_980 = arith.addi %iota3A, %broadcast_in_dim3A_979 : vector<16xi32>
      %get3A_981 = arith.constant 32 : index
      %get3A_982 = tpu.vector_load %arg16[%get3A_981] {strides = array<i32>} : memref<1040xi32, #tpu.memory_space<vmem>>, vector<16xi32>,
      %lt3A_983 = arith.cmpi slt, %add3A_980, %scan3A_872#2 : vector<16xi32>
      %select_n3A_984 = arith.select %lt3A_983, %get3A_982, %select_n3A_951 : vector<16xi1>, vector<16xi32>
      %broadcast_in_dim3A_985 = vector.broadcast %mul3A_867 : i32 to vector<16xi32>
      %add3A_986 = arith.addi %select_n3A_984, %broadcast_in_dim3A_985 : vector<16xi32>
      %max3A_987 = arith.maxsi %add3A_986, %broadcast_in_dim3A_1 : vector<16xi32>
      %min3A_988 = arith.minsi %max3A_987, %broadcast_in_dim3A_7 : vector<16xi32>
      %swap3A_989 = arith.constant 160 : index
      %swap3A_990 = tpu.vector_load %arg17[%swap3A_989] {strides = array<i32>} : memref<256xi32, #tpu.memory_space<vmem>>, vector<16xi32>,
      tpu.vector_store %arg17[%swap3A_989], %min3A_988 {strides = array<i32>} : memref<256xi32, #tpu.memory_space<vmem>>, vector<16xi32>,
      %broadcast_in_dim3A_991 = arith.constant 48 : i32
      %broadcast_in_dim3A_992 = vector.broadcast %broadcast_in_dim3A_991 : i32 to vector<16xi32>
      %add3A_993 = arith.addi %iota3A, %broadcast_in_dim3A_992 : vector<16xi32>
      %get3A_994 = arith.constant 48 : index
      %get3A_995 = tpu.vector_load %arg16[%get3A_994] {strides = array<i32>} : memref<1040xi32, #tpu.memory_space<vmem>>, vector<16xi32>,
      %lt3A_996 = arith.cmpi slt, %add3A_993, %scan3A_872#2 : vector<16xi32>
      %select_n3A_997 = arith.select %lt3A_996, %get3A_995, %select_n3A_951 : vector<16xi1>, vector<16xi32>
      %broadcast_in_dim3A_998 = vector.broadcast %mul3A_867 : i32 to vector<16xi32>
      %add3A_999 = arith.addi %select_n3A_997, %broadcast_in_dim3A_998 : vector<16xi32>
      %max3A_1000 = arith.maxsi %add3A_999, %broadcast_in_dim3A_1 : vector<16xi32>
      %min3A_1001 = arith.minsi %max3A_1000, %broadcast_in_dim3A_7 : vector<16xi32>
      %swap3A_1002 = arith.constant 176 : index
      %swap3A_1003 = tpu.vector_load %arg17[%swap3A_1002] {strides = array<i32>} : memref<256xi32, #tpu.memory_space<vmem>>, vector<16xi32>,
      tpu.vector_store %arg17[%swap3A_1002], %min3A_1001 {strides = array<i32>} : memref<256xi32, #tpu.memory_space<vmem>>, vector<16xi32>,
      %broadcast_in_dim3A_1004 = arith.constant 64 : i32
      %broadcast_in_dim3A_1005 = vector.broadcast %broadcast_in_dim3A_1004 : i32 to vector<16xi32>
      %add3A_1006 = arith.addi %iota3A, %broadcast_in_dim3A_1005 : vector<16xi32>
      %get3A_1007 = arith.constant 64 : index
      %get3A_1008 = tpu.vector_load %arg16[%get3A_1007] {strides = array<i32>} : memref<1040xi32, #tpu.memory_space<vmem>>, vector<16xi32>,
      %lt3A_1009 = arith.cmpi slt, %add3A_1006, %scan3A_872#2 : vector<16xi32>
      %select_n3A_1010 = arith.select %lt3A_1009, %get3A_1008, %select_n3A_951 : vector<16xi1>, vector<16xi32>
      %broadcast_in_dim3A_1011 = vector.broadcast %mul3A_867 : i32 to vector<16xi32>
      %add3A_1012 = arith.addi %select_n3A_1010, %broadcast_in_dim3A_1011 : vector<16xi32>
      %max3A_1013 = arith.maxsi %add3A_1012, %broadcast_in_dim3A_1 : vector<16xi32>
      %min3A_1014 = arith.minsi %max3A_1013, %broadcast_in_dim3A_7 : vector<16xi32>
      %swap3A_1015 = arith.constant 192 : index
      %swap3A_1016 = tpu.vector_load %arg17[%swap3A_1015] {strides = array<i32>} : memref<256xi32, #tpu.memory_space<vmem>>, vector<16xi32>,
      tpu.vector_store %arg17[%swap3A_1015], %min3A_1014 {strides = array<i32>} : memref<256xi32, #tpu.memory_space<vmem>>, vector<16xi32>,
      %broadcast_in_dim3A_1017 = arith.constant 80 : i32
      %broadcast_in_dim3A_1018 = vector.broadcast %broadcast_in_dim3A_1017 : i32 to vector<16xi32>
      %add3A_1019 = arith.addi %iota3A, %broadcast_in_dim3A_1018 : vector<16xi32>
      %get3A_1020 = arith.constant 80 : index
      %get3A_1021 = tpu.vector_load %arg16[%get3A_1020] {strides = array<i32>} : memref<1040xi32, #tpu.memory_space<vmem>>, vector<16xi32>,
      %lt3A_1022 = arith.cmpi slt, %add3A_1019, %scan3A_872#2 : vector<16xi32>
      %select_n3A_1023 = arith.select %lt3A_1022, %get3A_1021, %select_n3A_951 : vector<16xi1>, vector<16xi32>
      %broadcast_in_dim3A_1024 = vector.broadcast %mul3A_867 : i32 to vector<16xi32>
      %add3A_1025 = arith.addi %select_n3A_1023, %broadcast_in_dim3A_1024 : vector<16xi32>
      %max3A_1026 = arith.maxsi %add3A_1025, %broadcast_in_dim3A_1 : vector<16xi32>
      %min3A_1027 = arith.minsi %max3A_1026, %broadcast_in_dim3A_7 : vector<16xi32>
      %swap3A_1028 = arith.constant 208 : index
      %swap3A_1029 = tpu.vector_load %arg17[%swap3A_1028] {strides = array<i32>} : memref<256xi32, #tpu.memory_space<vmem>>, vector<16xi32>,
      tpu.vector_store %arg17[%swap3A_1028], %min3A_1027 {strides = array<i32>} : memref<256xi32, #tpu.memory_space<vmem>>, vector<16xi32>,
      %broadcast_in_dim3A_1030 = arith.constant 96 : i32
      %broadcast_in_dim3A_1031 = vector.broadcast %broadcast_in_dim3A_1030 : i32 to vector<16xi32>
      %add3A_1032 = arith.addi %iota3A, %broadcast_in_dim3A_1031 : vector<16xi32>
      %get3A_1033 = arith.constant 96 : index
      %get3A_1034 = tpu.vector_load %arg16[%get3A_1033] {strides = array<i32>} : memref<1040xi32, #tpu.memory_space<vmem>>, vector<16xi32>,
      %lt3A_1035 = arith.cmpi slt, %add3A_1032, %scan3A_872#2 : vector<16xi32>
      %select_n3A_1036 = arith.select %lt3A_1035, %get3A_1034, %select_n3A_951 : vector<16xi1>, vector<16xi32>
      %broadcast_in_dim3A_1037 = vector.broadcast %mul3A_867 : i32 to vector<16xi32>
      %add3A_1038 = arith.addi %select_n3A_1036, %broadcast_in_dim3A_1037 : vector<16xi32>
      %max3A_1039 = arith.maxsi %add3A_1038, %broadcast_in_dim3A_1 : vector<16xi32>
      %min3A_1040 = arith.minsi %max3A_1039, %broadcast_in_dim3A_7 : vector<16xi32>
      %swap3A_1041 = arith.constant 224 : index
      %swap3A_1042 = tpu.vector_load %arg17[%swap3A_1041] {strides = array<i32>} : memref<256xi32, #tpu.memory_space<vmem>>, vector<16xi32>,
      tpu.vector_store %arg17[%swap3A_1041], %min3A_1040 {strides = array<i32>} : memref<256xi32, #tpu.memory_space<vmem>>, vector<16xi32>,
      %broadcast_in_dim3A_1043 = arith.constant 112 : i32
      %broadcast_in_dim3A_1044 = vector.broadcast %broadcast_in_dim3A_1043 : i32 to vector<16xi32>
      %add3A_1045 = arith.addi %iota3A, %broadcast_in_dim3A_1044 : vector<16xi32>
      %get3A_1046 = arith.constant 112 : index
      %get3A_1047 = tpu.vector_load %arg16[%get3A_1046] {strides = array<i32>} : memref<1040xi32, #tpu.memory_space<vmem>>, vector<16xi32>,
      %lt3A_1048 = arith.cmpi slt, %add3A_1045, %scan3A_872#2 : vector<16xi32>
      %select_n3A_1049 = arith.select %lt3A_1048, %get3A_1047, %select_n3A_951 : vector<16xi1>, vector<16xi32>
      %broadcast_in_dim3A_1050 = vector.broadcast %mul3A_867 : i32 to vector<16xi32>
      %add3A_1051 = arith.addi %select_n3A_1049, %broadcast_in_dim3A_1050 : vector<16xi32>
      %max3A_1052 = arith.maxsi %add3A_1051, %broadcast_in_dim3A_1 : vector<16xi32>
      %min3A_1053 = arith.minsi %max3A_1052, %broadcast_in_dim3A_7 : vector<16xi32>
      %swap3A_1054 = arith.constant 240 : index
      %swap3A_1055 = tpu.vector_load %arg17[%swap3A_1054] {strides = array<i32>} : memref<256xi32, #tpu.memory_space<vmem>>, vector<16xi32>,
      tpu.vector_store %arg17[%swap3A_1054], %min3A_1053 {strides = array<i32>} : memref<256xi32, #tpu.memory_space<vmem>>, vector<16xi32>,
      %dma_wait3A_1056 = arith.constant 0 : i32
      %dma_wait3A_1057 = arith.constant 0 : i32
      %dma_wait3A_1058 = tpu.memref_slice %arg18[%dma_wait3A_1056, %dma_wait3A_1057] : memref<256x128xf32, #tpu.memory_space<vmem>> -> memref<176x128xf32, #tpu.memory_space<vmem>>
      %dma_wait3A_1059 = arith.constant 0 : i32
      %dma_wait3A_1060 = arith.constant 0 : i32
      %dma_wait3A_1061 = tpu.memref_slice %arg8[%dma_wait3A_1059, %dma_wait3A_1060] : memref<262144x128xf32, #tpu.memory_space<hbm>> -> memref<176x128xf32, #tpu.memory_space<hbm>>
      %dma_wait3A_1062 = arith.constant 0 : i32
      %dma_wait3A_1063 = arith.constant 0 : i32
      %dma_wait3A_1064 = tpu.memref_slice %arg8[%dma_wait3A_1062, %dma_wait3A_1063] : memref<262144x128xf32, #tpu.memory_space<hbm>> -> memref<176x128xf32, #tpu.memory_space<hbm>>
      %dma_wait3A_1065 = arith.constant 0 : i32
      %dma_wait3A_1066 = arith.constant 0 : i32
      %dma_wait3A_1067 = tpu.memref_slice %arg18[%dma_wait3A_1065, %dma_wait3A_1066] : memref<256x128xf32, #tpu.memory_space<vmem>> -> memref<176x128xf32, #tpu.memory_space<vmem>>
      tpu.wait_dma2 semaphore(%arg22 : memref<!tpu.dma_semaphore, #tpu.memory_space<semaphore_mem>>) src(%dma_wait3A_1067 : memref<176x128xf32, #tpu.memory_space<vmem>>) dst(%dma_wait3A_1064 : memref<176x128xf32, #tpu.memory_space<hbm>>)
      %add3A_1068 = arith.constant 2 : i32
      %add3A_1069 = arith.addi %add3A_783, %add3A_1068 : i32
      %lt3A_1070 = arith.constant 64 : i32
      %lt3A_1071 = arith.cmpi slt, %add3A_1069, %lt3A_1070 : i32
      %convert_element_type3A_1072 = arith.extui %lt3A_1071 : i1 to i32
      %cond3A_1073 = arith.constant 0 : i32
      %cond3A_1074 = arith.cmpi ne, %convert_element_type3A_1072, %cond3A_1073 : i32
      scf.if %cond3A_1074 {
        %add3A_1076 = arith.constant 2 : i32
        %add3A_1077 = arith.addi %add3A_783, %add3A_1076 : i32
        %dma_start3A_1078 = arith.constant 16 : i32
        %dma_start3A_1079 = arith.constant 0 : i32
        %dma_start3A_1080 = tpu.memref_slice %arg12[%dma_start3A_1078, %dma_start3A_1079] : memref<32x128xf32, #tpu.memory_space<vmem>> -> memref<16x128xf32, #tpu.memory_space<vmem>>
        %dma_start3A_1081 = arith.constant 16 : i32
        %dma_start3A_1082 = tpu.memref_slice %arg11[%dma_start3A_1081] : memref<32xi32, #tpu.memory_space<vmem>> -> memref<16xi32, #tpu.memory_space<vmem>>
        %dma_start3A_1083 = arith.constant 0 : i32
        %dma_start3A_1084 = arith.constant 0 : i32
        %dma_start3A_1085 = tpu.memref_slice %arg3[%dma_start3A_1083, %dma_start3A_1084] : memref<4096x128xf32, #tpu.memory_space<hbm>> -> memref<4096x128xf32, #tpu.memory_space<hbm>>
        tpu.enqueue_indirect_dma source(%dma_start3A_1085 : memref<4096x128xf32, #tpu.memory_space<hbm>>) target(%dma_start3A_1080 : memref<16x128xf32, #tpu.memory_space<vmem>>) offsets(%dma_start3A_1082 : memref<16xi32, #tpu.memory_space<vmem>>) semaphore(%arg20 : memref<!tpu.dma_semaphore, #tpu.memory_space<semaphore_mem>>)
        %dma_start3A_1086 = arith.constant 32 : i32
        %dma_start3A_1087 = arith.constant 0 : i32
        %dma_start3A_1088 = tpu.memref_slice %arg15[%dma_start3A_1086, %dma_start3A_1087] : memref<64x128xf32, #tpu.memory_space<vmem>> -> memref<32x128xf32, #tpu.memory_space<vmem>>
        %dma_start3A_1089 = arith.constant 32 : i32
        %dma_start3A_1090 = tpu.memref_slice %arg14[%dma_start3A_1089] : memref<64xi32, #tpu.memory_space<vmem>> -> memref<32xi32, #tpu.memory_space<vmem>>
        %dma_start3A_1091 = arith.constant 0 : i32
        %dma_start3A_1092 = arith.constant 0 : i32
        %dma_start3A_1093 = tpu.memref_slice %arg4[%dma_start3A_1091, %dma_start3A_1092] : memref<4096x128xf32, #tpu.memory_space<hbm>> -> memref<4096x128xf32, #tpu.memory_space<hbm>>
        tpu.enqueue_indirect_dma source(%dma_start3A_1093 : memref<4096x128xf32, #tpu.memory_space<hbm>>) target(%dma_start3A_1088 : memref<32x128xf32, #tpu.memory_space<vmem>>) offsets(%dma_start3A_1090 : memref<32xi32, #tpu.memory_space<vmem>>) semaphore(%arg20 : memref<!tpu.dma_semaphore, #tpu.memory_space<semaphore_mem>>)
        %dma_start3A_1094 = arith.constant 128 : i32
        %dma_start3A_1095 = arith.constant 0 : i32
        %dma_start3A_1096 = tpu.memref_slice %arg18[%dma_start3A_1094, %dma_start3A_1095] : memref<256x128xf32, #tpu.memory_space<vmem>> -> memref<128x128xf32, #tpu.memory_space<vmem>>
        %dma_start3A_1097 = arith.constant 128 : i32
        %dma_start3A_1098 = tpu.memref_slice %arg17[%dma_start3A_1097] : memref<256xi32, #tpu.memory_space<vmem>> -> memref<128xi32, #tpu.memory_space<vmem>>
        %dma_start3A_1099 = arith.constant 0 : i32
        %dma_start3A_1100 = arith.constant 0 : i32
        %dma_start3A_1101 = tpu.memref_slice %arg5[%dma_start3A_1099, %dma_start3A_1100] : memref<4096x128xf32, #tpu.memory_space<hbm>> -> memref<4096x128xf32, #tpu.memory_space<hbm>>
        tpu.enqueue_indirect_dma source(%dma_start3A_1101 : memref<4096x128xf32, #tpu.memory_space<hbm>>) target(%dma_start3A_1096 : memref<128x128xf32, #tpu.memory_space<vmem>>) offsets(%dma_start3A_1098 : memref<128xi32, #tpu.memory_space<vmem>>) semaphore(%arg20 : memref<!tpu.dma_semaphore, #tpu.memory_space<semaphore_mem>>)
      } else {
      }
      %scan3A_1075 = arith.constant 0 : i32
      scf.yield %scan3A_1075 : i32
    }
    %scan3A_485 = arith.constant 32 : i32
    return
  }
}

#map = affine_map<(d0, d1) -> (0)>
#map1 = affine_map<(d0, d1) -> (0, 0)>
module attributes {stable_mosaic.version = 14 : i64} {
  func.func @sc_kernel(%arg0: i32, %arg1: i32, %arg2: memref<262144xi32, #tpu.memory_space<hbm>>, %arg3: memref<2048x128xf32, #tpu.memory_space<hbm>>, %arg4: memref<2048x128xf32, #tpu.memory_space<hbm>>, %arg5: memref<2048x128xf32, #tpu.memory_space<hbm>>, %arg6: memref<16384x128xf32, #tpu.memory_space<hbm>>, %arg7: memref<32768x128xf32, #tpu.memory_space<hbm>>, %arg8: memref<65536x128xf32, #tpu.memory_space<hbm>>, %arg9: memref<8192xi32, #tpu.memory_space<vmem>>, %arg10: memref<528xi32, #tpu.memory_space<vmem>>, %arg11: memref<64xi32, #tpu.memory_space<vmem>>, %arg12: memref<64x128xf32, #tpu.memory_space<vmem>>, %arg13: memref<528xi32, #tpu.memory_space<vmem>>, %arg14: memref<128xi32, #tpu.memory_space<vmem>>, %arg15: memref<128x128xf32, #tpu.memory_space<vmem>>, %arg16: memref<528xi32, #tpu.memory_space<vmem>>, %arg17: memref<256xi32, #tpu.memory_space<vmem>>, %arg18: memref<256x128xf32, #tpu.memory_space<vmem>>, %arg19: memref<!tpu.dma_semaphore, #tpu.memory_space<semaphore_mem>>, %arg20: memref<!tpu.dma_semaphore, #tpu.memory_space<semaphore_mem>>, %arg21: memref<!tpu.dma_semaphore, #tpu.memory_space<semaphore_mem>>, %arg22: memref<!tpu.dma_semaphore, #tpu.memory_space<semaphore_mem>>) attributes {dimension_semantics = [#tpu.dimension_semantics<core_parallel>, #tpu.dimension_semantics<subcore_parallel>], iteration_bounds = array<i64: 2, 16>, scalar_prefetch = 0 : i64, scratch_operands = 14 : i64, tpu.core_type = #tpu.core_type<sc_vector_subcore>, window_params = [{transform_indices = #map}, {transform_indices = #map1}, {transform_indices = #map1}, {transform_indices = #map1}, {transform_indices = #map1}, {transform_indices = #map1}, {transform_indices = #map1}]} {
    %mul3A = arith.constant 2 : i32
    %mul3A_0 = arith.muli %arg1, %mul3A : i32
    %add3A = arith.addi %mul3A_0, %arg0 : i32
    %iota3A = tpu.iota {dimensions = array<i32: 0>} : vector<16xi32>
    %broadcast_in_dim3A = arith.constant 0 : i32
    %broadcast_in_dim3A_1 = vector.broadcast %broadcast_in_dim3A : i32 to vector<16xi32>
    %broadcast_in_dim3A_2 = arith.constant 1 : i32
    %broadcast_in_dim3A_3 = vector.broadcast %broadcast_in_dim3A_2 : i32 to vector<16xi32>
    %broadcast_in_dim3A_4 = arith.constant 527 : i32
    %broadcast_in_dim3A_5 = vector.broadcast %broadcast_in_dim3A_4 : i32 to vector<16xi32>
    %broadcast_in_dim3A_6 = arith.constant 2047 : i32
    %broadcast_in_dim3A_7 = vector.broadcast %broadcast_in_dim3A_6 : i32 to vector<16xi32>
    %mul3A_8 = arith.constant 16 : i32
    %mul3A_9 = arith.muli %add3A, %mul3A_8 : i32
    %mul3A_10 = arith.constant 512 : i32
    %mul3A_11 = arith.muli %mul3A_9, %mul3A_10 : i32
    "tpu.region"() ({
      %run_scoped3A = tpu.sem_alloc : memref<!tpu.dma_semaphore, #tpu.memory_space<semaphore_mem>>
      %dma_start3A_564 = tpu.memref_slice %arg2[%mul3A_11] : memref<262144xi32, #tpu.memory_space<hbm>> -> memref<8192xi32, #tpu.memory_space<hbm>>
      %dma_start3A_565 = tpu.memref_slice %arg2[%mul3A_11] : memref<262144xi32, #tpu.memory_space<hbm>> -> memref<8192xi32, #tpu.memory_space<hbm>>
      tpu.enqueue_dma source(%dma_start3A_565 : memref<8192xi32, #tpu.memory_space<hbm>>) target(%arg9 : memref<8192xi32, #tpu.memory_space<vmem>>) target_semaphore(%run_scoped3A : memref<!tpu.dma_semaphore, #tpu.memory_space<semaphore_mem>>)
      %dma_wait3A = tpu.memref_slice %arg2[%mul3A_11] : memref<262144xi32, #tpu.memory_space<hbm>> -> memref<8192xi32, #tpu.memory_space<hbm>>
      %dma_wait3A_566 = tpu.memref_slice %arg2[%mul3A_11] : memref<262144xi32, #tpu.memory_space<hbm>> -> memref<8192xi32, #tpu.memory_space<hbm>>
      tpu.wait_dma2 semaphore(%run_scoped3A : memref<!tpu.dma_semaphore, #tpu.memory_space<semaphore_mem>>) src(%dma_wait3A_566 : memref<8192xi32, #tpu.memory_space<hbm>>) dst(%arg9 : memref<8192xi32, #tpu.memory_space<vmem>>)
      tpu.yield
    }) : () -> ()
    %mul3A_12 = arith.constant 16 : i32
    %mul3A_13 = arith.muli %add3A, %mul3A_12 : i32
    %add3A_14 = arith.constant 0 : i32
    %add3A_15 = arith.addi %mul3A_13, %add3A_14 : i32
    %jit3A = arith.constant 128 : i32
    %div3A = arith.divsi %add3A_15, %jit3A : i32
    %sign3A = arith.constant 0 : i32
    %sign3A_16 = arith.cmpi sgt, %add3A_15, %sign3A : i32
    %sign3A_17 = arith.extui %sign3A_16 : i1 to i32
    %sign3A_18 = arith.constant 0 : i32
    %sign3A_19 = arith.cmpi slt, %add3A_15, %sign3A_18 : i32
    %sign3A_20 = arith.extui %sign3A_19 : i1 to i32
    %sign3A_21 = arith.subi %sign3A_17, %sign3A_20 : i32
    %sign3A_22 = arith.constant 0 : i32
    %sign3A_23 = arith.cmpi sgt, %jit3A, %sign3A_22 : i32
    %sign3A_24 = arith.extui %sign3A_23 : i1 to i32
    %sign3A_25 = arith.constant 0 : i32
    %sign3A_26 = arith.cmpi slt, %jit3A, %sign3A_25 : i32
    %sign3A_27 = arith.extui %sign3A_26 : i1 to i32
    %sign3A_28 = arith.subi %sign3A_24, %sign3A_27 : i32
    %ne3A = arith.cmpi ne, %sign3A_21, %sign3A_28 : i32
    %rem3A = arith.remsi %add3A_15, %jit3A : i32
    %ne3A_29 = arith.constant 0 : i32
    %ne3A_30 = arith.cmpi ne, %rem3A, %ne3A_29 : i32
    %and3A = arith.andi %ne3A, %ne3A_30 : i1
    %sub3A = arith.constant 1 : i32
    %sub3A_31 = arith.subi %div3A, %sub3A : i32
    %select_n3A = arith.select %and3A, %sub3A_31, %div3A : i32
    %mul3A_32 = arith.constant 512 : i32
    %mul3A_33 = arith.muli %select_n3A, %mul3A_32 : i32
    %scan3A = arith.constant 0 : i32
    %scan3A_34 = arith.constant 32 : i32
    %scan3A_35 = arith.addi %scan3A, %scan3A_34 : i32
    %scan3A_36 = arith.constant 1 : i32
    %scan3A_37:3 = scf.for %scan3A_564 = %scan3A to %scan3A_35 step %scan3A_36 iter_args(%scan3A_565 = %broadcast_in_dim3A_1, %scan3A_566 = %broadcast_in_dim3A_1, %scan3A_567 = %broadcast_in_dim3A_1) -> (vector<16xi32>, vector<16xi32>, vector<16xi32>)  : i32 {
      %mul3A_568 = arith.constant 16 : i32
      %mul3A_569 = arith.muli %scan3A_564, %mul3A_568 : i32
      %add3A_570 = arith.constant 0 : i32
      %add3A_571 = arith.addi %add3A_570, %mul3A_569 : i32
      %get3A_572 = arith.index_cast %add3A_571 : i32 to index
      %get3A_573 = tpu.vector_load %arg9[%get3A_572] {strides = array<i32>} : memref<8192xi32, #tpu.memory_space<vmem>>, vector<16xi32>,
      %mul3A_574 = arith.constant 16 : i32
      %mul3A_575 = arith.muli %scan3A_564, %mul3A_574 : i32
      %broadcast_in_dim3A_576 = vector.broadcast %mul3A_575 : i32 to vector<16xi32>
      %add3A_577 = arith.addi %iota3A, %broadcast_in_dim3A_576 : vector<16xi32>
      %broadcast_in_dim3A_578 = arith.constant 0 : i32
      %broadcast_in_dim3A_579 = vector.broadcast %broadcast_in_dim3A_578 : i32 to vector<16xi32>
      %shift_right_arithmetic3A = arith.shrsi %get3A_573, %broadcast_in_dim3A_579 : vector<16xi32>
      %and3A_580 = arith.andi %shift_right_arithmetic3A, %broadcast_in_dim3A_3 : vector<16xi32>
      %eq3A_581 = arith.cmpi eq, %and3A_580, %broadcast_in_dim3A_3 : vector<16xi32>
      %convert_element_type3A = arith.extui %eq3A_581 : vector<16xi1> to vector<16xi32>
      %broadcast_in_dim3A_582 = arith.constant true
      %broadcast_in_dim3A_583 = vector.broadcast %broadcast_in_dim3A_582 : i1 to vector<16xi1>
      %masked_cumsum3A = tpu.scan <sum>, %convert_element_type3A masked %broadcast_in_dim3A_583 : vector<16xi32>, vector<16xi1> -> vector<16xi32>
      %add3A_584 = arith.addi %masked_cumsum3A, %scan3A_565 : vector<16xi32>
      %sub3A_585 = arith.subi %add3A_584, %broadcast_in_dim3A_3 : vector<16xi32>
      %max3A_586 = arith.maxsi %sub3A_585, %broadcast_in_dim3A_1 : vector<16xi32>
      %min3A_587 = arith.minsi %max3A_586, %broadcast_in_dim3A_5 : vector<16xi32>
      tpu.vector_store_idx %arg10[%min3A_587], %add3A_577 masked %eq3A_581 : memref<528xi32, #tpu.memory_space<vmem>>[vector<16xi32>], vector<16xi32>, vector<16xi1>
      %all_reduce_population_count3A = tpu.all_reduce %eq3A_581 {dim = 0 : i64, kind = #tpu.reduction_kind<sum>} : vector<16xi1> -> vector<16xi32>
      %add3A_588 = arith.addi %scan3A_565, %all_reduce_population_count3A : vector<16xi32>
      %broadcast_in_dim3A_589 = arith.constant 1 : i32
      %broadcast_in_dim3A_590 = vector.broadcast %broadcast_in_dim3A_589 : i32 to vector<16xi32>
      %shift_right_arithmetic3A_591 = arith.shrsi %get3A_573, %broadcast_in_dim3A_590 : vector<16xi32>
      %and3A_592 = arith.andi %shift_right_arithmetic3A_591, %broadcast_in_dim3A_3 : vector<16xi32>
      %eq3A_593 = arith.cmpi eq, %and3A_592, %broadcast_in_dim3A_3 : vector<16xi32>
      %convert_element_type3A_594 = arith.extui %eq3A_593 : vector<16xi1> to vector<16xi32>
      %broadcast_in_dim3A_595 = arith.constant true
      %broadcast_in_dim3A_596 = vector.broadcast %broadcast_in_dim3A_595 : i1 to vector<16xi1>
      %masked_cumsum3A_597 = tpu.scan <sum>, %convert_element_type3A_594 masked %broadcast_in_dim3A_596 : vector<16xi32>, vector<16xi1> -> vector<16xi32>
      %add3A_598 = arith.addi %masked_cumsum3A_597, %scan3A_566 : vector<16xi32>
      %sub3A_599 = arith.subi %add3A_598, %broadcast_in_dim3A_3 : vector<16xi32>
      %max3A_600 = arith.maxsi %sub3A_599, %broadcast_in_dim3A_1 : vector<16xi32>
      %min3A_601 = arith.minsi %max3A_600, %broadcast_in_dim3A_5 : vector<16xi32>
      tpu.vector_store_idx %arg13[%min3A_601], %add3A_577 masked %eq3A_593 : memref<528xi32, #tpu.memory_space<vmem>>[vector<16xi32>], vector<16xi32>, vector<16xi1>
      %all_reduce_population_count3A_602 = tpu.all_reduce %eq3A_593 {dim = 0 : i64, kind = #tpu.reduction_kind<sum>} : vector<16xi1> -> vector<16xi32>
      %add3A_603 = arith.addi %scan3A_566, %all_reduce_population_count3A_602 : vector<16xi32>
      %broadcast_in_dim3A_604 = arith.constant 2 : i32
      %broadcast_in_dim3A_605 = vector.broadcast %broadcast_in_dim3A_604 : i32 to vector<16xi32>
      %shift_right_arithmetic3A_606 = arith.shrsi %get3A_573, %broadcast_in_dim3A_605 : vector<16xi32>
      %and3A_607 = arith.andi %shift_right_arithmetic3A_606, %broadcast_in_dim3A_3 : vector<16xi32>
      %eq3A_608 = arith.cmpi eq, %and3A_607, %broadcast_in_dim3A_3 : vector<16xi32>
      %convert_element_type3A_609 = arith.extui %eq3A_608 : vector<16xi1> to vector<16xi32>
      %broadcast_in_dim3A_610 = arith.constant true
      %broadcast_in_dim3A_611 = vector.broadcast %broadcast_in_dim3A_610 : i1 to vector<16xi1>
      %masked_cumsum3A_612 = tpu.scan <sum>, %convert_element_type3A_609 masked %broadcast_in_dim3A_611 : vector<16xi32>, vector<16xi1> -> vector<16xi32>
      %add3A_613 = arith.addi %masked_cumsum3A_612, %scan3A_567 : vector<16xi32>
      %sub3A_614 = arith.subi %add3A_613, %broadcast_in_dim3A_3 : vector<16xi32>
      %max3A_615 = arith.maxsi %sub3A_614, %broadcast_in_dim3A_1 : vector<16xi32>
      %min3A_616 = arith.minsi %max3A_615, %broadcast_in_dim3A_5 : vector<16xi32>
      tpu.vector_store_idx %arg16[%min3A_616], %add3A_577 masked %eq3A_608 : memref<528xi32, #tpu.memory_space<vmem>>[vector<16xi32>], vector<16xi32>, vector<16xi1>
      %all_reduce_population_count3A_617 = tpu.all_reduce %eq3A_608 {dim = 0 : i64, kind = #tpu.reduction_kind<sum>} : vector<16xi1> -> vector<16xi32>
      %add3A_618 = arith.addi %scan3A_567, %all_reduce_population_count3A_617 : vector<16xi32>
      scf.yield %add3A_588, %add3A_603, %add3A_618 : vector<16xi32>, vector<16xi32>, vector<16xi32>
    }
    %scan3A_38 = arith.constant 32 : i32
    %get3A = arith.constant 0 : index
    %get3A_39 = tpu.vector_load %arg10[%get3A] {strides = array<i32>} : memref<528xi32, #tpu.memory_space<vmem>>, vector<16xi32>,
    %eq3A = arith.cmpi eq, %iota3A, %broadcast_in_dim3A_1 : vector<16xi32>
    %select_n3A_40 = arith.select %eq3A, %get3A_39, %broadcast_in_dim3A_1 : vector<16xi1>, vector<16xi32>
    %reduce_sum3A = arith.constant true
    %reduce_sum3A_41 = vector.broadcast %reduce_sum3A : i1 to vector<16xi1>
    %reduce_sum3A_42 = tpu.scan <sum>, %select_n3A_40 masked %reduce_sum3A_41 : vector<16xi32>, vector<16xi1> -> vector<16xi32>
    %reduce_sum3A_43 = vector.extract %reduce_sum3A_42[15] : i32 from vector<16xi32>
    %broadcast_in_dim3A_44 = vector.broadcast %reduce_sum3A_43 : i32 to vector<16xi32>
    %eq3A_45 = arith.cmpi eq, %scan3A_37#0, %broadcast_in_dim3A_1 : vector<16xi32>
    %broadcast_in_dim3A_46 = arith.constant 511 : i32
    %broadcast_in_dim3A_47 = vector.broadcast %broadcast_in_dim3A_46 : i32 to vector<16xi32>
    %select_n3A_48 = arith.select %eq3A_45, %broadcast_in_dim3A_47, %broadcast_in_dim3A_44 : vector<16xi1>, vector<16xi32>
    %broadcast_in_dim3A_49 = arith.constant 0 : i32
    %broadcast_in_dim3A_50 = vector.broadcast %broadcast_in_dim3A_49 : i32 to vector<16xi32>
    %add3A_51 = arith.addi %iota3A, %broadcast_in_dim3A_50 : vector<16xi32>
    %get3A_52 = arith.constant 0 : index
    %get3A_53 = tpu.vector_load %arg10[%get3A_52] {strides = array<i32>} : memref<528xi32, #tpu.memory_space<vmem>>, vector<16xi32>,
    %lt3A = arith.cmpi slt, %add3A_51, %scan3A_37#0 : vector<16xi32>
    %select_n3A_54 = arith.select %lt3A, %get3A_53, %select_n3A_48 : vector<16xi1>, vector<16xi32>
    %broadcast_in_dim3A_55 = vector.broadcast %mul3A_33 : i32 to vector<16xi32>
    %add3A_56 = arith.addi %select_n3A_54, %broadcast_in_dim3A_55 : vector<16xi32>
    %max3A = arith.maxsi %add3A_56, %broadcast_in_dim3A_1 : vector<16xi32>
    %min3A = arith.minsi %max3A, %broadcast_in_dim3A_7 : vector<16xi32>
    %swap3A = arith.constant 0 : index
    %swap3A_57 = tpu.vector_load %arg11[%swap3A] {strides = array<i32>} : memref<64xi32, #tpu.memory_space<vmem>>, vector<16xi32>,
    tpu.vector_store %arg11[%swap3A], %min3A {strides = array<i32>} : memref<64xi32, #tpu.memory_space<vmem>>, vector<16xi32>,
    %broadcast_in_dim3A_58 = arith.constant 16 : i32
    %broadcast_in_dim3A_59 = vector.broadcast %broadcast_in_dim3A_58 : i32 to vector<16xi32>
    %add3A_60 = arith.addi %iota3A, %broadcast_in_dim3A_59 : vector<16xi32>
    %get3A_61 = arith.constant 16 : index
    %get3A_62 = tpu.vector_load %arg10[%get3A_61] {strides = array<i32>} : memref<528xi32, #tpu.memory_space<vmem>>, vector<16xi32>,
    %lt3A_63 = arith.cmpi slt, %add3A_60, %scan3A_37#0 : vector<16xi32>
    %select_n3A_64 = arith.select %lt3A_63, %get3A_62, %select_n3A_48 : vector<16xi1>, vector<16xi32>
    %broadcast_in_dim3A_65 = vector.broadcast %mul3A_33 : i32 to vector<16xi32>
    %add3A_66 = arith.addi %select_n3A_64, %broadcast_in_dim3A_65 : vector<16xi32>
    %max3A_67 = arith.maxsi %add3A_66, %broadcast_in_dim3A_1 : vector<16xi32>
    %min3A_68 = arith.minsi %max3A_67, %broadcast_in_dim3A_7 : vector<16xi32>
    %swap3A_69 = arith.constant 16 : index
    %swap3A_70 = tpu.vector_load %arg11[%swap3A_69] {strides = array<i32>} : memref<64xi32, #tpu.memory_space<vmem>>, vector<16xi32>,
    tpu.vector_store %arg11[%swap3A_69], %min3A_68 {strides = array<i32>} : memref<64xi32, #tpu.memory_space<vmem>>, vector<16xi32>,
    %get3A_71 = arith.constant 0 : index
    %get3A_72 = tpu.vector_load %arg13[%get3A_71] {strides = array<i32>} : memref<528xi32, #tpu.memory_space<vmem>>, vector<16xi32>,
    %eq3A_73 = arith.cmpi eq, %iota3A, %broadcast_in_dim3A_1 : vector<16xi32>
    %select_n3A_74 = arith.select %eq3A_73, %get3A_72, %broadcast_in_dim3A_1 : vector<16xi1>, vector<16xi32>
    %reduce_sum3A_75 = arith.constant true
    %reduce_sum3A_76 = vector.broadcast %reduce_sum3A_75 : i1 to vector<16xi1>
    %reduce_sum3A_77 = tpu.scan <sum>, %select_n3A_74 masked %reduce_sum3A_76 : vector<16xi32>, vector<16xi1> -> vector<16xi32>
    %reduce_sum3A_78 = vector.extract %reduce_sum3A_77[15] : i32 from vector<16xi32>
    %broadcast_in_dim3A_79 = vector.broadcast %reduce_sum3A_78 : i32 to vector<16xi32>
    %eq3A_80 = arith.cmpi eq, %scan3A_37#1, %broadcast_in_dim3A_1 : vector<16xi32>
    %broadcast_in_dim3A_81 = arith.constant 511 : i32
    %broadcast_in_dim3A_82 = vector.broadcast %broadcast_in_dim3A_81 : i32 to vector<16xi32>
    %select_n3A_83 = arith.select %eq3A_80, %broadcast_in_dim3A_82, %broadcast_in_dim3A_79 : vector<16xi1>, vector<16xi32>
    %broadcast_in_dim3A_84 = arith.constant 0 : i32
    %broadcast_in_dim3A_85 = vector.broadcast %broadcast_in_dim3A_84 : i32 to vector<16xi32>
    %add3A_86 = arith.addi %iota3A, %broadcast_in_dim3A_85 : vector<16xi32>
    %get3A_87 = arith.constant 0 : index
    %get3A_88 = tpu.vector_load %arg13[%get3A_87] {strides = array<i32>} : memref<528xi32, #tpu.memory_space<vmem>>, vector<16xi32>,
    %lt3A_89 = arith.cmpi slt, %add3A_86, %scan3A_37#1 : vector<16xi32>
    %select_n3A_90 = arith.select %lt3A_89, %get3A_88, %select_n3A_83 : vector<16xi1>, vector<16xi32>
    %broadcast_in_dim3A_91 = vector.broadcast %mul3A_33 : i32 to vector<16xi32>
    %add3A_92 = arith.addi %select_n3A_90, %broadcast_in_dim3A_91 : vector<16xi32>
    %max3A_93 = arith.maxsi %add3A_92, %broadcast_in_dim3A_1 : vector<16xi32>
    %min3A_94 = arith.minsi %max3A_93, %broadcast_in_dim3A_7 : vector<16xi32>
    %swap3A_95 = arith.constant 0 : index
    %swap3A_96 = tpu.vector_load %arg14[%swap3A_95] {strides = array<i32>} : memref<128xi32, #tpu.memory_space<vmem>>, vector<16xi32>,
    tpu.vector_store %arg14[%swap3A_95], %min3A_94 {strides = array<i32>} : memref<128xi32, #tpu.memory_space<vmem>>, vector<16xi32>,
    %broadcast_in_dim3A_97 = arith.constant 16 : i32
    %broadcast_in_dim3A_98 = vector.broadcast %broadcast_in_dim3A_97 : i32 to vector<16xi32>
    %add3A_99 = arith.addi %iota3A, %broadcast_in_dim3A_98 : vector<16xi32>
    %get3A_100 = arith.constant 16 : index
    %get3A_101 = tpu.vector_load %arg13[%get3A_100] {strides = array<i32>} : memref<528xi32, #tpu.memory_space<vmem>>, vector<16xi32>,
    %lt3A_102 = arith.cmpi slt, %add3A_99, %scan3A_37#1 : vector<16xi32>
    %select_n3A_103 = arith.select %lt3A_102, %get3A_101, %select_n3A_83 : vector<16xi1>, vector<16xi32>
    %broadcast_in_dim3A_104 = vector.broadcast %mul3A_33 : i32 to vector<16xi32>
    %add3A_105 = arith.addi %select_n3A_103, %broadcast_in_dim3A_104 : vector<16xi32>
    %max3A_106 = arith.maxsi %add3A_105, %broadcast_in_dim3A_1 : vector<16xi32>
    %min3A_107 = arith.minsi %max3A_106, %broadcast_in_dim3A_7 : vector<16xi32>
    %swap3A_108 = arith.constant 16 : index
    %swap3A_109 = tpu.vector_load %arg14[%swap3A_108] {strides = array<i32>} : memref<128xi32, #tpu.memory_space<vmem>>, vector<16xi32>,
    tpu.vector_store %arg14[%swap3A_108], %min3A_107 {strides = array<i32>} : memref<128xi32, #tpu.memory_space<vmem>>, vector<16xi32>,
    %broadcast_in_dim3A_110 = arith.constant 32 : i32
    %broadcast_in_dim3A_111 = vector.broadcast %broadcast_in_dim3A_110 : i32 to vector<16xi32>
    %add3A_112 = arith.addi %iota3A, %broadcast_in_dim3A_111 : vector<16xi32>
    %get3A_113 = arith.constant 32 : index
    %get3A_114 = tpu.vector_load %arg13[%get3A_113] {strides = array<i32>} : memref<528xi32, #tpu.memory_space<vmem>>, vector<16xi32>,
    %lt3A_115 = arith.cmpi slt, %add3A_112, %scan3A_37#1 : vector<16xi32>
    %select_n3A_116 = arith.select %lt3A_115, %get3A_114, %select_n3A_83 : vector<16xi1>, vector<16xi32>
    %broadcast_in_dim3A_117 = vector.broadcast %mul3A_33 : i32 to vector<16xi32>
    %add3A_118 = arith.addi %select_n3A_116, %broadcast_in_dim3A_117 : vector<16xi32>
    %max3A_119 = arith.maxsi %add3A_118, %broadcast_in_dim3A_1 : vector<16xi32>
    %min3A_120 = arith.minsi %max3A_119, %broadcast_in_dim3A_7 : vector<16xi32>
    %swap3A_121 = arith.constant 32 : index
    %swap3A_122 = tpu.vector_load %arg14[%swap3A_121] {strides = array<i32>} : memref<128xi32, #tpu.memory_space<vmem>>, vector<16xi32>,
    tpu.vector_store %arg14[%swap3A_121], %min3A_120 {strides = array<i32>} : memref<128xi32, #tpu.memory_space<vmem>>, vector<16xi32>,
    %broadcast_in_dim3A_123 = arith.constant 48 : i32
    %broadcast_in_dim3A_124 = vector.broadcast %broadcast_in_dim3A_123 : i32 to vector<16xi32>
    %add3A_125 = arith.addi %iota3A, %broadcast_in_dim3A_124 : vector<16xi32>
    %get3A_126 = arith.constant 48 : index
    %get3A_127 = tpu.vector_load %arg13[%get3A_126] {strides = array<i32>} : memref<528xi32, #tpu.memory_space<vmem>>, vector<16xi32>,
    %lt3A_128 = arith.cmpi slt, %add3A_125, %scan3A_37#1 : vector<16xi32>
    %select_n3A_129 = arith.select %lt3A_128, %get3A_127, %select_n3A_83 : vector<16xi1>, vector<16xi32>
    %broadcast_in_dim3A_130 = vector.broadcast %mul3A_33 : i32 to vector<16xi32>
    %add3A_131 = arith.addi %select_n3A_129, %broadcast_in_dim3A_130 : vector<16xi32>
    %max3A_132 = arith.maxsi %add3A_131, %broadcast_in_dim3A_1 : vector<16xi32>
    %min3A_133 = arith.minsi %max3A_132, %broadcast_in_dim3A_7 : vector<16xi32>
    %swap3A_134 = arith.constant 48 : index
    %swap3A_135 = tpu.vector_load %arg14[%swap3A_134] {strides = array<i32>} : memref<128xi32, #tpu.memory_space<vmem>>, vector<16xi32>,
    tpu.vector_store %arg14[%swap3A_134], %min3A_133 {strides = array<i32>} : memref<128xi32, #tpu.memory_space<vmem>>, vector<16xi32>,
    %get3A_136 = arith.constant 0 : index
    %get3A_137 = tpu.vector_load %arg16[%get3A_136] {strides = array<i32>} : memref<528xi32, #tpu.memory_space<vmem>>, vector<16xi32>,
    %eq3A_138 = arith.cmpi eq, %iota3A, %broadcast_in_dim3A_1 : vector<16xi32>
    %select_n3A_139 = arith.select %eq3A_138, %get3A_137, %broadcast_in_dim3A_1 : vector<16xi1>, vector<16xi32>
    %reduce_sum3A_140 = arith.constant true
    %reduce_sum3A_141 = vector.broadcast %reduce_sum3A_140 : i1 to vector<16xi1>
    %reduce_sum3A_142 = tpu.scan <sum>, %select_n3A_139 masked %reduce_sum3A_141 : vector<16xi32>, vector<16xi1> -> vector<16xi32>
    %reduce_sum3A_143 = vector.extract %reduce_sum3A_142[15] : i32 from vector<16xi32>
    %broadcast_in_dim3A_144 = vector.broadcast %reduce_sum3A_143 : i32 to vector<16xi32>
    %eq3A_145 = arith.cmpi eq, %scan3A_37#2, %broadcast_in_dim3A_1 : vector<16xi32>
    %broadcast_in_dim3A_146 = arith.constant 511 : i32
    %broadcast_in_dim3A_147 = vector.broadcast %broadcast_in_dim3A_146 : i32 to vector<16xi32>
    %select_n3A_148 = arith.select %eq3A_145, %broadcast_in_dim3A_147, %broadcast_in_dim3A_144 : vector<16xi1>, vector<16xi32>
    %broadcast_in_dim3A_149 = arith.constant 0 : i32
    %broadcast_in_dim3A_150 = vector.broadcast %broadcast_in_dim3A_149 : i32 to vector<16xi32>
    %add3A_151 = arith.addi %iota3A, %broadcast_in_dim3A_150 : vector<16xi32>
    %get3A_152 = arith.constant 0 : index
    %get3A_153 = tpu.vector_load %arg16[%get3A_152] {strides = array<i32>} : memref<528xi32, #tpu.memory_space<vmem>>, vector<16xi32>,
    %lt3A_154 = arith.cmpi slt, %add3A_151, %scan3A_37#2 : vector<16xi32>
    %select_n3A_155 = arith.select %lt3A_154, %get3A_153, %select_n3A_148 : vector<16xi1>, vector<16xi32>
    %broadcast_in_dim3A_156 = vector.broadcast %mul3A_33 : i32 to vector<16xi32>
    %add3A_157 = arith.addi %select_n3A_155, %broadcast_in_dim3A_156 : vector<16xi32>
    %max3A_158 = arith.maxsi %add3A_157, %broadcast_in_dim3A_1 : vector<16xi32>
    %min3A_159 = arith.minsi %max3A_158, %broadcast_in_dim3A_7 : vector<16xi32>
    %swap3A_160 = arith.constant 0 : index
    %swap3A_161 = tpu.vector_load %arg17[%swap3A_160] {strides = array<i32>} : memref<256xi32, #tpu.memory_space<vmem>>, vector<16xi32>,
    tpu.vector_store %arg17[%swap3A_160], %min3A_159 {strides = array<i32>} : memref<256xi32, #tpu.memory_space<vmem>>, vector<16xi32>,
    %broadcast_in_dim3A_162 = arith.constant 16 : i32
    %broadcast_in_dim3A_163 = vector.broadcast %broadcast_in_dim3A_162 : i32 to vector<16xi32>
    %add3A_164 = arith.addi %iota3A, %broadcast_in_dim3A_163 : vector<16xi32>
    %get3A_165 = arith.constant 16 : index
    %get3A_166 = tpu.vector_load %arg16[%get3A_165] {strides = array<i32>} : memref<528xi32, #tpu.memory_space<vmem>>, vector<16xi32>,
    %lt3A_167 = arith.cmpi slt, %add3A_164, %scan3A_37#2 : vector<16xi32>
    %select_n3A_168 = arith.select %lt3A_167, %get3A_166, %select_n3A_148 : vector<16xi1>, vector<16xi32>
    %broadcast_in_dim3A_169 = vector.broadcast %mul3A_33 : i32 to vector<16xi32>
    %add3A_170 = arith.addi %select_n3A_168, %broadcast_in_dim3A_169 : vector<16xi32>
    %max3A_171 = arith.maxsi %add3A_170, %broadcast_in_dim3A_1 : vector<16xi32>
    %min3A_172 = arith.minsi %max3A_171, %broadcast_in_dim3A_7 : vector<16xi32>
    %swap3A_173 = arith.constant 16 : index
    %swap3A_174 = tpu.vector_load %arg17[%swap3A_173] {strides = array<i32>} : memref<256xi32, #tpu.memory_space<vmem>>, vector<16xi32>,
    tpu.vector_store %arg17[%swap3A_173], %min3A_172 {strides = array<i32>} : memref<256xi32, #tpu.memory_space<vmem>>, vector<16xi32>,
    %broadcast_in_dim3A_175 = arith.constant 32 : i32
    %broadcast_in_dim3A_176 = vector.broadcast %broadcast_in_dim3A_175 : i32 to vector<16xi32>
    %add3A_177 = arith.addi %iota3A, %broadcast_in_dim3A_176 : vector<16xi32>
    %get3A_178 = arith.constant 32 : index
    %get3A_179 = tpu.vector_load %arg16[%get3A_178] {strides = array<i32>} : memref<528xi32, #tpu.memory_space<vmem>>, vector<16xi32>,
    %lt3A_180 = arith.cmpi slt, %add3A_177, %scan3A_37#2 : vector<16xi32>
    %select_n3A_181 = arith.select %lt3A_180, %get3A_179, %select_n3A_148 : vector<16xi1>, vector<16xi32>
    %broadcast_in_dim3A_182 = vector.broadcast %mul3A_33 : i32 to vector<16xi32>
    %add3A_183 = arith.addi %select_n3A_181, %broadcast_in_dim3A_182 : vector<16xi32>
    %max3A_184 = arith.maxsi %add3A_183, %broadcast_in_dim3A_1 : vector<16xi32>
    %min3A_185 = arith.minsi %max3A_184, %broadcast_in_dim3A_7 : vector<16xi32>
    %swap3A_186 = arith.constant 32 : index
    %swap3A_187 = tpu.vector_load %arg17[%swap3A_186] {strides = array<i32>} : memref<256xi32, #tpu.memory_space<vmem>>, vector<16xi32>,
    tpu.vector_store %arg17[%swap3A_186], %min3A_185 {strides = array<i32>} : memref<256xi32, #tpu.memory_space<vmem>>, vector<16xi32>,
    %broadcast_in_dim3A_188 = arith.constant 48 : i32
    %broadcast_in_dim3A_189 = vector.broadcast %broadcast_in_dim3A_188 : i32 to vector<16xi32>
    %add3A_190 = arith.addi %iota3A, %broadcast_in_dim3A_189 : vector<16xi32>
    %get3A_191 = arith.constant 48 : index
    %get3A_192 = tpu.vector_load %arg16[%get3A_191] {strides = array<i32>} : memref<528xi32, #tpu.memory_space<vmem>>, vector<16xi32>,
    %lt3A_193 = arith.cmpi slt, %add3A_190, %scan3A_37#2 : vector<16xi32>
    %select_n3A_194 = arith.select %lt3A_193, %get3A_192, %select_n3A_148 : vector<16xi1>, vector<16xi32>
    %broadcast_in_dim3A_195 = vector.broadcast %mul3A_33 : i32 to vector<16xi32>
    %add3A_196 = arith.addi %select_n3A_194, %broadcast_in_dim3A_195 : vector<16xi32>
    %max3A_197 = arith.maxsi %add3A_196, %broadcast_in_dim3A_1 : vector<16xi32>
    %min3A_198 = arith.minsi %max3A_197, %broadcast_in_dim3A_7 : vector<16xi32>
    %swap3A_199 = arith.constant 48 : index
    %swap3A_200 = tpu.vector_load %arg17[%swap3A_199] {strides = array<i32>} : memref<256xi32, #tpu.memory_space<vmem>>, vector<16xi32>,
    tpu.vector_store %arg17[%swap3A_199], %min3A_198 {strides = array<i32>} : memref<256xi32, #tpu.memory_space<vmem>>, vector<16xi32>,
    %broadcast_in_dim3A_201 = arith.constant 64 : i32
    %broadcast_in_dim3A_202 = vector.broadcast %broadcast_in_dim3A_201 : i32 to vector<16xi32>
    %add3A_203 = arith.addi %iota3A, %broadcast_in_dim3A_202 : vector<16xi32>
    %get3A_204 = arith.constant 64 : index
    %get3A_205 = tpu.vector_load %arg16[%get3A_204] {strides = array<i32>} : memref<528xi32, #tpu.memory_space<vmem>>, vector<16xi32>,
    %lt3A_206 = arith.cmpi slt, %add3A_203, %scan3A_37#2 : vector<16xi32>
    %select_n3A_207 = arith.select %lt3A_206, %get3A_205, %select_n3A_148 : vector<16xi1>, vector<16xi32>
    %broadcast_in_dim3A_208 = vector.broadcast %mul3A_33 : i32 to vector<16xi32>
    %add3A_209 = arith.addi %select_n3A_207, %broadcast_in_dim3A_208 : vector<16xi32>
    %max3A_210 = arith.maxsi %add3A_209, %broadcast_in_dim3A_1 : vector<16xi32>
    %min3A_211 = arith.minsi %max3A_210, %broadcast_in_dim3A_7 : vector<16xi32>
    %swap3A_212 = arith.constant 64 : index
    %swap3A_213 = tpu.vector_load %arg17[%swap3A_212] {strides = array<i32>} : memref<256xi32, #tpu.memory_space<vmem>>, vector<16xi32>,
    tpu.vector_store %arg17[%swap3A_212], %min3A_211 {strides = array<i32>} : memref<256xi32, #tpu.memory_space<vmem>>, vector<16xi32>,
    %broadcast_in_dim3A_214 = arith.constant 80 : i32
    %broadcast_in_dim3A_215 = vector.broadcast %broadcast_in_dim3A_214 : i32 to vector<16xi32>
    %add3A_216 = arith.addi %iota3A, %broadcast_in_dim3A_215 : vector<16xi32>
    %get3A_217 = arith.constant 80 : index
    %get3A_218 = tpu.vector_load %arg16[%get3A_217] {strides = array<i32>} : memref<528xi32, #tpu.memory_space<vmem>>, vector<16xi32>,
    %lt3A_219 = arith.cmpi slt, %add3A_216, %scan3A_37#2 : vector<16xi32>
    %select_n3A_220 = arith.select %lt3A_219, %get3A_218, %select_n3A_148 : vector<16xi1>, vector<16xi32>
    %broadcast_in_dim3A_221 = vector.broadcast %mul3A_33 : i32 to vector<16xi32>
    %add3A_222 = arith.addi %select_n3A_220, %broadcast_in_dim3A_221 : vector<16xi32>
    %max3A_223 = arith.maxsi %add3A_222, %broadcast_in_dim3A_1 : vector<16xi32>
    %min3A_224 = arith.minsi %max3A_223, %broadcast_in_dim3A_7 : vector<16xi32>
    %swap3A_225 = arith.constant 80 : index
    %swap3A_226 = tpu.vector_load %arg17[%swap3A_225] {strides = array<i32>} : memref<256xi32, #tpu.memory_space<vmem>>, vector<16xi32>,
    tpu.vector_store %arg17[%swap3A_225], %min3A_224 {strides = array<i32>} : memref<256xi32, #tpu.memory_space<vmem>>, vector<16xi32>,
    %broadcast_in_dim3A_227 = arith.constant 96 : i32
    %broadcast_in_dim3A_228 = vector.broadcast %broadcast_in_dim3A_227 : i32 to vector<16xi32>
    %add3A_229 = arith.addi %iota3A, %broadcast_in_dim3A_228 : vector<16xi32>
    %get3A_230 = arith.constant 96 : index
    %get3A_231 = tpu.vector_load %arg16[%get3A_230] {strides = array<i32>} : memref<528xi32, #tpu.memory_space<vmem>>, vector<16xi32>,
    %lt3A_232 = arith.cmpi slt, %add3A_229, %scan3A_37#2 : vector<16xi32>
    %select_n3A_233 = arith.select %lt3A_232, %get3A_231, %select_n3A_148 : vector<16xi1>, vector<16xi32>
    %broadcast_in_dim3A_234 = vector.broadcast %mul3A_33 : i32 to vector<16xi32>
    %add3A_235 = arith.addi %select_n3A_233, %broadcast_in_dim3A_234 : vector<16xi32>
    %max3A_236 = arith.maxsi %add3A_235, %broadcast_in_dim3A_1 : vector<16xi32>
    %min3A_237 = arith.minsi %max3A_236, %broadcast_in_dim3A_7 : vector<16xi32>
    %swap3A_238 = arith.constant 96 : index
    %swap3A_239 = tpu.vector_load %arg17[%swap3A_238] {strides = array<i32>} : memref<256xi32, #tpu.memory_space<vmem>>, vector<16xi32>,
    tpu.vector_store %arg17[%swap3A_238], %min3A_237 {strides = array<i32>} : memref<256xi32, #tpu.memory_space<vmem>>, vector<16xi32>,
    %broadcast_in_dim3A_240 = arith.constant 112 : i32
    %broadcast_in_dim3A_241 = vector.broadcast %broadcast_in_dim3A_240 : i32 to vector<16xi32>
    %add3A_242 = arith.addi %iota3A, %broadcast_in_dim3A_241 : vector<16xi32>
    %get3A_243 = arith.constant 112 : index
    %get3A_244 = tpu.vector_load %arg16[%get3A_243] {strides = array<i32>} : memref<528xi32, #tpu.memory_space<vmem>>, vector<16xi32>,
    %lt3A_245 = arith.cmpi slt, %add3A_242, %scan3A_37#2 : vector<16xi32>
    %select_n3A_246 = arith.select %lt3A_245, %get3A_244, %select_n3A_148 : vector<16xi1>, vector<16xi32>
    %broadcast_in_dim3A_247 = vector.broadcast %mul3A_33 : i32 to vector<16xi32>
    %add3A_248 = arith.addi %select_n3A_246, %broadcast_in_dim3A_247 : vector<16xi32>
    %max3A_249 = arith.maxsi %add3A_248, %broadcast_in_dim3A_1 : vector<16xi32>
    %min3A_250 = arith.minsi %max3A_249, %broadcast_in_dim3A_7 : vector<16xi32>
    %swap3A_251 = arith.constant 112 : index
    %swap3A_252 = tpu.vector_load %arg17[%swap3A_251] {strides = array<i32>} : memref<256xi32, #tpu.memory_space<vmem>>, vector<16xi32>,
    tpu.vector_store %arg17[%swap3A_251], %min3A_250 {strides = array<i32>} : memref<256xi32, #tpu.memory_space<vmem>>, vector<16xi32>,
    %dma_start3A = arith.constant 0 : i32
    %dma_start3A_253 = arith.constant 0 : i32
    %dma_start3A_254 = tpu.memref_slice %arg12[%dma_start3A, %dma_start3A_253] : memref<64x128xf32, #tpu.memory_space<vmem>> -> memref<32x128xf32, #tpu.memory_space<vmem>>
    %dma_start3A_255 = arith.constant 0 : i32
    %dma_start3A_256 = tpu.memref_slice %arg11[%dma_start3A_255] : memref<64xi32, #tpu.memory_space<vmem>> -> memref<32xi32, #tpu.memory_space<vmem>>
    %dma_start3A_257 = arith.constant 0 : i32
    %dma_start3A_258 = arith.constant 0 : i32
    %dma_start3A_259 = tpu.memref_slice %arg3[%dma_start3A_257, %dma_start3A_258] : memref<2048x128xf32, #tpu.memory_space<hbm>> -> memref<2048x128xf32, #tpu.memory_space<hbm>>
    tpu.enqueue_indirect_dma source(%dma_start3A_259 : memref<2048x128xf32, #tpu.memory_space<hbm>>) target(%dma_start3A_254 : memref<32x128xf32, #tpu.memory_space<vmem>>) offsets(%dma_start3A_256 : memref<32xi32, #tpu.memory_space<vmem>>) semaphore(%arg19 : memref<!tpu.dma_semaphore, #tpu.memory_space<semaphore_mem>>)
    %dma_start3A_260 = arith.constant 0 : i32
    %dma_start3A_261 = arith.constant 0 : i32
    %dma_start3A_262 = tpu.memref_slice %arg15[%dma_start3A_260, %dma_start3A_261] : memref<128x128xf32, #tpu.memory_space<vmem>> -> memref<64x128xf32, #tpu.memory_space<vmem>>
    %dma_start3A_263 = arith.constant 0 : i32
    %dma_start3A_264 = tpu.memref_slice %arg14[%dma_start3A_263] : memref<128xi32, #tpu.memory_space<vmem>> -> memref<64xi32, #tpu.memory_space<vmem>>
    %dma_start3A_265 = arith.constant 0 : i32
    %dma_start3A_266 = arith.constant 0 : i32
    %dma_start3A_267 = tpu.memref_slice %arg4[%dma_start3A_265, %dma_start3A_266] : memref<2048x128xf32, #tpu.memory_space<hbm>> -> memref<2048x128xf32, #tpu.memory_space<hbm>>
    tpu.enqueue_indirect_dma source(%dma_start3A_267 : memref<2048x128xf32, #tpu.memory_space<hbm>>) target(%dma_start3A_262 : memref<64x128xf32, #tpu.memory_space<vmem>>) offsets(%dma_start3A_264 : memref<64xi32, #tpu.memory_space<vmem>>) semaphore(%arg19 : memref<!tpu.dma_semaphore, #tpu.memory_space<semaphore_mem>>)
    %dma_start3A_268 = arith.constant 0 : i32
    %dma_start3A_269 = arith.constant 0 : i32
    %dma_start3A_270 = tpu.memref_slice %arg18[%dma_start3A_268, %dma_start3A_269] : memref<256x128xf32, #tpu.memory_space<vmem>> -> memref<128x128xf32, #tpu.memory_space<vmem>>
    %dma_start3A_271 = arith.constant 0 : i32
    %dma_start3A_272 = tpu.memref_slice %arg17[%dma_start3A_271] : memref<256xi32, #tpu.memory_space<vmem>> -> memref<128xi32, #tpu.memory_space<vmem>>
    %dma_start3A_273 = arith.constant 0 : i32
    %dma_start3A_274 = arith.constant 0 : i32
    %dma_start3A_275 = tpu.memref_slice %arg5[%dma_start3A_273, %dma_start3A_274] : memref<2048x128xf32, #tpu.memory_space<hbm>> -> memref<2048x128xf32, #tpu.memory_space<hbm>>
    tpu.enqueue_indirect_dma source(%dma_start3A_275 : memref<2048x128xf32, #tpu.memory_space<hbm>>) target(%dma_start3A_270 : memref<128x128xf32, #tpu.memory_space<vmem>>) offsets(%dma_start3A_272 : memref<128xi32, #tpu.memory_space<vmem>>) semaphore(%arg19 : memref<!tpu.dma_semaphore, #tpu.memory_space<semaphore_mem>>)
    %mul3A_276 = arith.constant 16 : i32
    %mul3A_277 = arith.muli %add3A, %mul3A_276 : i32
    %add3A_278 = arith.constant 1 : i32
    %add3A_279 = arith.addi %mul3A_277, %add3A_278 : i32
    %jit3A_280 = arith.constant 128 : i32
    %div3A_281 = arith.divsi %add3A_279, %jit3A_280 : i32
    %sign3A_282 = arith.constant 0 : i32
    %sign3A_283 = arith.cmpi sgt, %add3A_279, %sign3A_282 : i32
    %sign3A_284 = arith.extui %sign3A_283 : i1 to i32
    %sign3A_285 = arith.constant 0 : i32
    %sign3A_286 = arith.cmpi slt, %add3A_279, %sign3A_285 : i32
    %sign3A_287 = arith.extui %sign3A_286 : i1 to i32
    %sign3A_288 = arith.subi %sign3A_284, %sign3A_287 : i32
    %sign3A_289 = arith.constant 0 : i32
    %sign3A_290 = arith.cmpi sgt, %jit3A_280, %sign3A_289 : i32
    %sign3A_291 = arith.extui %sign3A_290 : i1 to i32
    %sign3A_292 = arith.constant 0 : i32
    %sign3A_293 = arith.cmpi slt, %jit3A_280, %sign3A_292 : i32
    %sign3A_294 = arith.extui %sign3A_293 : i1 to i32
    %sign3A_295 = arith.subi %sign3A_291, %sign3A_294 : i32
    %ne3A_296 = arith.cmpi ne, %sign3A_288, %sign3A_295 : i32
    %rem3A_297 = arith.remsi %add3A_279, %jit3A_280 : i32
    %ne3A_298 = arith.constant 0 : i32
    %ne3A_299 = arith.cmpi ne, %rem3A_297, %ne3A_298 : i32
    %and3A_300 = arith.andi %ne3A_296, %ne3A_299 : i1
    %sub3A_301 = arith.constant 1 : i32
    %sub3A_302 = arith.subi %div3A_281, %sub3A_301 : i32
    %select_n3A_303 = arith.select %and3A_300, %sub3A_302, %div3A_281 : i32
    %mul3A_304 = arith.constant 512 : i32
    %mul3A_305 = arith.muli %select_n3A_303, %mul3A_304 : i32
    %scan3A_306 = arith.constant 0 : i32
    %scan3A_307 = arith.constant 32 : i32
    %scan3A_308 = arith.addi %scan3A_306, %scan3A_307 : i32
    %scan3A_309 = arith.constant 1 : i32
    %scan3A_310:3 = scf.for %scan3A_564 = %scan3A_306 to %scan3A_308 step %scan3A_309 iter_args(%scan3A_565 = %broadcast_in_dim3A_1, %scan3A_566 = %broadcast_in_dim3A_1, %scan3A_567 = %broadcast_in_dim3A_1) -> (vector<16xi32>, vector<16xi32>, vector<16xi32>)  : i32 {
      %mul3A_568 = arith.constant 16 : i32
      %mul3A_569 = arith.muli %scan3A_564, %mul3A_568 : i32
      %add3A_570 = arith.constant 512 : i32
      %add3A_571 = arith.addi %add3A_570, %mul3A_569 : i32
      %get3A_572 = arith.index_cast %add3A_571 : i32 to index
      %get3A_573 = tpu.vector_load %arg9[%get3A_572] {strides = array<i32>} : memref<8192xi32, #tpu.memory_space<vmem>>, vector<16xi32>,
      %mul3A_574 = arith.constant 16 : i32
      %mul3A_575 = arith.muli %scan3A_564, %mul3A_574 : i32
      %broadcast_in_dim3A_576 = vector.broadcast %mul3A_575 : i32 to vector<16xi32>
      %add3A_577 = arith.addi %iota3A, %broadcast_in_dim3A_576 : vector<16xi32>
      %broadcast_in_dim3A_578 = arith.constant 0 : i32
      %broadcast_in_dim3A_579 = vector.broadcast %broadcast_in_dim3A_578 : i32 to vector<16xi32>
      %shift_right_arithmetic3A = arith.shrsi %get3A_573, %broadcast_in_dim3A_579 : vector<16xi32>
      %and3A_580 = arith.andi %shift_right_arithmetic3A, %broadcast_in_dim3A_3 : vector<16xi32>
      %eq3A_581 = arith.cmpi eq, %and3A_580, %broadcast_in_dim3A_3 : vector<16xi32>
      %convert_element_type3A = arith.extui %eq3A_581 : vector<16xi1> to vector<16xi32>
      %broadcast_in_dim3A_582 = arith.constant true
      %broadcast_in_dim3A_583 = vector.broadcast %broadcast_in_dim3A_582 : i1 to vector<16xi1>
      %masked_cumsum3A = tpu.scan <sum>, %convert_element_type3A masked %broadcast_in_dim3A_583 : vector<16xi32>, vector<16xi1> -> vector<16xi32>
      %add3A_584 = arith.addi %masked_cumsum3A, %scan3A_565 : vector<16xi32>
      %sub3A_585 = arith.subi %add3A_584, %broadcast_in_dim3A_3 : vector<16xi32>
      %max3A_586 = arith.maxsi %sub3A_585, %broadcast_in_dim3A_1 : vector<16xi32>
      %min3A_587 = arith.minsi %max3A_586, %broadcast_in_dim3A_5 : vector<16xi32>
      tpu.vector_store_idx %arg10[%min3A_587], %add3A_577 masked %eq3A_581 : memref<528xi32, #tpu.memory_space<vmem>>[vector<16xi32>], vector<16xi32>, vector<16xi1>
      %all_reduce_population_count3A = tpu.all_reduce %eq3A_581 {dim = 0 : i64, kind = #tpu.reduction_kind<sum>} : vector<16xi1> -> vector<16xi32>
      %add3A_588 = arith.addi %scan3A_565, %all_reduce_population_count3A : vector<16xi32>
      %broadcast_in_dim3A_589 = arith.constant 1 : i32
      %broadcast_in_dim3A_590 = vector.broadcast %broadcast_in_dim3A_589 : i32 to vector<16xi32>
      %shift_right_arithmetic3A_591 = arith.shrsi %get3A_573, %broadcast_in_dim3A_590 : vector<16xi32>
      %and3A_592 = arith.andi %shift_right_arithmetic3A_591, %broadcast_in_dim3A_3 : vector<16xi32>
      %eq3A_593 = arith.cmpi eq, %and3A_592, %broadcast_in_dim3A_3 : vector<16xi32>
      %convert_element_type3A_594 = arith.extui %eq3A_593 : vector<16xi1> to vector<16xi32>
      %broadcast_in_dim3A_595 = arith.constant true
      %broadcast_in_dim3A_596 = vector.broadcast %broadcast_in_dim3A_595 : i1 to vector<16xi1>
      %masked_cumsum3A_597 = tpu.scan <sum>, %convert_element_type3A_594 masked %broadcast_in_dim3A_596 : vector<16xi32>, vector<16xi1> -> vector<16xi32>
      %add3A_598 = arith.addi %masked_cumsum3A_597, %scan3A_566 : vector<16xi32>
      %sub3A_599 = arith.subi %add3A_598, %broadcast_in_dim3A_3 : vector<16xi32>
      %max3A_600 = arith.maxsi %sub3A_599, %broadcast_in_dim3A_1 : vector<16xi32>
      %min3A_601 = arith.minsi %max3A_600, %broadcast_in_dim3A_5 : vector<16xi32>
      tpu.vector_store_idx %arg13[%min3A_601], %add3A_577 masked %eq3A_593 : memref<528xi32, #tpu.memory_space<vmem>>[vector<16xi32>], vector<16xi32>, vector<16xi1>
      %all_reduce_population_count3A_602 = tpu.all_reduce %eq3A_593 {dim = 0 : i64, kind = #tpu.reduction_kind<sum>} : vector<16xi1> -> vector<16xi32>
      %add3A_603 = arith.addi %scan3A_566, %all_reduce_population_count3A_602 : vector<16xi32>
      %broadcast_in_dim3A_604 = arith.constant 2 : i32
      %broadcast_in_dim3A_605 = vector.broadcast %broadcast_in_dim3A_604 : i32 to vector<16xi32>
      %shift_right_arithmetic3A_606 = arith.shrsi %get3A_573, %broadcast_in_dim3A_605 : vector<16xi32>
      %and3A_607 = arith.andi %shift_right_arithmetic3A_606, %broadcast_in_dim3A_3 : vector<16xi32>
      %eq3A_608 = arith.cmpi eq, %and3A_607, %broadcast_in_dim3A_3 : vector<16xi32>
      %convert_element_type3A_609 = arith.extui %eq3A_608 : vector<16xi1> to vector<16xi32>
      %broadcast_in_dim3A_610 = arith.constant true
      %broadcast_in_dim3A_611 = vector.broadcast %broadcast_in_dim3A_610 : i1 to vector<16xi1>
      %masked_cumsum3A_612 = tpu.scan <sum>, %convert_element_type3A_609 masked %broadcast_in_dim3A_611 : vector<16xi32>, vector<16xi1> -> vector<16xi32>
      %add3A_613 = arith.addi %masked_cumsum3A_612, %scan3A_567 : vector<16xi32>
      %sub3A_614 = arith.subi %add3A_613, %broadcast_in_dim3A_3 : vector<16xi32>
      %max3A_615 = arith.maxsi %sub3A_614, %broadcast_in_dim3A_1 : vector<16xi32>
      %min3A_616 = arith.minsi %max3A_615, %broadcast_in_dim3A_5 : vector<16xi32>
      tpu.vector_store_idx %arg16[%min3A_616], %add3A_577 masked %eq3A_608 : memref<528xi32, #tpu.memory_space<vmem>>[vector<16xi32>], vector<16xi32>, vector<16xi1>
      %all_reduce_population_count3A_617 = tpu.all_reduce %eq3A_608 {dim = 0 : i64, kind = #tpu.reduction_kind<sum>} : vector<16xi1> -> vector<16xi32>
      %add3A_618 = arith.addi %scan3A_567, %all_reduce_population_count3A_617 : vector<16xi32>
      scf.yield %add3A_588, %add3A_603, %add3A_618 : vector<16xi32>, vector<16xi32>, vector<16xi32>
    }
    %scan3A_311 = arith.constant 32 : i32
    %get3A_312 = arith.constant 0 : index
    %get3A_313 = tpu.vector_load %arg10[%get3A_312] {strides = array<i32>} : memref<528xi32, #tpu.memory_space<vmem>>, vector<16xi32>,
    %eq3A_314 = arith.cmpi eq, %iota3A, %broadcast_in_dim3A_1 : vector<16xi32>
    %select_n3A_315 = arith.select %eq3A_314, %get3A_313, %broadcast_in_dim3A_1 : vector<16xi1>, vector<16xi32>
    %reduce_sum3A_316 = arith.constant true
    %reduce_sum3A_317 = vector.broadcast %reduce_sum3A_316 : i1 to vector<16xi1>
    %reduce_sum3A_318 = tpu.scan <sum>, %select_n3A_315 masked %reduce_sum3A_317 : vector<16xi32>, vector<16xi1> -> vector<16xi32>
    %reduce_sum3A_319 = vector.extract %reduce_sum3A_318[15] : i32 from vector<16xi32>
    %broadcast_in_dim3A_320 = vector.broadcast %reduce_sum3A_319 : i32 to vector<16xi32>
    %eq3A_321 = arith.cmpi eq, %scan3A_310#0, %broadcast_in_dim3A_1 : vector<16xi32>
    %broadcast_in_dim3A_322 = arith.constant 511 : i32
    %broadcast_in_dim3A_323 = vector.broadcast %broadcast_in_dim3A_322 : i32 to vector<16xi32>
    %select_n3A_324 = arith.select %eq3A_321, %broadcast_in_dim3A_323, %broadcast_in_dim3A_320 : vector<16xi1>, vector<16xi32>
    %broadcast_in_dim3A_325 = arith.constant 0 : i32
    %broadcast_in_dim3A_326 = vector.broadcast %broadcast_in_dim3A_325 : i32 to vector<16xi32>
    %add3A_327 = arith.addi %iota3A, %broadcast_in_dim3A_326 : vector<16xi32>
    %get3A_328 = arith.constant 0 : index
    %get3A_329 = tpu.vector_load %arg10[%get3A_328] {strides = array<i32>} : memref<528xi32, #tpu.memory_space<vmem>>, vector<16xi32>,
    %lt3A_330 = arith.cmpi slt, %add3A_327, %scan3A_310#0 : vector<16xi32>
    %select_n3A_331 = arith.select %lt3A_330, %get3A_329, %select_n3A_324 : vector<16xi1>, vector<16xi32>
    %broadcast_in_dim3A_332 = vector.broadcast %mul3A_305 : i32 to vector<16xi32>
    %add3A_333 = arith.addi %select_n3A_331, %broadcast_in_dim3A_332 : vector<16xi32>
    %max3A_334 = arith.maxsi %add3A_333, %broadcast_in_dim3A_1 : vector<16xi32>
    %min3A_335 = arith.minsi %max3A_334, %broadcast_in_dim3A_7 : vector<16xi32>
    %swap3A_336 = arith.constant 32 : index
    %swap3A_337 = tpu.vector_load %arg11[%swap3A_336] {strides = array<i32>} : memref<64xi32, #tpu.memory_space<vmem>>, vector<16xi32>,
    tpu.vector_store %arg11[%swap3A_336], %min3A_335 {strides = array<i32>} : memref<64xi32, #tpu.memory_space<vmem>>, vector<16xi32>,
    %broadcast_in_dim3A_338 = arith.constant 16 : i32
    %broadcast_in_dim3A_339 = vector.broadcast %broadcast_in_dim3A_338 : i32 to vector<16xi32>
    %add3A_340 = arith.addi %iota3A, %broadcast_in_dim3A_339 : vector<16xi32>
    %get3A_341 = arith.constant 16 : index
    %get3A_342 = tpu.vector_load %arg10[%get3A_341] {strides = array<i32>} : memref<528xi32, #tpu.memory_space<vmem>>, vector<16xi32>,
    %lt3A_343 = arith.cmpi slt, %add3A_340, %scan3A_310#0 : vector<16xi32>
    %select_n3A_344 = arith.select %lt3A_343, %get3A_342, %select_n3A_324 : vector<16xi1>, vector<16xi32>
    %broadcast_in_dim3A_345 = vector.broadcast %mul3A_305 : i32 to vector<16xi32>
    %add3A_346 = arith.addi %select_n3A_344, %broadcast_in_dim3A_345 : vector<16xi32>
    %max3A_347 = arith.maxsi %add3A_346, %broadcast_in_dim3A_1 : vector<16xi32>
    %min3A_348 = arith.minsi %max3A_347, %broadcast_in_dim3A_7 : vector<16xi32>
    %swap3A_349 = arith.constant 48 : index
    %swap3A_350 = tpu.vector_load %arg11[%swap3A_349] {strides = array<i32>} : memref<64xi32, #tpu.memory_space<vmem>>, vector<16xi32>,
    tpu.vector_store %arg11[%swap3A_349], %min3A_348 {strides = array<i32>} : memref<64xi32, #tpu.memory_space<vmem>>, vector<16xi32>,
    %get3A_351 = arith.constant 0 : index
    %get3A_352 = tpu.vector_load %arg13[%get3A_351] {strides = array<i32>} : memref<528xi32, #tpu.memory_space<vmem>>, vector<16xi32>,
    %eq3A_353 = arith.cmpi eq, %iota3A, %broadcast_in_dim3A_1 : vector<16xi32>
    %select_n3A_354 = arith.select %eq3A_353, %get3A_352, %broadcast_in_dim3A_1 : vector<16xi1>, vector<16xi32>
    %reduce_sum3A_355 = arith.constant true
    %reduce_sum3A_356 = vector.broadcast %reduce_sum3A_355 : i1 to vector<16xi1>
    %reduce_sum3A_357 = tpu.scan <sum>, %select_n3A_354 masked %reduce_sum3A_356 : vector<16xi32>, vector<16xi1> -> vector<16xi32>
    %reduce_sum3A_358 = vector.extract %reduce_sum3A_357[15] : i32 from vector<16xi32>
    %broadcast_in_dim3A_359 = vector.broadcast %reduce_sum3A_358 : i32 to vector<16xi32>
    %eq3A_360 = arith.cmpi eq, %scan3A_310#1, %broadcast_in_dim3A_1 : vector<16xi32>
    %broadcast_in_dim3A_361 = arith.constant 511 : i32
    %broadcast_in_dim3A_362 = vector.broadcast %broadcast_in_dim3A_361 : i32 to vector<16xi32>
    %select_n3A_363 = arith.select %eq3A_360, %broadcast_in_dim3A_362, %broadcast_in_dim3A_359 : vector<16xi1>, vector<16xi32>
    %broadcast_in_dim3A_364 = arith.constant 0 : i32
    %broadcast_in_dim3A_365 = vector.broadcast %broadcast_in_dim3A_364 : i32 to vector<16xi32>
    %add3A_366 = arith.addi %iota3A, %broadcast_in_dim3A_365 : vector<16xi32>
    %get3A_367 = arith.constant 0 : index
    %get3A_368 = tpu.vector_load %arg13[%get3A_367] {strides = array<i32>} : memref<528xi32, #tpu.memory_space<vmem>>, vector<16xi32>,
    %lt3A_369 = arith.cmpi slt, %add3A_366, %scan3A_310#1 : vector<16xi32>
    %select_n3A_370 = arith.select %lt3A_369, %get3A_368, %select_n3A_363 : vector<16xi1>, vector<16xi32>
    %broadcast_in_dim3A_371 = vector.broadcast %mul3A_305 : i32 to vector<16xi32>
    %add3A_372 = arith.addi %select_n3A_370, %broadcast_in_dim3A_371 : vector<16xi32>
    %max3A_373 = arith.maxsi %add3A_372, %broadcast_in_dim3A_1 : vector<16xi32>
    %min3A_374 = arith.minsi %max3A_373, %broadcast_in_dim3A_7 : vector<16xi32>
    %swap3A_375 = arith.constant 64 : index
    %swap3A_376 = tpu.vector_load %arg14[%swap3A_375] {strides = array<i32>} : memref<128xi32, #tpu.memory_space<vmem>>, vector<16xi32>,
    tpu.vector_store %arg14[%swap3A_375], %min3A_374 {strides = array<i32>} : memref<128xi32, #tpu.memory_space<vmem>>, vector<16xi32>,
    %broadcast_in_dim3A_377 = arith.constant 16 : i32
    %broadcast_in_dim3A_378 = vector.broadcast %broadcast_in_dim3A_377 : i32 to vector<16xi32>
    %add3A_379 = arith.addi %iota3A, %broadcast_in_dim3A_378 : vector<16xi32>
    %get3A_380 = arith.constant 16 : index
    %get3A_381 = tpu.vector_load %arg13[%get3A_380] {strides = array<i32>} : memref<528xi32, #tpu.memory_space<vmem>>, vector<16xi32>,
    %lt3A_382 = arith.cmpi slt, %add3A_379, %scan3A_310#1 : vector<16xi32>
    %select_n3A_383 = arith.select %lt3A_382, %get3A_381, %select_n3A_363 : vector<16xi1>, vector<16xi32>
    %broadcast_in_dim3A_384 = vector.broadcast %mul3A_305 : i32 to vector<16xi32>
    %add3A_385 = arith.addi %select_n3A_383, %broadcast_in_dim3A_384 : vector<16xi32>
    %max3A_386 = arith.maxsi %add3A_385, %broadcast_in_dim3A_1 : vector<16xi32>
    %min3A_387 = arith.minsi %max3A_386, %broadcast_in_dim3A_7 : vector<16xi32>
    %swap3A_388 = arith.constant 80 : index
    %swap3A_389 = tpu.vector_load %arg14[%swap3A_388] {strides = array<i32>} : memref<128xi32, #tpu.memory_space<vmem>>, vector<16xi32>,
    tpu.vector_store %arg14[%swap3A_388], %min3A_387 {strides = array<i32>} : memref<128xi32, #tpu.memory_space<vmem>>, vector<16xi32>,
    %broadcast_in_dim3A_390 = arith.constant 32 : i32
    %broadcast_in_dim3A_391 = vector.broadcast %broadcast_in_dim3A_390 : i32 to vector<16xi32>
    %add3A_392 = arith.addi %iota3A, %broadcast_in_dim3A_391 : vector<16xi32>
    %get3A_393 = arith.constant 32 : index
    %get3A_394 = tpu.vector_load %arg13[%get3A_393] {strides = array<i32>} : memref<528xi32, #tpu.memory_space<vmem>>, vector<16xi32>,
    %lt3A_395 = arith.cmpi slt, %add3A_392, %scan3A_310#1 : vector<16xi32>
    %select_n3A_396 = arith.select %lt3A_395, %get3A_394, %select_n3A_363 : vector<16xi1>, vector<16xi32>
    %broadcast_in_dim3A_397 = vector.broadcast %mul3A_305 : i32 to vector<16xi32>
    %add3A_398 = arith.addi %select_n3A_396, %broadcast_in_dim3A_397 : vector<16xi32>
    %max3A_399 = arith.maxsi %add3A_398, %broadcast_in_dim3A_1 : vector<16xi32>
    %min3A_400 = arith.minsi %max3A_399, %broadcast_in_dim3A_7 : vector<16xi32>
    %swap3A_401 = arith.constant 96 : index
    %swap3A_402 = tpu.vector_load %arg14[%swap3A_401] {strides = array<i32>} : memref<128xi32, #tpu.memory_space<vmem>>, vector<16xi32>,
    tpu.vector_store %arg14[%swap3A_401], %min3A_400 {strides = array<i32>} : memref<128xi32, #tpu.memory_space<vmem>>, vector<16xi32>,
    %broadcast_in_dim3A_403 = arith.constant 48 : i32
    %broadcast_in_dim3A_404 = vector.broadcast %broadcast_in_dim3A_403 : i32 to vector<16xi32>
    %add3A_405 = arith.addi %iota3A, %broadcast_in_dim3A_404 : vector<16xi32>
    %get3A_406 = arith.constant 48 : index
    %get3A_407 = tpu.vector_load %arg13[%get3A_406] {strides = array<i32>} : memref<528xi32, #tpu.memory_space<vmem>>, vector<16xi32>,
    %lt3A_408 = arith.cmpi slt, %add3A_405, %scan3A_310#1 : vector<16xi32>
    %select_n3A_409 = arith.select %lt3A_408, %get3A_407, %select_n3A_363 : vector<16xi1>, vector<16xi32>
    %broadcast_in_dim3A_410 = vector.broadcast %mul3A_305 : i32 to vector<16xi32>
    %add3A_411 = arith.addi %select_n3A_409, %broadcast_in_dim3A_410 : vector<16xi32>
    %max3A_412 = arith.maxsi %add3A_411, %broadcast_in_dim3A_1 : vector<16xi32>
    %min3A_413 = arith.minsi %max3A_412, %broadcast_in_dim3A_7 : vector<16xi32>
    %swap3A_414 = arith.constant 112 : index
    %swap3A_415 = tpu.vector_load %arg14[%swap3A_414] {strides = array<i32>} : memref<128xi32, #tpu.memory_space<vmem>>, vector<16xi32>,
    tpu.vector_store %arg14[%swap3A_414], %min3A_413 {strides = array<i32>} : memref<128xi32, #tpu.memory_space<vmem>>, vector<16xi32>,
    %get3A_416 = arith.constant 0 : index
    %get3A_417 = tpu.vector_load %arg16[%get3A_416] {strides = array<i32>} : memref<528xi32, #tpu.memory_space<vmem>>, vector<16xi32>,
    %eq3A_418 = arith.cmpi eq, %iota3A, %broadcast_in_dim3A_1 : vector<16xi32>
    %select_n3A_419 = arith.select %eq3A_418, %get3A_417, %broadcast_in_dim3A_1 : vector<16xi1>, vector<16xi32>
    %reduce_sum3A_420 = arith.constant true
    %reduce_sum3A_421 = vector.broadcast %reduce_sum3A_420 : i1 to vector<16xi1>
    %reduce_sum3A_422 = tpu.scan <sum>, %select_n3A_419 masked %reduce_sum3A_421 : vector<16xi32>, vector<16xi1> -> vector<16xi32>
    %reduce_sum3A_423 = vector.extract %reduce_sum3A_422[15] : i32 from vector<16xi32>
    %broadcast_in_dim3A_424 = vector.broadcast %reduce_sum3A_423 : i32 to vector<16xi32>
    %eq3A_425 = arith.cmpi eq, %scan3A_310#2, %broadcast_in_dim3A_1 : vector<16xi32>
    %broadcast_in_dim3A_426 = arith.constant 511 : i32
    %broadcast_in_dim3A_427 = vector.broadcast %broadcast_in_dim3A_426 : i32 to vector<16xi32>
    %select_n3A_428 = arith.select %eq3A_425, %broadcast_in_dim3A_427, %broadcast_in_dim3A_424 : vector<16xi1>, vector<16xi32>
    %broadcast_in_dim3A_429 = arith.constant 0 : i32
    %broadcast_in_dim3A_430 = vector.broadcast %broadcast_in_dim3A_429 : i32 to vector<16xi32>
    %add3A_431 = arith.addi %iota3A, %broadcast_in_dim3A_430 : vector<16xi32>
    %get3A_432 = arith.constant 0 : index
    %get3A_433 = tpu.vector_load %arg16[%get3A_432] {strides = array<i32>} : memref<528xi32, #tpu.memory_space<vmem>>, vector<16xi32>,
    %lt3A_434 = arith.cmpi slt, %add3A_431, %scan3A_310#2 : vector<16xi32>
    %select_n3A_435 = arith.select %lt3A_434, %get3A_433, %select_n3A_428 : vector<16xi1>, vector<16xi32>
    %broadcast_in_dim3A_436 = vector.broadcast %mul3A_305 : i32 to vector<16xi32>
    %add3A_437 = arith.addi %select_n3A_435, %broadcast_in_dim3A_436 : vector<16xi32>
    %max3A_438 = arith.maxsi %add3A_437, %broadcast_in_dim3A_1 : vector<16xi32>
    %min3A_439 = arith.minsi %max3A_438, %broadcast_in_dim3A_7 : vector<16xi32>
    %swap3A_440 = arith.constant 128 : index
    %swap3A_441 = tpu.vector_load %arg17[%swap3A_440] {strides = array<i32>} : memref<256xi32, #tpu.memory_space<vmem>>, vector<16xi32>,
    tpu.vector_store %arg17[%swap3A_440], %min3A_439 {strides = array<i32>} : memref<256xi32, #tpu.memory_space<vmem>>, vector<16xi32>,
    %broadcast_in_dim3A_442 = arith.constant 16 : i32
    %broadcast_in_dim3A_443 = vector.broadcast %broadcast_in_dim3A_442 : i32 to vector<16xi32>
    %add3A_444 = arith.addi %iota3A, %broadcast_in_dim3A_443 : vector<16xi32>
    %get3A_445 = arith.constant 16 : index
    %get3A_446 = tpu.vector_load %arg16[%get3A_445] {strides = array<i32>} : memref<528xi32, #tpu.memory_space<vmem>>, vector<16xi32>,
    %lt3A_447 = arith.cmpi slt, %add3A_444, %scan3A_310#2 : vector<16xi32>
    %select_n3A_448 = arith.select %lt3A_447, %get3A_446, %select_n3A_428 : vector<16xi1>, vector<16xi32>
    %broadcast_in_dim3A_449 = vector.broadcast %mul3A_305 : i32 to vector<16xi32>
    %add3A_450 = arith.addi %select_n3A_448, %broadcast_in_dim3A_449 : vector<16xi32>
    %max3A_451 = arith.maxsi %add3A_450, %broadcast_in_dim3A_1 : vector<16xi32>
    %min3A_452 = arith.minsi %max3A_451, %broadcast_in_dim3A_7 : vector<16xi32>
    %swap3A_453 = arith.constant 144 : index
    %swap3A_454 = tpu.vector_load %arg17[%swap3A_453] {strides = array<i32>} : memref<256xi32, #tpu.memory_space<vmem>>, vector<16xi32>,
    tpu.vector_store %arg17[%swap3A_453], %min3A_452 {strides = array<i32>} : memref<256xi32, #tpu.memory_space<vmem>>, vector<16xi32>,
    %broadcast_in_dim3A_455 = arith.constant 32 : i32
    %broadcast_in_dim3A_456 = vector.broadcast %broadcast_in_dim3A_455 : i32 to vector<16xi32>
    %add3A_457 = arith.addi %iota3A, %broadcast_in_dim3A_456 : vector<16xi32>
    %get3A_458 = arith.constant 32 : index
    %get3A_459 = tpu.vector_load %arg16[%get3A_458] {strides = array<i32>} : memref<528xi32, #tpu.memory_space<vmem>>, vector<16xi32>,
    %lt3A_460 = arith.cmpi slt, %add3A_457, %scan3A_310#2 : vector<16xi32>
    %select_n3A_461 = arith.select %lt3A_460, %get3A_459, %select_n3A_428 : vector<16xi1>, vector<16xi32>
    %broadcast_in_dim3A_462 = vector.broadcast %mul3A_305 : i32 to vector<16xi32>
    %add3A_463 = arith.addi %select_n3A_461, %broadcast_in_dim3A_462 : vector<16xi32>
    %max3A_464 = arith.maxsi %add3A_463, %broadcast_in_dim3A_1 : vector<16xi32>
    %min3A_465 = arith.minsi %max3A_464, %broadcast_in_dim3A_7 : vector<16xi32>
    %swap3A_466 = arith.constant 160 : index
    %swap3A_467 = tpu.vector_load %arg17[%swap3A_466] {strides = array<i32>} : memref<256xi32, #tpu.memory_space<vmem>>, vector<16xi32>,
    tpu.vector_store %arg17[%swap3A_466], %min3A_465 {strides = array<i32>} : memref<256xi32, #tpu.memory_space<vmem>>, vector<16xi32>,
    %broadcast_in_dim3A_468 = arith.constant 48 : i32
    %broadcast_in_dim3A_469 = vector.broadcast %broadcast_in_dim3A_468 : i32 to vector<16xi32>
    %add3A_470 = arith.addi %iota3A, %broadcast_in_dim3A_469 : vector<16xi32>
    %get3A_471 = arith.constant 48 : index
    %get3A_472 = tpu.vector_load %arg16[%get3A_471] {strides = array<i32>} : memref<528xi32, #tpu.memory_space<vmem>>, vector<16xi32>,
    %lt3A_473 = arith.cmpi slt, %add3A_470, %scan3A_310#2 : vector<16xi32>
    %select_n3A_474 = arith.select %lt3A_473, %get3A_472, %select_n3A_428 : vector<16xi1>, vector<16xi32>
    %broadcast_in_dim3A_475 = vector.broadcast %mul3A_305 : i32 to vector<16xi32>
    %add3A_476 = arith.addi %select_n3A_474, %broadcast_in_dim3A_475 : vector<16xi32>
    %max3A_477 = arith.maxsi %add3A_476, %broadcast_in_dim3A_1 : vector<16xi32>
    %min3A_478 = arith.minsi %max3A_477, %broadcast_in_dim3A_7 : vector<16xi32>
    %swap3A_479 = arith.constant 176 : index
    %swap3A_480 = tpu.vector_load %arg17[%swap3A_479] {strides = array<i32>} : memref<256xi32, #tpu.memory_space<vmem>>, vector<16xi32>,
    tpu.vector_store %arg17[%swap3A_479], %min3A_478 {strides = array<i32>} : memref<256xi32, #tpu.memory_space<vmem>>, vector<16xi32>,
    %broadcast_in_dim3A_481 = arith.constant 64 : i32
    %broadcast_in_dim3A_482 = vector.broadcast %broadcast_in_dim3A_481 : i32 to vector<16xi32>
    %add3A_483 = arith.addi %iota3A, %broadcast_in_dim3A_482 : vector<16xi32>
    %get3A_484 = arith.constant 64 : index
    %get3A_485 = tpu.vector_load %arg16[%get3A_484] {strides = array<i32>} : memref<528xi32, #tpu.memory_space<vmem>>, vector<16xi32>,
    %lt3A_486 = arith.cmpi slt, %add3A_483, %scan3A_310#2 : vector<16xi32>
    %select_n3A_487 = arith.select %lt3A_486, %get3A_485, %select_n3A_428 : vector<16xi1>, vector<16xi32>
    %broadcast_in_dim3A_488 = vector.broadcast %mul3A_305 : i32 to vector<16xi32>
    %add3A_489 = arith.addi %select_n3A_487, %broadcast_in_dim3A_488 : vector<16xi32>
    %max3A_490 = arith.maxsi %add3A_489, %broadcast_in_dim3A_1 : vector<16xi32>
    %min3A_491 = arith.minsi %max3A_490, %broadcast_in_dim3A_7 : vector<16xi32>
    %swap3A_492 = arith.constant 192 : index
    %swap3A_493 = tpu.vector_load %arg17[%swap3A_492] {strides = array<i32>} : memref<256xi32, #tpu.memory_space<vmem>>, vector<16xi32>,
    tpu.vector_store %arg17[%swap3A_492], %min3A_491 {strides = array<i32>} : memref<256xi32, #tpu.memory_space<vmem>>, vector<16xi32>,
    %broadcast_in_dim3A_494 = arith.constant 80 : i32
    %broadcast_in_dim3A_495 = vector.broadcast %broadcast_in_dim3A_494 : i32 to vector<16xi32>
    %add3A_496 = arith.addi %iota3A, %broadcast_in_dim3A_495 : vector<16xi32>
    %get3A_497 = arith.constant 80 : index
    %get3A_498 = tpu.vector_load %arg16[%get3A_497] {strides = array<i32>} : memref<528xi32, #tpu.memory_space<vmem>>, vector<16xi32>,
    %lt3A_499 = arith.cmpi slt, %add3A_496, %scan3A_310#2 : vector<16xi32>
    %select_n3A_500 = arith.select %lt3A_499, %get3A_498, %select_n3A_428 : vector<16xi1>, vector<16xi32>
    %broadcast_in_dim3A_501 = vector.broadcast %mul3A_305 : i32 to vector<16xi32>
    %add3A_502 = arith.addi %select_n3A_500, %broadcast_in_dim3A_501 : vector<16xi32>
    %max3A_503 = arith.maxsi %add3A_502, %broadcast_in_dim3A_1 : vector<16xi32>
    %min3A_504 = arith.minsi %max3A_503, %broadcast_in_dim3A_7 : vector<16xi32>
    %swap3A_505 = arith.constant 208 : index
    %swap3A_506 = tpu.vector_load %arg17[%swap3A_505] {strides = array<i32>} : memref<256xi32, #tpu.memory_space<vmem>>, vector<16xi32>,
    tpu.vector_store %arg17[%swap3A_505], %min3A_504 {strides = array<i32>} : memref<256xi32, #tpu.memory_space<vmem>>, vector<16xi32>,
    %broadcast_in_dim3A_507 = arith.constant 96 : i32
    %broadcast_in_dim3A_508 = vector.broadcast %broadcast_in_dim3A_507 : i32 to vector<16xi32>
    %add3A_509 = arith.addi %iota3A, %broadcast_in_dim3A_508 : vector<16xi32>
    %get3A_510 = arith.constant 96 : index
    %get3A_511 = tpu.vector_load %arg16[%get3A_510] {strides = array<i32>} : memref<528xi32, #tpu.memory_space<vmem>>, vector<16xi32>,
    %lt3A_512 = arith.cmpi slt, %add3A_509, %scan3A_310#2 : vector<16xi32>
    %select_n3A_513 = arith.select %lt3A_512, %get3A_511, %select_n3A_428 : vector<16xi1>, vector<16xi32>
    %broadcast_in_dim3A_514 = vector.broadcast %mul3A_305 : i32 to vector<16xi32>
    %add3A_515 = arith.addi %select_n3A_513, %broadcast_in_dim3A_514 : vector<16xi32>
    %max3A_516 = arith.maxsi %add3A_515, %broadcast_in_dim3A_1 : vector<16xi32>
    %min3A_517 = arith.minsi %max3A_516, %broadcast_in_dim3A_7 : vector<16xi32>
    %swap3A_518 = arith.constant 224 : index
    %swap3A_519 = tpu.vector_load %arg17[%swap3A_518] {strides = array<i32>} : memref<256xi32, #tpu.memory_space<vmem>>, vector<16xi32>,
    tpu.vector_store %arg17[%swap3A_518], %min3A_517 {strides = array<i32>} : memref<256xi32, #tpu.memory_space<vmem>>, vector<16xi32>,
    %broadcast_in_dim3A_520 = arith.constant 112 : i32
    %broadcast_in_dim3A_521 = vector.broadcast %broadcast_in_dim3A_520 : i32 to vector<16xi32>
    %add3A_522 = arith.addi %iota3A, %broadcast_in_dim3A_521 : vector<16xi32>
    %get3A_523 = arith.constant 112 : index
    %get3A_524 = tpu.vector_load %arg16[%get3A_523] {strides = array<i32>} : memref<528xi32, #tpu.memory_space<vmem>>, vector<16xi32>,
    %lt3A_525 = arith.cmpi slt, %add3A_522, %scan3A_310#2 : vector<16xi32>
    %select_n3A_526 = arith.select %lt3A_525, %get3A_524, %select_n3A_428 : vector<16xi1>, vector<16xi32>
    %broadcast_in_dim3A_527 = vector.broadcast %mul3A_305 : i32 to vector<16xi32>
    %add3A_528 = arith.addi %select_n3A_526, %broadcast_in_dim3A_527 : vector<16xi32>
    %max3A_529 = arith.maxsi %add3A_528, %broadcast_in_dim3A_1 : vector<16xi32>
    %min3A_530 = arith.minsi %max3A_529, %broadcast_in_dim3A_7 : vector<16xi32>
    %swap3A_531 = arith.constant 240 : index
    %swap3A_532 = tpu.vector_load %arg17[%swap3A_531] {strides = array<i32>} : memref<256xi32, #tpu.memory_space<vmem>>, vector<16xi32>,
    tpu.vector_store %arg17[%swap3A_531], %min3A_530 {strides = array<i32>} : memref<256xi32, #tpu.memory_space<vmem>>, vector<16xi32>,
    %dma_start3A_533 = arith.constant 32 : i32
    %dma_start3A_534 = arith.constant 0 : i32
    %dma_start3A_535 = tpu.memref_slice %arg12[%dma_start3A_533, %dma_start3A_534] : memref<64x128xf32, #tpu.memory_space<vmem>> -> memref<32x128xf32, #tpu.memory_space<vmem>>
    %dma_start3A_536 = arith.constant 32 : i32
    %dma_start3A_537 = tpu.memref_slice %arg11[%dma_start3A_536] : memref<64xi32, #tpu.memory_space<vmem>> -> memref<32xi32, #tpu.memory_space<vmem>>
    %dma_start3A_538 = arith.constant 0 : i32
    %dma_start3A_539 = arith.constant 0 : i32
    %dma_start3A_540 = tpu.memref_slice %arg3[%dma_start3A_538, %dma_start3A_539] : memref<2048x128xf32, #tpu.memory_space<hbm>> -> memref<2048x128xf32, #tpu.memory_space<hbm>>
    tpu.enqueue_indirect_dma source(%dma_start3A_540 : memref<2048x128xf32, #tpu.memory_space<hbm>>) target(%dma_start3A_535 : memref<32x128xf32, #tpu.memory_space<vmem>>) offsets(%dma_start3A_537 : memref<32xi32, #tpu.memory_space<vmem>>) semaphore(%arg20 : memref<!tpu.dma_semaphore, #tpu.memory_space<semaphore_mem>>)
    %dma_start3A_541 = arith.constant 64 : i32
    %dma_start3A_542 = arith.constant 0 : i32
    %dma_start3A_543 = tpu.memref_slice %arg15[%dma_start3A_541, %dma_start3A_542] : memref<128x128xf32, #tpu.memory_space<vmem>> -> memref<64x128xf32, #tpu.memory_space<vmem>>
    %dma_start3A_544 = arith.constant 64 : i32
    %dma_start3A_545 = tpu.memref_slice %arg14[%dma_start3A_544] : memref<128xi32, #tpu.memory_space<vmem>> -> memref<64xi32, #tpu.memory_space<vmem>>
    %dma_start3A_546 = arith.constant 0 : i32
    %dma_start3A_547 = arith.constant 0 : i32
    %dma_start3A_548 = tpu.memref_slice %arg4[%dma_start3A_546, %dma_start3A_547] : memref<2048x128xf32, #tpu.memory_space<hbm>> -> memref<2048x128xf32, #tpu.memory_space<hbm>>
    tpu.enqueue_indirect_dma source(%dma_start3A_548 : memref<2048x128xf32, #tpu.memory_space<hbm>>) target(%dma_start3A_543 : memref<64x128xf32, #tpu.memory_space<vmem>>) offsets(%dma_start3A_545 : memref<64xi32, #tpu.memory_space<vmem>>) semaphore(%arg20 : memref<!tpu.dma_semaphore, #tpu.memory_space<semaphore_mem>>)
    %dma_start3A_549 = arith.constant 128 : i32
    %dma_start3A_550 = arith.constant 0 : i32
    %dma_start3A_551 = tpu.memref_slice %arg18[%dma_start3A_549, %dma_start3A_550] : memref<256x128xf32, #tpu.memory_space<vmem>> -> memref<128x128xf32, #tpu.memory_space<vmem>>
    %dma_start3A_552 = arith.constant 128 : i32
    %dma_start3A_553 = tpu.memref_slice %arg17[%dma_start3A_552] : memref<256xi32, #tpu.memory_space<vmem>> -> memref<128xi32, #tpu.memory_space<vmem>>
    %dma_start3A_554 = arith.constant 0 : i32
    %dma_start3A_555 = arith.constant 0 : i32
    %dma_start3A_556 = tpu.memref_slice %arg5[%dma_start3A_554, %dma_start3A_555] : memref<2048x128xf32, #tpu.memory_space<hbm>> -> memref<2048x128xf32, #tpu.memory_space<hbm>>
    tpu.enqueue_indirect_dma source(%dma_start3A_556 : memref<2048x128xf32, #tpu.memory_space<hbm>>) target(%dma_start3A_551 : memref<128x128xf32, #tpu.memory_space<vmem>>) offsets(%dma_start3A_553 : memref<128xi32, #tpu.memory_space<vmem>>) semaphore(%arg20 : memref<!tpu.dma_semaphore, #tpu.memory_space<semaphore_mem>>)
    %scan3A_557 = arith.constant 0 : i32
    %scan3A_558 = arith.constant 0 : i32
    %scan3A_559 = arith.constant 8 : i32
    %scan3A_560 = arith.addi %scan3A_558, %scan3A_559 : i32
    %scan3A_561 = arith.constant 1 : i32
    %scan3A_562 = scf.for %scan3A_564 = %scan3A_558 to %scan3A_560 step %scan3A_561 iter_args(%scan3A_565 = %scan3A_557) -> (i32)  : i32 {
      %mul3A_566 = arith.constant 2 : i32
      %mul3A_567 = arith.muli %mul3A_566, %scan3A_564 : i32
      %add3A_568 = arith.constant 0 : i32
      %add3A_569 = arith.addi %mul3A_567, %add3A_568 : i32
      %dma_wait3A = arith.constant 0 : i32
      %dma_wait3A_570 = arith.constant 0 : i32
      %dma_wait3A_571 = tpu.memref_slice %arg18[%dma_wait3A, %dma_wait3A_570] : memref<256x128xf32, #tpu.memory_space<vmem>> -> memref<224x128xf32, #tpu.memory_space<vmem>>
      %dma_wait3A_572 = arith.constant 0 : i32
      %dma_wait3A_573 = arith.constant 0 : i32
      %dma_wait3A_574 = tpu.memref_slice %arg5[%dma_wait3A_572, %dma_wait3A_573] : memref<2048x128xf32, #tpu.memory_space<hbm>> -> memref<224x128xf32, #tpu.memory_space<hbm>>
      %dma_wait3A_575 = arith.constant 0 : i32
      %dma_wait3A_576 = arith.constant 0 : i32
      %dma_wait3A_577 = tpu.memref_slice %arg18[%dma_wait3A_575, %dma_wait3A_576] : memref<256x128xf32, #tpu.memory_space<vmem>> -> memref<224x128xf32, #tpu.memory_space<vmem>>
      %dma_wait3A_578 = arith.constant 0 : i32
      %dma_wait3A_579 = arith.constant 0 : i32
      %dma_wait3A_580 = tpu.memref_slice %arg5[%dma_wait3A_578, %dma_wait3A_579] : memref<2048x128xf32, #tpu.memory_space<hbm>> -> memref<224x128xf32, #tpu.memory_space<hbm>>
      tpu.wait_dma2 semaphore(%arg19 : memref<!tpu.dma_semaphore, #tpu.memory_space<semaphore_mem>>) src(%dma_wait3A_580 : memref<224x128xf32, #tpu.memory_space<hbm>>) dst(%dma_wait3A_577 : memref<224x128xf32, #tpu.memory_space<vmem>>)
      %mul3A_581 = arith.constant 16 : i32
      %mul3A_582 = arith.muli %add3A, %mul3A_581 : i32
      %add3A_583 = arith.addi %mul3A_582, %add3A_569 : i32
      %mul3A_584 = arith.constant 32 : i32
      %mul3A_585 = arith.muli %add3A_583, %mul3A_584 : i32
      %dma_start3A_586 = arith.constant 0 : i32
      %dma_start3A_587 = arith.constant 0 : i32
      %dma_start3A_588 = tpu.memref_slice %arg12[%dma_start3A_586, %dma_start3A_587] : memref<64x128xf32, #tpu.memory_space<vmem>> -> memref<32x128xf32, #tpu.memory_space<vmem>>
      %dma_start3A_589 = arith.constant 0 : i32
      %dma_start3A_590 = tpu.memref_slice %arg6[%mul3A_585, %dma_start3A_589] : memref<16384x128xf32, #tpu.memory_space<hbm>> -> memref<32x128xf32, #tpu.memory_space<hbm>>
      %dma_start3A_591 = arith.constant 0 : i32
      %dma_start3A_592 = tpu.memref_slice %arg6[%mul3A_585, %dma_start3A_591] : memref<16384x128xf32, #tpu.memory_space<hbm>> -> memref<32x128xf32, #tpu.memory_space<hbm>>
      %dma_start3A_593 = arith.constant 0 : i32
      %dma_start3A_594 = arith.constant 0 : i32
      %dma_start3A_595 = tpu.memref_slice %arg12[%dma_start3A_593, %dma_start3A_594] : memref<64x128xf32, #tpu.memory_space<vmem>> -> memref<32x128xf32, #tpu.memory_space<vmem>>
      tpu.enqueue_dma source(%dma_start3A_595 : memref<32x128xf32, #tpu.memory_space<vmem>>) target(%dma_start3A_592 : memref<32x128xf32, #tpu.memory_space<hbm>>) target_semaphore(%arg21 : memref<!tpu.dma_semaphore, #tpu.memory_space<semaphore_mem>>)
      %mul3A_596 = arith.constant 64 : i32
      %mul3A_597 = arith.muli %add3A_583, %mul3A_596 : i32
      %dma_start3A_598 = arith.constant 0 : i32
      %dma_start3A_599 = arith.constant 0 : i32
      %dma_start3A_600 = tpu.memref_slice %arg15[%dma_start3A_598, %dma_start3A_599] : memref<128x128xf32, #tpu.memory_space<vmem>> -> memref<64x128xf32, #tpu.memory_space<vmem>>
      %dma_start3A_601 = arith.constant 0 : i32
      %dma_start3A_602 = tpu.memref_slice %arg7[%mul3A_597, %dma_start3A_601] : memref<32768x128xf32, #tpu.memory_space<hbm>> -> memref<64x128xf32, #tpu.memory_space<hbm>>
      %dma_start3A_603 = arith.constant 0 : i32
      %dma_start3A_604 = tpu.memref_slice %arg7[%mul3A_597, %dma_start3A_603] : memref<32768x128xf32, #tpu.memory_space<hbm>> -> memref<64x128xf32, #tpu.memory_space<hbm>>
      %dma_start3A_605 = arith.constant 0 : i32
      %dma_start3A_606 = arith.constant 0 : i32
      %dma_start3A_607 = tpu.memref_slice %arg15[%dma_start3A_605, %dma_start3A_606] : memref<128x128xf32, #tpu.memory_space<vmem>> -> memref<64x128xf32, #tpu.memory_space<vmem>>
      tpu.enqueue_dma source(%dma_start3A_607 : memref<64x128xf32, #tpu.memory_space<vmem>>) target(%dma_start3A_604 : memref<64x128xf32, #tpu.memory_space<hbm>>) target_semaphore(%arg21 : memref<!tpu.dma_semaphore, #tpu.memory_space<semaphore_mem>>)
      %mul3A_608 = arith.constant 128 : i32
      %mul3A_609 = arith.muli %add3A_583, %mul3A_608 : i32
      %dma_start3A_610 = arith.constant 0 : i32
      %dma_start3A_611 = arith.constant 0 : i32
      %dma_start3A_612 = tpu.memref_slice %arg18[%dma_start3A_610, %dma_start3A_611] : memref<256x128xf32, #tpu.memory_space<vmem>> -> memref<128x128xf32, #tpu.memory_space<vmem>>
      %dma_start3A_613 = arith.constant 0 : i32
      %dma_start3A_614 = tpu.memref_slice %arg8[%mul3A_609, %dma_start3A_613] : memref<65536x128xf32, #tpu.memory_space<hbm>> -> memref<128x128xf32, #tpu.memory_space<hbm>>
      %dma_start3A_615 = arith.constant 0 : i32
      %dma_start3A_616 = tpu.memref_slice %arg8[%mul3A_609, %dma_start3A_615] : memref<65536x128xf32, #tpu.memory_space<hbm>> -> memref<128x128xf32, #tpu.memory_space<hbm>>
      %dma_start3A_617 = arith.constant 0 : i32
      %dma_start3A_618 = arith.constant 0 : i32
      %dma_start3A_619 = tpu.memref_slice %arg18[%dma_start3A_617, %dma_start3A_618] : memref<256x128xf32, #tpu.memory_space<vmem>> -> memref<128x128xf32, #tpu.memory_space<vmem>>
      tpu.enqueue_dma source(%dma_start3A_619 : memref<128x128xf32, #tpu.memory_space<vmem>>) target(%dma_start3A_616 : memref<128x128xf32, #tpu.memory_space<hbm>>) target_semaphore(%arg21 : memref<!tpu.dma_semaphore, #tpu.memory_space<semaphore_mem>>)
      %add3A_620 = arith.constant 2 : i32
      %add3A_621 = arith.addi %add3A_569, %add3A_620 : i32
      %min3A_622 = arith.constant 15 : i32
      %min3A_623 = arith.minsi %add3A_621, %min3A_622 : i32
      %mul3A_624 = arith.constant 16 : i32
      %mul3A_625 = arith.muli %add3A, %mul3A_624 : i32
      %add3A_626 = arith.addi %mul3A_625, %min3A_623 : i32
      %jit3A_627 = arith.constant 128 : i32
      %div3A_628 = arith.divsi %add3A_626, %jit3A_627 : i32
      %sign3A_629 = arith.constant 0 : i32
      %sign3A_630 = arith.cmpi sgt, %add3A_626, %sign3A_629 : i32
      %sign3A_631 = arith.extui %sign3A_630 : i1 to i32
      %sign3A_632 = arith.constant 0 : i32
      %sign3A_633 = arith.cmpi slt, %add3A_626, %sign3A_632 : i32
      %sign3A_634 = arith.extui %sign3A_633 : i1 to i32
      %sign3A_635 = arith.subi %sign3A_631, %sign3A_634 : i32
      %sign3A_636 = arith.constant 0 : i32
      %sign3A_637 = arith.cmpi sgt, %jit3A_627, %sign3A_636 : i32
      %sign3A_638 = arith.extui %sign3A_637 : i1 to i32
      %sign3A_639 = arith.constant 0 : i32
      %sign3A_640 = arith.cmpi slt, %jit3A_627, %sign3A_639 : i32
      %sign3A_641 = arith.extui %sign3A_640 : i1 to i32
      %sign3A_642 = arith.subi %sign3A_638, %sign3A_641 : i32
      %ne3A_643 = arith.cmpi ne, %sign3A_635, %sign3A_642 : i32
      %rem3A_644 = arith.remsi %add3A_626, %jit3A_627 : i32
      %ne3A_645 = arith.constant 0 : i32
      %ne3A_646 = arith.cmpi ne, %rem3A_644, %ne3A_645 : i32
      %and3A_647 = arith.andi %ne3A_643, %ne3A_646 : i1
      %sub3A_648 = arith.constant 1 : i32
      %sub3A_649 = arith.subi %div3A_628, %sub3A_648 : i32
      %select_n3A_650 = arith.select %and3A_647, %sub3A_649, %div3A_628 : i32
      %mul3A_651 = arith.constant 512 : i32
      %mul3A_652 = arith.muli %select_n3A_650, %mul3A_651 : i32
      %scan3A_653 = arith.constant 0 : i32
      %scan3A_654 = arith.constant 32 : i32
      %scan3A_655 = arith.addi %scan3A_653, %scan3A_654 : i32
      %scan3A_656 = arith.constant 1 : i32
      %scan3A_657:3 = scf.for %scan3A_1232 = %scan3A_653 to %scan3A_655 step %scan3A_656 iter_args(%scan3A_1233 = %broadcast_in_dim3A_1, %scan3A_1234 = %broadcast_in_dim3A_1, %scan3A_1235 = %broadcast_in_dim3A_1) -> (vector<16xi32>, vector<16xi32>, vector<16xi32>)  : i32 {
        %mul3A_1236 = arith.constant 512 : i32
        %mul3A_1237 = arith.muli %min3A_623, %mul3A_1236 : i32
        %mul3A_1238 = arith.constant 16 : i32
        %mul3A_1239 = arith.muli %scan3A_1232, %mul3A_1238 : i32
        %add3A_1240 = arith.addi %mul3A_1237, %mul3A_1239 : i32
        %get3A_1241 = arith.index_cast %add3A_1240 : i32 to index
        %get3A_1242 = tpu.vector_load %arg9[%get3A_1241] {strides = array<i32>} : memref<8192xi32, #tpu.memory_space<vmem>>, vector<16xi32>,
        %mul3A_1243 = arith.constant 16 : i32
        %mul3A_1244 = arith.muli %scan3A_1232, %mul3A_1243 : i32
        %broadcast_in_dim3A_1245 = vector.broadcast %mul3A_1244 : i32 to vector<16xi32>
        %add3A_1246 = arith.addi %iota3A, %broadcast_in_dim3A_1245 : vector<16xi32>
        %broadcast_in_dim3A_1247 = arith.constant 0 : i32
        %broadcast_in_dim3A_1248 = vector.broadcast %broadcast_in_dim3A_1247 : i32 to vector<16xi32>
        %shift_right_arithmetic3A = arith.shrsi %get3A_1242, %broadcast_in_dim3A_1248 : vector<16xi32>
        %and3A_1249 = arith.andi %shift_right_arithmetic3A, %broadcast_in_dim3A_3 : vector<16xi32>
        %eq3A_1250 = arith.cmpi eq, %and3A_1249, %broadcast_in_dim3A_3 : vector<16xi32>
        %convert_element_type3A_1251 = arith.extui %eq3A_1250 : vector<16xi1> to vector<16xi32>
        %broadcast_in_dim3A_1252 = arith.constant true
        %broadcast_in_dim3A_1253 = vector.broadcast %broadcast_in_dim3A_1252 : i1 to vector<16xi1>
        %masked_cumsum3A = tpu.scan <sum>, %convert_element_type3A_1251 masked %broadcast_in_dim3A_1253 : vector<16xi32>, vector<16xi1> -> vector<16xi32>
        %add3A_1254 = arith.addi %masked_cumsum3A, %scan3A_1233 : vector<16xi32>
        %sub3A_1255 = arith.subi %add3A_1254, %broadcast_in_dim3A_3 : vector<16xi32>
        %max3A_1256 = arith.maxsi %sub3A_1255, %broadcast_in_dim3A_1 : vector<16xi32>
        %min3A_1257 = arith.minsi %max3A_1256, %broadcast_in_dim3A_5 : vector<16xi32>
        tpu.vector_store_idx %arg10[%min3A_1257], %add3A_1246 masked %eq3A_1250 : memref<528xi32, #tpu.memory_space<vmem>>[vector<16xi32>], vector<16xi32>, vector<16xi1>
        %all_reduce_population_count3A = tpu.all_reduce %eq3A_1250 {dim = 0 : i64, kind = #tpu.reduction_kind<sum>} : vector<16xi1> -> vector<16xi32>
        %add3A_1258 = arith.addi %scan3A_1233, %all_reduce_population_count3A : vector<16xi32>
        %broadcast_in_dim3A_1259 = arith.constant 1 : i32
        %broadcast_in_dim3A_1260 = vector.broadcast %broadcast_in_dim3A_1259 : i32 to vector<16xi32>
        %shift_right_arithmetic3A_1261 = arith.shrsi %get3A_1242, %broadcast_in_dim3A_1260 : vector<16xi32>
        %and3A_1262 = arith.andi %shift_right_arithmetic3A_1261, %broadcast_in_dim3A_3 : vector<16xi32>
        %eq3A_1263 = arith.cmpi eq, %and3A_1262, %broadcast_in_dim3A_3 : vector<16xi32>
        %convert_element_type3A_1264 = arith.extui %eq3A_1263 : vector<16xi1> to vector<16xi32>
        %broadcast_in_dim3A_1265 = arith.constant true
        %broadcast_in_dim3A_1266 = vector.broadcast %broadcast_in_dim3A_1265 : i1 to vector<16xi1>
        %masked_cumsum3A_1267 = tpu.scan <sum>, %convert_element_type3A_1264 masked %broadcast_in_dim3A_1266 : vector<16xi32>, vector<16xi1> -> vector<16xi32>
        %add3A_1268 = arith.addi %masked_cumsum3A_1267, %scan3A_1234 : vector<16xi32>
        %sub3A_1269 = arith.subi %add3A_1268, %broadcast_in_dim3A_3 : vector<16xi32>
        %max3A_1270 = arith.maxsi %sub3A_1269, %broadcast_in_dim3A_1 : vector<16xi32>
        %min3A_1271 = arith.minsi %max3A_1270, %broadcast_in_dim3A_5 : vector<16xi32>
        tpu.vector_store_idx %arg13[%min3A_1271], %add3A_1246 masked %eq3A_1263 : memref<528xi32, #tpu.memory_space<vmem>>[vector<16xi32>], vector<16xi32>, vector<16xi1>
        %all_reduce_population_count3A_1272 = tpu.all_reduce %eq3A_1263 {dim = 0 : i64, kind = #tpu.reduction_kind<sum>} : vector<16xi1> -> vector<16xi32>
        %add3A_1273 = arith.addi %scan3A_1234, %all_reduce_population_count3A_1272 : vector<16xi32>
        %broadcast_in_dim3A_1274 = arith.constant 2 : i32
        %broadcast_in_dim3A_1275 = vector.broadcast %broadcast_in_dim3A_1274 : i32 to vector<16xi32>
        %shift_right_arithmetic3A_1276 = arith.shrsi %get3A_1242, %broadcast_in_dim3A_1275 : vector<16xi32>
        %and3A_1277 = arith.andi %shift_right_arithmetic3A_1276, %broadcast_in_dim3A_3 : vector<16xi32>
        %eq3A_1278 = arith.cmpi eq, %and3A_1277, %broadcast_in_dim3A_3 : vector<16xi32>
        %convert_element_type3A_1279 = arith.extui %eq3A_1278 : vector<16xi1> to vector<16xi32>
        %broadcast_in_dim3A_1280 = arith.constant true
        %broadcast_in_dim3A_1281 = vector.broadcast %broadcast_in_dim3A_1280 : i1 to vector<16xi1>
        %masked_cumsum3A_1282 = tpu.scan <sum>, %convert_element_type3A_1279 masked %broadcast_in_dim3A_1281 : vector<16xi32>, vector<16xi1> -> vector<16xi32>
        %add3A_1283 = arith.addi %masked_cumsum3A_1282, %scan3A_1235 : vector<16xi32>
        %sub3A_1284 = arith.subi %add3A_1283, %broadcast_in_dim3A_3 : vector<16xi32>
        %max3A_1285 = arith.maxsi %sub3A_1284, %broadcast_in_dim3A_1 : vector<16xi32>
        %min3A_1286 = arith.minsi %max3A_1285, %broadcast_in_dim3A_5 : vector<16xi32>
        tpu.vector_store_idx %arg16[%min3A_1286], %add3A_1246 masked %eq3A_1278 : memref<528xi32, #tpu.memory_space<vmem>>[vector<16xi32>], vector<16xi32>, vector<16xi1>
        %all_reduce_population_count3A_1287 = tpu.all_reduce %eq3A_1278 {dim = 0 : i64, kind = #tpu.reduction_kind<sum>} : vector<16xi1> -> vector<16xi32>
        %add3A_1288 = arith.addi %scan3A_1235, %all_reduce_population_count3A_1287 : vector<16xi32>
        scf.yield %add3A_1258, %add3A_1273, %add3A_1288 : vector<16xi32>, vector<16xi32>, vector<16xi32>
      }
      %scan3A_658 = arith.constant 32 : i32
      %get3A_659 = arith.constant 0 : index
      %get3A_660 = tpu.vector_load %arg10[%get3A_659] {strides = array<i32>} : memref<528xi32, #tpu.memory_space<vmem>>, vector<16xi32>,
      %eq3A_661 = arith.cmpi eq, %iota3A, %broadcast_in_dim3A_1 : vector<16xi32>
      %select_n3A_662 = arith.select %eq3A_661, %get3A_660, %broadcast_in_dim3A_1 : vector<16xi1>, vector<16xi32>
      %reduce_sum3A_663 = arith.constant true
      %reduce_sum3A_664 = vector.broadcast %reduce_sum3A_663 : i1 to vector<16xi1>
      %reduce_sum3A_665 = tpu.scan <sum>, %select_n3A_662 masked %reduce_sum3A_664 : vector<16xi32>, vector<16xi1> -> vector<16xi32>
      %reduce_sum3A_666 = vector.extract %reduce_sum3A_665[15] : i32 from vector<16xi32>
      %broadcast_in_dim3A_667 = vector.broadcast %reduce_sum3A_666 : i32 to vector<16xi32>
      %eq3A_668 = arith.cmpi eq, %scan3A_657#0, %broadcast_in_dim3A_1 : vector<16xi32>
      %broadcast_in_dim3A_669 = arith.constant 511 : i32
      %broadcast_in_dim3A_670 = vector.broadcast %broadcast_in_dim3A_669 : i32 to vector<16xi32>
      %select_n3A_671 = arith.select %eq3A_668, %broadcast_in_dim3A_670, %broadcast_in_dim3A_667 : vector<16xi1>, vector<16xi32>
      %broadcast_in_dim3A_672 = arith.constant 0 : i32
      %broadcast_in_dim3A_673 = vector.broadcast %broadcast_in_dim3A_672 : i32 to vector<16xi32>
      %add3A_674 = arith.addi %iota3A, %broadcast_in_dim3A_673 : vector<16xi32>
      %get3A_675 = arith.constant 0 : index
      %get3A_676 = tpu.vector_load %arg10[%get3A_675] {strides = array<i32>} : memref<528xi32, #tpu.memory_space<vmem>>, vector<16xi32>,
      %lt3A_677 = arith.cmpi slt, %add3A_674, %scan3A_657#0 : vector<16xi32>
      %select_n3A_678 = arith.select %lt3A_677, %get3A_676, %select_n3A_671 : vector<16xi1>, vector<16xi32>
      %broadcast_in_dim3A_679 = vector.broadcast %mul3A_652 : i32 to vector<16xi32>
      %add3A_680 = arith.addi %select_n3A_678, %broadcast_in_dim3A_679 : vector<16xi32>
      %max3A_681 = arith.maxsi %add3A_680, %broadcast_in_dim3A_1 : vector<16xi32>
      %min3A_682 = arith.minsi %max3A_681, %broadcast_in_dim3A_7 : vector<16xi32>
      %swap3A_683 = arith.constant 0 : index
      %swap3A_684 = tpu.vector_load %arg11[%swap3A_683] {strides = array<i32>} : memref<64xi32, #tpu.memory_space<vmem>>, vector<16xi32>,
      tpu.vector_store %arg11[%swap3A_683], %min3A_682 {strides = array<i32>} : memref<64xi32, #tpu.memory_space<vmem>>, vector<16xi32>,
      %broadcast_in_dim3A_685 = arith.constant 16 : i32
      %broadcast_in_dim3A_686 = vector.broadcast %broadcast_in_dim3A_685 : i32 to vector<16xi32>
      %add3A_687 = arith.addi %iota3A, %broadcast_in_dim3A_686 : vector<16xi32>
      %get3A_688 = arith.constant 16 : index
      %get3A_689 = tpu.vector_load %arg10[%get3A_688] {strides = array<i32>} : memref<528xi32, #tpu.memory_space<vmem>>, vector<16xi32>,
      %lt3A_690 = arith.cmpi slt, %add3A_687, %scan3A_657#0 : vector<16xi32>
      %select_n3A_691 = arith.select %lt3A_690, %get3A_689, %select_n3A_671 : vector<16xi1>, vector<16xi32>
      %broadcast_in_dim3A_692 = vector.broadcast %mul3A_652 : i32 to vector<16xi32>
      %add3A_693 = arith.addi %select_n3A_691, %broadcast_in_dim3A_692 : vector<16xi32>
      %max3A_694 = arith.maxsi %add3A_693, %broadcast_in_dim3A_1 : vector<16xi32>
      %min3A_695 = arith.minsi %max3A_694, %broadcast_in_dim3A_7 : vector<16xi32>
      %swap3A_696 = arith.constant 16 : index
      %swap3A_697 = tpu.vector_load %arg11[%swap3A_696] {strides = array<i32>} : memref<64xi32, #tpu.memory_space<vmem>>, vector<16xi32>,
      tpu.vector_store %arg11[%swap3A_696], %min3A_695 {strides = array<i32>} : memref<64xi32, #tpu.memory_space<vmem>>, vector<16xi32>,
      %get3A_698 = arith.constant 0 : index
      %get3A_699 = tpu.vector_load %arg13[%get3A_698] {strides = array<i32>} : memref<528xi32, #tpu.memory_space<vmem>>, vector<16xi32>,
      %eq3A_700 = arith.cmpi eq, %iota3A, %broadcast_in_dim3A_1 : vector<16xi32>
      %select_n3A_701 = arith.select %eq3A_700, %get3A_699, %broadcast_in_dim3A_1 : vector<16xi1>, vector<16xi32>
      %reduce_sum3A_702 = arith.constant true
      %reduce_sum3A_703 = vector.broadcast %reduce_sum3A_702 : i1 to vector<16xi1>
      %reduce_sum3A_704 = tpu.scan <sum>, %select_n3A_701 masked %reduce_sum3A_703 : vector<16xi32>, vector<16xi1> -> vector<16xi32>
      %reduce_sum3A_705 = vector.extract %reduce_sum3A_704[15] : i32 from vector<16xi32>
      %broadcast_in_dim3A_706 = vector.broadcast %reduce_sum3A_705 : i32 to vector<16xi32>
      %eq3A_707 = arith.cmpi eq, %scan3A_657#1, %broadcast_in_dim3A_1 : vector<16xi32>
      %broadcast_in_dim3A_708 = arith.constant 511 : i32
      %broadcast_in_dim3A_709 = vector.broadcast %broadcast_in_dim3A_708 : i32 to vector<16xi32>
      %select_n3A_710 = arith.select %eq3A_707, %broadcast_in_dim3A_709, %broadcast_in_dim3A_706 : vector<16xi1>, vector<16xi32>
      %broadcast_in_dim3A_711 = arith.constant 0 : i32
      %broadcast_in_dim3A_712 = vector.broadcast %broadcast_in_dim3A_711 : i32 to vector<16xi32>
      %add3A_713 = arith.addi %iota3A, %broadcast_in_dim3A_712 : vector<16xi32>
      %get3A_714 = arith.constant 0 : index
      %get3A_715 = tpu.vector_load %arg13[%get3A_714] {strides = array<i32>} : memref<528xi32, #tpu.memory_space<vmem>>, vector<16xi32>,
      %lt3A_716 = arith.cmpi slt, %add3A_713, %scan3A_657#1 : vector<16xi32>
      %select_n3A_717 = arith.select %lt3A_716, %get3A_715, %select_n3A_710 : vector<16xi1>, vector<16xi32>
      %broadcast_in_dim3A_718 = vector.broadcast %mul3A_652 : i32 to vector<16xi32>
      %add3A_719 = arith.addi %select_n3A_717, %broadcast_in_dim3A_718 : vector<16xi32>
      %max3A_720 = arith.maxsi %add3A_719, %broadcast_in_dim3A_1 : vector<16xi32>
      %min3A_721 = arith.minsi %max3A_720, %broadcast_in_dim3A_7 : vector<16xi32>
      %swap3A_722 = arith.constant 0 : index
      %swap3A_723 = tpu.vector_load %arg14[%swap3A_722] {strides = array<i32>} : memref<128xi32, #tpu.memory_space<vmem>>, vector<16xi32>,
      tpu.vector_store %arg14[%swap3A_722], %min3A_721 {strides = array<i32>} : memref<128xi32, #tpu.memory_space<vmem>>, vector<16xi32>,
      %broadcast_in_dim3A_724 = arith.constant 16 : i32
      %broadcast_in_dim3A_725 = vector.broadcast %broadcast_in_dim3A_724 : i32 to vector<16xi32>
      %add3A_726 = arith.addi %iota3A, %broadcast_in_dim3A_725 : vector<16xi32>
      %get3A_727 = arith.constant 16 : index
      %get3A_728 = tpu.vector_load %arg13[%get3A_727] {strides = array<i32>} : memref<528xi32, #tpu.memory_space<vmem>>, vector<16xi32>,
      %lt3A_729 = arith.cmpi slt, %add3A_726, %scan3A_657#1 : vector<16xi32>
      %select_n3A_730 = arith.select %lt3A_729, %get3A_728, %select_n3A_710 : vector<16xi1>, vector<16xi32>
      %broadcast_in_dim3A_731 = vector.broadcast %mul3A_652 : i32 to vector<16xi32>
      %add3A_732 = arith.addi %select_n3A_730, %broadcast_in_dim3A_731 : vector<16xi32>
      %max3A_733 = arith.maxsi %add3A_732, %broadcast_in_dim3A_1 : vector<16xi32>
      %min3A_734 = arith.minsi %max3A_733, %broadcast_in_dim3A_7 : vector<16xi32>
      %swap3A_735 = arith.constant 16 : index
      %swap3A_736 = tpu.vector_load %arg14[%swap3A_735] {strides = array<i32>} : memref<128xi32, #tpu.memory_space<vmem>>, vector<16xi32>,
      tpu.vector_store %arg14[%swap3A_735], %min3A_734 {strides = array<i32>} : memref<128xi32, #tpu.memory_space<vmem>>, vector<16xi32>,
      %broadcast_in_dim3A_737 = arith.constant 32 : i32
      %broadcast_in_dim3A_738 = vector.broadcast %broadcast_in_dim3A_737 : i32 to vector<16xi32>
      %add3A_739 = arith.addi %iota3A, %broadcast_in_dim3A_738 : vector<16xi32>
      %get3A_740 = arith.constant 32 : index
      %get3A_741 = tpu.vector_load %arg13[%get3A_740] {strides = array<i32>} : memref<528xi32, #tpu.memory_space<vmem>>, vector<16xi32>,
      %lt3A_742 = arith.cmpi slt, %add3A_739, %scan3A_657#1 : vector<16xi32>
      %select_n3A_743 = arith.select %lt3A_742, %get3A_741, %select_n3A_710 : vector<16xi1>, vector<16xi32>
      %broadcast_in_dim3A_744 = vector.broadcast %mul3A_652 : i32 to vector<16xi32>
      %add3A_745 = arith.addi %select_n3A_743, %broadcast_in_dim3A_744 : vector<16xi32>
      %max3A_746 = arith.maxsi %add3A_745, %broadcast_in_dim3A_1 : vector<16xi32>
      %min3A_747 = arith.minsi %max3A_746, %broadcast_in_dim3A_7 : vector<16xi32>
      %swap3A_748 = arith.constant 32 : index
      %swap3A_749 = tpu.vector_load %arg14[%swap3A_748] {strides = array<i32>} : memref<128xi32, #tpu.memory_space<vmem>>, vector<16xi32>,
      tpu.vector_store %arg14[%swap3A_748], %min3A_747 {strides = array<i32>} : memref<128xi32, #tpu.memory_space<vmem>>, vector<16xi32>,
      %broadcast_in_dim3A_750 = arith.constant 48 : i32
      %broadcast_in_dim3A_751 = vector.broadcast %broadcast_in_dim3A_750 : i32 to vector<16xi32>
      %add3A_752 = arith.addi %iota3A, %broadcast_in_dim3A_751 : vector<16xi32>
      %get3A_753 = arith.constant 48 : index
      %get3A_754 = tpu.vector_load %arg13[%get3A_753] {strides = array<i32>} : memref<528xi32, #tpu.memory_space<vmem>>, vector<16xi32>,
      %lt3A_755 = arith.cmpi slt, %add3A_752, %scan3A_657#1 : vector<16xi32>
      %select_n3A_756 = arith.select %lt3A_755, %get3A_754, %select_n3A_710 : vector<16xi1>, vector<16xi32>
      %broadcast_in_dim3A_757 = vector.broadcast %mul3A_652 : i32 to vector<16xi32>
      %add3A_758 = arith.addi %select_n3A_756, %broadcast_in_dim3A_757 : vector<16xi32>
      %max3A_759 = arith.maxsi %add3A_758, %broadcast_in_dim3A_1 : vector<16xi32>
      %min3A_760 = arith.minsi %max3A_759, %broadcast_in_dim3A_7 : vector<16xi32>
      %swap3A_761 = arith.constant 48 : index
      %swap3A_762 = tpu.vector_load %arg14[%swap3A_761] {strides = array<i32>} : memref<128xi32, #tpu.memory_space<vmem>>, vector<16xi32>,
      tpu.vector_store %arg14[%swap3A_761], %min3A_760 {strides = array<i32>} : memref<128xi32, #tpu.memory_space<vmem>>, vector<16xi32>,
      %get3A_763 = arith.constant 0 : index
      %get3A_764 = tpu.vector_load %arg16[%get3A_763] {strides = array<i32>} : memref<528xi32, #tpu.memory_space<vmem>>, vector<16xi32>,
      %eq3A_765 = arith.cmpi eq, %iota3A, %broadcast_in_dim3A_1 : vector<16xi32>
      %select_n3A_766 = arith.select %eq3A_765, %get3A_764, %broadcast_in_dim3A_1 : vector<16xi1>, vector<16xi32>
      %reduce_sum3A_767 = arith.constant true
      %reduce_sum3A_768 = vector.broadcast %reduce_sum3A_767 : i1 to vector<16xi1>
      %reduce_sum3A_769 = tpu.scan <sum>, %select_n3A_766 masked %reduce_sum3A_768 : vector<16xi32>, vector<16xi1> -> vector<16xi32>
      %reduce_sum3A_770 = vector.extract %reduce_sum3A_769[15] : i32 from vector<16xi32>
      %broadcast_in_dim3A_771 = vector.broadcast %reduce_sum3A_770 : i32 to vector<16xi32>
      %eq3A_772 = arith.cmpi eq, %scan3A_657#2, %broadcast_in_dim3A_1 : vector<16xi32>
      %broadcast_in_dim3A_773 = arith.constant 511 : i32
      %broadcast_in_dim3A_774 = vector.broadcast %broadcast_in_dim3A_773 : i32 to vector<16xi32>
      %select_n3A_775 = arith.select %eq3A_772, %broadcast_in_dim3A_774, %broadcast_in_dim3A_771 : vector<16xi1>, vector<16xi32>
      %broadcast_in_dim3A_776 = arith.constant 0 : i32
      %broadcast_in_dim3A_777 = vector.broadcast %broadcast_in_dim3A_776 : i32 to vector<16xi32>
      %add3A_778 = arith.addi %iota3A, %broadcast_in_dim3A_777 : vector<16xi32>
      %get3A_779 = arith.constant 0 : index
      %get3A_780 = tpu.vector_load %arg16[%get3A_779] {strides = array<i32>} : memref<528xi32, #tpu.memory_space<vmem>>, vector<16xi32>,
      %lt3A_781 = arith.cmpi slt, %add3A_778, %scan3A_657#2 : vector<16xi32>
      %select_n3A_782 = arith.select %lt3A_781, %get3A_780, %select_n3A_775 : vector<16xi1>, vector<16xi32>
      %broadcast_in_dim3A_783 = vector.broadcast %mul3A_652 : i32 to vector<16xi32>
      %add3A_784 = arith.addi %select_n3A_782, %broadcast_in_dim3A_783 : vector<16xi32>
      %max3A_785 = arith.maxsi %add3A_784, %broadcast_in_dim3A_1 : vector<16xi32>
      %min3A_786 = arith.minsi %max3A_785, %broadcast_in_dim3A_7 : vector<16xi32>
      %swap3A_787 = arith.constant 0 : index
      %swap3A_788 = tpu.vector_load %arg17[%swap3A_787] {strides = array<i32>} : memref<256xi32, #tpu.memory_space<vmem>>, vector<16xi32>,
      tpu.vector_store %arg17[%swap3A_787], %min3A_786 {strides = array<i32>} : memref<256xi32, #tpu.memory_space<vmem>>, vector<16xi32>,
      %broadcast_in_dim3A_789 = arith.constant 16 : i32
      %broadcast_in_dim3A_790 = vector.broadcast %broadcast_in_dim3A_789 : i32 to vector<16xi32>
      %add3A_791 = arith.addi %iota3A, %broadcast_in_dim3A_790 : vector<16xi32>
      %get3A_792 = arith.constant 16 : index
      %get3A_793 = tpu.vector_load %arg16[%get3A_792] {strides = array<i32>} : memref<528xi32, #tpu.memory_space<vmem>>, vector<16xi32>,
      %lt3A_794 = arith.cmpi slt, %add3A_791, %scan3A_657#2 : vector<16xi32>
      %select_n3A_795 = arith.select %lt3A_794, %get3A_793, %select_n3A_775 : vector<16xi1>, vector<16xi32>
      %broadcast_in_dim3A_796 = vector.broadcast %mul3A_652 : i32 to vector<16xi32>
      %add3A_797 = arith.addi %select_n3A_795, %broadcast_in_dim3A_796 : vector<16xi32>
      %max3A_798 = arith.maxsi %add3A_797, %broadcast_in_dim3A_1 : vector<16xi32>
      %min3A_799 = arith.minsi %max3A_798, %broadcast_in_dim3A_7 : vector<16xi32>
      %swap3A_800 = arith.constant 16 : index
      %swap3A_801 = tpu.vector_load %arg17[%swap3A_800] {strides = array<i32>} : memref<256xi32, #tpu.memory_space<vmem>>, vector<16xi32>,
      tpu.vector_store %arg17[%swap3A_800], %min3A_799 {strides = array<i32>} : memref<256xi32, #tpu.memory_space<vmem>>, vector<16xi32>,
      %broadcast_in_dim3A_802 = arith.constant 32 : i32
      %broadcast_in_dim3A_803 = vector.broadcast %broadcast_in_dim3A_802 : i32 to vector<16xi32>
      %add3A_804 = arith.addi %iota3A, %broadcast_in_dim3A_803 : vector<16xi32>
      %get3A_805 = arith.constant 32 : index
      %get3A_806 = tpu.vector_load %arg16[%get3A_805] {strides = array<i32>} : memref<528xi32, #tpu.memory_space<vmem>>, vector<16xi32>,
      %lt3A_807 = arith.cmpi slt, %add3A_804, %scan3A_657#2 : vector<16xi32>
      %select_n3A_808 = arith.select %lt3A_807, %get3A_806, %select_n3A_775 : vector<16xi1>, vector<16xi32>
      %broadcast_in_dim3A_809 = vector.broadcast %mul3A_652 : i32 to vector<16xi32>
      %add3A_810 = arith.addi %select_n3A_808, %broadcast_in_dim3A_809 : vector<16xi32>
      %max3A_811 = arith.maxsi %add3A_810, %broadcast_in_dim3A_1 : vector<16xi32>
      %min3A_812 = arith.minsi %max3A_811, %broadcast_in_dim3A_7 : vector<16xi32>
      %swap3A_813 = arith.constant 32 : index
      %swap3A_814 = tpu.vector_load %arg17[%swap3A_813] {strides = array<i32>} : memref<256xi32, #tpu.memory_space<vmem>>, vector<16xi32>,
      tpu.vector_store %arg17[%swap3A_813], %min3A_812 {strides = array<i32>} : memref<256xi32, #tpu.memory_space<vmem>>, vector<16xi32>,
      %broadcast_in_dim3A_815 = arith.constant 48 : i32
      %broadcast_in_dim3A_816 = vector.broadcast %broadcast_in_dim3A_815 : i32 to vector<16xi32>
      %add3A_817 = arith.addi %iota3A, %broadcast_in_dim3A_816 : vector<16xi32>
      %get3A_818 = arith.constant 48 : index
      %get3A_819 = tpu.vector_load %arg16[%get3A_818] {strides = array<i32>} : memref<528xi32, #tpu.memory_space<vmem>>, vector<16xi32>,
      %lt3A_820 = arith.cmpi slt, %add3A_817, %scan3A_657#2 : vector<16xi32>
      %select_n3A_821 = arith.select %lt3A_820, %get3A_819, %select_n3A_775 : vector<16xi1>, vector<16xi32>
      %broadcast_in_dim3A_822 = vector.broadcast %mul3A_652 : i32 to vector<16xi32>
      %add3A_823 = arith.addi %select_n3A_821, %broadcast_in_dim3A_822 : vector<16xi32>
      %max3A_824 = arith.maxsi %add3A_823, %broadcast_in_dim3A_1 : vector<16xi32>
      %min3A_825 = arith.minsi %max3A_824, %broadcast_in_dim3A_7 : vector<16xi32>
      %swap3A_826 = arith.constant 48 : index
      %swap3A_827 = tpu.vector_load %arg17[%swap3A_826] {strides = array<i32>} : memref<256xi32, #tpu.memory_space<vmem>>, vector<16xi32>,
      tpu.vector_store %arg17[%swap3A_826], %min3A_825 {strides = array<i32>} : memref<256xi32, #tpu.memory_space<vmem>>, vector<16xi32>,
      %broadcast_in_dim3A_828 = arith.constant 64 : i32
      %broadcast_in_dim3A_829 = vector.broadcast %broadcast_in_dim3A_828 : i32 to vector<16xi32>
      %add3A_830 = arith.addi %iota3A, %broadcast_in_dim3A_829 : vector<16xi32>
      %get3A_831 = arith.constant 64 : index
      %get3A_832 = tpu.vector_load %arg16[%get3A_831] {strides = array<i32>} : memref<528xi32, #tpu.memory_space<vmem>>, vector<16xi32>,
      %lt3A_833 = arith.cmpi slt, %add3A_830, %scan3A_657#2 : vector<16xi32>
      %select_n3A_834 = arith.select %lt3A_833, %get3A_832, %select_n3A_775 : vector<16xi1>, vector<16xi32>
      %broadcast_in_dim3A_835 = vector.broadcast %mul3A_652 : i32 to vector<16xi32>
      %add3A_836 = arith.addi %select_n3A_834, %broadcast_in_dim3A_835 : vector<16xi32>
      %max3A_837 = arith.maxsi %add3A_836, %broadcast_in_dim3A_1 : vector<16xi32>
      %min3A_838 = arith.minsi %max3A_837, %broadcast_in_dim3A_7 : vector<16xi32>
      %swap3A_839 = arith.constant 64 : index
      %swap3A_840 = tpu.vector_load %arg17[%swap3A_839] {strides = array<i32>} : memref<256xi32, #tpu.memory_space<vmem>>, vector<16xi32>,
      tpu.vector_store %arg17[%swap3A_839], %min3A_838 {strides = array<i32>} : memref<256xi32, #tpu.memory_space<vmem>>, vector<16xi32>,
      %broadcast_in_dim3A_841 = arith.constant 80 : i32
      %broadcast_in_dim3A_842 = vector.broadcast %broadcast_in_dim3A_841 : i32 to vector<16xi32>
      %add3A_843 = arith.addi %iota3A, %broadcast_in_dim3A_842 : vector<16xi32>
      %get3A_844 = arith.constant 80 : index
      %get3A_845 = tpu.vector_load %arg16[%get3A_844] {strides = array<i32>} : memref<528xi32, #tpu.memory_space<vmem>>, vector<16xi32>,
      %lt3A_846 = arith.cmpi slt, %add3A_843, %scan3A_657#2 : vector<16xi32>
      %select_n3A_847 = arith.select %lt3A_846, %get3A_845, %select_n3A_775 : vector<16xi1>, vector<16xi32>
      %broadcast_in_dim3A_848 = vector.broadcast %mul3A_652 : i32 to vector<16xi32>
      %add3A_849 = arith.addi %select_n3A_847, %broadcast_in_dim3A_848 : vector<16xi32>
      %max3A_850 = arith.maxsi %add3A_849, %broadcast_in_dim3A_1 : vector<16xi32>
      %min3A_851 = arith.minsi %max3A_850, %broadcast_in_dim3A_7 : vector<16xi32>
      %swap3A_852 = arith.constant 80 : index
      %swap3A_853 = tpu.vector_load %arg17[%swap3A_852] {strides = array<i32>} : memref<256xi32, #tpu.memory_space<vmem>>, vector<16xi32>,
      tpu.vector_store %arg17[%swap3A_852], %min3A_851 {strides = array<i32>} : memref<256xi32, #tpu.memory_space<vmem>>, vector<16xi32>,
      %broadcast_in_dim3A_854 = arith.constant 96 : i32
      %broadcast_in_dim3A_855 = vector.broadcast %broadcast_in_dim3A_854 : i32 to vector<16xi32>
      %add3A_856 = arith.addi %iota3A, %broadcast_in_dim3A_855 : vector<16xi32>
      %get3A_857 = arith.constant 96 : index
      %get3A_858 = tpu.vector_load %arg16[%get3A_857] {strides = array<i32>} : memref<528xi32, #tpu.memory_space<vmem>>, vector<16xi32>,
      %lt3A_859 = arith.cmpi slt, %add3A_856, %scan3A_657#2 : vector<16xi32>
      %select_n3A_860 = arith.select %lt3A_859, %get3A_858, %select_n3A_775 : vector<16xi1>, vector<16xi32>
      %broadcast_in_dim3A_861 = vector.broadcast %mul3A_652 : i32 to vector<16xi32>
      %add3A_862 = arith.addi %select_n3A_860, %broadcast_in_dim3A_861 : vector<16xi32>
      %max3A_863 = arith.maxsi %add3A_862, %broadcast_in_dim3A_1 : vector<16xi32>
      %min3A_864 = arith.minsi %max3A_863, %broadcast_in_dim3A_7 : vector<16xi32>
      %swap3A_865 = arith.constant 96 : index
      %swap3A_866 = tpu.vector_load %arg17[%swap3A_865] {strides = array<i32>} : memref<256xi32, #tpu.memory_space<vmem>>, vector<16xi32>,
      tpu.vector_store %arg17[%swap3A_865], %min3A_864 {strides = array<i32>} : memref<256xi32, #tpu.memory_space<vmem>>, vector<16xi32>,
      %broadcast_in_dim3A_867 = arith.constant 112 : i32
      %broadcast_in_dim3A_868 = vector.broadcast %broadcast_in_dim3A_867 : i32 to vector<16xi32>
      %add3A_869 = arith.addi %iota3A, %broadcast_in_dim3A_868 : vector<16xi32>
      %get3A_870 = arith.constant 112 : index
      %get3A_871 = tpu.vector_load %arg16[%get3A_870] {strides = array<i32>} : memref<528xi32, #tpu.memory_space<vmem>>, vector<16xi32>,
      %lt3A_872 = arith.cmpi slt, %add3A_869, %scan3A_657#2 : vector<16xi32>
      %select_n3A_873 = arith.select %lt3A_872, %get3A_871, %select_n3A_775 : vector<16xi1>, vector<16xi32>
      %broadcast_in_dim3A_874 = vector.broadcast %mul3A_652 : i32 to vector<16xi32>
      %add3A_875 = arith.addi %select_n3A_873, %broadcast_in_dim3A_874 : vector<16xi32>
      %max3A_876 = arith.maxsi %add3A_875, %broadcast_in_dim3A_1 : vector<16xi32>
      %min3A_877 = arith.minsi %max3A_876, %broadcast_in_dim3A_7 : vector<16xi32>
      %swap3A_878 = arith.constant 112 : index
      %swap3A_879 = tpu.vector_load %arg17[%swap3A_878] {strides = array<i32>} : memref<256xi32, #tpu.memory_space<vmem>>, vector<16xi32>,
      tpu.vector_store %arg17[%swap3A_878], %min3A_877 {strides = array<i32>} : memref<256xi32, #tpu.memory_space<vmem>>, vector<16xi32>,
      %dma_wait3A_880 = arith.constant 0 : i32
      %dma_wait3A_881 = arith.constant 0 : i32
      %dma_wait3A_882 = tpu.memref_slice %arg18[%dma_wait3A_880, %dma_wait3A_881] : memref<256x128xf32, #tpu.memory_space<vmem>> -> memref<224x128xf32, #tpu.memory_space<vmem>>
      %dma_wait3A_883 = arith.constant 0 : i32
      %dma_wait3A_884 = arith.constant 0 : i32
      %dma_wait3A_885 = tpu.memref_slice %arg8[%dma_wait3A_883, %dma_wait3A_884] : memref<65536x128xf32, #tpu.memory_space<hbm>> -> memref<224x128xf32, #tpu.memory_space<hbm>>
      %dma_wait3A_886 = arith.constant 0 : i32
      %dma_wait3A_887 = arith.constant 0 : i32
      %dma_wait3A_888 = tpu.memref_slice %arg8[%dma_wait3A_886, %dma_wait3A_887] : memref<65536x128xf32, #tpu.memory_space<hbm>> -> memref<224x128xf32, #tpu.memory_space<hbm>>
      %dma_wait3A_889 = arith.constant 0 : i32
      %dma_wait3A_890 = arith.constant 0 : i32
      %dma_wait3A_891 = tpu.memref_slice %arg18[%dma_wait3A_889, %dma_wait3A_890] : memref<256x128xf32, #tpu.memory_space<vmem>> -> memref<224x128xf32, #tpu.memory_space<vmem>>
      tpu.wait_dma2 semaphore(%arg21 : memref<!tpu.dma_semaphore, #tpu.memory_space<semaphore_mem>>) src(%dma_wait3A_891 : memref<224x128xf32, #tpu.memory_space<vmem>>) dst(%dma_wait3A_888 : memref<224x128xf32, #tpu.memory_space<hbm>>)
      %add3A_892 = arith.constant 2 : i32
      %add3A_893 = arith.addi %add3A_569, %add3A_892 : i32
      %lt3A_894 = arith.constant 16 : i32
      %lt3A_895 = arith.cmpi slt, %add3A_893, %lt3A_894 : i32
      %convert_element_type3A = arith.extui %lt3A_895 : i1 to i32
      %cond3A = arith.constant 0 : i32
      %cond3A_896 = arith.cmpi ne, %convert_element_type3A, %cond3A : i32
      scf.if %cond3A_896 {
        %add3A_1232 = arith.constant 2 : i32
        %add3A_1233 = arith.addi %add3A_569, %add3A_1232 : i32
        %dma_start3A_1234 = arith.constant 0 : i32
        %dma_start3A_1235 = arith.constant 0 : i32
        %dma_start3A_1236 = tpu.memref_slice %arg12[%dma_start3A_1234, %dma_start3A_1235] : memref<64x128xf32, #tpu.memory_space<vmem>> -> memref<32x128xf32, #tpu.memory_space<vmem>>
        %dma_start3A_1237 = arith.constant 0 : i32
        %dma_start3A_1238 = tpu.memref_slice %arg11[%dma_start3A_1237] : memref<64xi32, #tpu.memory_space<vmem>> -> memref<32xi32, #tpu.memory_space<vmem>>
        %dma_start3A_1239 = arith.constant 0 : i32
        %dma_start3A_1240 = arith.constant 0 : i32
        %dma_start3A_1241 = tpu.memref_slice %arg3[%dma_start3A_1239, %dma_start3A_1240] : memref<2048x128xf32, #tpu.memory_space<hbm>> -> memref<2048x128xf32, #tpu.memory_space<hbm>>
        tpu.enqueue_indirect_dma source(%dma_start3A_1241 : memref<2048x128xf32, #tpu.memory_space<hbm>>) target(%dma_start3A_1236 : memref<32x128xf32, #tpu.memory_space<vmem>>) offsets(%dma_start3A_1238 : memref<32xi32, #tpu.memory_space<vmem>>) semaphore(%arg19 : memref<!tpu.dma_semaphore, #tpu.memory_space<semaphore_mem>>)
        %dma_start3A_1242 = arith.constant 0 : i32
        %dma_start3A_1243 = arith.constant 0 : i32
        %dma_start3A_1244 = tpu.memref_slice %arg15[%dma_start3A_1242, %dma_start3A_1243] : memref<128x128xf32, #tpu.memory_space<vmem>> -> memref<64x128xf32, #tpu.memory_space<vmem>>
        %dma_start3A_1245 = arith.constant 0 : i32
        %dma_start3A_1246 = tpu.memref_slice %arg14[%dma_start3A_1245] : memref<128xi32, #tpu.memory_space<vmem>> -> memref<64xi32, #tpu.memory_space<vmem>>
        %dma_start3A_1247 = arith.constant 0 : i32
        %dma_start3A_1248 = arith.constant 0 : i32
        %dma_start3A_1249 = tpu.memref_slice %arg4[%dma_start3A_1247, %dma_start3A_1248] : memref<2048x128xf32, #tpu.memory_space<hbm>> -> memref<2048x128xf32, #tpu.memory_space<hbm>>
        tpu.enqueue_indirect_dma source(%dma_start3A_1249 : memref<2048x128xf32, #tpu.memory_space<hbm>>) target(%dma_start3A_1244 : memref<64x128xf32, #tpu.memory_space<vmem>>) offsets(%dma_start3A_1246 : memref<64xi32, #tpu.memory_space<vmem>>) semaphore(%arg19 : memref<!tpu.dma_semaphore, #tpu.memory_space<semaphore_mem>>)
        %dma_start3A_1250 = arith.constant 0 : i32
        %dma_start3A_1251 = arith.constant 0 : i32
        %dma_start3A_1252 = tpu.memref_slice %arg18[%dma_start3A_1250, %dma_start3A_1251] : memref<256x128xf32, #tpu.memory_space<vmem>> -> memref<128x128xf32, #tpu.memory_space<vmem>>
        %dma_start3A_1253 = arith.constant 0 : i32
        %dma_start3A_1254 = tpu.memref_slice %arg17[%dma_start3A_1253] : memref<256xi32, #tpu.memory_space<vmem>> -> memref<128xi32, #tpu.memory_space<vmem>>
        %dma_start3A_1255 = arith.constant 0 : i32
        %dma_start3A_1256 = arith.constant 0 : i32
        %dma_start3A_1257 = tpu.memref_slice %arg5[%dma_start3A_1255, %dma_start3A_1256] : memref<2048x128xf32, #tpu.memory_space<hbm>> -> memref<2048x128xf32, #tpu.memory_space<hbm>>
        tpu.enqueue_indirect_dma source(%dma_start3A_1257 : memref<2048x128xf32, #tpu.memory_space<hbm>>) target(%dma_start3A_1252 : memref<128x128xf32, #tpu.memory_space<vmem>>) offsets(%dma_start3A_1254 : memref<128xi32, #tpu.memory_space<vmem>>) semaphore(%arg19 : memref<!tpu.dma_semaphore, #tpu.memory_space<semaphore_mem>>)
      } else {
      }
      %mul3A_897 = arith.constant 2 : i32
      %mul3A_898 = arith.muli %mul3A_897, %scan3A_564 : i32
      %add3A_899 = arith.constant 1 : i32
      %add3A_900 = arith.addi %mul3A_898, %add3A_899 : i32
      %dma_wait3A_901 = arith.constant 0 : i32
      %dma_wait3A_902 = arith.constant 0 : i32
      %dma_wait3A_903 = tpu.memref_slice %arg18[%dma_wait3A_901, %dma_wait3A_902] : memref<256x128xf32, #tpu.memory_space<vmem>> -> memref<224x128xf32, #tpu.memory_space<vmem>>
      %dma_wait3A_904 = arith.constant 0 : i32
      %dma_wait3A_905 = arith.constant 0 : i32
      %dma_wait3A_906 = tpu.memref_slice %arg5[%dma_wait3A_904, %dma_wait3A_905] : memref<2048x128xf32, #tpu.memory_space<hbm>> -> memref<224x128xf32, #tpu.memory_space<hbm>>
      %dma_wait3A_907 = arith.constant 0 : i32
      %dma_wait3A_908 = arith.constant 0 : i32
      %dma_wait3A_909 = tpu.memref_slice %arg18[%dma_wait3A_907, %dma_wait3A_908] : memref<256x128xf32, #tpu.memory_space<vmem>> -> memref<224x128xf32, #tpu.memory_space<vmem>>
      %dma_wait3A_910 = arith.constant 0 : i32
      %dma_wait3A_911 = arith.constant 0 : i32
      %dma_wait3A_912 = tpu.memref_slice %arg5[%dma_wait3A_910, %dma_wait3A_911] : memref<2048x128xf32, #tpu.memory_space<hbm>> -> memref<224x128xf32, #tpu.memory_space<hbm>>
      tpu.wait_dma2 semaphore(%arg20 : memref<!tpu.dma_semaphore, #tpu.memory_space<semaphore_mem>>) src(%dma_wait3A_912 : memref<224x128xf32, #tpu.memory_space<hbm>>) dst(%dma_wait3A_909 : memref<224x128xf32, #tpu.memory_space<vmem>>)
      %mul3A_913 = arith.constant 16 : i32
      %mul3A_914 = arith.muli %add3A, %mul3A_913 : i32
      %add3A_915 = arith.addi %mul3A_914, %add3A_900 : i32
      %mul3A_916 = arith.constant 32 : i32
      %mul3A_917 = arith.muli %add3A_915, %mul3A_916 : i32
      %dma_start3A_918 = arith.constant 32 : i32
      %dma_start3A_919 = arith.constant 0 : i32
      %dma_start3A_920 = tpu.memref_slice %arg12[%dma_start3A_918, %dma_start3A_919] : memref<64x128xf32, #tpu.memory_space<vmem>> -> memref<32x128xf32, #tpu.memory_space<vmem>>
      %dma_start3A_921 = arith.constant 0 : i32
      %dma_start3A_922 = tpu.memref_slice %arg6[%mul3A_917, %dma_start3A_921] : memref<16384x128xf32, #tpu.memory_space<hbm>> -> memref<32x128xf32, #tpu.memory_space<hbm>>
      %dma_start3A_923 = arith.constant 0 : i32
      %dma_start3A_924 = tpu.memref_slice %arg6[%mul3A_917, %dma_start3A_923] : memref<16384x128xf32, #tpu.memory_space<hbm>> -> memref<32x128xf32, #tpu.memory_space<hbm>>
      %dma_start3A_925 = arith.constant 32 : i32
      %dma_start3A_926 = arith.constant 0 : i32
      %dma_start3A_927 = tpu.memref_slice %arg12[%dma_start3A_925, %dma_start3A_926] : memref<64x128xf32, #tpu.memory_space<vmem>> -> memref<32x128xf32, #tpu.memory_space<vmem>>
      tpu.enqueue_dma source(%dma_start3A_927 : memref<32x128xf32, #tpu.memory_space<vmem>>) target(%dma_start3A_924 : memref<32x128xf32, #tpu.memory_space<hbm>>) target_semaphore(%arg22 : memref<!tpu.dma_semaphore, #tpu.memory_space<semaphore_mem>>)
      %mul3A_928 = arith.constant 64 : i32
      %mul3A_929 = arith.muli %add3A_915, %mul3A_928 : i32
      %dma_start3A_930 = arith.constant 64 : i32
      %dma_start3A_931 = arith.constant 0 : i32
      %dma_start3A_932 = tpu.memref_slice %arg15[%dma_start3A_930, %dma_start3A_931] : memref<128x128xf32, #tpu.memory_space<vmem>> -> memref<64x128xf32, #tpu.memory_space<vmem>>
      %dma_start3A_933 = arith.constant 0 : i32
      %dma_start3A_934 = tpu.memref_slice %arg7[%mul3A_929, %dma_start3A_933] : memref<32768x128xf32, #tpu.memory_space<hbm>> -> memref<64x128xf32, #tpu.memory_space<hbm>>
      %dma_start3A_935 = arith.constant 0 : i32
      %dma_start3A_936 = tpu.memref_slice %arg7[%mul3A_929, %dma_start3A_935] : memref<32768x128xf32, #tpu.memory_space<hbm>> -> memref<64x128xf32, #tpu.memory_space<hbm>>
      %dma_start3A_937 = arith.constant 64 : i32
      %dma_start3A_938 = arith.constant 0 : i32
      %dma_start3A_939 = tpu.memref_slice %arg15[%dma_start3A_937, %dma_start3A_938] : memref<128x128xf32, #tpu.memory_space<vmem>> -> memref<64x128xf32, #tpu.memory_space<vmem>>
      tpu.enqueue_dma source(%dma_start3A_939 : memref<64x128xf32, #tpu.memory_space<vmem>>) target(%dma_start3A_936 : memref<64x128xf32, #tpu.memory_space<hbm>>) target_semaphore(%arg22 : memref<!tpu.dma_semaphore, #tpu.memory_space<semaphore_mem>>)
      %mul3A_940 = arith.constant 128 : i32
      %mul3A_941 = arith.muli %add3A_915, %mul3A_940 : i32
      %dma_start3A_942 = arith.constant 128 : i32
      %dma_start3A_943 = arith.constant 0 : i32
      %dma_start3A_944 = tpu.memref_slice %arg18[%dma_start3A_942, %dma_start3A_943] : memref<256x128xf32, #tpu.memory_space<vmem>> -> memref<128x128xf32, #tpu.memory_space<vmem>>
      %dma_start3A_945 = arith.constant 0 : i32
      %dma_start3A_946 = tpu.memref_slice %arg8[%mul3A_941, %dma_start3A_945] : memref<65536x128xf32, #tpu.memory_space<hbm>> -> memref<128x128xf32, #tpu.memory_space<hbm>>
      %dma_start3A_947 = arith.constant 0 : i32
      %dma_start3A_948 = tpu.memref_slice %arg8[%mul3A_941, %dma_start3A_947] : memref<65536x128xf32, #tpu.memory_space<hbm>> -> memref<128x128xf32, #tpu.memory_space<hbm>>
      %dma_start3A_949 = arith.constant 128 : i32
      %dma_start3A_950 = arith.constant 0 : i32
      %dma_start3A_951 = tpu.memref_slice %arg18[%dma_start3A_949, %dma_start3A_950] : memref<256x128xf32, #tpu.memory_space<vmem>> -> memref<128x128xf32, #tpu.memory_space<vmem>>
      tpu.enqueue_dma source(%dma_start3A_951 : memref<128x128xf32, #tpu.memory_space<vmem>>) target(%dma_start3A_948 : memref<128x128xf32, #tpu.memory_space<hbm>>) target_semaphore(%arg22 : memref<!tpu.dma_semaphore, #tpu.memory_space<semaphore_mem>>)
      %add3A_952 = arith.constant 2 : i32
      %add3A_953 = arith.addi %add3A_900, %add3A_952 : i32
      %min3A_954 = arith.constant 15 : i32
      %min3A_955 = arith.minsi %add3A_953, %min3A_954 : i32
      %mul3A_956 = arith.constant 16 : i32
      %mul3A_957 = arith.muli %add3A, %mul3A_956 : i32
      %add3A_958 = arith.addi %mul3A_957, %min3A_955 : i32
      %jit3A_959 = arith.constant 128 : i32
      %div3A_960 = arith.divsi %add3A_958, %jit3A_959 : i32
      %sign3A_961 = arith.constant 0 : i32
      %sign3A_962 = arith.cmpi sgt, %add3A_958, %sign3A_961 : i32
      %sign3A_963 = arith.extui %sign3A_962 : i1 to i32
      %sign3A_964 = arith.constant 0 : i32
      %sign3A_965 = arith.cmpi slt, %add3A_958, %sign3A_964 : i32
      %sign3A_966 = arith.extui %sign3A_965 : i1 to i32
      %sign3A_967 = arith.subi %sign3A_963, %sign3A_966 : i32
      %sign3A_968 = arith.constant 0 : i32
      %sign3A_969 = arith.cmpi sgt, %jit3A_959, %sign3A_968 : i32
      %sign3A_970 = arith.extui %sign3A_969 : i1 to i32
      %sign3A_971 = arith.constant 0 : i32
      %sign3A_972 = arith.cmpi slt, %jit3A_959, %sign3A_971 : i32
      %sign3A_973 = arith.extui %sign3A_972 : i1 to i32
      %sign3A_974 = arith.subi %sign3A_970, %sign3A_973 : i32
      %ne3A_975 = arith.cmpi ne, %sign3A_967, %sign3A_974 : i32
      %rem3A_976 = arith.remsi %add3A_958, %jit3A_959 : i32
      %ne3A_977 = arith.constant 0 : i32
      %ne3A_978 = arith.cmpi ne, %rem3A_976, %ne3A_977 : i32
      %and3A_979 = arith.andi %ne3A_975, %ne3A_978 : i1
      %sub3A_980 = arith.constant 1 : i32
      %sub3A_981 = arith.subi %div3A_960, %sub3A_980 : i32
      %select_n3A_982 = arith.select %and3A_979, %sub3A_981, %div3A_960 : i32
      %mul3A_983 = arith.constant 512 : i32
      %mul3A_984 = arith.muli %select_n3A_982, %mul3A_983 : i32
      %scan3A_985 = arith.constant 0 : i32
      %scan3A_986 = arith.constant 32 : i32
      %scan3A_987 = arith.addi %scan3A_985, %scan3A_986 : i32
      %scan3A_988 = arith.constant 1 : i32
      %scan3A_989:3 = scf.for %scan3A_1232 = %scan3A_985 to %scan3A_987 step %scan3A_988 iter_args(%scan3A_1233 = %broadcast_in_dim3A_1, %scan3A_1234 = %broadcast_in_dim3A_1, %scan3A_1235 = %broadcast_in_dim3A_1) -> (vector<16xi32>, vector<16xi32>, vector<16xi32>)  : i32 {
        %mul3A_1236 = arith.constant 512 : i32
        %mul3A_1237 = arith.muli %min3A_955, %mul3A_1236 : i32
        %mul3A_1238 = arith.constant 16 : i32
        %mul3A_1239 = arith.muli %scan3A_1232, %mul3A_1238 : i32
        %add3A_1240 = arith.addi %mul3A_1237, %mul3A_1239 : i32
        %get3A_1241 = arith.index_cast %add3A_1240 : i32 to index
        %get3A_1242 = tpu.vector_load %arg9[%get3A_1241] {strides = array<i32>} : memref<8192xi32, #tpu.memory_space<vmem>>, vector<16xi32>,
        %mul3A_1243 = arith.constant 16 : i32
        %mul3A_1244 = arith.muli %scan3A_1232, %mul3A_1243 : i32
        %broadcast_in_dim3A_1245 = vector.broadcast %mul3A_1244 : i32 to vector<16xi32>
        %add3A_1246 = arith.addi %iota3A, %broadcast_in_dim3A_1245 : vector<16xi32>
        %broadcast_in_dim3A_1247 = arith.constant 0 : i32
        %broadcast_in_dim3A_1248 = vector.broadcast %broadcast_in_dim3A_1247 : i32 to vector<16xi32>
        %shift_right_arithmetic3A = arith.shrsi %get3A_1242, %broadcast_in_dim3A_1248 : vector<16xi32>
        %and3A_1249 = arith.andi %shift_right_arithmetic3A, %broadcast_in_dim3A_3 : vector<16xi32>
        %eq3A_1250 = arith.cmpi eq, %and3A_1249, %broadcast_in_dim3A_3 : vector<16xi32>
        %convert_element_type3A_1251 = arith.extui %eq3A_1250 : vector<16xi1> to vector<16xi32>
        %broadcast_in_dim3A_1252 = arith.constant true
        %broadcast_in_dim3A_1253 = vector.broadcast %broadcast_in_dim3A_1252 : i1 to vector<16xi1>
        %masked_cumsum3A = tpu.scan <sum>, %convert_element_type3A_1251 masked %broadcast_in_dim3A_1253 : vector<16xi32>, vector<16xi1> -> vector<16xi32>
        %add3A_1254 = arith.addi %masked_cumsum3A, %scan3A_1233 : vector<16xi32>
        %sub3A_1255 = arith.subi %add3A_1254, %broadcast_in_dim3A_3 : vector<16xi32>
        %max3A_1256 = arith.maxsi %sub3A_1255, %broadcast_in_dim3A_1 : vector<16xi32>
        %min3A_1257 = arith.minsi %max3A_1256, %broadcast_in_dim3A_5 : vector<16xi32>
        tpu.vector_store_idx %arg10[%min3A_1257], %add3A_1246 masked %eq3A_1250 : memref<528xi32, #tpu.memory_space<vmem>>[vector<16xi32>], vector<16xi32>, vector<16xi1>
        %all_reduce_population_count3A = tpu.all_reduce %eq3A_1250 {dim = 0 : i64, kind = #tpu.reduction_kind<sum>} : vector<16xi1> -> vector<16xi32>
        %add3A_1258 = arith.addi %scan3A_1233, %all_reduce_population_count3A : vector<16xi32>
        %broadcast_in_dim3A_1259 = arith.constant 1 : i32
        %broadcast_in_dim3A_1260 = vector.broadcast %broadcast_in_dim3A_1259 : i32 to vector<16xi32>
        %shift_right_arithmetic3A_1261 = arith.shrsi %get3A_1242, %broadcast_in_dim3A_1260 : vector<16xi32>
        %and3A_1262 = arith.andi %shift_right_arithmetic3A_1261, %broadcast_in_dim3A_3 : vector<16xi32>
        %eq3A_1263 = arith.cmpi eq, %and3A_1262, %broadcast_in_dim3A_3 : vector<16xi32>
        %convert_element_type3A_1264 = arith.extui %eq3A_1263 : vector<16xi1> to vector<16xi32>
        %broadcast_in_dim3A_1265 = arith.constant true
        %broadcast_in_dim3A_1266 = vector.broadcast %broadcast_in_dim3A_1265 : i1 to vector<16xi1>
        %masked_cumsum3A_1267 = tpu.scan <sum>, %convert_element_type3A_1264 masked %broadcast_in_dim3A_1266 : vector<16xi32>, vector<16xi1> -> vector<16xi32>
        %add3A_1268 = arith.addi %masked_cumsum3A_1267, %scan3A_1234 : vector<16xi32>
        %sub3A_1269 = arith.subi %add3A_1268, %broadcast_in_dim3A_3 : vector<16xi32>
        %max3A_1270 = arith.maxsi %sub3A_1269, %broadcast_in_dim3A_1 : vector<16xi32>
        %min3A_1271 = arith.minsi %max3A_1270, %broadcast_in_dim3A_5 : vector<16xi32>
        tpu.vector_store_idx %arg13[%min3A_1271], %add3A_1246 masked %eq3A_1263 : memref<528xi32, #tpu.memory_space<vmem>>[vector<16xi32>], vector<16xi32>, vector<16xi1>
        %all_reduce_population_count3A_1272 = tpu.all_reduce %eq3A_1263 {dim = 0 : i64, kind = #tpu.reduction_kind<sum>} : vector<16xi1> -> vector<16xi32>
        %add3A_1273 = arith.addi %scan3A_1234, %all_reduce_population_count3A_1272 : vector<16xi32>
        %broadcast_in_dim3A_1274 = arith.constant 2 : i32
        %broadcast_in_dim3A_1275 = vector.broadcast %broadcast_in_dim3A_1274 : i32 to vector<16xi32>
        %shift_right_arithmetic3A_1276 = arith.shrsi %get3A_1242, %broadcast_in_dim3A_1275 : vector<16xi32>
        %and3A_1277 = arith.andi %shift_right_arithmetic3A_1276, %broadcast_in_dim3A_3 : vector<16xi32>
        %eq3A_1278 = arith.cmpi eq, %and3A_1277, %broadcast_in_dim3A_3 : vector<16xi32>
        %convert_element_type3A_1279 = arith.extui %eq3A_1278 : vector<16xi1> to vector<16xi32>
        %broadcast_in_dim3A_1280 = arith.constant true
        %broadcast_in_dim3A_1281 = vector.broadcast %broadcast_in_dim3A_1280 : i1 to vector<16xi1>
        %masked_cumsum3A_1282 = tpu.scan <sum>, %convert_element_type3A_1279 masked %broadcast_in_dim3A_1281 : vector<16xi32>, vector<16xi1> -> vector<16xi32>
        %add3A_1283 = arith.addi %masked_cumsum3A_1282, %scan3A_1235 : vector<16xi32>
        %sub3A_1284 = arith.subi %add3A_1283, %broadcast_in_dim3A_3 : vector<16xi32>
        %max3A_1285 = arith.maxsi %sub3A_1284, %broadcast_in_dim3A_1 : vector<16xi32>
        %min3A_1286 = arith.minsi %max3A_1285, %broadcast_in_dim3A_5 : vector<16xi32>
        tpu.vector_store_idx %arg16[%min3A_1286], %add3A_1246 masked %eq3A_1278 : memref<528xi32, #tpu.memory_space<vmem>>[vector<16xi32>], vector<16xi32>, vector<16xi1>
        %all_reduce_population_count3A_1287 = tpu.all_reduce %eq3A_1278 {dim = 0 : i64, kind = #tpu.reduction_kind<sum>} : vector<16xi1> -> vector<16xi32>
        %add3A_1288 = arith.addi %scan3A_1235, %all_reduce_population_count3A_1287 : vector<16xi32>
        scf.yield %add3A_1258, %add3A_1273, %add3A_1288 : vector<16xi32>, vector<16xi32>, vector<16xi32>
      }
      %scan3A_990 = arith.constant 32 : i32
      %get3A_991 = arith.constant 0 : index
      %get3A_992 = tpu.vector_load %arg10[%get3A_991] {strides = array<i32>} : memref<528xi32, #tpu.memory_space<vmem>>, vector<16xi32>,
      %eq3A_993 = arith.cmpi eq, %iota3A, %broadcast_in_dim3A_1 : vector<16xi32>
      %select_n3A_994 = arith.select %eq3A_993, %get3A_992, %broadcast_in_dim3A_1 : vector<16xi1>, vector<16xi32>
      %reduce_sum3A_995 = arith.constant true
      %reduce_sum3A_996 = vector.broadcast %reduce_sum3A_995 : i1 to vector<16xi1>
      %reduce_sum3A_997 = tpu.scan <sum>, %select_n3A_994 masked %reduce_sum3A_996 : vector<16xi32>, vector<16xi1> -> vector<16xi32>
      %reduce_sum3A_998 = vector.extract %reduce_sum3A_997[15] : i32 from vector<16xi32>
      %broadcast_in_dim3A_999 = vector.broadcast %reduce_sum3A_998 : i32 to vector<16xi32>
      %eq3A_1000 = arith.cmpi eq, %scan3A_989#0, %broadcast_in_dim3A_1 : vector<16xi32>
      %broadcast_in_dim3A_1001 = arith.constant 511 : i32
      %broadcast_in_dim3A_1002 = vector.broadcast %broadcast_in_dim3A_1001 : i32 to vector<16xi32>
      %select_n3A_1003 = arith.select %eq3A_1000, %broadcast_in_dim3A_1002, %broadcast_in_dim3A_999 : vector<16xi1>, vector<16xi32>
      %broadcast_in_dim3A_1004 = arith.constant 0 : i32
      %broadcast_in_dim3A_1005 = vector.broadcast %broadcast_in_dim3A_1004 : i32 to vector<16xi32>
      %add3A_1006 = arith.addi %iota3A, %broadcast_in_dim3A_1005 : vector<16xi32>
      %get3A_1007 = arith.constant 0 : index
      %get3A_1008 = tpu.vector_load %arg10[%get3A_1007] {strides = array<i32>} : memref<528xi32, #tpu.memory_space<vmem>>, vector<16xi32>,
      %lt3A_1009 = arith.cmpi slt, %add3A_1006, %scan3A_989#0 : vector<16xi32>
      %select_n3A_1010 = arith.select %lt3A_1009, %get3A_1008, %select_n3A_1003 : vector<16xi1>, vector<16xi32>
      %broadcast_in_dim3A_1011 = vector.broadcast %mul3A_984 : i32 to vector<16xi32>
      %add3A_1012 = arith.addi %select_n3A_1010, %broadcast_in_dim3A_1011 : vector<16xi32>
      %max3A_1013 = arith.maxsi %add3A_1012, %broadcast_in_dim3A_1 : vector<16xi32>
      %min3A_1014 = arith.minsi %max3A_1013, %broadcast_in_dim3A_7 : vector<16xi32>
      %swap3A_1015 = arith.constant 32 : index
      %swap3A_1016 = tpu.vector_load %arg11[%swap3A_1015] {strides = array<i32>} : memref<64xi32, #tpu.memory_space<vmem>>, vector<16xi32>,
      tpu.vector_store %arg11[%swap3A_1015], %min3A_1014 {strides = array<i32>} : memref<64xi32, #tpu.memory_space<vmem>>, vector<16xi32>,
      %broadcast_in_dim3A_1017 = arith.constant 16 : i32
      %broadcast_in_dim3A_1018 = vector.broadcast %broadcast_in_dim3A_1017 : i32 to vector<16xi32>
      %add3A_1019 = arith.addi %iota3A, %broadcast_in_dim3A_1018 : vector<16xi32>
      %get3A_1020 = arith.constant 16 : index
      %get3A_1021 = tpu.vector_load %arg10[%get3A_1020] {strides = array<i32>} : memref<528xi32, #tpu.memory_space<vmem>>, vector<16xi32>,
      %lt3A_1022 = arith.cmpi slt, %add3A_1019, %scan3A_989#0 : vector<16xi32>
      %select_n3A_1023 = arith.select %lt3A_1022, %get3A_1021, %select_n3A_1003 : vector<16xi1>, vector<16xi32>
      %broadcast_in_dim3A_1024 = vector.broadcast %mul3A_984 : i32 to vector<16xi32>
      %add3A_1025 = arith.addi %select_n3A_1023, %broadcast_in_dim3A_1024 : vector<16xi32>
      %max3A_1026 = arith.maxsi %add3A_1025, %broadcast_in_dim3A_1 : vector<16xi32>
      %min3A_1027 = arith.minsi %max3A_1026, %broadcast_in_dim3A_7 : vector<16xi32>
      %swap3A_1028 = arith.constant 48 : index
      %swap3A_1029 = tpu.vector_load %arg11[%swap3A_1028] {strides = array<i32>} : memref<64xi32, #tpu.memory_space<vmem>>, vector<16xi32>,
      tpu.vector_store %arg11[%swap3A_1028], %min3A_1027 {strides = array<i32>} : memref<64xi32, #tpu.memory_space<vmem>>, vector<16xi32>,
      %get3A_1030 = arith.constant 0 : index
      %get3A_1031 = tpu.vector_load %arg13[%get3A_1030] {strides = array<i32>} : memref<528xi32, #tpu.memory_space<vmem>>, vector<16xi32>,
      %eq3A_1032 = arith.cmpi eq, %iota3A, %broadcast_in_dim3A_1 : vector<16xi32>
      %select_n3A_1033 = arith.select %eq3A_1032, %get3A_1031, %broadcast_in_dim3A_1 : vector<16xi1>, vector<16xi32>
      %reduce_sum3A_1034 = arith.constant true
      %reduce_sum3A_1035 = vector.broadcast %reduce_sum3A_1034 : i1 to vector<16xi1>
      %reduce_sum3A_1036 = tpu.scan <sum>, %select_n3A_1033 masked %reduce_sum3A_1035 : vector<16xi32>, vector<16xi1> -> vector<16xi32>
      %reduce_sum3A_1037 = vector.extract %reduce_sum3A_1036[15] : i32 from vector<16xi32>
      %broadcast_in_dim3A_1038 = vector.broadcast %reduce_sum3A_1037 : i32 to vector<16xi32>
      %eq3A_1039 = arith.cmpi eq, %scan3A_989#1, %broadcast_in_dim3A_1 : vector<16xi32>
      %broadcast_in_dim3A_1040 = arith.constant 511 : i32
      %broadcast_in_dim3A_1041 = vector.broadcast %broadcast_in_dim3A_1040 : i32 to vector<16xi32>
      %select_n3A_1042 = arith.select %eq3A_1039, %broadcast_in_dim3A_1041, %broadcast_in_dim3A_1038 : vector<16xi1>, vector<16xi32>
      %broadcast_in_dim3A_1043 = arith.constant 0 : i32
      %broadcast_in_dim3A_1044 = vector.broadcast %broadcast_in_dim3A_1043 : i32 to vector<16xi32>
      %add3A_1045 = arith.addi %iota3A, %broadcast_in_dim3A_1044 : vector<16xi32>
      %get3A_1046 = arith.constant 0 : index
      %get3A_1047 = tpu.vector_load %arg13[%get3A_1046] {strides = array<i32>} : memref<528xi32, #tpu.memory_space<vmem>>, vector<16xi32>,
      %lt3A_1048 = arith.cmpi slt, %add3A_1045, %scan3A_989#1 : vector<16xi32>
      %select_n3A_1049 = arith.select %lt3A_1048, %get3A_1047, %select_n3A_1042 : vector<16xi1>, vector<16xi32>
      %broadcast_in_dim3A_1050 = vector.broadcast %mul3A_984 : i32 to vector<16xi32>
      %add3A_1051 = arith.addi %select_n3A_1049, %broadcast_in_dim3A_1050 : vector<16xi32>
      %max3A_1052 = arith.maxsi %add3A_1051, %broadcast_in_dim3A_1 : vector<16xi32>
      %min3A_1053 = arith.minsi %max3A_1052, %broadcast_in_dim3A_7 : vector<16xi32>
      %swap3A_1054 = arith.constant 64 : index
      %swap3A_1055 = tpu.vector_load %arg14[%swap3A_1054] {strides = array<i32>} : memref<128xi32, #tpu.memory_space<vmem>>, vector<16xi32>,
      tpu.vector_store %arg14[%swap3A_1054], %min3A_1053 {strides = array<i32>} : memref<128xi32, #tpu.memory_space<vmem>>, vector<16xi32>,
      %broadcast_in_dim3A_1056 = arith.constant 16 : i32
      %broadcast_in_dim3A_1057 = vector.broadcast %broadcast_in_dim3A_1056 : i32 to vector<16xi32>
      %add3A_1058 = arith.addi %iota3A, %broadcast_in_dim3A_1057 : vector<16xi32>
      %get3A_1059 = arith.constant 16 : index
      %get3A_1060 = tpu.vector_load %arg13[%get3A_1059] {strides = array<i32>} : memref<528xi32, #tpu.memory_space<vmem>>, vector<16xi32>,
      %lt3A_1061 = arith.cmpi slt, %add3A_1058, %scan3A_989#1 : vector<16xi32>
      %select_n3A_1062 = arith.select %lt3A_1061, %get3A_1060, %select_n3A_1042 : vector<16xi1>, vector<16xi32>
      %broadcast_in_dim3A_1063 = vector.broadcast %mul3A_984 : i32 to vector<16xi32>
      %add3A_1064 = arith.addi %select_n3A_1062, %broadcast_in_dim3A_1063 : vector<16xi32>
      %max3A_1065 = arith.maxsi %add3A_1064, %broadcast_in_dim3A_1 : vector<16xi32>
      %min3A_1066 = arith.minsi %max3A_1065, %broadcast_in_dim3A_7 : vector<16xi32>
      %swap3A_1067 = arith.constant 80 : index
      %swap3A_1068 = tpu.vector_load %arg14[%swap3A_1067] {strides = array<i32>} : memref<128xi32, #tpu.memory_space<vmem>>, vector<16xi32>,
      tpu.vector_store %arg14[%swap3A_1067], %min3A_1066 {strides = array<i32>} : memref<128xi32, #tpu.memory_space<vmem>>, vector<16xi32>,
      %broadcast_in_dim3A_1069 = arith.constant 32 : i32
      %broadcast_in_dim3A_1070 = vector.broadcast %broadcast_in_dim3A_1069 : i32 to vector<16xi32>
      %add3A_1071 = arith.addi %iota3A, %broadcast_in_dim3A_1070 : vector<16xi32>
      %get3A_1072 = arith.constant 32 : index
      %get3A_1073 = tpu.vector_load %arg13[%get3A_1072] {strides = array<i32>} : memref<528xi32, #tpu.memory_space<vmem>>, vector<16xi32>,
      %lt3A_1074 = arith.cmpi slt, %add3A_1071, %scan3A_989#1 : vector<16xi32>
      %select_n3A_1075 = arith.select %lt3A_1074, %get3A_1073, %select_n3A_1042 : vector<16xi1>, vector<16xi32>
      %broadcast_in_dim3A_1076 = vector.broadcast %mul3A_984 : i32 to vector<16xi32>
      %add3A_1077 = arith.addi %select_n3A_1075, %broadcast_in_dim3A_1076 : vector<16xi32>
      %max3A_1078 = arith.maxsi %add3A_1077, %broadcast_in_dim3A_1 : vector<16xi32>
      %min3A_1079 = arith.minsi %max3A_1078, %broadcast_in_dim3A_7 : vector<16xi32>
      %swap3A_1080 = arith.constant 96 : index
      %swap3A_1081 = tpu.vector_load %arg14[%swap3A_1080] {strides = array<i32>} : memref<128xi32, #tpu.memory_space<vmem>>, vector<16xi32>,
      tpu.vector_store %arg14[%swap3A_1080], %min3A_1079 {strides = array<i32>} : memref<128xi32, #tpu.memory_space<vmem>>, vector<16xi32>,
      %broadcast_in_dim3A_1082 = arith.constant 48 : i32
      %broadcast_in_dim3A_1083 = vector.broadcast %broadcast_in_dim3A_1082 : i32 to vector<16xi32>
      %add3A_1084 = arith.addi %iota3A, %broadcast_in_dim3A_1083 : vector<16xi32>
      %get3A_1085 = arith.constant 48 : index
      %get3A_1086 = tpu.vector_load %arg13[%get3A_1085] {strides = array<i32>} : memref<528xi32, #tpu.memory_space<vmem>>, vector<16xi32>,
      %lt3A_1087 = arith.cmpi slt, %add3A_1084, %scan3A_989#1 : vector<16xi32>
      %select_n3A_1088 = arith.select %lt3A_1087, %get3A_1086, %select_n3A_1042 : vector<16xi1>, vector<16xi32>
      %broadcast_in_dim3A_1089 = vector.broadcast %mul3A_984 : i32 to vector<16xi32>
      %add3A_1090 = arith.addi %select_n3A_1088, %broadcast_in_dim3A_1089 : vector<16xi32>
      %max3A_1091 = arith.maxsi %add3A_1090, %broadcast_in_dim3A_1 : vector<16xi32>
      %min3A_1092 = arith.minsi %max3A_1091, %broadcast_in_dim3A_7 : vector<16xi32>
      %swap3A_1093 = arith.constant 112 : index
      %swap3A_1094 = tpu.vector_load %arg14[%swap3A_1093] {strides = array<i32>} : memref<128xi32, #tpu.memory_space<vmem>>, vector<16xi32>,
      tpu.vector_store %arg14[%swap3A_1093], %min3A_1092 {strides = array<i32>} : memref<128xi32, #tpu.memory_space<vmem>>, vector<16xi32>,
      %get3A_1095 = arith.constant 0 : index
      %get3A_1096 = tpu.vector_load %arg16[%get3A_1095] {strides = array<i32>} : memref<528xi32, #tpu.memory_space<vmem>>, vector<16xi32>,
      %eq3A_1097 = arith.cmpi eq, %iota3A, %broadcast_in_dim3A_1 : vector<16xi32>
      %select_n3A_1098 = arith.select %eq3A_1097, %get3A_1096, %broadcast_in_dim3A_1 : vector<16xi1>, vector<16xi32>
      %reduce_sum3A_1099 = arith.constant true
      %reduce_sum3A_1100 = vector.broadcast %reduce_sum3A_1099 : i1 to vector<16xi1>
      %reduce_sum3A_1101 = tpu.scan <sum>, %select_n3A_1098 masked %reduce_sum3A_1100 : vector<16xi32>, vector<16xi1> -> vector<16xi32>
      %reduce_sum3A_1102 = vector.extract %reduce_sum3A_1101[15] : i32 from vector<16xi32>
      %broadcast_in_dim3A_1103 = vector.broadcast %reduce_sum3A_1102 : i32 to vector<16xi32>
      %eq3A_1104 = arith.cmpi eq, %scan3A_989#2, %broadcast_in_dim3A_1 : vector<16xi32>
      %broadcast_in_dim3A_1105 = arith.constant 511 : i32
      %broadcast_in_dim3A_1106 = vector.broadcast %broadcast_in_dim3A_1105 : i32 to vector<16xi32>
      %select_n3A_1107 = arith.select %eq3A_1104, %broadcast_in_dim3A_1106, %broadcast_in_dim3A_1103 : vector<16xi1>, vector<16xi32>
      %broadcast_in_dim3A_1108 = arith.constant 0 : i32
      %broadcast_in_dim3A_1109 = vector.broadcast %broadcast_in_dim3A_1108 : i32 to vector<16xi32>
      %add3A_1110 = arith.addi %iota3A, %broadcast_in_dim3A_1109 : vector<16xi32>
      %get3A_1111 = arith.constant 0 : index
      %get3A_1112 = tpu.vector_load %arg16[%get3A_1111] {strides = array<i32>} : memref<528xi32, #tpu.memory_space<vmem>>, vector<16xi32>,
      %lt3A_1113 = arith.cmpi slt, %add3A_1110, %scan3A_989#2 : vector<16xi32>
      %select_n3A_1114 = arith.select %lt3A_1113, %get3A_1112, %select_n3A_1107 : vector<16xi1>, vector<16xi32>
      %broadcast_in_dim3A_1115 = vector.broadcast %mul3A_984 : i32 to vector<16xi32>
      %add3A_1116 = arith.addi %select_n3A_1114, %broadcast_in_dim3A_1115 : vector<16xi32>
      %max3A_1117 = arith.maxsi %add3A_1116, %broadcast_in_dim3A_1 : vector<16xi32>
      %min3A_1118 = arith.minsi %max3A_1117, %broadcast_in_dim3A_7 : vector<16xi32>
      %swap3A_1119 = arith.constant 128 : index
      %swap3A_1120 = tpu.vector_load %arg17[%swap3A_1119] {strides = array<i32>} : memref<256xi32, #tpu.memory_space<vmem>>, vector<16xi32>,
      tpu.vector_store %arg17[%swap3A_1119], %min3A_1118 {strides = array<i32>} : memref<256xi32, #tpu.memory_space<vmem>>, vector<16xi32>,
      %broadcast_in_dim3A_1121 = arith.constant 16 : i32
      %broadcast_in_dim3A_1122 = vector.broadcast %broadcast_in_dim3A_1121 : i32 to vector<16xi32>
      %add3A_1123 = arith.addi %iota3A, %broadcast_in_dim3A_1122 : vector<16xi32>
      %get3A_1124 = arith.constant 16 : index
      %get3A_1125 = tpu.vector_load %arg16[%get3A_1124] {strides = array<i32>} : memref<528xi32, #tpu.memory_space<vmem>>, vector<16xi32>,
      %lt3A_1126 = arith.cmpi slt, %add3A_1123, %scan3A_989#2 : vector<16xi32>
      %select_n3A_1127 = arith.select %lt3A_1126, %get3A_1125, %select_n3A_1107 : vector<16xi1>, vector<16xi32>
      %broadcast_in_dim3A_1128 = vector.broadcast %mul3A_984 : i32 to vector<16xi32>
      %add3A_1129 = arith.addi %select_n3A_1127, %broadcast_in_dim3A_1128 : vector<16xi32>
      %max3A_1130 = arith.maxsi %add3A_1129, %broadcast_in_dim3A_1 : vector<16xi32>
      %min3A_1131 = arith.minsi %max3A_1130, %broadcast_in_dim3A_7 : vector<16xi32>
      %swap3A_1132 = arith.constant 144 : index
      %swap3A_1133 = tpu.vector_load %arg17[%swap3A_1132] {strides = array<i32>} : memref<256xi32, #tpu.memory_space<vmem>>, vector<16xi32>,
      tpu.vector_store %arg17[%swap3A_1132], %min3A_1131 {strides = array<i32>} : memref<256xi32, #tpu.memory_space<vmem>>, vector<16xi32>,
      %broadcast_in_dim3A_1134 = arith.constant 32 : i32
      %broadcast_in_dim3A_1135 = vector.broadcast %broadcast_in_dim3A_1134 : i32 to vector<16xi32>
      %add3A_1136 = arith.addi %iota3A, %broadcast_in_dim3A_1135 : vector<16xi32>
      %get3A_1137 = arith.constant 32 : index
      %get3A_1138 = tpu.vector_load %arg16[%get3A_1137] {strides = array<i32>} : memref<528xi32, #tpu.memory_space<vmem>>, vector<16xi32>,
      %lt3A_1139 = arith.cmpi slt, %add3A_1136, %scan3A_989#2 : vector<16xi32>
      %select_n3A_1140 = arith.select %lt3A_1139, %get3A_1138, %select_n3A_1107 : vector<16xi1>, vector<16xi32>
      %broadcast_in_dim3A_1141 = vector.broadcast %mul3A_984 : i32 to vector<16xi32>
      %add3A_1142 = arith.addi %select_n3A_1140, %broadcast_in_dim3A_1141 : vector<16xi32>
      %max3A_1143 = arith.maxsi %add3A_1142, %broadcast_in_dim3A_1 : vector<16xi32>
      %min3A_1144 = arith.minsi %max3A_1143, %broadcast_in_dim3A_7 : vector<16xi32>
      %swap3A_1145 = arith.constant 160 : index
      %swap3A_1146 = tpu.vector_load %arg17[%swap3A_1145] {strides = array<i32>} : memref<256xi32, #tpu.memory_space<vmem>>, vector<16xi32>,
      tpu.vector_store %arg17[%swap3A_1145], %min3A_1144 {strides = array<i32>} : memref<256xi32, #tpu.memory_space<vmem>>, vector<16xi32>,
      %broadcast_in_dim3A_1147 = arith.constant 48 : i32
      %broadcast_in_dim3A_1148 = vector.broadcast %broadcast_in_dim3A_1147 : i32 to vector<16xi32>
      %add3A_1149 = arith.addi %iota3A, %broadcast_in_dim3A_1148 : vector<16xi32>
      %get3A_1150 = arith.constant 48 : index
      %get3A_1151 = tpu.vector_load %arg16[%get3A_1150] {strides = array<i32>} : memref<528xi32, #tpu.memory_space<vmem>>, vector<16xi32>,
      %lt3A_1152 = arith.cmpi slt, %add3A_1149, %scan3A_989#2 : vector<16xi32>
      %select_n3A_1153 = arith.select %lt3A_1152, %get3A_1151, %select_n3A_1107 : vector<16xi1>, vector<16xi32>
      %broadcast_in_dim3A_1154 = vector.broadcast %mul3A_984 : i32 to vector<16xi32>
      %add3A_1155 = arith.addi %select_n3A_1153, %broadcast_in_dim3A_1154 : vector<16xi32>
      %max3A_1156 = arith.maxsi %add3A_1155, %broadcast_in_dim3A_1 : vector<16xi32>
      %min3A_1157 = arith.minsi %max3A_1156, %broadcast_in_dim3A_7 : vector<16xi32>
      %swap3A_1158 = arith.constant 176 : index
      %swap3A_1159 = tpu.vector_load %arg17[%swap3A_1158] {strides = array<i32>} : memref<256xi32, #tpu.memory_space<vmem>>, vector<16xi32>,
      tpu.vector_store %arg17[%swap3A_1158], %min3A_1157 {strides = array<i32>} : memref<256xi32, #tpu.memory_space<vmem>>, vector<16xi32>,
      %broadcast_in_dim3A_1160 = arith.constant 64 : i32
      %broadcast_in_dim3A_1161 = vector.broadcast %broadcast_in_dim3A_1160 : i32 to vector<16xi32>
      %add3A_1162 = arith.addi %iota3A, %broadcast_in_dim3A_1161 : vector<16xi32>
      %get3A_1163 = arith.constant 64 : index
      %get3A_1164 = tpu.vector_load %arg16[%get3A_1163] {strides = array<i32>} : memref<528xi32, #tpu.memory_space<vmem>>, vector<16xi32>,
      %lt3A_1165 = arith.cmpi slt, %add3A_1162, %scan3A_989#2 : vector<16xi32>
      %select_n3A_1166 = arith.select %lt3A_1165, %get3A_1164, %select_n3A_1107 : vector<16xi1>, vector<16xi32>
      %broadcast_in_dim3A_1167 = vector.broadcast %mul3A_984 : i32 to vector<16xi32>
      %add3A_1168 = arith.addi %select_n3A_1166, %broadcast_in_dim3A_1167 : vector<16xi32>
      %max3A_1169 = arith.maxsi %add3A_1168, %broadcast_in_dim3A_1 : vector<16xi32>
      %min3A_1170 = arith.minsi %max3A_1169, %broadcast_in_dim3A_7 : vector<16xi32>
      %swap3A_1171 = arith.constant 192 : index
      %swap3A_1172 = tpu.vector_load %arg17[%swap3A_1171] {strides = array<i32>} : memref<256xi32, #tpu.memory_space<vmem>>, vector<16xi32>,
      tpu.vector_store %arg17[%swap3A_1171], %min3A_1170 {strides = array<i32>} : memref<256xi32, #tpu.memory_space<vmem>>, vector<16xi32>,
      %broadcast_in_dim3A_1173 = arith.constant 80 : i32
      %broadcast_in_dim3A_1174 = vector.broadcast %broadcast_in_dim3A_1173 : i32 to vector<16xi32>
      %add3A_1175 = arith.addi %iota3A, %broadcast_in_dim3A_1174 : vector<16xi32>
      %get3A_1176 = arith.constant 80 : index
      %get3A_1177 = tpu.vector_load %arg16[%get3A_1176] {strides = array<i32>} : memref<528xi32, #tpu.memory_space<vmem>>, vector<16xi32>,
      %lt3A_1178 = arith.cmpi slt, %add3A_1175, %scan3A_989#2 : vector<16xi32>
      %select_n3A_1179 = arith.select %lt3A_1178, %get3A_1177, %select_n3A_1107 : vector<16xi1>, vector<16xi32>
      %broadcast_in_dim3A_1180 = vector.broadcast %mul3A_984 : i32 to vector<16xi32>
      %add3A_1181 = arith.addi %select_n3A_1179, %broadcast_in_dim3A_1180 : vector<16xi32>
      %max3A_1182 = arith.maxsi %add3A_1181, %broadcast_in_dim3A_1 : vector<16xi32>
      %min3A_1183 = arith.minsi %max3A_1182, %broadcast_in_dim3A_7 : vector<16xi32>
      %swap3A_1184 = arith.constant 208 : index
      %swap3A_1185 = tpu.vector_load %arg17[%swap3A_1184] {strides = array<i32>} : memref<256xi32, #tpu.memory_space<vmem>>, vector<16xi32>,
      tpu.vector_store %arg17[%swap3A_1184], %min3A_1183 {strides = array<i32>} : memref<256xi32, #tpu.memory_space<vmem>>, vector<16xi32>,
      %broadcast_in_dim3A_1186 = arith.constant 96 : i32
      %broadcast_in_dim3A_1187 = vector.broadcast %broadcast_in_dim3A_1186 : i32 to vector<16xi32>
      %add3A_1188 = arith.addi %iota3A, %broadcast_in_dim3A_1187 : vector<16xi32>
      %get3A_1189 = arith.constant 96 : index
      %get3A_1190 = tpu.vector_load %arg16[%get3A_1189] {strides = array<i32>} : memref<528xi32, #tpu.memory_space<vmem>>, vector<16xi32>,
      %lt3A_1191 = arith.cmpi slt, %add3A_1188, %scan3A_989#2 : vector<16xi32>
      %select_n3A_1192 = arith.select %lt3A_1191, %get3A_1190, %select_n3A_1107 : vector<16xi1>, vector<16xi32>
      %broadcast_in_dim3A_1193 = vector.broadcast %mul3A_984 : i32 to vector<16xi32>
      %add3A_1194 = arith.addi %select_n3A_1192, %broadcast_in_dim3A_1193 : vector<16xi32>
      %max3A_1195 = arith.maxsi %add3A_1194, %broadcast_in_dim3A_1 : vector<16xi32>
      %min3A_1196 = arith.minsi %max3A_1195, %broadcast_in_dim3A_7 : vector<16xi32>
      %swap3A_1197 = arith.constant 224 : index
      %swap3A_1198 = tpu.vector_load %arg17[%swap3A_1197] {strides = array<i32>} : memref<256xi32, #tpu.memory_space<vmem>>, vector<16xi32>,
      tpu.vector_store %arg17[%swap3A_1197], %min3A_1196 {strides = array<i32>} : memref<256xi32, #tpu.memory_space<vmem>>, vector<16xi32>,
      %broadcast_in_dim3A_1199 = arith.constant 112 : i32
      %broadcast_in_dim3A_1200 = vector.broadcast %broadcast_in_dim3A_1199 : i32 to vector<16xi32>
      %add3A_1201 = arith.addi %iota3A, %broadcast_in_dim3A_1200 : vector<16xi32>
      %get3A_1202 = arith.constant 112 : index
      %get3A_1203 = tpu.vector_load %arg16[%get3A_1202] {strides = array<i32>} : memref<528xi32, #tpu.memory_space<vmem>>, vector<16xi32>,
      %lt3A_1204 = arith.cmpi slt, %add3A_1201, %scan3A_989#2 : vector<16xi32>
      %select_n3A_1205 = arith.select %lt3A_1204, %get3A_1203, %select_n3A_1107 : vector<16xi1>, vector<16xi32>
      %broadcast_in_dim3A_1206 = vector.broadcast %mul3A_984 : i32 to vector<16xi32>
      %add3A_1207 = arith.addi %select_n3A_1205, %broadcast_in_dim3A_1206 : vector<16xi32>
      %max3A_1208 = arith.maxsi %add3A_1207, %broadcast_in_dim3A_1 : vector<16xi32>
      %min3A_1209 = arith.minsi %max3A_1208, %broadcast_in_dim3A_7 : vector<16xi32>
      %swap3A_1210 = arith.constant 240 : index
      %swap3A_1211 = tpu.vector_load %arg17[%swap3A_1210] {strides = array<i32>} : memref<256xi32, #tpu.memory_space<vmem>>, vector<16xi32>,
      tpu.vector_store %arg17[%swap3A_1210], %min3A_1209 {strides = array<i32>} : memref<256xi32, #tpu.memory_space<vmem>>, vector<16xi32>,
      %dma_wait3A_1212 = arith.constant 0 : i32
      %dma_wait3A_1213 = arith.constant 0 : i32
      %dma_wait3A_1214 = tpu.memref_slice %arg18[%dma_wait3A_1212, %dma_wait3A_1213] : memref<256x128xf32, #tpu.memory_space<vmem>> -> memref<224x128xf32, #tpu.memory_space<vmem>>
      %dma_wait3A_1215 = arith.constant 0 : i32
      %dma_wait3A_1216 = arith.constant 0 : i32
      %dma_wait3A_1217 = tpu.memref_slice %arg8[%dma_wait3A_1215, %dma_wait3A_1216] : memref<65536x128xf32, #tpu.memory_space<hbm>> -> memref<224x128xf32, #tpu.memory_space<hbm>>
      %dma_wait3A_1218 = arith.constant 0 : i32
      %dma_wait3A_1219 = arith.constant 0 : i32
      %dma_wait3A_1220 = tpu.memref_slice %arg8[%dma_wait3A_1218, %dma_wait3A_1219] : memref<65536x128xf32, #tpu.memory_space<hbm>> -> memref<224x128xf32, #tpu.memory_space<hbm>>
      %dma_wait3A_1221 = arith.constant 0 : i32
      %dma_wait3A_1222 = arith.constant 0 : i32
      %dma_wait3A_1223 = tpu.memref_slice %arg18[%dma_wait3A_1221, %dma_wait3A_1222] : memref<256x128xf32, #tpu.memory_space<vmem>> -> memref<224x128xf32, #tpu.memory_space<vmem>>
      tpu.wait_dma2 semaphore(%arg22 : memref<!tpu.dma_semaphore, #tpu.memory_space<semaphore_mem>>) src(%dma_wait3A_1223 : memref<224x128xf32, #tpu.memory_space<vmem>>) dst(%dma_wait3A_1220 : memref<224x128xf32, #tpu.memory_space<hbm>>)
      %add3A_1224 = arith.constant 2 : i32
      %add3A_1225 = arith.addi %add3A_900, %add3A_1224 : i32
      %lt3A_1226 = arith.constant 16 : i32
      %lt3A_1227 = arith.cmpi slt, %add3A_1225, %lt3A_1226 : i32
      %convert_element_type3A_1228 = arith.extui %lt3A_1227 : i1 to i32
      %cond3A_1229 = arith.constant 0 : i32
      %cond3A_1230 = arith.cmpi ne, %convert_element_type3A_1228, %cond3A_1229 : i32
      scf.if %cond3A_1230 {
        %add3A_1232 = arith.constant 2 : i32
        %add3A_1233 = arith.addi %add3A_900, %add3A_1232 : i32
        %dma_start3A_1234 = arith.constant 32 : i32
        %dma_start3A_1235 = arith.constant 0 : i32
        %dma_start3A_1236 = tpu.memref_slice %arg12[%dma_start3A_1234, %dma_start3A_1235] : memref<64x128xf32, #tpu.memory_space<vmem>> -> memref<32x128xf32, #tpu.memory_space<vmem>>
        %dma_start3A_1237 = arith.constant 32 : i32
        %dma_start3A_1238 = tpu.memref_slice %arg11[%dma_start3A_1237] : memref<64xi32, #tpu.memory_space<vmem>> -> memref<32xi32, #tpu.memory_space<vmem>>
        %dma_start3A_1239 = arith.constant 0 : i32
        %dma_start3A_1240 = arith.constant 0 : i32
        %dma_start3A_1241 = tpu.memref_slice %arg3[%dma_start3A_1239, %dma_start3A_1240] : memref<2048x128xf32, #tpu.memory_space<hbm>> -> memref<2048x128xf32, #tpu.memory_space<hbm>>
        tpu.enqueue_indirect_dma source(%dma_start3A_1241 : memref<2048x128xf32, #tpu.memory_space<hbm>>) target(%dma_start3A_1236 : memref<32x128xf32, #tpu.memory_space<vmem>>) offsets(%dma_start3A_1238 : memref<32xi32, #tpu.memory_space<vmem>>) semaphore(%arg20 : memref<!tpu.dma_semaphore, #tpu.memory_space<semaphore_mem>>)
        %dma_start3A_1242 = arith.constant 64 : i32
        %dma_start3A_1243 = arith.constant 0 : i32
        %dma_start3A_1244 = tpu.memref_slice %arg15[%dma_start3A_1242, %dma_start3A_1243] : memref<128x128xf32, #tpu.memory_space<vmem>> -> memref<64x128xf32, #tpu.memory_space<vmem>>
        %dma_start3A_1245 = arith.constant 64 : i32
        %dma_start3A_1246 = tpu.memref_slice %arg14[%dma_start3A_1245] : memref<128xi32, #tpu.memory_space<vmem>> -> memref<64xi32, #tpu.memory_space<vmem>>
        %dma_start3A_1247 = arith.constant 0 : i32
        %dma_start3A_1248 = arith.constant 0 : i32
        %dma_start3A_1249 = tpu.memref_slice %arg4[%dma_start3A_1247, %dma_start3A_1248] : memref<2048x128xf32, #tpu.memory_space<hbm>> -> memref<2048x128xf32, #tpu.memory_space<hbm>>
        tpu.enqueue_indirect_dma source(%dma_start3A_1249 : memref<2048x128xf32, #tpu.memory_space<hbm>>) target(%dma_start3A_1244 : memref<64x128xf32, #tpu.memory_space<vmem>>) offsets(%dma_start3A_1246 : memref<64xi32, #tpu.memory_space<vmem>>) semaphore(%arg20 : memref<!tpu.dma_semaphore, #tpu.memory_space<semaphore_mem>>)
        %dma_start3A_1250 = arith.constant 128 : i32
        %dma_start3A_1251 = arith.constant 0 : i32
        %dma_start3A_1252 = tpu.memref_slice %arg18[%dma_start3A_1250, %dma_start3A_1251] : memref<256x128xf32, #tpu.memory_space<vmem>> -> memref<128x128xf32, #tpu.memory_space<vmem>>
        %dma_start3A_1253 = arith.constant 128 : i32
        %dma_start3A_1254 = tpu.memref_slice %arg17[%dma_start3A_1253] : memref<256xi32, #tpu.memory_space<vmem>> -> memref<128xi32, #tpu.memory_space<vmem>>
        %dma_start3A_1255 = arith.constant 0 : i32
        %dma_start3A_1256 = arith.constant 0 : i32
        %dma_start3A_1257 = tpu.memref_slice %arg5[%dma_start3A_1255, %dma_start3A_1256] : memref<2048x128xf32, #tpu.memory_space<hbm>> -> memref<2048x128xf32, #tpu.memory_space<hbm>>
        tpu.enqueue_indirect_dma source(%dma_start3A_1257 : memref<2048x128xf32, #tpu.memory_space<hbm>>) target(%dma_start3A_1252 : memref<128x128xf32, #tpu.memory_space<vmem>>) offsets(%dma_start3A_1254 : memref<128xi32, #tpu.memory_space<vmem>>) semaphore(%arg20 : memref<!tpu.dma_semaphore, #tpu.memory_space<semaphore_mem>>)
      } else {
      }
      %scan3A_1231 = arith.constant 0 : i32
      scf.yield %scan3A_1231 : i32
    }
    %scan3A_563 = arith.constant 8 : i32
    return
  }
}

module attributes {stable_mosaic.version = 14 : i64} {
  func.func @_fps_body(%arg0: memref<4x1024xf32, #tpu.memory_space<vmem>>, %arg1: memref<4x1024xf32, #tpu.memory_space<vmem>>, %arg2: memref<4x1024xf32, #tpu.memory_space<vmem>>, %arg3: memref<4x512xf32, #tpu.memory_space<vmem>>, %arg4: memref<4x512xf32, #tpu.memory_space<vmem>>, %arg5: memref<4x512xf32, #tpu.memory_space<vmem>>) attributes {dimension_semantics = [], scalar_prefetch = 0 : i64, scratch_operands = 0 : i64, tpu.core_type = #tpu.core_type<tc>} {
    %get3A = arith.constant 0 : index
    %get3A_0 = arith.constant 0 : index
    %get3A_1 = vector.load %arg0[%get3A, %get3A_0] : memref<4x1024xf32, #tpu.memory_space<vmem>>, vector<4x1024xf32>
    %get3A_2 = arith.constant 0 : index
    %get3A_3 = arith.constant 0 : index
    %get3A_4 = vector.load %arg1[%get3A_2, %get3A_3] : memref<4x1024xf32, #tpu.memory_space<vmem>>, vector<4x1024xf32>
    %get3A_5 = arith.constant 0 : index
    %get3A_6 = arith.constant 0 : index
    %get3A_7 = vector.load %arg2[%get3A_5, %get3A_6] : memref<4x1024xf32, #tpu.memory_space<vmem>>, vector<4x1024xf32>
    %iota3A = tpu.iota {dimensions = array<i32: 1>} : vector<4x1024xi32>
    %iota3A_8 = tpu.iota {dimensions = array<i32: 1>} : vector<4x512xi32>
    %broadcast_in_dim3A = arith.constant 1.000000e+10 : f32
    %broadcast_in_dim3A_9 = vector.broadcast %broadcast_in_dim3A : f32 to vector<4x1024xf32>
    %broadcast_in_dim3A_10 = arith.constant 0 : i32
    %broadcast_in_dim3A_11 = vector.broadcast %broadcast_in_dim3A_10 : i32 to vector<4x1xi32>
    %broadcast_in_dim3A_12 = arith.constant 0.000000e+00 : f32
    %broadcast_in_dim3A_13 = vector.broadcast %broadcast_in_dim3A_12 : f32 to vector<4x512xf32>
    %broadcast_in_dim3A_14 = arith.constant 0.000000e+00 : f32
    %broadcast_in_dim3A_15 = vector.broadcast %broadcast_in_dim3A_14 : f32 to vector<4x512xf32>
    %broadcast_in_dim3A_16 = arith.constant 0.000000e+00 : f32
    %broadcast_in_dim3A_17 = vector.broadcast %broadcast_in_dim3A_16 : f32 to vector<4x512xf32>
    %scan3A = arith.constant 0 : i32
    %scan3A_18 = arith.constant 512 : i32
    %scan3A_19 = arith.addi %scan3A, %scan3A_18 : i32
    %scan3A_20 = arith.constant 1 : i32
    %scan3A_21:5 = scf.for %scan3A_31 = %scan3A to %scan3A_19 step %scan3A_20 iter_args(%scan3A_32 = %broadcast_in_dim3A_9, %scan3A_33 = %broadcast_in_dim3A_11, %scan3A_34 = %broadcast_in_dim3A_13, %scan3A_35 = %broadcast_in_dim3A_15, %scan3A_36 = %broadcast_in_dim3A_17) -> (vector<4x1024xf32>, vector<4x1xi32>, vector<4x512xf32>, vector<4x512xf32>, vector<4x512xf32>)  : i32 {
      %eq3A = vector.broadcast %scan3A_33 : vector<4x1xi32> to vector<4x1024xi32>
      %eq3A_37 = arith.cmpi eq, %iota3A, %eq3A : vector<4x1024xi32>
      %jit3A = arith.constant 0.000000e+00 : f32
      %broadcast_in_dim3A_38 = vector.broadcast %jit3A : f32 to vector<4x1024xf32>
      %select_n3A = arith.select %eq3A_37, %get3A_1, %broadcast_in_dim3A_38 : vector<4x1024xi1>, vector<4x1024xf32>
      %reduce_sum3A = arith.constant dense<0.000000e+00> : vector<4xf32>
      %reduce_sum3A_39 = vector.multi_reduction <add>, %select_n3A, %reduce_sum3A [1] : vector<4x1024xf32> to vector<4xf32>
      %broadcast_in_dim3A_40 = vector.shape_cast %reduce_sum3A_39 : vector<4xf32> to vector<4x1xf32>
      %jit3A_41 = arith.constant 0.000000e+00 : f32
      %broadcast_in_dim3A_42 = vector.broadcast %jit3A_41 : f32 to vector<4x1024xf32>
      %select_n3A_43 = arith.select %eq3A_37, %get3A_4, %broadcast_in_dim3A_42 : vector<4x1024xi1>, vector<4x1024xf32>
      %reduce_sum3A_44 = arith.constant dense<0.000000e+00> : vector<4xf32>
      %reduce_sum3A_45 = vector.multi_reduction <add>, %select_n3A_43, %reduce_sum3A_44 [1] : vector<4x1024xf32> to vector<4xf32>
      %broadcast_in_dim3A_46 = vector.shape_cast %reduce_sum3A_45 : vector<4xf32> to vector<4x1xf32>
      %jit3A_47 = arith.constant 0.000000e+00 : f32
      %broadcast_in_dim3A_48 = vector.broadcast %jit3A_47 : f32 to vector<4x1024xf32>
      %select_n3A_49 = arith.select %eq3A_37, %get3A_7, %broadcast_in_dim3A_48 : vector<4x1024xi1>, vector<4x1024xf32>
      %reduce_sum3A_50 = arith.constant dense<0.000000e+00> : vector<4xf32>
      %reduce_sum3A_51 = vector.multi_reduction <add>, %select_n3A_49, %reduce_sum3A_50 [1] : vector<4x1024xf32> to vector<4xf32>
      %broadcast_in_dim3A_52 = vector.shape_cast %reduce_sum3A_51 : vector<4xf32> to vector<4x1xf32>
      %eq3A_53 = vector.broadcast %scan3A_31 : i32 to vector<4x512xi32>
      %eq3A_54 = arith.cmpi eq, %iota3A_8, %eq3A_53 : vector<4x512xi32>
      %broadcast_in_dim3A_55 = vector.shape_cast %broadcast_in_dim3A_40 : vector<4x1xf32> to vector<4x1xf32>
      %broadcast_in_dim3A_56 = vector.broadcast %broadcast_in_dim3A_55 : vector<4x1xf32> to vector<4x512xf32>
      %select_n3A_57 = arith.select %eq3A_54, %broadcast_in_dim3A_56, %scan3A_34 : vector<4x512xi1>, vector<4x512xf32>
      %broadcast_in_dim3A_58 = vector.shape_cast %broadcast_in_dim3A_46 : vector<4x1xf32> to vector<4x1xf32>
      %broadcast_in_dim3A_59 = vector.broadcast %broadcast_in_dim3A_58 : vector<4x1xf32> to vector<4x512xf32>
      %select_n3A_60 = arith.select %eq3A_54, %broadcast_in_dim3A_59, %scan3A_35 : vector<4x512xi1>, vector<4x512xf32>
      %broadcast_in_dim3A_61 = vector.shape_cast %broadcast_in_dim3A_52 : vector<4x1xf32> to vector<4x1xf32>
      %broadcast_in_dim3A_62 = vector.broadcast %broadcast_in_dim3A_61 : vector<4x1xf32> to vector<4x512xf32>
      %select_n3A_63 = arith.select %eq3A_54, %broadcast_in_dim3A_62, %scan3A_36 : vector<4x512xi1>, vector<4x512xf32>
      %sub3A = vector.broadcast %broadcast_in_dim3A_40 : vector<4x1xf32> to vector<4x1024xf32>
      %sub3A_64 = arith.subf %get3A_1, %sub3A : vector<4x1024xf32>
      %sub3A_65 = vector.broadcast %broadcast_in_dim3A_46 : vector<4x1xf32> to vector<4x1024xf32>
      %sub3A_66 = arith.subf %get3A_4, %sub3A_65 : vector<4x1024xf32>
      %sub3A_67 = vector.broadcast %broadcast_in_dim3A_52 : vector<4x1xf32> to vector<4x1024xf32>
      %sub3A_68 = arith.subf %get3A_7, %sub3A_67 : vector<4x1024xf32>
      %mul3A = arith.mulf %sub3A_64, %sub3A_64 : vector<4x1024xf32>
      %mul3A_69 = arith.mulf %sub3A_66, %sub3A_66 : vector<4x1024xf32>
      %add3A = arith.addf %mul3A, %mul3A_69 : vector<4x1024xf32>
      %mul3A_70 = arith.mulf %sub3A_68, %sub3A_68 : vector<4x1024xf32>
      %add3A_71 = arith.addf %add3A, %mul3A_70 : vector<4x1024xf32>
      %min3A = arith.minimumf %scan3A_32, %add3A_71 : vector<4x1024xf32>
      %reduce_max3A = arith.constant dense<0xFF800000> : vector<4xf32>
      %reduce_max3A_72 = vector.multi_reduction <maximumf>, %min3A, %reduce_max3A [1] : vector<4x1024xf32> to vector<4xf32>
      %broadcast_in_dim3A_73 = vector.shape_cast %reduce_max3A_72 : vector<4xf32> to vector<4x1xf32>
      %eq3A_74 = vector.broadcast %broadcast_in_dim3A_73 : vector<4x1xf32> to vector<4x1024xf32>
      %eq3A_75 = arith.cmpf oeq, %min3A, %eq3A_74 : vector<4x1024xf32>
      %jit3A_76 = arith.constant 1024 : i32
      %broadcast_in_dim3A_77 = vector.broadcast %jit3A_76 : i32 to vector<4x1024xi32>
      %select_n3A_78 = arith.select %eq3A_75, %iota3A, %broadcast_in_dim3A_77 : vector<4x1024xi1>, vector<4x1024xi32>
      %reduce_min3A = arith.constant dense<2147483647> : vector<4xi32>
      %reduce_min3A_79 = vector.multi_reduction <minsi>, %select_n3A_78, %reduce_min3A [1] : vector<4x1024xi32> to vector<4xi32>
      %broadcast_in_dim3A_80 = vector.shape_cast %reduce_min3A_79 : vector<4xi32> to vector<4x1xi32>
      scf.yield %min3A, %broadcast_in_dim3A_80, %select_n3A_57, %select_n3A_60, %select_n3A_63 : vector<4x1024xf32>, vector<4x1xi32>, vector<4x512xf32>, vector<4x512xf32>, vector<4x512xf32>
    }
    %scan3A_22 = arith.constant 512 : i32
    %swap3A = arith.constant 0 : index
    %swap3A_23 = arith.constant 0 : index
    %swap3A_24 = vector.load %arg3[%swap3A, %swap3A_23] : memref<4x512xf32, #tpu.memory_space<vmem>>, vector<4x512xf32>
    tpu.vector_store %arg3[%swap3A, %swap3A_23], %scan3A_21#2 {strides = array<i32>} : memref<4x512xf32, #tpu.memory_space<vmem>>, vector<4x512xf32>,
    %swap3A_25 = arith.constant 0 : index
    %swap3A_26 = arith.constant 0 : index
    %swap3A_27 = vector.load %arg4[%swap3A_25, %swap3A_26] : memref<4x512xf32, #tpu.memory_space<vmem>>, vector<4x512xf32>
    tpu.vector_store %arg4[%swap3A_25, %swap3A_26], %scan3A_21#3 {strides = array<i32>} : memref<4x512xf32, #tpu.memory_space<vmem>>, vector<4x512xf32>,
    %swap3A_28 = arith.constant 0 : index
    %swap3A_29 = arith.constant 0 : index
    %swap3A_30 = vector.load %arg5[%swap3A_28, %swap3A_29] : memref<4x512xf32, #tpu.memory_space<vmem>>, vector<4x512xf32>
    tpu.vector_store %arg5[%swap3A_28, %swap3A_29], %scan3A_21#4 {strides = array<i32>} : memref<4x512xf32, #tpu.memory_space<vmem>>, vector<4x512xf32>,
    return
  }
}

module attributes {stable_mosaic.version = 14 : i64} {
  func.func @_mask_body(%arg0: i32, %arg1: memref<1x512x3xf32, #tpu.memory_space<vmem>>, %arg2: memref<1x3x1024xf32, #tpu.memory_space<vmem>>, %arg3: memref<1x512x1024xi32, #tpu.memory_space<vmem>>) attributes {dimension_semantics = [#tpu.dimension_semantics<arbitrary>], iteration_bounds = array<i64: 4>, scalar_prefetch = 0 : i64, scratch_operands = 0 : i64, tpu.core_type = #tpu.core_type<tc>, window_params = [{transform_indices = @transform_0, window_bounds = array<i64: 1, 512, 3>}, {transform_indices = @transform_1, window_bounds = array<i64: 1, 3, 1024>}, {transform_indices = @transform_2, window_bounds = array<i64: 1, 512, 1024>}]} {
    %get3A = arith.constant 0 : index
    %get3A_0 = arith.constant 0 : index
    %get3A_1 = arith.constant 0 : index
    %get3A_2 = vector.load %arg1[%get3A, %get3A_0, %get3A_1] : memref<1x512x3xf32, #tpu.memory_space<vmem>>, vector<1x512x3xf32>
    %get3A_3 = vector.shape_cast %get3A_2 : vector<1x512x3xf32> to vector<512x3xf32>
    %get3A_4 = arith.constant 0 : index
    %get3A_5 = arith.constant 0 : index
    %get3A_6 = arith.constant 0 : index
    %get3A_7 = vector.load %arg2[%get3A_4, %get3A_5, %get3A_6] : memref<1x3x1024xf32, #tpu.memory_space<vmem>>, vector<1x3x1024xf32>
    %get3A_8 = vector.shape_cast %get3A_7 : vector<1x3x1024xf32> to vector<3x1024xf32>
    %mul3A = arith.mulf %get3A_8, %get3A_8 : vector<3x1024xf32>
    %reduce_sum3A = arith.constant dense<0.000000e+00> : vector<1024xf32>
    %reduce_sum3A_9 = vector.multi_reduction <add>, %mul3A, %reduce_sum3A [0] : vector<3x1024xf32> to vector<1024xf32>
    %broadcast_in_dim3A = vector.shape_cast %reduce_sum3A_9 : vector<1024xf32> to vector<1x1024xf32>
    %mul3A_10 = arith.mulf %get3A_3, %get3A_3 : vector<512x3xf32>
    %reduce_sum3A_11 = arith.constant dense<0.000000e+00> : vector<512xf32>
    %reduce_sum3A_12 = vector.multi_reduction <add>, %mul3A_10, %reduce_sum3A_11 [1] : vector<512x3xf32> to vector<512xf32>
    %broadcast_in_dim3A_13 = vector.shape_cast %reduce_sum3A_12 : vector<512xf32> to vector<512x1xf32>
    %add3A = vector.broadcast %broadcast_in_dim3A_13 : vector<512x1xf32> to vector<512x1024xf32>
    %add3A_14 = vector.broadcast %broadcast_in_dim3A : vector<1x1024xf32> to vector<512x1024xf32>
    %add3A_15 = arith.addf %add3A, %add3A_14 : vector<512x1024xf32>
    %dot_general3A = arith.constant dense<0.000000e+00> : vector<512x1024xf32>
    %dot_general3A_16 = tpu.matmul %get3A_3, %get3A_8, %dot_general3A {dimension_numbers = #tpu.dot_dimension_numbers<[1], [0], [0], [1], [0, 0, 1, 1], [], []>, transpose_lhs_hint = false} : vector<512x3xf32>, vector<3x1024xf32>, vector<512x1024xf32> -> vector<512x1024xf32>
    %mul3A_17 = arith.constant 2.000000e+00 : f32
    %mul3A_18 = vector.broadcast %mul3A_17 : f32 to vector<512x1024xf32>
    %mul3A_19 = arith.mulf %mul3A_18, %dot_general3A_16 : vector<512x1024xf32>
    %sub3A = arith.subf %add3A_15, %mul3A_19 : vector<512x1024xf32>
    %broadcast_in_dim3A_20 = arith.constant 0 : i32
    %broadcast_in_dim3A_21 = vector.broadcast %broadcast_in_dim3A_20 : i32 to vector<512x1024xi32>
    %le3A = arith.constant 0.00999999977 : f32
    %le3A_22 = vector.broadcast %le3A : f32 to vector<512x1024xf32>
    %le3A_23 = arith.cmpf ole, %sub3A, %le3A_22 : vector<512x1024xf32>
    %jit3A = arith.constant 1 : i32
    %jit3A_24 = arith.constant 0 : i32
    %broadcast_in_dim3A_25 = vector.broadcast %jit3A : i32 to vector<512x1024xi32>
    %broadcast_in_dim3A_26 = vector.broadcast %jit3A_24 : i32 to vector<512x1024xi32>
    %select_n3A = arith.select %le3A_23, %broadcast_in_dim3A_25, %broadcast_in_dim3A_26 : vector<512x1024xi1>, vector<512x1024xi32>
    %add3A_27 = arith.addi %broadcast_in_dim3A_21, %select_n3A : vector<512x1024xi32>
    %le3A_28 = arith.constant 4.000000e-02 : f32
    %le3A_29 = vector.broadcast %le3A_28 : f32 to vector<512x1024xf32>
    %le3A_30 = arith.cmpf ole, %sub3A, %le3A_29 : vector<512x1024xf32>
    %jit3A_31 = arith.constant 2 : i32
    %jit3A_32 = arith.constant 0 : i32
    %broadcast_in_dim3A_33 = vector.broadcast %jit3A_31 : i32 to vector<512x1024xi32>
    %broadcast_in_dim3A_34 = vector.broadcast %jit3A_32 : i32 to vector<512x1024xi32>
    %select_n3A_35 = arith.select %le3A_30, %broadcast_in_dim3A_33, %broadcast_in_dim3A_34 : vector<512x1024xi1>, vector<512x1024xi32>
    %add3A_36 = arith.addi %add3A_27, %select_n3A_35 : vector<512x1024xi32>
    %le3A_37 = arith.constant 1.600000e-01 : f32
    %le3A_38 = vector.broadcast %le3A_37 : f32 to vector<512x1024xf32>
    %le3A_39 = arith.cmpf ole, %sub3A, %le3A_38 : vector<512x1024xf32>
    %jit3A_40 = arith.constant 4 : i32
    %jit3A_41 = arith.constant 0 : i32
    %broadcast_in_dim3A_42 = vector.broadcast %jit3A_40 : i32 to vector<512x1024xi32>
    %broadcast_in_dim3A_43 = vector.broadcast %jit3A_41 : i32 to vector<512x1024xi32>
    %select_n3A_44 = arith.select %le3A_39, %broadcast_in_dim3A_42, %broadcast_in_dim3A_43 : vector<512x1024xi1>, vector<512x1024xi32>
    %add3A_45 = arith.addi %add3A_36, %select_n3A_44 : vector<512x1024xi32>
    %swap3A = arith.constant 0 : index
    %swap3A_46 = arith.constant 0 : index
    %swap3A_47 = arith.constant 0 : index
    %swap3A_48 = vector.load %arg3[%swap3A, %swap3A_46, %swap3A_47] : memref<1x512x1024xi32, #tpu.memory_space<vmem>>, vector<1x512x1024xi32>
    %swap3A_49 = vector.shape_cast %swap3A_48 : vector<1x512x1024xi32> to vector<512x1024xi32>
    %swap3A_50 = vector.shape_cast %add3A_45 : vector<512x1024xi32> to vector<1x512x1024xi32>
    tpu.vector_store %arg3[%swap3A, %swap3A_46, %swap3A_47], %swap3A_50 {strides = array<i32>} : memref<1x512x1024xi32, #tpu.memory_space<vmem>>, vector<1x512x1024xi32>,
    return
  }
  func.func @transform_0(%arg0: i32) -> (i32, i32, i32) {
    %c0_i32 = arith.constant 0 : i32
    %c0_i32_0 = arith.constant 0 : i32
    %c0_i32_1 = arith.constant 0 : i32
    return %arg0, %c0_i32, %c0_i32_0 : i32, i32, i32
  }
  func.func @transform_1(%arg0: i32) -> (i32, i32, i32) {
    %c0_i32 = arith.constant 0 : i32
    %c0_i32_0 = arith.constant 0 : i32
    %c0_i32_1 = arith.constant 0 : i32
    return %arg0, %c0_i32, %c0_i32_0 : i32, i32, i32
  }
  func.func @transform_2(%arg0: i32) -> (i32, i32, i32) {
    %c0_i32 = arith.constant 0 : i32
    %c0_i32_0 = arith.constant 0 : i32
    %c0_i32_1 = arith.constant 0 : i32
    return %arg0, %c0_i32, %c0_i32_0 : i32, i32, i32
  }
}

module attributes {stable_mosaic.version = 14 : i64} {
  func.func @_table_body(%arg0: memref<4096x3xf32, #tpu.memory_space<vmem>>, %arg1: memref<3x128xf32, #tpu.memory_space<vmem>>, %arg2: memref<1x128xf32, #tpu.memory_space<vmem>>, %arg3: memref<3x128xf32, #tpu.memory_space<vmem>>, %arg4: memref<1x128xf32, #tpu.memory_space<vmem>>, %arg5: memref<3x128xf32, #tpu.memory_space<vmem>>, %arg6: memref<1x128xf32, #tpu.memory_space<vmem>>, %arg7: memref<4096x128xf32, #tpu.memory_space<vmem>>, %arg8: memref<4096x128xf32, #tpu.memory_space<vmem>>, %arg9: memref<4096x128xf32, #tpu.memory_space<vmem>>) attributes {dimension_semantics = [], scalar_prefetch = 0 : i64, scratch_operands = 0 : i64, tpu.core_type = #tpu.core_type<tc>} {
    %get3A = arith.constant 0 : index
    %get3A_0 = arith.constant 0 : index
    %get3A_1 = vector.load %arg0[%get3A, %get3A_0] : memref<4096x3xf32, #tpu.memory_space<vmem>>, vector<4096x3xf32>
    %get3A_2 = arith.constant 0 : index
    %get3A_3 = arith.constant 0 : index
    %get3A_4 = vector.load %arg1[%get3A_2, %get3A_3] : memref<3x128xf32, #tpu.memory_space<vmem>>, vector<3x128xf32>
    %dot_general3A = arith.constant dense<0.000000e+00> : vector<4096x128xf32>
    %dot_general3A_5 = tpu.matmul %get3A_1, %get3A_4, %dot_general3A {dimension_numbers = #tpu.dot_dimension_numbers<[1], [0], [0], [1], [0, 0, 1, 1], [], []>, transpose_lhs_hint = false} : vector<4096x3xf32>, vector<3x128xf32>, vector<4096x128xf32> -> vector<4096x128xf32>
    %get3A_6 = arith.constant 0 : index
    %get3A_7 = arith.constant 0 : index
    %get3A_8 = vector.load %arg2[%get3A_6, %get3A_7] : memref<1x128xf32, #tpu.memory_space<vmem>>, vector<1x128xf32>
    %add3A = vector.broadcast %get3A_8 : vector<1x128xf32> to vector<4096x128xf32>
    %add3A_9 = arith.addf %dot_general3A_5, %add3A : vector<4096x128xf32>
    %swap3A = arith.constant 0 : index
    %swap3A_10 = arith.constant 0 : index
    %swap3A_11 = vector.load %arg7[%swap3A, %swap3A_10] : memref<4096x128xf32, #tpu.memory_space<vmem>>, vector<4096x128xf32>
    tpu.vector_store %arg7[%swap3A, %swap3A_10], %add3A_9 {strides = array<i32>} : memref<4096x128xf32, #tpu.memory_space<vmem>>, vector<4096x128xf32>,
    %get3A_12 = arith.constant 0 : index
    %get3A_13 = arith.constant 0 : index
    %get3A_14 = vector.load %arg3[%get3A_12, %get3A_13] : memref<3x128xf32, #tpu.memory_space<vmem>>, vector<3x128xf32>
    %dot_general3A_15 = arith.constant dense<0.000000e+00> : vector<4096x128xf32>
    %dot_general3A_16 = tpu.matmul %get3A_1, %get3A_14, %dot_general3A_15 {dimension_numbers = #tpu.dot_dimension_numbers<[1], [0], [0], [1], [0, 0, 1, 1], [], []>, transpose_lhs_hint = false} : vector<4096x3xf32>, vector<3x128xf32>, vector<4096x128xf32> -> vector<4096x128xf32>
    %get3A_17 = arith.constant 0 : index
    %get3A_18 = arith.constant 0 : index
    %get3A_19 = vector.load %arg4[%get3A_17, %get3A_18] : memref<1x128xf32, #tpu.memory_space<vmem>>, vector<1x128xf32>
    %add3A_20 = vector.broadcast %get3A_19 : vector<1x128xf32> to vector<4096x128xf32>
    %add3A_21 = arith.addf %dot_general3A_16, %add3A_20 : vector<4096x128xf32>
    %swap3A_22 = arith.constant 0 : index
    %swap3A_23 = arith.constant 0 : index
    %swap3A_24 = vector.load %arg8[%swap3A_22, %swap3A_23] : memref<4096x128xf32, #tpu.memory_space<vmem>>, vector<4096x128xf32>
    tpu.vector_store %arg8[%swap3A_22, %swap3A_23], %add3A_21 {strides = array<i32>} : memref<4096x128xf32, #tpu.memory_space<vmem>>, vector<4096x128xf32>,
    %get3A_25 = arith.constant 0 : index
    %get3A_26 = arith.constant 0 : index
    %get3A_27 = vector.load %arg5[%get3A_25, %get3A_26] : memref<3x128xf32, #tpu.memory_space<vmem>>, vector<3x128xf32>
    %dot_general3A_28 = arith.constant dense<0.000000e+00> : vector<4096x128xf32>
    %dot_general3A_29 = tpu.matmul %get3A_1, %get3A_27, %dot_general3A_28 {dimension_numbers = #tpu.dot_dimension_numbers<[1], [0], [0], [1], [0, 0, 1, 1], [], []>, transpose_lhs_hint = false} : vector<4096x3xf32>, vector<3x128xf32>, vector<4096x128xf32> -> vector<4096x128xf32>
    %get3A_30 = arith.constant 0 : index
    %get3A_31 = arith.constant 0 : index
    %get3A_32 = vector.load %arg6[%get3A_30, %get3A_31] : memref<1x128xf32, #tpu.memory_space<vmem>>, vector<1x128xf32>
    %add3A_33 = vector.broadcast %get3A_32 : vector<1x128xf32> to vector<4096x128xf32>
    %add3A_34 = arith.addf %dot_general3A_29, %add3A_33 : vector<4096x128xf32>
    %swap3A_35 = arith.constant 0 : index
    %swap3A_36 = arith.constant 0 : index
    %swap3A_37 = vector.load %arg9[%swap3A_35, %swap3A_36] : memref<4096x128xf32, #tpu.memory_space<vmem>>, vector<4096x128xf32>
    tpu.vector_store %arg9[%swap3A_35, %swap3A_36], %add3A_34 {strides = array<i32>} : memref<4096x128xf32, #tpu.memory_space<vmem>>, vector<4096x128xf32>,
    return
  }
}

module attributes {stable_mosaic.version = 14 : i64} {
  func.func @_fps_body(%arg0: memref<4x512xf32, #tpu.memory_space<vmem>>, %arg1: memref<4x512xf32, #tpu.memory_space<vmem>>, %arg2: memref<4x512xf32, #tpu.memory_space<vmem>>, %arg3: memref<4x128xf32, #tpu.memory_space<vmem>>, %arg4: memref<4x128xf32, #tpu.memory_space<vmem>>, %arg5: memref<4x128xf32, #tpu.memory_space<vmem>>) attributes {dimension_semantics = [], scalar_prefetch = 0 : i64, scratch_operands = 0 : i64, tpu.core_type = #tpu.core_type<tc>} {
    %get3A = arith.constant 0 : index
    %get3A_0 = arith.constant 0 : index
    %get3A_1 = vector.load %arg0[%get3A, %get3A_0] : memref<4x512xf32, #tpu.memory_space<vmem>>, vector<4x512xf32>
    %get3A_2 = arith.constant 0 : index
    %get3A_3 = arith.constant 0 : index
    %get3A_4 = vector.load %arg1[%get3A_2, %get3A_3] : memref<4x512xf32, #tpu.memory_space<vmem>>, vector<4x512xf32>
    %get3A_5 = arith.constant 0 : index
    %get3A_6 = arith.constant 0 : index
    %get3A_7 = vector.load %arg2[%get3A_5, %get3A_6] : memref<4x512xf32, #tpu.memory_space<vmem>>, vector<4x512xf32>
    %iota3A = tpu.iota {dimensions = array<i32: 1>} : vector<4x512xi32>
    %iota3A_8 = tpu.iota {dimensions = array<i32: 1>} : vector<4x128xi32>
    %broadcast_in_dim3A = arith.constant 1.000000e+10 : f32
    %broadcast_in_dim3A_9 = vector.broadcast %broadcast_in_dim3A : f32 to vector<4x512xf32>
    %broadcast_in_dim3A_10 = arith.constant 0 : i32
    %broadcast_in_dim3A_11 = vector.broadcast %broadcast_in_dim3A_10 : i32 to vector<4x1xi32>
    %broadcast_in_dim3A_12 = arith.constant 0.000000e+00 : f32
    %broadcast_in_dim3A_13 = vector.broadcast %broadcast_in_dim3A_12 : f32 to vector<4x128xf32>
    %broadcast_in_dim3A_14 = arith.constant 0.000000e+00 : f32
    %broadcast_in_dim3A_15 = vector.broadcast %broadcast_in_dim3A_14 : f32 to vector<4x128xf32>
    %broadcast_in_dim3A_16 = arith.constant 0.000000e+00 : f32
    %broadcast_in_dim3A_17 = vector.broadcast %broadcast_in_dim3A_16 : f32 to vector<4x128xf32>
    %scan3A = arith.constant 0 : i32
    %scan3A_18 = arith.constant 128 : i32
    %scan3A_19 = arith.addi %scan3A, %scan3A_18 : i32
    %scan3A_20 = arith.constant 1 : i32
    %scan3A_21:5 = scf.for %scan3A_31 = %scan3A to %scan3A_19 step %scan3A_20 iter_args(%scan3A_32 = %broadcast_in_dim3A_9, %scan3A_33 = %broadcast_in_dim3A_11, %scan3A_34 = %broadcast_in_dim3A_13, %scan3A_35 = %broadcast_in_dim3A_15, %scan3A_36 = %broadcast_in_dim3A_17) -> (vector<4x512xf32>, vector<4x1xi32>, vector<4x128xf32>, vector<4x128xf32>, vector<4x128xf32>)  : i32 {
      %eq3A = vector.broadcast %scan3A_33 : vector<4x1xi32> to vector<4x512xi32>
      %eq3A_37 = arith.cmpi eq, %iota3A, %eq3A : vector<4x512xi32>
      %jit3A = arith.constant 0.000000e+00 : f32
      %broadcast_in_dim3A_38 = vector.broadcast %jit3A : f32 to vector<4x512xf32>
      %select_n3A = arith.select %eq3A_37, %get3A_1, %broadcast_in_dim3A_38 : vector<4x512xi1>, vector<4x512xf32>
      %reduce_sum3A = arith.constant dense<0.000000e+00> : vector<4xf32>
      %reduce_sum3A_39 = vector.multi_reduction <add>, %select_n3A, %reduce_sum3A [1] : vector<4x512xf32> to vector<4xf32>
      %broadcast_in_dim3A_40 = vector.shape_cast %reduce_sum3A_39 : vector<4xf32> to vector<4x1xf32>
      %jit3A_41 = arith.constant 0.000000e+00 : f32
      %broadcast_in_dim3A_42 = vector.broadcast %jit3A_41 : f32 to vector<4x512xf32>
      %select_n3A_43 = arith.select %eq3A_37, %get3A_4, %broadcast_in_dim3A_42 : vector<4x512xi1>, vector<4x512xf32>
      %reduce_sum3A_44 = arith.constant dense<0.000000e+00> : vector<4xf32>
      %reduce_sum3A_45 = vector.multi_reduction <add>, %select_n3A_43, %reduce_sum3A_44 [1] : vector<4x512xf32> to vector<4xf32>
      %broadcast_in_dim3A_46 = vector.shape_cast %reduce_sum3A_45 : vector<4xf32> to vector<4x1xf32>
      %jit3A_47 = arith.constant 0.000000e+00 : f32
      %broadcast_in_dim3A_48 = vector.broadcast %jit3A_47 : f32 to vector<4x512xf32>
      %select_n3A_49 = arith.select %eq3A_37, %get3A_7, %broadcast_in_dim3A_48 : vector<4x512xi1>, vector<4x512xf32>
      %reduce_sum3A_50 = arith.constant dense<0.000000e+00> : vector<4xf32>
      %reduce_sum3A_51 = vector.multi_reduction <add>, %select_n3A_49, %reduce_sum3A_50 [1] : vector<4x512xf32> to vector<4xf32>
      %broadcast_in_dim3A_52 = vector.shape_cast %reduce_sum3A_51 : vector<4xf32> to vector<4x1xf32>
      %eq3A_53 = vector.broadcast %scan3A_31 : i32 to vector<4x128xi32>
      %eq3A_54 = arith.cmpi eq, %iota3A_8, %eq3A_53 : vector<4x128xi32>
      %broadcast_in_dim3A_55 = vector.shape_cast %broadcast_in_dim3A_40 : vector<4x1xf32> to vector<4x1xf32>
      %broadcast_in_dim3A_56 = vector.broadcast %broadcast_in_dim3A_55 : vector<4x1xf32> to vector<4x128xf32>
      %select_n3A_57 = arith.select %eq3A_54, %broadcast_in_dim3A_56, %scan3A_34 : vector<4x128xi1>, vector<4x128xf32>
      %broadcast_in_dim3A_58 = vector.shape_cast %broadcast_in_dim3A_46 : vector<4x1xf32> to vector<4x1xf32>
      %broadcast_in_dim3A_59 = vector.broadcast %broadcast_in_dim3A_58 : vector<4x1xf32> to vector<4x128xf32>
      %select_n3A_60 = arith.select %eq3A_54, %broadcast_in_dim3A_59, %scan3A_35 : vector<4x128xi1>, vector<4x128xf32>
      %broadcast_in_dim3A_61 = vector.shape_cast %broadcast_in_dim3A_52 : vector<4x1xf32> to vector<4x1xf32>
      %broadcast_in_dim3A_62 = vector.broadcast %broadcast_in_dim3A_61 : vector<4x1xf32> to vector<4x128xf32>
      %select_n3A_63 = arith.select %eq3A_54, %broadcast_in_dim3A_62, %scan3A_36 : vector<4x128xi1>, vector<4x128xf32>
      %sub3A = vector.broadcast %broadcast_in_dim3A_40 : vector<4x1xf32> to vector<4x512xf32>
      %sub3A_64 = arith.subf %get3A_1, %sub3A : vector<4x512xf32>
      %sub3A_65 = vector.broadcast %broadcast_in_dim3A_46 : vector<4x1xf32> to vector<4x512xf32>
      %sub3A_66 = arith.subf %get3A_4, %sub3A_65 : vector<4x512xf32>
      %sub3A_67 = vector.broadcast %broadcast_in_dim3A_52 : vector<4x1xf32> to vector<4x512xf32>
      %sub3A_68 = arith.subf %get3A_7, %sub3A_67 : vector<4x512xf32>
      %mul3A = arith.mulf %sub3A_64, %sub3A_64 : vector<4x512xf32>
      %mul3A_69 = arith.mulf %sub3A_66, %sub3A_66 : vector<4x512xf32>
      %add3A = arith.addf %mul3A, %mul3A_69 : vector<4x512xf32>
      %mul3A_70 = arith.mulf %sub3A_68, %sub3A_68 : vector<4x512xf32>
      %add3A_71 = arith.addf %add3A, %mul3A_70 : vector<4x512xf32>
      %min3A = arith.minimumf %scan3A_32, %add3A_71 : vector<4x512xf32>
      %reduce_max3A = arith.constant dense<0xFF800000> : vector<4xf32>
      %reduce_max3A_72 = vector.multi_reduction <maximumf>, %min3A, %reduce_max3A [1] : vector<4x512xf32> to vector<4xf32>
      %broadcast_in_dim3A_73 = vector.shape_cast %reduce_max3A_72 : vector<4xf32> to vector<4x1xf32>
      %eq3A_74 = vector.broadcast %broadcast_in_dim3A_73 : vector<4x1xf32> to vector<4x512xf32>
      %eq3A_75 = arith.cmpf oeq, %min3A, %eq3A_74 : vector<4x512xf32>
      %jit3A_76 = arith.constant 512 : i32
      %broadcast_in_dim3A_77 = vector.broadcast %jit3A_76 : i32 to vector<4x512xi32>
      %select_n3A_78 = arith.select %eq3A_75, %iota3A, %broadcast_in_dim3A_77 : vector<4x512xi1>, vector<4x512xi32>
      %reduce_min3A = arith.constant dense<2147483647> : vector<4xi32>
      %reduce_min3A_79 = vector.multi_reduction <minsi>, %select_n3A_78, %reduce_min3A [1] : vector<4x512xi32> to vector<4xi32>
      %broadcast_in_dim3A_80 = vector.shape_cast %reduce_min3A_79 : vector<4xi32> to vector<4x1xi32>
      scf.yield %min3A, %broadcast_in_dim3A_80, %select_n3A_57, %select_n3A_60, %select_n3A_63 : vector<4x512xf32>, vector<4x1xi32>, vector<4x128xf32>, vector<4x128xf32>, vector<4x128xf32>
    }
    %scan3A_22 = arith.constant 128 : i32
    %swap3A = arith.constant 0 : index
    %swap3A_23 = arith.constant 0 : index
    %swap3A_24 = vector.load %arg3[%swap3A, %swap3A_23] : memref<4x128xf32, #tpu.memory_space<vmem>>, vector<4x128xf32>
    tpu.vector_store %arg3[%swap3A, %swap3A_23], %scan3A_21#2 {strides = array<i32>} : memref<4x128xf32, #tpu.memory_space<vmem>>, vector<4x128xf32>,
    %swap3A_25 = arith.constant 0 : index
    %swap3A_26 = arith.constant 0 : index
    %swap3A_27 = vector.load %arg4[%swap3A_25, %swap3A_26] : memref<4x128xf32, #tpu.memory_space<vmem>>, vector<4x128xf32>
    tpu.vector_store %arg4[%swap3A_25, %swap3A_26], %scan3A_21#3 {strides = array<i32>} : memref<4x128xf32, #tpu.memory_space<vmem>>, vector<4x128xf32>,
    %swap3A_28 = arith.constant 0 : index
    %swap3A_29 = arith.constant 0 : index
    %swap3A_30 = vector.load %arg5[%swap3A_28, %swap3A_29] : memref<4x128xf32, #tpu.memory_space<vmem>>, vector<4x128xf32>
    tpu.vector_store %arg5[%swap3A_28, %swap3A_29], %scan3A_21#4 {strides = array<i32>} : memref<4x128xf32, #tpu.memory_space<vmem>>, vector<4x128xf32>,
    return
  }
}

module attributes {stable_mosaic.version = 14 : i64} {
  func.func @_mask_body(%arg0: i32, %arg1: memref<1x128x3xf32, #tpu.memory_space<vmem>>, %arg2: memref<1x3x512xf32, #tpu.memory_space<vmem>>, %arg3: memref<1x128x512xi32, #tpu.memory_space<vmem>>) attributes {dimension_semantics = [#tpu.dimension_semantics<arbitrary>], iteration_bounds = array<i64: 4>, scalar_prefetch = 0 : i64, scratch_operands = 0 : i64, tpu.core_type = #tpu.core_type<tc>, window_params = [{transform_indices = @transform_0, window_bounds = array<i64: 1, 128, 3>}, {transform_indices = @transform_1, window_bounds = array<i64: 1, 3, 512>}, {transform_indices = @transform_2, window_bounds = array<i64: 1, 128, 512>}]} {
    %get3A = arith.constant 0 : index
    %get3A_0 = arith.constant 0 : index
    %get3A_1 = arith.constant 0 : index
    %get3A_2 = vector.load %arg1[%get3A, %get3A_0, %get3A_1] : memref<1x128x3xf32, #tpu.memory_space<vmem>>, vector<1x128x3xf32>
    %get3A_3 = vector.shape_cast %get3A_2 : vector<1x128x3xf32> to vector<128x3xf32>
    %get3A_4 = arith.constant 0 : index
    %get3A_5 = arith.constant 0 : index
    %get3A_6 = arith.constant 0 : index
    %get3A_7 = vector.load %arg2[%get3A_4, %get3A_5, %get3A_6] : memref<1x3x512xf32, #tpu.memory_space<vmem>>, vector<1x3x512xf32>
    %get3A_8 = vector.shape_cast %get3A_7 : vector<1x3x512xf32> to vector<3x512xf32>
    %mul3A = arith.mulf %get3A_8, %get3A_8 : vector<3x512xf32>
    %reduce_sum3A = arith.constant dense<0.000000e+00> : vector<512xf32>
    %reduce_sum3A_9 = vector.multi_reduction <add>, %mul3A, %reduce_sum3A [0] : vector<3x512xf32> to vector<512xf32>
    %broadcast_in_dim3A = vector.shape_cast %reduce_sum3A_9 : vector<512xf32> to vector<1x512xf32>
    %mul3A_10 = arith.mulf %get3A_3, %get3A_3 : vector<128x3xf32>
    %reduce_sum3A_11 = arith.constant dense<0.000000e+00> : vector<128xf32>
    %reduce_sum3A_12 = vector.multi_reduction <add>, %mul3A_10, %reduce_sum3A_11 [1] : vector<128x3xf32> to vector<128xf32>
    %broadcast_in_dim3A_13 = vector.shape_cast %reduce_sum3A_12 : vector<128xf32> to vector<128x1xf32>
    %add3A = vector.broadcast %broadcast_in_dim3A_13 : vector<128x1xf32> to vector<128x512xf32>
    %add3A_14 = vector.broadcast %broadcast_in_dim3A : vector<1x512xf32> to vector<128x512xf32>
    %add3A_15 = arith.addf %add3A, %add3A_14 : vector<128x512xf32>
    %dot_general3A = arith.constant dense<0.000000e+00> : vector<128x512xf32>
    %dot_general3A_16 = tpu.matmul %get3A_3, %get3A_8, %dot_general3A {dimension_numbers = #tpu.dot_dimension_numbers<[1], [0], [0], [1], [0, 0, 1, 1], [], []>, transpose_lhs_hint = false} : vector<128x3xf32>, vector<3x512xf32>, vector<128x512xf32> -> vector<128x512xf32>
    %mul3A_17 = arith.constant 2.000000e+00 : f32
    %mul3A_18 = vector.broadcast %mul3A_17 : f32 to vector<128x512xf32>
    %mul3A_19 = arith.mulf %mul3A_18, %dot_general3A_16 : vector<128x512xf32>
    %sub3A = arith.subf %add3A_15, %mul3A_19 : vector<128x512xf32>
    %broadcast_in_dim3A_20 = arith.constant 0 : i32
    %broadcast_in_dim3A_21 = vector.broadcast %broadcast_in_dim3A_20 : i32 to vector<128x512xi32>
    %le3A = arith.constant 4.000000e-02 : f32
    %le3A_22 = vector.broadcast %le3A : f32 to vector<128x512xf32>
    %le3A_23 = arith.cmpf ole, %sub3A, %le3A_22 : vector<128x512xf32>
    %jit3A = arith.constant 1 : i32
    %jit3A_24 = arith.constant 0 : i32
    %broadcast_in_dim3A_25 = vector.broadcast %jit3A : i32 to vector<128x512xi32>
    %broadcast_in_dim3A_26 = vector.broadcast %jit3A_24 : i32 to vector<128x512xi32>
    %select_n3A = arith.select %le3A_23, %broadcast_in_dim3A_25, %broadcast_in_dim3A_26 : vector<128x512xi1>, vector<128x512xi32>
    %add3A_27 = arith.addi %broadcast_in_dim3A_21, %select_n3A : vector<128x512xi32>
    %le3A_28 = arith.constant 1.600000e-01 : f32
    %le3A_29 = vector.broadcast %le3A_28 : f32 to vector<128x512xf32>
    %le3A_30 = arith.cmpf ole, %sub3A, %le3A_29 : vector<128x512xf32>
    %jit3A_31 = arith.constant 2 : i32
    %jit3A_32 = arith.constant 0 : i32
    %broadcast_in_dim3A_33 = vector.broadcast %jit3A_31 : i32 to vector<128x512xi32>
    %broadcast_in_dim3A_34 = vector.broadcast %jit3A_32 : i32 to vector<128x512xi32>
    %select_n3A_35 = arith.select %le3A_30, %broadcast_in_dim3A_33, %broadcast_in_dim3A_34 : vector<128x512xi1>, vector<128x512xi32>
    %add3A_36 = arith.addi %add3A_27, %select_n3A_35 : vector<128x512xi32>
    %le3A_37 = arith.constant 6.400000e-01 : f32
    %le3A_38 = vector.broadcast %le3A_37 : f32 to vector<128x512xf32>
    %le3A_39 = arith.cmpf ole, %sub3A, %le3A_38 : vector<128x512xf32>
    %jit3A_40 = arith.constant 4 : i32
    %jit3A_41 = arith.constant 0 : i32
    %broadcast_in_dim3A_42 = vector.broadcast %jit3A_40 : i32 to vector<128x512xi32>
    %broadcast_in_dim3A_43 = vector.broadcast %jit3A_41 : i32 to vector<128x512xi32>
    %select_n3A_44 = arith.select %le3A_39, %broadcast_in_dim3A_42, %broadcast_in_dim3A_43 : vector<128x512xi1>, vector<128x512xi32>
    %add3A_45 = arith.addi %add3A_36, %select_n3A_44 : vector<128x512xi32>
    %swap3A = arith.constant 0 : index
    %swap3A_46 = arith.constant 0 : index
    %swap3A_47 = arith.constant 0 : index
    %swap3A_48 = vector.load %arg3[%swap3A, %swap3A_46, %swap3A_47] : memref<1x128x512xi32, #tpu.memory_space<vmem>>, vector<1x128x512xi32>
    %swap3A_49 = vector.shape_cast %swap3A_48 : vector<1x128x512xi32> to vector<128x512xi32>
    %swap3A_50 = vector.shape_cast %add3A_45 : vector<128x512xi32> to vector<1x128x512xi32>
    tpu.vector_store %arg3[%swap3A, %swap3A_46, %swap3A_47], %swap3A_50 {strides = array<i32>} : memref<1x128x512xi32, #tpu.memory_space<vmem>>, vector<1x128x512xi32>,
    return
  }
  func.func @transform_0(%arg0: i32) -> (i32, i32, i32) {
    %c0_i32 = arith.constant 0 : i32
    %c0_i32_0 = arith.constant 0 : i32
    %c0_i32_1 = arith.constant 0 : i32
    return %arg0, %c0_i32, %c0_i32_0 : i32, i32, i32
  }
  func.func @transform_1(%arg0: i32) -> (i32, i32, i32) {
    %c0_i32 = arith.constant 0 : i32
    %c0_i32_0 = arith.constant 0 : i32
    %c0_i32_1 = arith.constant 0 : i32
    return %arg0, %c0_i32, %c0_i32_0 : i32, i32, i32
  }
  func.func @transform_2(%arg0: i32) -> (i32, i32, i32) {
    %c0_i32 = arith.constant 0 : i32
    %c0_i32_0 = arith.constant 0 : i32
    %c0_i32_1 = arith.constant 0 : i32
    return %arg0, %c0_i32, %c0_i32_0 : i32, i32, i32
  }
}

module attributes {stable_mosaic.version = 14 : i64} {
  func.func @_branch_body(%arg0: i32, %arg1: memref<4096x128xf32, #tpu.memory_space<vmem>>, %arg2: memref<128x3xf32, #tpu.memory_space<vmem>>, %arg3: memref<3x128xf32, #tpu.memory_space<vmem>>, %arg4: memref<128x64xf32, #tpu.memory_space<vmem>>, %arg5: memref<1x64xf32, #tpu.memory_space<vmem>>, %arg6: memref<64x128xf32, #tpu.memory_space<vmem>>, %arg7: memref<1x128xf32, #tpu.memory_space<vmem>>, %arg8: memref<128x128xf32, #tpu.memory_space<vmem>>) attributes {dimension_semantics = [#tpu.dimension_semantics<arbitrary>], iteration_bounds = array<i64: 16>, scalar_prefetch = 0 : i64, scratch_operands = 0 : i64, tpu.core_type = #tpu.core_type<tc>, window_params = [{transform_indices = @transform_0, window_bounds = array<i64: 4096, 128>}, {transform_indices = @transform_1, window_bounds = array<i64: 128, 3>}, {pipeline_mode = #tpu.pipeline_mode<synchronous>, transform_indices = @transform_2, window_bounds = array<i64: 3, 128>}, {pipeline_mode = #tpu.pipeline_mode<synchronous>, transform_indices = @transform_3, window_bounds = array<i64: 128, 64>}, {pipeline_mode = #tpu.pipeline_mode<synchronous>, transform_indices = @transform_4, window_bounds = array<i64: 1, 64>}, {pipeline_mode = #tpu.pipeline_mode<synchronous>, transform_indices = @transform_5, window_bounds = array<i64: 64, 128>}, {pipeline_mode = #tpu.pipeline_mode<synchronous>, transform_indices = @transform_6, window_bounds = array<i64: 1, 128>}, {transform_indices = @transform_7, window_bounds = array<i64: 128, 128>}]} {
    %get3A = arith.constant 0 : index
    %get3A_0 = arith.constant 0 : index
    %get3A_1 = vector.load %arg2[%get3A, %get3A_0] : memref<128x3xf32, #tpu.memory_space<vmem>>, vector<128x3xf32>
    %get3A_2 = arith.constant 0 : index
    %get3A_3 = arith.constant 0 : index
    %get3A_4 = vector.load %arg3[%get3A_2, %get3A_3] : memref<3x128xf32, #tpu.memory_space<vmem>>, vector<3x128xf32>
    %dot_general3A = arith.constant dense<0.000000e+00> : vector<128x128xf32>
    %dot_general3A_5 = tpu.matmul %get3A_1, %get3A_4, %dot_general3A {dimension_numbers = #tpu.dot_dimension_numbers<[1], [0], [0], [1], [0, 0, 1, 1], [], []>, transpose_lhs_hint = false} : vector<128x3xf32>, vector<3x128xf32>, vector<128x128xf32> -> vector<128x128xf32>
    %get3A_6 = arith.constant 0 : index
    %get3A_7 = arith.constant 0 : index
    %get3A_8 = vector.load %arg1[%get3A_6, %get3A_7] : memref<4096x128xf32, #tpu.memory_space<vmem>>, vector<4096x128xf32>
    %reshape3A = vector.shape_cast %get3A_8 : vector<4096x128xf32> to vector<128x32x128xf32>
    %broadcast_in_dim3A = vector.shape_cast %dot_general3A_5 : vector<128x128xf32> to vector<128x1x128xf32>
    %sub3A = vector.broadcast %broadcast_in_dim3A : vector<128x1x128xf32> to vector<128x32x128xf32>
    %sub3A_9 = arith.subf %reshape3A, %sub3A : vector<128x32x128xf32>
    %max3A = arith.constant 0.000000e+00 : f32
    %max3A_10 = vector.broadcast %max3A : f32 to vector<128x32x128xf32>
    %max3A_11 = arith.maximumf %sub3A_9, %max3A_10 : vector<128x32x128xf32>
    %reshape3A_12 = vector.shape_cast %max3A_11 : vector<128x32x128xf32> to vector<4096x128xf32>
    %get3A_13 = arith.constant 0 : index
    %get3A_14 = arith.constant 0 : index
    %get3A_15 = vector.load %arg4[%get3A_13, %get3A_14] : memref<128x64xf32, #tpu.memory_space<vmem>>, vector<128x64xf32>
    %dot_general3A_16 = arith.constant dense<0.000000e+00> : vector<4096x64xf32>
    %dot_general3A_17 = tpu.matmul %reshape3A_12, %get3A_15, %dot_general3A_16 {dimension_numbers = #tpu.dot_dimension_numbers<[1], [0], [0], [1], [0, 0, 1, 1], [], []>, transpose_lhs_hint = false} : vector<4096x128xf32>, vector<128x64xf32>, vector<4096x64xf32> -> vector<4096x64xf32>
    %get3A_18 = arith.constant 0 : index
    %get3A_19 = arith.constant 0 : index
    %get3A_20 = vector.load %arg5[%get3A_18, %get3A_19] : memref<1x64xf32, #tpu.memory_space<vmem>>, vector<1x64xf32>
    %add3A = vector.broadcast %get3A_20 : vector<1x64xf32> to vector<4096x64xf32>
    %add3A_21 = arith.addf %dot_general3A_17, %add3A : vector<4096x64xf32>
    %max3A_22 = arith.constant 0.000000e+00 : f32
    %max3A_23 = vector.broadcast %max3A_22 : f32 to vector<4096x64xf32>
    %max3A_24 = arith.maximumf %add3A_21, %max3A_23 : vector<4096x64xf32>
    %get3A_25 = arith.constant 0 : index
    %get3A_26 = arith.constant 0 : index
    %get3A_27 = vector.load %arg6[%get3A_25, %get3A_26] : memref<64x128xf32, #tpu.memory_space<vmem>>, vector<64x128xf32>
    %dot_general3A_28 = arith.constant dense<0.000000e+00> : vector<4096x128xf32>
    %dot_general3A_29 = tpu.matmul %max3A_24, %get3A_27, %dot_general3A_28 {dimension_numbers = #tpu.dot_dimension_numbers<[1], [0], [0], [1], [0, 0, 1, 1], [], []>, transpose_lhs_hint = false} : vector<4096x64xf32>, vector<64x128xf32>, vector<4096x128xf32> -> vector<4096x128xf32>
    %get3A_30 = arith.constant 0 : index
    %get3A_31 = arith.constant 0 : index
    %get3A_32 = vector.load %arg7[%get3A_30, %get3A_31] : memref<1x128xf32, #tpu.memory_space<vmem>>, vector<1x128xf32>
    %add3A_33 = vector.broadcast %get3A_32 : vector<1x128xf32> to vector<4096x128xf32>
    %add3A_34 = arith.addf %dot_general3A_29, %add3A_33 : vector<4096x128xf32>
    %max3A_35 = arith.constant 0.000000e+00 : f32
    %max3A_36 = vector.broadcast %max3A_35 : f32 to vector<4096x128xf32>
    %max3A_37 = arith.maximumf %add3A_34, %max3A_36 : vector<4096x128xf32>
    %reshape3A_38 = vector.shape_cast %max3A_37 : vector<4096x128xf32> to vector<128x32x128xf32>
    %reduce_max3A = arith.constant dense<0xFF800000> : vector<128x128xf32>
    %reduce_max3A_39 = vector.multi_reduction <maximumf>, %reshape3A_38, %reduce_max3A [1] : vector<128x32x128xf32> to vector<128x128xf32>
    %swap3A = arith.constant 0 : index
    %swap3A_40 = arith.constant 0 : index
    %swap3A_41 = vector.load %arg8[%swap3A, %swap3A_40] : memref<128x128xf32, #tpu.memory_space<vmem>>, vector<128x128xf32>
    tpu.vector_store %arg8[%swap3A, %swap3A_40], %reduce_max3A_39 {strides = array<i32>} : memref<128x128xf32, #tpu.memory_space<vmem>>, vector<128x128xf32>,
    return
  }
  func.func @transform_0(%arg0: i32) -> (i32, i32) {
    %c0_i32 = arith.constant 0 : i32
    %c0_i32_0 = arith.constant 0 : i32
    return %arg0, %c0_i32 : i32, i32
  }
  func.func @transform_1(%arg0: i32) -> (i32, i32) {
    %c0_i32 = arith.constant 0 : i32
    %c0_i32_0 = arith.constant 0 : i32
    return %arg0, %c0_i32 : i32, i32
  }
  func.func @transform_2(%arg0: i32) -> (i32, i32) {
    %c0_i32 = arith.constant 0 : i32
    %c0_i32_0 = arith.constant 0 : i32
    %c0_i32_1 = arith.constant 0 : i32
    return %c0_i32, %c0_i32_0 : i32, i32
  }
  func.func @transform_3(%arg0: i32) -> (i32, i32) {
    %c0_i32 = arith.constant 0 : i32
    %c0_i32_0 = arith.constant 0 : i32
    %c0_i32_1 = arith.constant 0 : i32
    return %c0_i32, %c0_i32_0 : i32, i32
  }
  func.func @transform_4(%arg0: i32) -> (i32, i32) {
    %c0_i32 = arith.constant 0 : i32
    %c0_i32_0 = arith.constant 0 : i32
    %c0_i32_1 = arith.constant 0 : i32
    return %c0_i32, %c0_i32_0 : i32, i32
  }
  func.func @transform_5(%arg0: i32) -> (i32, i32) {
    %c0_i32 = arith.constant 0 : i32
    %c0_i32_0 = arith.constant 0 : i32
    %c0_i32_1 = arith.constant 0 : i32
    return %c0_i32, %c0_i32_0 : i32, i32
  }
  func.func @transform_6(%arg0: i32) -> (i32, i32) {
    %c0_i32 = arith.constant 0 : i32
    %c0_i32_0 = arith.constant 0 : i32
    %c0_i32_1 = arith.constant 0 : i32
    return %c0_i32, %c0_i32_0 : i32, i32
  }
  func.func @transform_7(%arg0: i32) -> (i32, i32) {
    %c0_i32 = arith.constant 0 : i32
    %c0_i32_0 = arith.constant 0 : i32
    return %arg0, %c0_i32 : i32, i32
  }
}

module attributes {stable_mosaic.version = 14 : i64} {
  func.func @_branch_body(%arg0: i32, %arg1: memref<2048x128xf32, #tpu.memory_space<vmem>>, %arg2: memref<128x3xf32, #tpu.memory_space<vmem>>, %arg3: memref<3x128xf32, #tpu.memory_space<vmem>>, %arg4: memref<128x32xf32, #tpu.memory_space<vmem>>, %arg5: memref<1x32xf32, #tpu.memory_space<vmem>>, %arg6: memref<32x64xf32, #tpu.memory_space<vmem>>, %arg7: memref<1x64xf32, #tpu.memory_space<vmem>>, %arg8: memref<128x64xf32, #tpu.memory_space<vmem>>) attributes {dimension_semantics = [#tpu.dimension_semantics<arbitrary>], iteration_bounds = array<i64: 16>, scalar_prefetch = 0 : i64, scratch_operands = 0 : i64, tpu.core_type = #tpu.core_type<tc>, window_params = [{transform_indices = @transform_0, window_bounds = array<i64: 2048, 128>}, {transform_indices = @transform_1, window_bounds = array<i64: 128, 3>}, {pipeline_mode = #tpu.pipeline_mode<synchronous>, transform_indices = @transform_2, window_bounds = array<i64: 3, 128>}, {pipeline_mode = #tpu.pipeline_mode<synchronous>, transform_indices = @transform_3, window_bounds = array<i64: 128, 32>}, {pipeline_mode = #tpu.pipeline_mode<synchronous>, transform_indices = @transform_4, window_bounds = array<i64: 1, 32>}, {pipeline_mode = #tpu.pipeline_mode<synchronous>, transform_indices = @transform_5, window_bounds = array<i64: 32, 64>}, {pipeline_mode = #tpu.pipeline_mode<synchronous>, transform_indices = @transform_6, window_bounds = array<i64: 1, 64>}, {transform_indices = @transform_7, window_bounds = array<i64: 128, 64>}]} {
    %get3A = arith.constant 0 : index
    %get3A_0 = arith.constant 0 : index
    %get3A_1 = vector.load %arg2[%get3A, %get3A_0] : memref<128x3xf32, #tpu.memory_space<vmem>>, vector<128x3xf32>
    %get3A_2 = arith.constant 0 : index
    %get3A_3 = arith.constant 0 : index
    %get3A_4 = vector.load %arg3[%get3A_2, %get3A_3] : memref<3x128xf32, #tpu.memory_space<vmem>>, vector<3x128xf32>
    %dot_general3A = arith.constant dense<0.000000e+00> : vector<128x128xf32>
    %dot_general3A_5 = tpu.matmul %get3A_1, %get3A_4, %dot_general3A {dimension_numbers = #tpu.dot_dimension_numbers<[1], [0], [0], [1], [0, 0, 1, 1], [], []>, transpose_lhs_hint = false} : vector<128x3xf32>, vector<3x128xf32>, vector<128x128xf32> -> vector<128x128xf32>
    %get3A_6 = arith.constant 0 : index
    %get3A_7 = arith.constant 0 : index
    %get3A_8 = vector.load %arg1[%get3A_6, %get3A_7] : memref<2048x128xf32, #tpu.memory_space<vmem>>, vector<2048x128xf32>
    %reshape3A = vector.shape_cast %get3A_8 : vector<2048x128xf32> to vector<128x16x128xf32>
    %broadcast_in_dim3A = vector.shape_cast %dot_general3A_5 : vector<128x128xf32> to vector<128x1x128xf32>
    %sub3A = vector.broadcast %broadcast_in_dim3A : vector<128x1x128xf32> to vector<128x16x128xf32>
    %sub3A_9 = arith.subf %reshape3A, %sub3A : vector<128x16x128xf32>
    %max3A = arith.constant 0.000000e+00 : f32
    %max3A_10 = vector.broadcast %max3A : f32 to vector<128x16x128xf32>
    %max3A_11 = arith.maximumf %sub3A_9, %max3A_10 : vector<128x16x128xf32>
    %reshape3A_12 = vector.shape_cast %max3A_11 : vector<128x16x128xf32> to vector<2048x128xf32>
    %get3A_13 = arith.constant 0 : index
    %get3A_14 = arith.constant 0 : index
    %get3A_15 = vector.load %arg4[%get3A_13, %get3A_14] : memref<128x32xf32, #tpu.memory_space<vmem>>, vector<128x32xf32>
    %dot_general3A_16 = arith.constant dense<0.000000e+00> : vector<2048x32xf32>
    %dot_general3A_17 = tpu.matmul %reshape3A_12, %get3A_15, %dot_general3A_16 {dimension_numbers = #tpu.dot_dimension_numbers<[1], [0], [0], [1], [0, 0, 1, 1], [], []>, transpose_lhs_hint = false} : vector<2048x128xf32>, vector<128x32xf32>, vector<2048x32xf32> -> vector<2048x32xf32>
    %get3A_18 = arith.constant 0 : index
    %get3A_19 = arith.constant 0 : index
    %get3A_20 = vector.load %arg5[%get3A_18, %get3A_19] : memref<1x32xf32, #tpu.memory_space<vmem>>, vector<1x32xf32>
    %add3A = vector.broadcast %get3A_20 : vector<1x32xf32> to vector<2048x32xf32>
    %add3A_21 = arith.addf %dot_general3A_17, %add3A : vector<2048x32xf32>
    %max3A_22 = arith.constant 0.000000e+00 : f32
    %max3A_23 = vector.broadcast %max3A_22 : f32 to vector<2048x32xf32>
    %max3A_24 = arith.maximumf %add3A_21, %max3A_23 : vector<2048x32xf32>
    %get3A_25 = arith.constant 0 : index
    %get3A_26 = arith.constant 0 : index
    %get3A_27 = vector.load %arg6[%get3A_25, %get3A_26] : memref<32x64xf32, #tpu.memory_space<vmem>>, vector<32x64xf32>
    %dot_general3A_28 = arith.constant dense<0.000000e+00> : vector<2048x64xf32>
    %dot_general3A_29 = tpu.matmul %max3A_24, %get3A_27, %dot_general3A_28 {dimension_numbers = #tpu.dot_dimension_numbers<[1], [0], [0], [1], [0, 0, 1, 1], [], []>, transpose_lhs_hint = false} : vector<2048x32xf32>, vector<32x64xf32>, vector<2048x64xf32> -> vector<2048x64xf32>
    %get3A_30 = arith.constant 0 : index
    %get3A_31 = arith.constant 0 : index
    %get3A_32 = vector.load %arg7[%get3A_30, %get3A_31] : memref<1x64xf32, #tpu.memory_space<vmem>>, vector<1x64xf32>
    %add3A_33 = vector.broadcast %get3A_32 : vector<1x64xf32> to vector<2048x64xf32>
    %add3A_34 = arith.addf %dot_general3A_29, %add3A_33 : vector<2048x64xf32>
    %max3A_35 = arith.constant 0.000000e+00 : f32
    %max3A_36 = vector.broadcast %max3A_35 : f32 to vector<2048x64xf32>
    %max3A_37 = arith.maximumf %add3A_34, %max3A_36 : vector<2048x64xf32>
    %reshape3A_38 = vector.shape_cast %max3A_37 : vector<2048x64xf32> to vector<128x16x64xf32>
    %reduce_max3A = arith.constant dense<0xFF800000> : vector<128x64xf32>
    %reduce_max3A_39 = vector.multi_reduction <maximumf>, %reshape3A_38, %reduce_max3A [1] : vector<128x16x64xf32> to vector<128x64xf32>
    %swap3A = arith.constant 0 : index
    %swap3A_40 = arith.constant 0 : index
    %swap3A_41 = vector.load %arg8[%swap3A, %swap3A_40] : memref<128x64xf32, #tpu.memory_space<vmem>>, vector<128x64xf32>
    tpu.vector_store %arg8[%swap3A, %swap3A_40], %reduce_max3A_39 {strides = array<i32>} : memref<128x64xf32, #tpu.memory_space<vmem>>, vector<128x64xf32>,
    return
  }
  func.func @transform_0(%arg0: i32) -> (i32, i32) {
    %c0_i32 = arith.constant 0 : i32
    %c0_i32_0 = arith.constant 0 : i32
    return %arg0, %c0_i32 : i32, i32
  }
  func.func @transform_1(%arg0: i32) -> (i32, i32) {
    %c0_i32 = arith.constant 0 : i32
    %c0_i32_0 = arith.constant 0 : i32
    return %arg0, %c0_i32 : i32, i32
  }
  func.func @transform_2(%arg0: i32) -> (i32, i32) {
    %c0_i32 = arith.constant 0 : i32
    %c0_i32_0 = arith.constant 0 : i32
    %c0_i32_1 = arith.constant 0 : i32
    return %c0_i32, %c0_i32_0 : i32, i32
  }
  func.func @transform_3(%arg0: i32) -> (i32, i32) {
    %c0_i32 = arith.constant 0 : i32
    %c0_i32_0 = arith.constant 0 : i32
    %c0_i32_1 = arith.constant 0 : i32
    return %c0_i32, %c0_i32_0 : i32, i32
  }
  func.func @transform_4(%arg0: i32) -> (i32, i32) {
    %c0_i32 = arith.constant 0 : i32
    %c0_i32_0 = arith.constant 0 : i32
    %c0_i32_1 = arith.constant 0 : i32
    return %c0_i32, %c0_i32_0 : i32, i32
  }
  func.func @transform_5(%arg0: i32) -> (i32, i32) {
    %c0_i32 = arith.constant 0 : i32
    %c0_i32_0 = arith.constant 0 : i32
    %c0_i32_1 = arith.constant 0 : i32
    return %c0_i32, %c0_i32_0 : i32, i32
  }
  func.func @transform_6(%arg0: i32) -> (i32, i32) {
    %c0_i32 = arith.constant 0 : i32
    %c0_i32_0 = arith.constant 0 : i32
    %c0_i32_1 = arith.constant 0 : i32
    return %c0_i32, %c0_i32_0 : i32, i32
  }
  func.func @transform_7(%arg0: i32) -> (i32, i32) {
    %c0_i32 = arith.constant 0 : i32
    %c0_i32_0 = arith.constant 0 : i32
    return %arg0, %c0_i32 : i32, i32
  }
}

module attributes {stable_mosaic.version = 14 : i64} {
  func.func @_branch_body(%arg0: i32, %arg1: memref<8192x128xf32, #tpu.memory_space<vmem>>, %arg2: memref<64x3xf32, #tpu.memory_space<vmem>>, %arg3: memref<3x128xf32, #tpu.memory_space<vmem>>, %arg4: memref<128x96xf32, #tpu.memory_space<vmem>>, %arg5: memref<1x96xf32, #tpu.memory_space<vmem>>, %arg6: memref<96x128xf32, #tpu.memory_space<vmem>>, %arg7: memref<1x128xf32, #tpu.memory_space<vmem>>, %arg8: memref<64x128xf32, #tpu.memory_space<vmem>>) attributes {dimension_semantics = [#tpu.dimension_semantics<arbitrary>], iteration_bounds = array<i64: 32>, scalar_prefetch = 0 : i64, scratch_operands = 0 : i64, tpu.core_type = #tpu.core_type<tc>, window_params = [{transform_indices = @transform_0, window_bounds = array<i64: 8192, 128>}, {transform_indices = @transform_1, window_bounds = array<i64: 64, 3>}, {pipeline_mode = #tpu.pipeline_mode<synchronous>, transform_indices = @transform_2, window_bounds = array<i64: 3, 128>}, {pipeline_mode = #tpu.pipeline_mode<synchronous>, transform_indices = @transform_3, window_bounds = array<i64: 128, 96>}, {pipeline_mode = #tpu.pipeline_mode<synchronous>, transform_indices = @transform_4, window_bounds = array<i64: 1, 96>}, {pipeline_mode = #tpu.pipeline_mode<synchronous>, transform_indices = @transform_5, window_bounds = array<i64: 96, 128>}, {pipeline_mode = #tpu.pipeline_mode<synchronous>, transform_indices = @transform_6, window_bounds = array<i64: 1, 128>}, {transform_indices = @transform_7, window_bounds = array<i64: 64, 128>}]} {
    %get3A = arith.constant 0 : index
    %get3A_0 = arith.constant 0 : index
    %get3A_1 = vector.load %arg2[%get3A, %get3A_0] : memref<64x3xf32, #tpu.memory_space<vmem>>, vector<64x3xf32>
    %get3A_2 = arith.constant 0 : index
    %get3A_3 = arith.constant 0 : index
    %get3A_4 = vector.load %arg3[%get3A_2, %get3A_3] : memref<3x128xf32, #tpu.memory_space<vmem>>, vector<3x128xf32>
    %dot_general3A = arith.constant dense<0.000000e+00> : vector<64x128xf32>
    %dot_general3A_5 = tpu.matmul %get3A_1, %get3A_4, %dot_general3A {dimension_numbers = #tpu.dot_dimension_numbers<[1], [0], [0], [1], [0, 0, 1, 1], [], []>, transpose_lhs_hint = false} : vector<64x3xf32>, vector<3x128xf32>, vector<64x128xf32> -> vector<64x128xf32>
    %get3A_6 = arith.constant 0 : index
    %get3A_7 = arith.constant 0 : index
    %get3A_8 = vector.load %arg1[%get3A_6, %get3A_7] : memref<8192x128xf32, #tpu.memory_space<vmem>>, vector<8192x128xf32>
    %reshape3A = vector.shape_cast %get3A_8 : vector<8192x128xf32> to vector<64x128x128xf32>
    %broadcast_in_dim3A = vector.shape_cast %dot_general3A_5 : vector<64x128xf32> to vector<64x1x128xf32>
    %sub3A = vector.broadcast %broadcast_in_dim3A : vector<64x1x128xf32> to vector<64x128x128xf32>
    %sub3A_9 = arith.subf %reshape3A, %sub3A : vector<64x128x128xf32>
    %max3A = arith.constant 0.000000e+00 : f32
    %max3A_10 = vector.broadcast %max3A : f32 to vector<64x128x128xf32>
    %max3A_11 = arith.maximumf %sub3A_9, %max3A_10 : vector<64x128x128xf32>
    %reshape3A_12 = vector.shape_cast %max3A_11 : vector<64x128x128xf32> to vector<8192x128xf32>
    %get3A_13 = arith.constant 0 : index
    %get3A_14 = arith.constant 0 : index
    %get3A_15 = vector.load %arg4[%get3A_13, %get3A_14] : memref<128x96xf32, #tpu.memory_space<vmem>>, vector<128x96xf32>
    %dot_general3A_16 = arith.constant dense<0.000000e+00> : vector<8192x96xf32>
    %dot_general3A_17 = tpu.matmul %reshape3A_12, %get3A_15, %dot_general3A_16 {dimension_numbers = #tpu.dot_dimension_numbers<[1], [0], [0], [1], [0, 0, 1, 1], [], []>, transpose_lhs_hint = false} : vector<8192x128xf32>, vector<128x96xf32>, vector<8192x96xf32> -> vector<8192x96xf32>
    %get3A_18 = arith.constant 0 : index
    %get3A_19 = arith.constant 0 : index
    %get3A_20 = vector.load %arg5[%get3A_18, %get3A_19] : memref<1x96xf32, #tpu.memory_space<vmem>>, vector<1x96xf32>
    %add3A = vector.broadcast %get3A_20 : vector<1x96xf32> to vector<8192x96xf32>
    %add3A_21 = arith.addf %dot_general3A_17, %add3A : vector<8192x96xf32>
    %max3A_22 = arith.constant 0.000000e+00 : f32
    %max3A_23 = vector.broadcast %max3A_22 : f32 to vector<8192x96xf32>
    %max3A_24 = arith.maximumf %add3A_21, %max3A_23 : vector<8192x96xf32>
    %get3A_25 = arith.constant 0 : index
    %get3A_26 = arith.constant 0 : index
    %get3A_27 = vector.load %arg6[%get3A_25, %get3A_26] : memref<96x128xf32, #tpu.memory_space<vmem>>, vector<96x128xf32>
    %dot_general3A_28 = arith.constant dense<0.000000e+00> : vector<8192x128xf32>
    %dot_general3A_29 = tpu.matmul %max3A_24, %get3A_27, %dot_general3A_28 {dimension_numbers = #tpu.dot_dimension_numbers<[1], [0], [0], [1], [0, 0, 1, 1], [], []>, transpose_lhs_hint = false} : vector<8192x96xf32>, vector<96x128xf32>, vector<8192x128xf32> -> vector<8192x128xf32>
    %get3A_30 = arith.constant 0 : index
    %get3A_31 = arith.constant 0 : index
    %get3A_32 = vector.load %arg7[%get3A_30, %get3A_31] : memref<1x128xf32, #tpu.memory_space<vmem>>, vector<1x128xf32>
    %add3A_33 = vector.broadcast %get3A_32 : vector<1x128xf32> to vector<8192x128xf32>
    %add3A_34 = arith.addf %dot_general3A_29, %add3A_33 : vector<8192x128xf32>
    %max3A_35 = arith.constant 0.000000e+00 : f32
    %max3A_36 = vector.broadcast %max3A_35 : f32 to vector<8192x128xf32>
    %max3A_37 = arith.maximumf %add3A_34, %max3A_36 : vector<8192x128xf32>
    %reshape3A_38 = vector.shape_cast %max3A_37 : vector<8192x128xf32> to vector<64x128x128xf32>
    %reduce_max3A = arith.constant dense<0xFF800000> : vector<64x128xf32>
    %reduce_max3A_39 = vector.multi_reduction <maximumf>, %reshape3A_38, %reduce_max3A [1] : vector<64x128x128xf32> to vector<64x128xf32>
    %swap3A = arith.constant 0 : index
    %swap3A_40 = arith.constant 0 : index
    %swap3A_41 = vector.load %arg8[%swap3A, %swap3A_40] : memref<64x128xf32, #tpu.memory_space<vmem>>, vector<64x128xf32>
    tpu.vector_store %arg8[%swap3A, %swap3A_40], %reduce_max3A_39 {strides = array<i32>} : memref<64x128xf32, #tpu.memory_space<vmem>>, vector<64x128xf32>,
    return
  }
  func.func @transform_0(%arg0: i32) -> (i32, i32) {
    %c0_i32 = arith.constant 0 : i32
    %c0_i32_0 = arith.constant 0 : i32
    return %arg0, %c0_i32 : i32, i32
  }
  func.func @transform_1(%arg0: i32) -> (i32, i32) {
    %c0_i32 = arith.constant 0 : i32
    %c0_i32_0 = arith.constant 0 : i32
    return %arg0, %c0_i32 : i32, i32
  }
  func.func @transform_2(%arg0: i32) -> (i32, i32) {
    %c0_i32 = arith.constant 0 : i32
    %c0_i32_0 = arith.constant 0 : i32
    %c0_i32_1 = arith.constant 0 : i32
    return %c0_i32, %c0_i32_0 : i32, i32
  }
  func.func @transform_3(%arg0: i32) -> (i32, i32) {
    %c0_i32 = arith.constant 0 : i32
    %c0_i32_0 = arith.constant 0 : i32
    %c0_i32_1 = arith.constant 0 : i32
    return %c0_i32, %c0_i32_0 : i32, i32
  }
  func.func @transform_4(%arg0: i32) -> (i32, i32) {
    %c0_i32 = arith.constant 0 : i32
    %c0_i32_0 = arith.constant 0 : i32
    %c0_i32_1 = arith.constant 0 : i32
    return %c0_i32, %c0_i32_0 : i32, i32
  }
  func.func @transform_5(%arg0: i32) -> (i32, i32) {
    %c0_i32 = arith.constant 0 : i32
    %c0_i32_0 = arith.constant 0 : i32
    %c0_i32_1 = arith.constant 0 : i32
    return %c0_i32, %c0_i32_0 : i32, i32
  }
  func.func @transform_6(%arg0: i32) -> (i32, i32) {
    %c0_i32 = arith.constant 0 : i32
    %c0_i32_0 = arith.constant 0 : i32
    %c0_i32_1 = arith.constant 0 : i32
    return %c0_i32, %c0_i32_0 : i32, i32
  }
  func.func @transform_7(%arg0: i32) -> (i32, i32) {
    %c0_i32 = arith.constant 0 : i32
    %c0_i32_0 = arith.constant 0 : i32
    return %arg0, %c0_i32 : i32, i32
  }
}

module attributes {stable_mosaic.version = 14 : i64} {
  func.func @_table_body(%arg0: memref<2048x320xf32, #tpu.memory_space<vmem>>, %arg1: memref<2048x3xf32, #tpu.memory_space<vmem>>, %arg2: memref<320x128xf32, #tpu.memory_space<vmem>>, %arg3: memref<3x128xf32, #tpu.memory_space<vmem>>, %arg4: memref<1x128xf32, #tpu.memory_space<vmem>>, %arg5: memref<320x128xf32, #tpu.memory_space<vmem>>, %arg6: memref<3x128xf32, #tpu.memory_space<vmem>>, %arg7: memref<1x128xf32, #tpu.memory_space<vmem>>, %arg8: memref<320x128xf32, #tpu.memory_space<vmem>>, %arg9: memref<3x128xf32, #tpu.memory_space<vmem>>, %arg10: memref<1x128xf32, #tpu.memory_space<vmem>>, %arg11: memref<2048x128xf32, #tpu.memory_space<vmem>>, %arg12: memref<2048x128xf32, #tpu.memory_space<vmem>>, %arg13: memref<2048x128xf32, #tpu.memory_space<vmem>>) attributes {dimension_semantics = [], scalar_prefetch = 0 : i64, scratch_operands = 0 : i64, tpu.core_type = #tpu.core_type<tc>} {
    %get3A = arith.constant 0 : index
    %get3A_0 = arith.constant 0 : index
    %get3A_1 = vector.load %arg0[%get3A, %get3A_0] : memref<2048x320xf32, #tpu.memory_space<vmem>>, vector<2048x320xf32>
    %get3A_2 = arith.constant 0 : index
    %get3A_3 = arith.constant 0 : index
    %get3A_4 = vector.load %arg1[%get3A_2, %get3A_3] : memref<2048x3xf32, #tpu.memory_space<vmem>>, vector<2048x3xf32>
    %get3A_5 = arith.constant 0 : index
    %get3A_6 = arith.constant 0 : index
    %get3A_7 = vector.load %arg2[%get3A_5, %get3A_6] : memref<320x128xf32, #tpu.memory_space<vmem>>, vector<320x128xf32>
    %dot_general3A = arith.constant dense<0.000000e+00> : vector<2048x128xf32>
    %dot_general3A_8 = tpu.matmul %get3A_1, %get3A_7, %dot_general3A {dimension_numbers = #tpu.dot_dimension_numbers<[1], [0], [0], [1], [0, 0, 1, 1], [], []>, transpose_lhs_hint = false} : vector<2048x320xf32>, vector<320x128xf32>, vector<2048x128xf32> -> vector<2048x128xf32>
    %get3A_9 = arith.constant 0 : index
    %get3A_10 = arith.constant 0 : index
    %get3A_11 = vector.load %arg3[%get3A_9, %get3A_10] : memref<3x128xf32, #tpu.memory_space<vmem>>, vector<3x128xf32>
    %dot_general3A_12 = arith.constant dense<0.000000e+00> : vector<2048x128xf32>
    %dot_general3A_13 = tpu.matmul %get3A_4, %get3A_11, %dot_general3A_12 {dimension_numbers = #tpu.dot_dimension_numbers<[1], [0], [0], [1], [0, 0, 1, 1], [], []>, transpose_lhs_hint = false} : vector<2048x3xf32>, vector<3x128xf32>, vector<2048x128xf32> -> vector<2048x128xf32>
    %add3A = arith.addf %dot_general3A_8, %dot_general3A_13 : vector<2048x128xf32>
    %get3A_14 = arith.constant 0 : index
    %get3A_15 = arith.constant 0 : index
    %get3A_16 = vector.load %arg4[%get3A_14, %get3A_15] : memref<1x128xf32, #tpu.memory_space<vmem>>, vector<1x128xf32>
    %add3A_17 = vector.broadcast %get3A_16 : vector<1x128xf32> to vector<2048x128xf32>
    %add3A_18 = arith.addf %add3A, %add3A_17 : vector<2048x128xf32>
    %swap3A = arith.constant 0 : index
    %swap3A_19 = arith.constant 0 : index
    %swap3A_20 = vector.load %arg11[%swap3A, %swap3A_19] : memref<2048x128xf32, #tpu.memory_space<vmem>>, vector<2048x128xf32>
    tpu.vector_store %arg11[%swap3A, %swap3A_19], %add3A_18 {strides = array<i32>} : memref<2048x128xf32, #tpu.memory_space<vmem>>, vector<2048x128xf32>,
    %get3A_21 = arith.constant 0 : index
    %get3A_22 = arith.constant 0 : index
    %get3A_23 = vector.load %arg5[%get3A_21, %get3A_22] : memref<320x128xf32, #tpu.memory_space<vmem>>, vector<320x128xf32>
    %dot_general3A_24 = arith.constant dense<0.000000e+00> : vector<2048x128xf32>
    %dot_general3A_25 = tpu.matmul %get3A_1, %get3A_23, %dot_general3A_24 {dimension_numbers = #tpu.dot_dimension_numbers<[1], [0], [0], [1], [0, 0, 1, 1], [], []>, transpose_lhs_hint = false} : vector<2048x320xf32>, vector<320x128xf32>, vector<2048x128xf32> -> vector<2048x128xf32>
    %get3A_26 = arith.constant 0 : index
    %get3A_27 = arith.constant 0 : index
    %get3A_28 = vector.load %arg6[%get3A_26, %get3A_27] : memref<3x128xf32, #tpu.memory_space<vmem>>, vector<3x128xf32>
    %dot_general3A_29 = arith.constant dense<0.000000e+00> : vector<2048x128xf32>
    %dot_general3A_30 = tpu.matmul %get3A_4, %get3A_28, %dot_general3A_29 {dimension_numbers = #tpu.dot_dimension_numbers<[1], [0], [0], [1], [0, 0, 1, 1], [], []>, transpose_lhs_hint = false} : vector<2048x3xf32>, vector<3x128xf32>, vector<2048x128xf32> -> vector<2048x128xf32>
    %add3A_31 = arith.addf %dot_general3A_25, %dot_general3A_30 : vector<2048x128xf32>
    %get3A_32 = arith.constant 0 : index
    %get3A_33 = arith.constant 0 : index
    %get3A_34 = vector.load %arg7[%get3A_32, %get3A_33] : memref<1x128xf32, #tpu.memory_space<vmem>>, vector<1x128xf32>
    %add3A_35 = vector.broadcast %get3A_34 : vector<1x128xf32> to vector<2048x128xf32>
    %add3A_36 = arith.addf %add3A_31, %add3A_35 : vector<2048x128xf32>
    %swap3A_37 = arith.constant 0 : index
    %swap3A_38 = arith.constant 0 : index
    %swap3A_39 = vector.load %arg12[%swap3A_37, %swap3A_38] : memref<2048x128xf32, #tpu.memory_space<vmem>>, vector<2048x128xf32>
    tpu.vector_store %arg12[%swap3A_37, %swap3A_38], %add3A_36 {strides = array<i32>} : memref<2048x128xf32, #tpu.memory_space<vmem>>, vector<2048x128xf32>,
    %get3A_40 = arith.constant 0 : index
    %get3A_41 = arith.constant 0 : index
    %get3A_42 = vector.load %arg8[%get3A_40, %get3A_41] : memref<320x128xf32, #tpu.memory_space<vmem>>, vector<320x128xf32>
    %dot_general3A_43 = arith.constant dense<0.000000e+00> : vector<2048x128xf32>
    %dot_general3A_44 = tpu.matmul %get3A_1, %get3A_42, %dot_general3A_43 {dimension_numbers = #tpu.dot_dimension_numbers<[1], [0], [0], [1], [0, 0, 1, 1], [], []>, transpose_lhs_hint = false} : vector<2048x320xf32>, vector<320x128xf32>, vector<2048x128xf32> -> vector<2048x128xf32>
    %get3A_45 = arith.constant 0 : index
    %get3A_46 = arith.constant 0 : index
    %get3A_47 = vector.load %arg9[%get3A_45, %get3A_46] : memref<3x128xf32, #tpu.memory_space<vmem>>, vector<3x128xf32>
    %dot_general3A_48 = arith.constant dense<0.000000e+00> : vector<2048x128xf32>
    %dot_general3A_49 = tpu.matmul %get3A_4, %get3A_47, %dot_general3A_48 {dimension_numbers = #tpu.dot_dimension_numbers<[1], [0], [0], [1], [0, 0, 1, 1], [], []>, transpose_lhs_hint = false} : vector<2048x3xf32>, vector<3x128xf32>, vector<2048x128xf32> -> vector<2048x128xf32>
    %add3A_50 = arith.addf %dot_general3A_44, %dot_general3A_49 : vector<2048x128xf32>
    %get3A_51 = arith.constant 0 : index
    %get3A_52 = arith.constant 0 : index
    %get3A_53 = vector.load %arg10[%get3A_51, %get3A_52] : memref<1x128xf32, #tpu.memory_space<vmem>>, vector<1x128xf32>
    %add3A_54 = vector.broadcast %get3A_53 : vector<1x128xf32> to vector<2048x128xf32>
    %add3A_55 = arith.addf %add3A_50, %add3A_54 : vector<2048x128xf32>
    %swap3A_56 = arith.constant 0 : index
    %swap3A_57 = arith.constant 0 : index
    %swap3A_58 = vector.load %arg13[%swap3A_56, %swap3A_57] : memref<2048x128xf32, #tpu.memory_space<vmem>>, vector<2048x128xf32>
    tpu.vector_store %arg13[%swap3A_56, %swap3A_57], %add3A_55 {strides = array<i32>} : memref<2048x128xf32, #tpu.memory_space<vmem>>, vector<2048x128xf32>,
    return
  }
}

module attributes {stable_mosaic.version = 14 : i64} {
  func.func @_branch_body(%arg0: i32, %arg1: memref<4096x128xf32, #tpu.memory_space<vmem>>, %arg2: memref<64x3xf32, #tpu.memory_space<vmem>>, %arg3: memref<3x128xf32, #tpu.memory_space<vmem>>, %arg4: memref<128x128xf32, #tpu.memory_space<vmem>>, %arg5: memref<1x128xf32, #tpu.memory_space<vmem>>, %arg6: memref<128x256xf32, #tpu.memory_space<vmem>>, %arg7: memref<1x256xf32, #tpu.memory_space<vmem>>, %arg8: memref<64x256xf32, #tpu.memory_space<vmem>>) attributes {dimension_semantics = [#tpu.dimension_semantics<arbitrary>], iteration_bounds = array<i64: 8>, scalar_prefetch = 0 : i64, scratch_operands = 0 : i64, tpu.core_type = #tpu.core_type<tc>, window_params = [{transform_indices = @transform_0, window_bounds = array<i64: 4096, 128>}, {transform_indices = @transform_1, window_bounds = array<i64: 64, 3>}, {pipeline_mode = #tpu.pipeline_mode<synchronous>, transform_indices = @transform_2, window_bounds = array<i64: 3, 128>}, {pipeline_mode = #tpu.pipeline_mode<synchronous>, transform_indices = @transform_3, window_bounds = array<i64: 128, 128>}, {pipeline_mode = #tpu.pipeline_mode<synchronous>, transform_indices = @transform_4, window_bounds = array<i64: 1, 128>}, {pipeline_mode = #tpu.pipeline_mode<synchronous>, transform_indices = @transform_5, window_bounds = array<i64: 128, 256>}, {pipeline_mode = #tpu.pipeline_mode<synchronous>, transform_indices = @transform_6, window_bounds = array<i64: 1, 256>}, {transform_indices = @transform_7, window_bounds = array<i64: 64, 256>}]} {
    %get3A = arith.constant 0 : index
    %get3A_0 = arith.constant 0 : index
    %get3A_1 = vector.load %arg2[%get3A, %get3A_0] : memref<64x3xf32, #tpu.memory_space<vmem>>, vector<64x3xf32>
    %get3A_2 = arith.constant 0 : index
    %get3A_3 = arith.constant 0 : index
    %get3A_4 = vector.load %arg3[%get3A_2, %get3A_3] : memref<3x128xf32, #tpu.memory_space<vmem>>, vector<3x128xf32>
    %dot_general3A = arith.constant dense<0.000000e+00> : vector<64x128xf32>
    %dot_general3A_5 = tpu.matmul %get3A_1, %get3A_4, %dot_general3A {dimension_numbers = #tpu.dot_dimension_numbers<[1], [0], [0], [1], [0, 0, 1, 1], [], []>, transpose_lhs_hint = false} : vector<64x3xf32>, vector<3x128xf32>, vector<64x128xf32> -> vector<64x128xf32>
    %get3A_6 = arith.constant 0 : index
    %get3A_7 = arith.constant 0 : index
    %get3A_8 = vector.load %arg1[%get3A_6, %get3A_7] : memref<4096x128xf32, #tpu.memory_space<vmem>>, vector<4096x128xf32>
    %reshape3A = vector.shape_cast %get3A_8 : vector<4096x128xf32> to vector<64x64x128xf32>
    %broadcast_in_dim3A = vector.shape_cast %dot_general3A_5 : vector<64x128xf32> to vector<64x1x128xf32>
    %sub3A = vector.broadcast %broadcast_in_dim3A : vector<64x1x128xf32> to vector<64x64x128xf32>
    %sub3A_9 = arith.subf %reshape3A, %sub3A : vector<64x64x128xf32>
    %max3A = arith.constant 0.000000e+00 : f32
    %max3A_10 = vector.broadcast %max3A : f32 to vector<64x64x128xf32>
    %max3A_11 = arith.maximumf %sub3A_9, %max3A_10 : vector<64x64x128xf32>
    %reshape3A_12 = vector.shape_cast %max3A_11 : vector<64x64x128xf32> to vector<4096x128xf32>
    %get3A_13 = arith.constant 0 : index
    %get3A_14 = arith.constant 0 : index
    %get3A_15 = vector.load %arg4[%get3A_13, %get3A_14] : memref<128x128xf32, #tpu.memory_space<vmem>>, vector<128x128xf32>
    %dot_general3A_16 = arith.constant dense<0.000000e+00> : vector<4096x128xf32>
    %dot_general3A_17 = tpu.matmul %reshape3A_12, %get3A_15, %dot_general3A_16 {dimension_numbers = #tpu.dot_dimension_numbers<[1], [0], [0], [1], [0, 0, 1, 1], [], []>, transpose_lhs_hint = false} : vector<4096x128xf32>, vector<128x128xf32>, vector<4096x128xf32> -> vector<4096x128xf32>
    %get3A_18 = arith.constant 0 : index
    %get3A_19 = arith.constant 0 : index
    %get3A_20 = vector.load %arg5[%get3A_18, %get3A_19] : memref<1x128xf32, #tpu.memory_space<vmem>>, vector<1x128xf32>
    %add3A = vector.broadcast %get3A_20 : vector<1x128xf32> to vector<4096x128xf32>
    %add3A_21 = arith.addf %dot_general3A_17, %add3A : vector<4096x128xf32>
    %max3A_22 = arith.constant 0.000000e+00 : f32
    %max3A_23 = vector.broadcast %max3A_22 : f32 to vector<4096x128xf32>
    %max3A_24 = arith.maximumf %add3A_21, %max3A_23 : vector<4096x128xf32>
    %get3A_25 = arith.constant 0 : index
    %get3A_26 = arith.constant 0 : index
    %get3A_27 = vector.load %arg6[%get3A_25, %get3A_26] : memref<128x256xf32, #tpu.memory_space<vmem>>, vector<128x256xf32>
    %dot_general3A_28 = arith.constant dense<0.000000e+00> : vector<4096x256xf32>
    %dot_general3A_29 = tpu.matmul %max3A_24, %get3A_27, %dot_general3A_28 {dimension_numbers = #tpu.dot_dimension_numbers<[1], [0], [0], [1], [0, 0, 1, 1], [], []>, transpose_lhs_hint = false} : vector<4096x128xf32>, vector<128x256xf32>, vector<4096x256xf32> -> vector<4096x256xf32>
    %get3A_30 = arith.constant 0 : index
    %get3A_31 = arith.constant 0 : index
    %get3A_32 = vector.load %arg7[%get3A_30, %get3A_31] : memref<1x256xf32, #tpu.memory_space<vmem>>, vector<1x256xf32>
    %add3A_33 = vector.broadcast %get3A_32 : vector<1x256xf32> to vector<4096x256xf32>
    %add3A_34 = arith.addf %dot_general3A_29, %add3A_33 : vector<4096x256xf32>
    %max3A_35 = arith.constant 0.000000e+00 : f32
    %max3A_36 = vector.broadcast %max3A_35 : f32 to vector<4096x256xf32>
    %max3A_37 = arith.maximumf %add3A_34, %max3A_36 : vector<4096x256xf32>
    %reshape3A_38 = vector.shape_cast %max3A_37 : vector<4096x256xf32> to vector<64x64x256xf32>
    %reduce_max3A = arith.constant dense<0xFF800000> : vector<64x256xf32>
    %reduce_max3A_39 = vector.multi_reduction <maximumf>, %reshape3A_38, %reduce_max3A [1] : vector<64x64x256xf32> to vector<64x256xf32>
    %swap3A = arith.constant 0 : index
    %swap3A_40 = arith.constant 0 : index
    %swap3A_41 = vector.load %arg8[%swap3A, %swap3A_40] : memref<64x256xf32, #tpu.memory_space<vmem>>, vector<64x256xf32>
    tpu.vector_store %arg8[%swap3A, %swap3A_40], %reduce_max3A_39 {strides = array<i32>} : memref<64x256xf32, #tpu.memory_space<vmem>>, vector<64x256xf32>,
    return
  }
  func.func @transform_0(%arg0: i32) -> (i32, i32) {
    %c0_i32 = arith.constant 0 : i32
    %c0_i32_0 = arith.constant 0 : i32
    return %arg0, %c0_i32 : i32, i32
  }
  func.func @transform_1(%arg0: i32) -> (i32, i32) {
    %c0_i32 = arith.constant 0 : i32
    %c0_i32_0 = arith.constant 0 : i32
    return %arg0, %c0_i32 : i32, i32
  }
  func.func @transform_2(%arg0: i32) -> (i32, i32) {
    %c0_i32 = arith.constant 0 : i32
    %c0_i32_0 = arith.constant 0 : i32
    %c0_i32_1 = arith.constant 0 : i32
    return %c0_i32, %c0_i32_0 : i32, i32
  }
  func.func @transform_3(%arg0: i32) -> (i32, i32) {
    %c0_i32 = arith.constant 0 : i32
    %c0_i32_0 = arith.constant 0 : i32
    %c0_i32_1 = arith.constant 0 : i32
    return %c0_i32, %c0_i32_0 : i32, i32
  }
  func.func @transform_4(%arg0: i32) -> (i32, i32) {
    %c0_i32 = arith.constant 0 : i32
    %c0_i32_0 = arith.constant 0 : i32
    %c0_i32_1 = arith.constant 0 : i32
    return %c0_i32, %c0_i32_0 : i32, i32
  }
  func.func @transform_5(%arg0: i32) -> (i32, i32) {
    %c0_i32 = arith.constant 0 : i32
    %c0_i32_0 = arith.constant 0 : i32
    %c0_i32_1 = arith.constant 0 : i32
    return %c0_i32, %c0_i32_0 : i32, i32
  }
  func.func @transform_6(%arg0: i32) -> (i32, i32) {
    %c0_i32 = arith.constant 0 : i32
    %c0_i32_0 = arith.constant 0 : i32
    %c0_i32_1 = arith.constant 0 : i32
    return %c0_i32, %c0_i32_0 : i32, i32
  }
  func.func @transform_7(%arg0: i32) -> (i32, i32) {
    %c0_i32 = arith.constant 0 : i32
    %c0_i32_0 = arith.constant 0 : i32
    return %arg0, %c0_i32 : i32, i32
  }
}

module attributes {stable_mosaic.version = 14 : i64} {
  func.func @_branch_body(%arg0: i32, %arg1: memref<4096x128xf32, #tpu.memory_space<vmem>>, %arg2: memref<128x3xf32, #tpu.memory_space<vmem>>, %arg3: memref<3x128xf32, #tpu.memory_space<vmem>>, %arg4: memref<128x64xf32, #tpu.memory_space<vmem>>, %arg5: memref<1x64xf32, #tpu.memory_space<vmem>>, %arg6: memref<64x128xf32, #tpu.memory_space<vmem>>, %arg7: memref<1x128xf32, #tpu.memory_space<vmem>>, %arg8: memref<128x128xf32, #tpu.memory_space<vmem>>) attributes {dimension_semantics = [#tpu.dimension_semantics<arbitrary>], iteration_bounds = array<i64: 4>, scalar_prefetch = 0 : i64, scratch_operands = 0 : i64, tpu.core_type = #tpu.core_type<tc>, window_params = [{transform_indices = @transform_0, window_bounds = array<i64: 4096, 128>}, {transform_indices = @transform_1, window_bounds = array<i64: 128, 3>}, {pipeline_mode = #tpu.pipeline_mode<synchronous>, transform_indices = @transform_2, window_bounds = array<i64: 3, 128>}, {pipeline_mode = #tpu.pipeline_mode<synchronous>, transform_indices = @transform_3, window_bounds = array<i64: 128, 64>}, {pipeline_mode = #tpu.pipeline_mode<synchronous>, transform_indices = @transform_4, window_bounds = array<i64: 1, 64>}, {pipeline_mode = #tpu.pipeline_mode<synchronous>, transform_indices = @transform_5, window_bounds = array<i64: 64, 128>}, {pipeline_mode = #tpu.pipeline_mode<synchronous>, transform_indices = @transform_6, window_bounds = array<i64: 1, 128>}, {transform_indices = @transform_7, window_bounds = array<i64: 128, 128>}]} {
    %get3A = arith.constant 0 : index
    %get3A_0 = arith.constant 0 : index
    %get3A_1 = vector.load %arg2[%get3A, %get3A_0] : memref<128x3xf32, #tpu.memory_space<vmem>>, vector<128x3xf32>
    %get3A_2 = arith.constant 0 : index
    %get3A_3 = arith.constant 0 : index
    %get3A_4 = vector.load %arg3[%get3A_2, %get3A_3] : memref<3x128xf32, #tpu.memory_space<vmem>>, vector<3x128xf32>
    %dot_general3A = arith.constant dense<0.000000e+00> : vector<128x128xf32>
    %dot_general3A_5 = tpu.matmul %get3A_1, %get3A_4, %dot_general3A {dimension_numbers = #tpu.dot_dimension_numbers<[1], [0], [0], [1], [0, 0, 1, 1], [], []>, transpose_lhs_hint = false} : vector<128x3xf32>, vector<3x128xf32>, vector<128x128xf32> -> vector<128x128xf32>
    %get3A_6 = arith.constant 0 : index
    %get3A_7 = arith.constant 0 : index
    %get3A_8 = vector.load %arg1[%get3A_6, %get3A_7] : memref<4096x128xf32, #tpu.memory_space<vmem>>, vector<4096x128xf32>
    %reshape3A = vector.shape_cast %get3A_8 : vector<4096x128xf32> to vector<128x32x128xf32>
    %broadcast_in_dim3A = vector.shape_cast %dot_general3A_5 : vector<128x128xf32> to vector<128x1x128xf32>
    %sub3A = vector.broadcast %broadcast_in_dim3A : vector<128x1x128xf32> to vector<128x32x128xf32>
    %sub3A_9 = arith.subf %reshape3A, %sub3A : vector<128x32x128xf32>
    %max3A = arith.constant 0.000000e+00 : f32
    %max3A_10 = vector.broadcast %max3A : f32 to vector<128x32x128xf32>
    %max3A_11 = arith.maximumf %sub3A_9, %max3A_10 : vector<128x32x128xf32>
    %reshape3A_12 = vector.shape_cast %max3A_11 : vector<128x32x128xf32> to vector<4096x128xf32>
    %get3A_13 = arith.constant 0 : index
    %get3A_14 = arith.constant 0 : index
    %get3A_15 = vector.load %arg4[%get3A_13, %get3A_14] : memref<128x64xf32, #tpu.memory_space<vmem>>, vector<128x64xf32>
    %dot_general3A_16 = arith.constant dense<0.000000e+00> : vector<4096x64xf32>
    %dot_general3A_17 = tpu.matmul %reshape3A_12, %get3A_15, %dot_general3A_16 {dimension_numbers = #tpu.dot_dimension_numbers<[1], [0], [0], [1], [0, 0, 1, 1], [], []>, transpose_lhs_hint = false} : vector<4096x128xf32>, vector<128x64xf32>, vector<4096x64xf32> -> vector<4096x64xf32>
    %get3A_18 = arith.constant 0 : index
    %get3A_19 = arith.constant 0 : index
    %get3A_20 = vector.load %arg5[%get3A_18, %get3A_19] : memref<1x64xf32, #tpu.memory_space<vmem>>, vector<1x64xf32>
    %add3A = vector.broadcast %get3A_20 : vector<1x64xf32> to vector<4096x64xf32>
    %add3A_21 = arith.addf %dot_general3A_17, %add3A : vector<4096x64xf32>
    %max3A_22 = arith.constant 0.000000e+00 : f32
    %max3A_23 = vector.broadcast %max3A_22 : f32 to vector<4096x64xf32>
    %max3A_24 = arith.maximumf %add3A_21, %max3A_23 : vector<4096x64xf32>
    %get3A_25 = arith.constant 0 : index
    %get3A_26 = arith.constant 0 : index
    %get3A_27 = vector.load %arg6[%get3A_25, %get3A_26] : memref<64x128xf32, #tpu.memory_space<vmem>>, vector<64x128xf32>
    %dot_general3A_28 = arith.constant dense<0.000000e+00> : vector<4096x128xf32>
    %dot_general3A_29 = tpu.matmul %max3A_24, %get3A_27, %dot_general3A_28 {dimension_numbers = #tpu.dot_dimension_numbers<[1], [0], [0], [1], [0, 0, 1, 1], [], []>, transpose_lhs_hint = false} : vector<4096x64xf32>, vector<64x128xf32>, vector<4096x128xf32> -> vector<4096x128xf32>
    %get3A_30 = arith.constant 0 : index
    %get3A_31 = arith.constant 0 : index
    %get3A_32 = vector.load %arg7[%get3A_30, %get3A_31] : memref<1x128xf32, #tpu.memory_space<vmem>>, vector<1x128xf32>
    %add3A_33 = vector.broadcast %get3A_32 : vector<1x128xf32> to vector<4096x128xf32>
    %add3A_34 = arith.addf %dot_general3A_29, %add3A_33 : vector<4096x128xf32>
    %max3A_35 = arith.constant 0.000000e+00 : f32
    %max3A_36 = vector.broadcast %max3A_35 : f32 to vector<4096x128xf32>
    %max3A_37 = arith.maximumf %add3A_34, %max3A_36 : vector<4096x128xf32>
    %reshape3A_38 = vector.shape_cast %max3A_37 : vector<4096x128xf32> to vector<128x32x128xf32>
    %reduce_max3A = arith.constant dense<0xFF800000> : vector<128x128xf32>
    %reduce_max3A_39 = vector.multi_reduction <maximumf>, %reshape3A_38, %reduce_max3A [1] : vector<128x32x128xf32> to vector<128x128xf32>
    %swap3A = arith.constant 0 : index
    %swap3A_40 = arith.constant 0 : index
    %swap3A_41 = vector.load %arg8[%swap3A, %swap3A_40] : memref<128x128xf32, #tpu.memory_space<vmem>>, vector<128x128xf32>
    tpu.vector_store %arg8[%swap3A, %swap3A_40], %reduce_max3A_39 {strides = array<i32>} : memref<128x128xf32, #tpu.memory_space<vmem>>, vector<128x128xf32>,
    return
  }
  func.func @transform_0(%arg0: i32) -> (i32, i32) {
    %c0_i32 = arith.constant 0 : i32
    %c0_i32_0 = arith.constant 0 : i32
    return %arg0, %c0_i32 : i32, i32
  }
  func.func @transform_1(%arg0: i32) -> (i32, i32) {
    %c0_i32 = arith.constant 0 : i32
    %c0_i32_0 = arith.constant 0 : i32
    return %arg0, %c0_i32 : i32, i32
  }
  func.func @transform_2(%arg0: i32) -> (i32, i32) {
    %c0_i32 = arith.constant 0 : i32
    %c0_i32_0 = arith.constant 0 : i32
    %c0_i32_1 = arith.constant 0 : i32
    return %c0_i32, %c0_i32_0 : i32, i32
  }
  func.func @transform_3(%arg0: i32) -> (i32, i32) {
    %c0_i32 = arith.constant 0 : i32
    %c0_i32_0 = arith.constant 0 : i32
    %c0_i32_1 = arith.constant 0 : i32
    return %c0_i32, %c0_i32_0 : i32, i32
  }
  func.func @transform_4(%arg0: i32) -> (i32, i32) {
    %c0_i32 = arith.constant 0 : i32
    %c0_i32_0 = arith.constant 0 : i32
    %c0_i32_1 = arith.constant 0 : i32
    return %c0_i32, %c0_i32_0 : i32, i32
  }
  func.func @transform_5(%arg0: i32) -> (i32, i32) {
    %c0_i32 = arith.constant 0 : i32
    %c0_i32_0 = arith.constant 0 : i32
    %c0_i32_1 = arith.constant 0 : i32
    return %c0_i32, %c0_i32_0 : i32, i32
  }
  func.func @transform_6(%arg0: i32) -> (i32, i32) {
    %c0_i32 = arith.constant 0 : i32
    %c0_i32_0 = arith.constant 0 : i32
    %c0_i32_1 = arith.constant 0 : i32
    return %c0_i32, %c0_i32_0 : i32, i32
  }
  func.func @transform_7(%arg0: i32) -> (i32, i32) {
    %c0_i32 = arith.constant 0 : i32
    %c0_i32_0 = arith.constant 0 : i32
    return %arg0, %c0_i32 : i32, i32
  }
}

module attributes {stable_mosaic.version = 14 : i64} {
  func.func @_branch_body(%arg0: i32, %arg1: memref<4096x128xf32, #tpu.memory_space<vmem>>, %arg2: memref<32x3xf32, #tpu.memory_space<vmem>>, %arg3: memref<3x128xf32, #tpu.memory_space<vmem>>, %arg4: memref<128x128xf32, #tpu.memory_space<vmem>>, %arg5: memref<1x128xf32, #tpu.memory_space<vmem>>, %arg6: memref<128x256xf32, #tpu.memory_space<vmem>>, %arg7: memref<1x256xf32, #tpu.memory_space<vmem>>, %arg8: memref<32x256xf32, #tpu.memory_space<vmem>>) attributes {dimension_semantics = [#tpu.dimension_semantics<arbitrary>], iteration_bounds = array<i64: 16>, scalar_prefetch = 0 : i64, scratch_operands = 0 : i64, tpu.core_type = #tpu.core_type<tc>, window_params = [{transform_indices = @transform_0, window_bounds = array<i64: 4096, 128>}, {transform_indices = @transform_1, window_bounds = array<i64: 32, 3>}, {pipeline_mode = #tpu.pipeline_mode<synchronous>, transform_indices = @transform_2, window_bounds = array<i64: 3, 128>}, {pipeline_mode = #tpu.pipeline_mode<synchronous>, transform_indices = @transform_3, window_bounds = array<i64: 128, 128>}, {pipeline_mode = #tpu.pipeline_mode<synchronous>, transform_indices = @transform_4, window_bounds = array<i64: 1, 128>}, {pipeline_mode = #tpu.pipeline_mode<synchronous>, transform_indices = @transform_5, window_bounds = array<i64: 128, 256>}, {pipeline_mode = #tpu.pipeline_mode<synchronous>, transform_indices = @transform_6, window_bounds = array<i64: 1, 256>}, {transform_indices = @transform_7, window_bounds = array<i64: 32, 256>}]} {
    %get3A = arith.constant 0 : index
    %get3A_0 = arith.constant 0 : index
    %get3A_1 = vector.load %arg2[%get3A, %get3A_0] : memref<32x3xf32, #tpu.memory_space<vmem>>, vector<32x3xf32>
    %get3A_2 = arith.constant 0 : index
    %get3A_3 = arith.constant 0 : index
    %get3A_4 = vector.load %arg3[%get3A_2, %get3A_3] : memref<3x128xf32, #tpu.memory_space<vmem>>, vector<3x128xf32>
    %dot_general3A = arith.constant dense<0.000000e+00> : vector<32x128xf32>
    %dot_general3A_5 = tpu.matmul %get3A_1, %get3A_4, %dot_general3A {dimension_numbers = #tpu.dot_dimension_numbers<[1], [0], [0], [1], [0, 0, 1, 1], [], []>, transpose_lhs_hint = false} : vector<32x3xf32>, vector<3x128xf32>, vector<32x128xf32> -> vector<32x128xf32>
    %get3A_6 = arith.constant 0 : index
    %get3A_7 = arith.constant 0 : index
    %get3A_8 = vector.load %arg1[%get3A_6, %get3A_7] : memref<4096x128xf32, #tpu.memory_space<vmem>>, vector<4096x128xf32>
    %reshape3A = vector.shape_cast %get3A_8 : vector<4096x128xf32> to vector<32x128x128xf32>
    %broadcast_in_dim3A = vector.shape_cast %dot_general3A_5 : vector<32x128xf32> to vector<32x1x128xf32>
    %sub3A = vector.broadcast %broadcast_in_dim3A : vector<32x1x128xf32> to vector<32x128x128xf32>
    %sub3A_9 = arith.subf %reshape3A, %sub3A : vector<32x128x128xf32>
    %max3A = arith.constant 0.000000e+00 : f32
    %max3A_10 = vector.broadcast %max3A : f32 to vector<32x128x128xf32>
    %max3A_11 = arith.maximumf %sub3A_9, %max3A_10 : vector<32x128x128xf32>
    %reshape3A_12 = vector.shape_cast %max3A_11 : vector<32x128x128xf32> to vector<4096x128xf32>
    %get3A_13 = arith.constant 0 : index
    %get3A_14 = arith.constant 0 : index
    %get3A_15 = vector.load %arg4[%get3A_13, %get3A_14] : memref<128x128xf32, #tpu.memory_space<vmem>>, vector<128x128xf32>
    %dot_general3A_16 = arith.constant dense<0.000000e+00> : vector<4096x128xf32>
    %dot_general3A_17 = tpu.matmul %reshape3A_12, %get3A_15, %dot_general3A_16 {dimension_numbers = #tpu.dot_dimension_numbers<[1], [0], [0], [1], [0, 0, 1, 1], [], []>, transpose_lhs_hint = false} : vector<4096x128xf32>, vector<128x128xf32>, vector<4096x128xf32> -> vector<4096x128xf32>
    %get3A_18 = arith.constant 0 : index
    %get3A_19 = arith.constant 0 : index
    %get3A_20 = vector.load %arg5[%get3A_18, %get3A_19] : memref<1x128xf32, #tpu.memory_space<vmem>>, vector<1x128xf32>
    %add3A = vector.broadcast %get3A_20 : vector<1x128xf32> to vector<4096x128xf32>
    %add3A_21 = arith.addf %dot_general3A_17, %add3A : vector<4096x128xf32>
    %max3A_22 = arith.constant 0.000000e+00 : f32
    %max3A_23 = vector.broadcast %max3A_22 : f32 to vector<4096x128xf32>
    %max3A_24 = arith.maximumf %add3A_21, %max3A_23 : vector<4096x128xf32>
    %get3A_25 = arith.constant 0 : index
    %get3A_26 = arith.constant 0 : index
    %get3A_27 = vector.load %arg6[%get3A_25, %get3A_26] : memref<128x256xf32, #tpu.memory_space<vmem>>, vector<128x256xf32>
    %dot_general3A_28 = arith.constant dense<0.000000e+00> : vector<4096x256xf32>
    %dot_general3A_29 = tpu.matmul %max3A_24, %get3A_27, %dot_general3A_28 {dimension_numbers = #tpu.dot_dimension_numbers<[1], [0], [0], [1], [0, 0, 1, 1], [], []>, transpose_lhs_hint = false} : vector<4096x128xf32>, vector<128x256xf32>, vector<4096x256xf32> -> vector<4096x256xf32>
    %get3A_30 = arith.constant 0 : index
    %get3A_31 = arith.constant 0 : index
    %get3A_32 = vector.load %arg7[%get3A_30, %get3A_31] : memref<1x256xf32, #tpu.memory_space<vmem>>, vector<1x256xf32>
    %add3A_33 = vector.broadcast %get3A_32 : vector<1x256xf32> to vector<4096x256xf32>
    %add3A_34 = arith.addf %dot_general3A_29, %add3A_33 : vector<4096x256xf32>
    %max3A_35 = arith.constant 0.000000e+00 : f32
    %max3A_36 = vector.broadcast %max3A_35 : f32 to vector<4096x256xf32>
    %max3A_37 = arith.maximumf %add3A_34, %max3A_36 : vector<4096x256xf32>
    %reshape3A_38 = vector.shape_cast %max3A_37 : vector<4096x256xf32> to vector<32x128x256xf32>
    %reduce_max3A = arith.constant dense<0xFF800000> : vector<32x256xf32>
    %reduce_max3A_39 = vector.multi_reduction <maximumf>, %reshape3A_38, %reduce_max3A [1] : vector<32x128x256xf32> to vector<32x256xf32>
    %swap3A = arith.constant 0 : index
    %swap3A_40 = arith.constant 0 : index
    %swap3A_41 = vector.load %arg8[%swap3A, %swap3A_40] : memref<32x256xf32, #tpu.memory_space<vmem>>, vector<32x256xf32>
    tpu.vector_store %arg8[%swap3A, %swap3A_40], %reduce_max3A_39 {strides = array<i32>} : memref<32x256xf32, #tpu.memory_space<vmem>>, vector<32x256xf32>,
    return
  }
  func.func @transform_0(%arg0: i32) -> (i32, i32) {
    %c0_i32 = arith.constant 0 : i32
    %c0_i32_0 = arith.constant 0 : i32
    return %arg0, %c0_i32 : i32, i32
  }
  func.func @transform_1(%arg0: i32) -> (i32, i32) {
    %c0_i32 = arith.constant 0 : i32
    %c0_i32_0 = arith.constant 0 : i32
    return %arg0, %c0_i32 : i32, i32
  }
  func.func @transform_2(%arg0: i32) -> (i32, i32) {
    %c0_i32 = arith.constant 0 : i32
    %c0_i32_0 = arith.constant 0 : i32
    %c0_i32_1 = arith.constant 0 : i32
    return %c0_i32, %c0_i32_0 : i32, i32
  }
  func.func @transform_3(%arg0: i32) -> (i32, i32) {
    %c0_i32 = arith.constant 0 : i32
    %c0_i32_0 = arith.constant 0 : i32
    %c0_i32_1 = arith.constant 0 : i32
    return %c0_i32, %c0_i32_0 : i32, i32
  }
  func.func @transform_4(%arg0: i32) -> (i32, i32) {
    %c0_i32 = arith.constant 0 : i32
    %c0_i32_0 = arith.constant 0 : i32
    %c0_i32_1 = arith.constant 0 : i32
    return %c0_i32, %c0_i32_0 : i32, i32
  }
  func.func @transform_5(%arg0: i32) -> (i32, i32) {
    %c0_i32 = arith.constant 0 : i32
    %c0_i32_0 = arith.constant 0 : i32
    %c0_i32_1 = arith.constant 0 : i32
    return %c0_i32, %c0_i32_0 : i32, i32
  }
  func.func @transform_6(%arg0: i32) -> (i32, i32) {
    %c0_i32 = arith.constant 0 : i32
    %c0_i32_0 = arith.constant 0 : i32
    %c0_i32_1 = arith.constant 0 : i32
    return %c0_i32, %c0_i32_0 : i32, i32
  }
  func.func @transform_7(%arg0: i32) -> (i32, i32) {
    %c0_i32 = arith.constant 0 : i32
    %c0_i32_0 = arith.constant 0 : i32
    return %arg0, %c0_i32 : i32, i32
  }
}

module attributes {stable_mosaic.version = 14 : i64} {
  func.func @_final_body(%arg0: memref<512x3xf32, #tpu.memory_space<vmem>>, %arg1: memref<512x640xf32, #tpu.memory_space<vmem>>, %arg2: memref<3x256xf32, #tpu.memory_space<vmem>>, %arg3: memref<640x256xf32, #tpu.memory_space<vmem>>, %arg4: memref<1x256xf32, #tpu.memory_space<vmem>>, %arg5: memref<256x512xf32, #tpu.memory_space<vmem>>, %arg6: memref<1x512xf32, #tpu.memory_space<vmem>>, %arg7: memref<512x1024xf32, #tpu.memory_space<vmem>>, %arg8: memref<1x1024xf32, #tpu.memory_space<vmem>>, %arg9: memref<1024x512xf32, #tpu.memory_space<vmem>>, %arg10: memref<1x512xf32, #tpu.memory_space<vmem>>, %arg11: memref<512x256xf32, #tpu.memory_space<vmem>>, %arg12: memref<1x256xf32, #tpu.memory_space<vmem>>, %arg13: memref<256x10xf32, #tpu.memory_space<vmem>>, %arg14: memref<1x10xf32, #tpu.memory_space<vmem>>, %arg15: memref<4x10xf32, #tpu.memory_space<vmem>>) attributes {dimension_semantics = [], scalar_prefetch = 0 : i64, scratch_operands = 0 : i64, tpu.core_type = #tpu.core_type<tc>} {
    %get3A = arith.constant 0 : index
    %get3A_0 = arith.constant 0 : index
    %get3A_1 = vector.load %arg0[%get3A, %get3A_0] : memref<512x3xf32, #tpu.memory_space<vmem>>, vector<512x3xf32>
    %get3A_2 = arith.constant 0 : index
    %get3A_3 = arith.constant 0 : index
    %get3A_4 = vector.load %arg2[%get3A_2, %get3A_3] : memref<3x256xf32, #tpu.memory_space<vmem>>, vector<3x256xf32>
    %dot_general3A = arith.constant dense<0.000000e+00> : vector<512x256xf32>
    %dot_general3A_5 = tpu.matmul %get3A_1, %get3A_4, %dot_general3A {dimension_numbers = #tpu.dot_dimension_numbers<[1], [0], [0], [1], [0, 0, 1, 1], [], []>, transpose_lhs_hint = false} : vector<512x3xf32>, vector<3x256xf32>, vector<512x256xf32> -> vector<512x256xf32>
    %get3A_6 = arith.constant 0 : index
    %get3A_7 = arith.constant 0 : index
    %get3A_8 = vector.load %arg1[%get3A_6, %get3A_7] : memref<512x640xf32, #tpu.memory_space<vmem>>, vector<512x640xf32>
    %get3A_9 = arith.constant 0 : index
    %get3A_10 = arith.constant 0 : index
    %get3A_11 = vector.load %arg3[%get3A_9, %get3A_10] : memref<640x256xf32, #tpu.memory_space<vmem>>, vector<640x256xf32>
    %dot_general3A_12 = arith.constant dense<0.000000e+00> : vector<512x256xf32>
    %dot_general3A_13 = tpu.matmul %get3A_8, %get3A_11, %dot_general3A_12 {dimension_numbers = #tpu.dot_dimension_numbers<[1], [0], [0], [1], [0, 0, 1, 1], [], []>, transpose_lhs_hint = false} : vector<512x640xf32>, vector<640x256xf32>, vector<512x256xf32> -> vector<512x256xf32>
    %add3A = arith.addf %dot_general3A_5, %dot_general3A_13 : vector<512x256xf32>
    %get3A_14 = arith.constant 0 : index
    %get3A_15 = arith.constant 0 : index
    %get3A_16 = vector.load %arg4[%get3A_14, %get3A_15] : memref<1x256xf32, #tpu.memory_space<vmem>>, vector<1x256xf32>
    %add3A_17 = vector.broadcast %get3A_16 : vector<1x256xf32> to vector<512x256xf32>
    %add3A_18 = arith.addf %add3A, %add3A_17 : vector<512x256xf32>
    %max3A = arith.constant 0.000000e+00 : f32
    %max3A_19 = vector.broadcast %max3A : f32 to vector<512x256xf32>
    %max3A_20 = arith.maximumf %add3A_18, %max3A_19 : vector<512x256xf32>
    %get3A_21 = arith.constant 0 : index
    %get3A_22 = arith.constant 0 : index
    %get3A_23 = vector.load %arg5[%get3A_21, %get3A_22] : memref<256x512xf32, #tpu.memory_space<vmem>>, vector<256x512xf32>
    %dot_general3A_24 = arith.constant dense<0.000000e+00> : vector<512x512xf32>
    %dot_general3A_25 = tpu.matmul %max3A_20, %get3A_23, %dot_general3A_24 {dimension_numbers = #tpu.dot_dimension_numbers<[1], [0], [0], [1], [0, 0, 1, 1], [], []>, transpose_lhs_hint = false} : vector<512x256xf32>, vector<256x512xf32>, vector<512x512xf32> -> vector<512x512xf32>
    %get3A_26 = arith.constant 0 : index
    %get3A_27 = arith.constant 0 : index
    %get3A_28 = vector.load %arg6[%get3A_26, %get3A_27] : memref<1x512xf32, #tpu.memory_space<vmem>>, vector<1x512xf32>
    %add3A_29 = vector.broadcast %get3A_28 : vector<1x512xf32> to vector<512x512xf32>
    %add3A_30 = arith.addf %dot_general3A_25, %add3A_29 : vector<512x512xf32>
    %max3A_31 = arith.constant 0.000000e+00 : f32
    %max3A_32 = vector.broadcast %max3A_31 : f32 to vector<512x512xf32>
    %max3A_33 = arith.maximumf %add3A_30, %max3A_32 : vector<512x512xf32>
    %get3A_34 = arith.constant 0 : index
    %get3A_35 = arith.constant 0 : index
    %get3A_36 = vector.load %arg7[%get3A_34, %get3A_35] : memref<512x1024xf32, #tpu.memory_space<vmem>>, vector<512x1024xf32>
    %dot_general3A_37 = arith.constant dense<0.000000e+00> : vector<512x1024xf32>
    %dot_general3A_38 = tpu.matmul %max3A_33, %get3A_36, %dot_general3A_37 {dimension_numbers = #tpu.dot_dimension_numbers<[1], [0], [0], [1], [0, 0, 1, 1], [], []>, transpose_lhs_hint = false} : vector<512x512xf32>, vector<512x1024xf32>, vector<512x1024xf32> -> vector<512x1024xf32>
    %get3A_39 = arith.constant 0 : index
    %get3A_40 = arith.constant 0 : index
    %get3A_41 = vector.load %arg8[%get3A_39, %get3A_40] : memref<1x1024xf32, #tpu.memory_space<vmem>>, vector<1x1024xf32>
    %add3A_42 = vector.broadcast %get3A_41 : vector<1x1024xf32> to vector<512x1024xf32>
    %add3A_43 = arith.addf %dot_general3A_38, %add3A_42 : vector<512x1024xf32>
    %max3A_44 = arith.constant 0.000000e+00 : f32
    %max3A_45 = vector.broadcast %max3A_44 : f32 to vector<512x1024xf32>
    %max3A_46 = arith.maximumf %add3A_43, %max3A_45 : vector<512x1024xf32>
    %reshape3A = vector.shape_cast %max3A_46 : vector<512x1024xf32> to vector<4x128x1024xf32>
    %reduce_max3A = arith.constant dense<0xFF800000> : vector<4x1024xf32>
    %reduce_max3A_47 = vector.multi_reduction <maximumf>, %reshape3A, %reduce_max3A [1] : vector<4x128x1024xf32> to vector<4x1024xf32>
    %get3A_48 = arith.constant 0 : index
    %get3A_49 = arith.constant 0 : index
    %get3A_50 = vector.load %arg9[%get3A_48, %get3A_49] : memref<1024x512xf32, #tpu.memory_space<vmem>>, vector<1024x512xf32>
    %dot_general3A_51 = arith.constant dense<0.000000e+00> : vector<4x512xf32>
    %dot_general3A_52 = tpu.matmul %reduce_max3A_47, %get3A_50, %dot_general3A_51 {dimension_numbers = #tpu.dot_dimension_numbers<[1], [0], [0], [1], [0, 0, 1, 1], [], []>, transpose_lhs_hint = false} : vector<4x1024xf32>, vector<1024x512xf32>, vector<4x512xf32> -> vector<4x512xf32>
    %get3A_53 = arith.constant 0 : index
    %get3A_54 = arith.constant 0 : index
    %get3A_55 = vector.load %arg10[%get3A_53, %get3A_54] : memref<1x512xf32, #tpu.memory_space<vmem>>, vector<1x512xf32>
    %add3A_56 = vector.broadcast %get3A_55 : vector<1x512xf32> to vector<4x512xf32>
    %add3A_57 = arith.addf %dot_general3A_52, %add3A_56 : vector<4x512xf32>
    %max3A_58 = arith.constant 0.000000e+00 : f32
    %max3A_59 = vector.broadcast %max3A_58 : f32 to vector<4x512xf32>
    %max3A_60 = arith.maximumf %add3A_57, %max3A_59 : vector<4x512xf32>
    %get3A_61 = arith.constant 0 : index
    %get3A_62 = arith.constant 0 : index
    %get3A_63 = vector.load %arg11[%get3A_61, %get3A_62] : memref<512x256xf32, #tpu.memory_space<vmem>>, vector<512x256xf32>
    %dot_general3A_64 = arith.constant dense<0.000000e+00> : vector<4x256xf32>
    %dot_general3A_65 = tpu.matmul %max3A_60, %get3A_63, %dot_general3A_64 {dimension_numbers = #tpu.dot_dimension_numbers<[1], [0], [0], [1], [0, 0, 1, 1], [], []>, transpose_lhs_hint = false} : vector<4x512xf32>, vector<512x256xf32>, vector<4x256xf32> -> vector<4x256xf32>
    %get3A_66 = arith.constant 0 : index
    %get3A_67 = arith.constant 0 : index
    %get3A_68 = vector.load %arg12[%get3A_66, %get3A_67] : memref<1x256xf32, #tpu.memory_space<vmem>>, vector<1x256xf32>
    %add3A_69 = vector.broadcast %get3A_68 : vector<1x256xf32> to vector<4x256xf32>
    %add3A_70 = arith.addf %dot_general3A_65, %add3A_69 : vector<4x256xf32>
    %max3A_71 = arith.constant 0.000000e+00 : f32
    %max3A_72 = vector.broadcast %max3A_71 : f32 to vector<4x256xf32>
    %max3A_73 = arith.maximumf %add3A_70, %max3A_72 : vector<4x256xf32>
    %get3A_74 = arith.constant 0 : index
    %get3A_75 = arith.constant 0 : index
    %get3A_76 = vector.load %arg13[%get3A_74, %get3A_75] : memref<256x10xf32, #tpu.memory_space<vmem>>, vector<256x10xf32>
    %dot_general3A_77 = arith.constant dense<0.000000e+00> : vector<4x10xf32>
    %dot_general3A_78 = tpu.matmul %max3A_73, %get3A_76, %dot_general3A_77 {dimension_numbers = #tpu.dot_dimension_numbers<[1], [0], [0], [1], [0, 0, 1, 1], [], []>, transpose_lhs_hint = false} : vector<4x256xf32>, vector<256x10xf32>, vector<4x10xf32> -> vector<4x10xf32>
    %get3A_79 = arith.constant 0 : index
    %get3A_80 = arith.constant 0 : index
    %get3A_81 = vector.load %arg14[%get3A_79, %get3A_80] : memref<1x10xf32, #tpu.memory_space<vmem>>, vector<1x10xf32>
    %add3A_82 = vector.broadcast %get3A_81 : vector<1x10xf32> to vector<4x10xf32>
    %add3A_83 = arith.addf %dot_general3A_78, %add3A_82 : vector<4x10xf32>
    %swap3A = arith.constant 0 : index
    %swap3A_84 = arith.constant 0 : index
    %swap3A_85 = vector.load %arg15[%swap3A, %swap3A_84] : memref<4x10xf32, #tpu.memory_space<vmem>>, vector<4x10xf32>
    tpu.vector_store %arg15[%swap3A, %swap3A_84], %add3A_83 {strides = array<i32>} : memref<4x10xf32, #tpu.memory_space<vmem>>, vector<4x10xf32>,
    return
  }
}

</mosaic_0001>

<sc_bundles>
// kernel: kernel.17.cloned.1.call-start
scs
__scs_entry_jumppad:
0x0: {  	(pc) =	sbr.rel $0x88, $3  }
0x1: {  	(tag) =	ssettag $0x0;
	lr =	simm.s32 $0x1  }
0x2: {  	[smem:$0x3F42] =	sst lr;
	_ =	strace $0xD0000000  }
0x3: {  	_ = 	snop  }
0x4: {  	_ = 	snop  }
0x5: {  	_ = 	snop  }
0x6: {  	_ = 	snop  }
0x7: {  	_ = 	snop  }
__scs_overlays_trampoline_lowered:
0x8: {  	[smem:$0x3F51] =	sst s0  }
0x9: {  	[smem:$0x3F52] =	sst s1  }
0xa: {  	[smem:$0x3F53] =	sst s2  }
0xb: {  	[smem:$0x3F54] =	sst s3  }
0xc: {  	[smem:$0x3F55] =	sst s4  }
0xd: {  	[smem:$0x3F56] =	sst s5  }
0xe: {  	[smem:$0x3F57] =	sst s6  }
0xf: {  	[smem:$0x3F58] =	sst s7  }
0x10: {  	[smem:$0x3F59] =	sst s8  }
0x11: {  	[smem:$0x3F5A] =	sst s9;
	s0 =	simm.s32 @!p0 $0x0  }
0x12: {  	s1 =	sld [smem:$0x3F40];
	s0 =	simm.s32 @p0 $0x1  }
0x13: {  	[smem:$0x3F5B] =	sst s0;
	s0 =	simm.s32 @!p1 $0x0  }
0x14: {  	s2 =	sld [smem:$0x3F3F];
	s0 =	simm.s32 @p1 $0x1  }
0x15: {  	[smem:$0x3F5C] =	sst s0;
	s0 =	simm.s32 @!p2 $0x0  }
0x16: {  	s3 =	sld [smem:$0x3FDB];
	s0 =	simm.s32 @p2 $0x1  }
0x17: {  	s4 =	simm.s32 $0x1BF5;
	[smem:$0x3F5E] =	sst s0  }
0x18: {  	s0 =	sld [smem:$0x3F41];
	_ =	swait.ge [sflag:s4], $0x0  }
0x19: {  	s7 =	sld [smem:$0x3F42]  }
0x1a: {  	s8 =	sadd.s32 $0xFFFFE003, lr  }
0x1b: {  	s9 =	sadd.s32 $0xFFFFFEF7, lr;
	s5 =	simm.s32 $0xFFFFFFFF;
	p2 =	slt.u32 s8, $0xFFFFF086  }
0x1c: {  	p1 =	slt.u32 s9, $0xF7A;
	s5 =	simm.s32 @!p2 $0x0  }
0x1d: {  	s5 =	simm.s32 @p1 $0x1;
	p0 =	seq.s32 s7, s2  }
0x1e: {  	s7 =	smul.u32 @!p0 $0xF7A, s2;
	p2 =	seq.s32 @!p0 s5, $0x0  }
0x1f: {  	s9 =	smul.u32 $0xF7A, s1;
	s8 =	simm.s32 @!p0 $0x1BF5;
	p2 =	por !p2, p0  }
0x20: {  	[sflag:s8] =	ssyncset.s32 @!p0 $0xFFFFF086;
	s6 =	sadd.s32 @!p0 s3, s7;
	s7 =	simm.s32 @!p0 $0x108  }
0x21: {  	s3 =	sadd.s32 s3, s9;
	s6 =	sadd.s32 @!p0 $0x88, s6;
	s7 =	simm.s32 @p2 $0x1082  }
0x22: {  	[simem:s7], [sflag:s8] =	dma.local @!p0 [hbm:s6], $0xF7A  }
0x23: {  	s9 =	sor.u32 $0xD0000000, s2;
	s6 =	simm.s32 $0x108;
	_ =	swait.ge @!p0 [sflag:s8], $0x0  }
0x24: {  	s3 =	sadd.s32 $0x88, s3;
	s6 =	simm.s32 @!p1 $0x1082;
	[sflag:s4] =	ssyncset.s32 $0xFFFFF086  }
0x25: {  	[simem:s6], [sflag:s4] =	dma.local [hbm:s3], $0xF7A  }
0x26: {  	[smem:$0x3F42] =	sst s1;
	(tag) =	ssettag s2;
	_ =	strace s9  }
0x27: {  	s1 =	sld [smem:$0x3F52]  }
0x28: {  	s2 =	sld [smem:$0x3F53]  }
0x29: {  	s4 =	sld [smem:$0x3F55]  }
0x2a: {  	p0 =	seq.s32 s5, $0x0;
	s5 =	sld [smem:$0x3F56]  }
0x2b: {  	s6 =	sld [smem:$0x3F57]  }
0x2c: {  	s7 =	sld [smem:$0x3F58]  }
0x2d: {  	s3 =	simm.s32 $0x108;
	s8 =	sld [smem:$0x3F59]  }
0x2e: {  	s3 =	simm.s32 @!p0 $0x1082;
	s9 =	sld [smem:$0x3F5A]  }
0x2f: {  	lr =	sadd.s32 s0, s3;
	s0 =	sld [smem:$0x3F51]  }
0x30: {  	s3 =	sld [smem:$0x3F54]  }
0x31: {  	[smem:$0x3F5D] =	sst s10  }
0x32: {  	s10 =	sld [smem:$0x3F5B];
	_ =	sdelay $0x3  }
0x33: {  	p0 =	seq.s32 s10, $0x1;
	s10 =	sld [smem:$0x3F5D];
	_ =	sdelay $0x3  }
0x34: {  	[smem:$0x3F5D] =	sst s10  }
0x35: {  	s10 =	sld [smem:$0x3F5C];
	_ =	sdelay $0x3  }
0x36: {  	p1 =	seq.s32 s10, $0x1;
	s10 =	sld [smem:$0x3F5D];
	_ =	sdelay $0x3  }
0x37: {  	[smem:$0x3F5D] =	sst s10  }
0x38: {  	s10 =	sld [smem:$0x3F5E]  }
0x39: {  	_ = 	snop;
	(pc) =	sbr.ind lr, $3  }
0x3a: {  	_ = 	snop  }
0x3b: {  	_ = 	snop  }
0x3c: {  	p2 =	seq.s32 s10, $0x1;
	s10 =	sld [smem:$0x3F5D]  }
0x3d: {  	_ =	shalt  }
0x3e: {  	_ =	shalt  }
0x3f: {  	_ =	shalt  }
0x40: {  	_ =	shalt  }
0x41: {  	_ =	shalt  }
0x42: {  	_ =	shalt  }
0x43: {  	_ =	shalt  }
0x44: {  	_ =	shalt  }
0x45: {  	_ =	shalt  }
0x46: {  	_ =	shalt  }
0x47: {  	_ =	shalt  }
0x48: {  	_ =	shalt  }
0x49: {  	_ =	shalt  }
0x4a: {  	_ =	shalt  }
0x4b: {  	_ =	shalt  }
0x4c: {  	_ =	shalt  }
0x4d: {  	_ =	shalt  }
0x4e: {  	_ =	shalt  }
0x4f: {  	_ =	shalt  }
0x50: {  	_ =	shalt  }
0x51: {  	_ =	shalt  }
0x52: {  	_ =	shalt  }
0x53: {  	_ =	shalt  }
0x54: {  	_ =	shalt  }
0x55: {  	_ =	shalt  }
0x56: {  	_ =	shalt  }
0x57: {  	_ =	shalt  }
0x58: {  	_ =	shalt  }
0x59: {  	_ =	shalt  }
0x5a: {  	_ =	shalt  }
0x5b: {  	_ =	shalt  }
0x5c: {  	_ =	shalt  }
0x5d: {  	_ =	shalt  }
0x5e: {  	_ =	shalt  }
0x5f: {  	_ =	shalt  }
0x60: {  	_ =	shalt  }
0x61: {  	_ =	shalt  }
0x62: {  	_ =	shalt  }
0x63: {  	_ =	shalt  }
0x64: {  	_ =	shalt  }
0x65: {  	_ =	shalt  }
0x66: {  	_ =	shalt  }
0x67: {  	_ =	shalt  }
0x68: {  	_ =	shalt  }
0x69: {  	_ =	shalt  }
0x6a: {  	_ =	shalt  }
0x6b: {  	_ =	shalt  }
0x6c: {  	_ =	shalt  }
0x6d: {  	_ =	shalt  }
0x6e: {  	_ =	shalt  }
0x6f: {  	_ =	shalt  }
0x70: {  	_ =	shalt  }
0x71: {  	_ =	shalt  }
0x72: {  	_ =	shalt  }
0x73: {  	_ =	shalt  }
0x74: {  	_ =	shalt  }
0x75: {  	_ =	shalt  }
0x76: {  	_ =	shalt  }
0x77: {  	_ =	shalt  }
0x78: {  	_ =	shalt  }
0x79: {  	_ =	shalt  }
0x7a: {  	_ =	shalt  }
0x7b: {  	_ =	shalt  }
0x7c: {  	_ =	shalt  }
0x7d: {  	_ =	shalt  }
0x7e: {  	_ =	shalt  }
0x7f: {  	_ =	shalt  }
0x80: {  	_ =	shalt  }
0x81: {  	_ =	shalt  }
0x82: {  	_ =	shalt  }
0x83: {  	_ =	shalt  }
0x84: {  	_ =	shalt  }
0x85: {  	_ =	shalt  }
0x86: {  	_ =	shalt  }
0x87: {  	_ =	shalt  }
.Lfunc_end0:
.L_simem_size_0:
called_computation_lowered:
.L_overlay_start_0:
0x88: {  	s2 =	sld [smem:$0x3FD9]  }
0x89: {  	s3 =	sld [smem:$0x3FFE];
	_ =	sdelay $0x1  }
0x8a: {  	s1 =	srdreg.scid  }
0x8b: {  	s0 =	sand.u32 $0x1, s1  }
0x8c: {  	s16 =	sshll.u32 s0, $0xA;
	s2 =	sadd.s32 s3, s2  }
0x8d: {  	s2 =	sadd.s32 s2, s16  }
0x8e: {  	[smem:$0x3F69] =	sst s2  }
0x8f: {  	_ = 	snop  }
0x90: {  	(tm) =	ssettm $0x1  }
0x91: {  	s17 =	sld [smem:$0x3FFB];
	_ =	sdelay $0x3  }
0x92: {  	_ =	strace s17  }
0x93: {  	s2 =	sld [smem:$0x3FFC];
	_ =	sdelay $0x3  }
0x94: {  	_ =	strace s2  }
0x95: {  	s2 =	sld [smem:$0x3FFD];
	_ =	sdelay $0x3  }
0x96: {  	_ =	strace s2  }
0x97: {  	_ =	strace $0x8FFFFFFF  }
0x98: {  	s18 =	sld [smem:$0x3FDB];
	_ =	sdelay $0x1  }
0x99: {  	s19 =	simm.s32 $_scs_section_size  }
0x9a: {  	s4 =	simm.s32 $_size__tile_overlayer_lowered;
	s5 =	simm.s32 $_tile_overlayer_lowered  }
0x9b: {  	s22 =	simm.s32 $0x1BFF;
	s21 =	sshll.u32 s5, $0x1;
	s2 =	sadd.s32 s19, s18  }
0x9c: {  	s6 =	simm.s32 $0x0;
	s20 =	sshll.u32 s4, $0x1;
	s4 =	sadd.s32 s21, s2  }
0x9d: {  	[timem:s6], [sflag:s22] =	dma.local [hbm:s4], s20  }
0x9e: {  	_ =	swait.ge [sflag:s22], s20  }
0x9f: {  	s3 =	ssub.s32 $0x0, s20;
	[sflag:s22] =	ssyncset.done $0x0  }
0xa0: {  	[sflag:s22] =	ssyncadd.s32 s3;
	_ =	sdelay $0x1  }
0xa1: {  	s23 =	simm.s32 $0x1B8B  }
0xa2: {  	_ =	swait.ge [sflag:s23], $0x1  }
0xa3: {  	[sflag:s23] =	ssyncset.done $0x0  }
0xa4: {  	s25 =	simm.s32 $0x1B8E;
	s24 =	sld [smem:$0x3FFE];
	[sflag:s23] =	ssyncadd.s32 $0xFFFFFFFF  }
0xa5: {  	s26 =	simm.s32 $execute0_lowered;
	[smem:$0x3FD2] =	sst s25  }
0xa6: {  	s4 =	sshll.u32 s26, $0x1;
	_ =	strace $0x80000046;
	[dreg:$0x1] =	wrdreg $0xFFFFFFFF  }
0xa7: {  	s28 =	simm.s32 $_size_execute0_lowered;
	s2 =	sadd.s32 s2, s4;
	[dreg:$0x0] =	wrdreg $0x0  }
0xa8: {  	s4 =	sshll.u32 s28, $0x1;
	[dreg:$0x2] =	wrdreg s2  }
0xa9: {  	[dreg:$0x3] =	wrdreg s4  }
0xaa: {  	[dreg:$0x4] =	wrdreg $0xC0  }
0xab: {  	_ =	task [dreg:s6], $0x5FFFF  }
0xac: {  	[dreg:$0x1] =	wrdreg $0xFFFFFFFF  }
0xad: {  	[dreg:$0x0] =	wrdreg $0x60  }
0xae: {  	[dreg:$0x2] =	wrdreg s24  }
0xaf: {  	[dreg:$0x3] =	wrdreg $0x9  }
0xb0: {  	_ =	task.clear_ibuf [dreg:s6], $0x4FFFF;
	_ =	strace $0x90000046  }
0xb1: {  	s29 =	simm.s32 $0x9;
	_ =	strace $0x80000048  }
0xb2: {  	_ =	swait.ge [sflag:s29], $0x1  }
0xb3: {  	[sflag:s29] =	ssyncadd.s32 $0xFFFFFFFF  }
0xb4: {  	_ =	strace $0x90000048  }
0xb5: {  	_ =	sfence  }
0xb6: {  	s30 =	sld [smem:$0x0];
	_ =	sdelay $0x2  }
0xb7: {  	s31 =	sshll.u32 s1, $0xD;
	s1 =	sshrl.u32 s1, $0x2  }
0xb8: {  	s3 =	sand.u32 $0x4000, s31;
	s1 =	sadd.s32 s1, s30  }
0xb9: {  	s0 =	sor.u32 s3, s0;
	s1 =	sshll.u32 s1, $0x11  }
0xba: {  	s0 =	sor.u32 s1, s0  }
0xbb: {  	s0 =	sadd.s32 $0x8F2B, s0  }
0xbc: {  	[sflag:s0] =	ssyncadd.remote.s32 $0x1  }
0xbd: {  	_ =	sfence.sel $0xFFFF  }
0xbe: {  	[dreg:$0x0] =	wrdreg $0xFFFFFFFF;
	(pc) =	sbr.abs _section_cstart, $3  }
0xbf: {  	[dreg:$0x1] =	wrdreg $0xFFFFFFFF  }
0xc0: {  	_ =	task.clear_ibuf [dreg:s6], $0x2FFFF;
	_ =	strace $0x9FFFFFFF  }
0xc1: {  	(tm) =	ssettm $0x7FFFFFFF  }
tec
execute0_lowered:
.L_overlay_start_1:
0x0: {  	(tag) =	ssettag $0x1  }
0x1: {  	s0 =	rddreg [dreg:$0x0];
	s1 =	srdreg.scid  }
0x2: {  	s10 =	stileid.u32;
	s3 =	simm.s32 $0x0;
	s13 =	simm.s32 $0x10000  }
0x3: {  	s14 =	simm.s32 $0x11500;
	s15 =	simm.s32 $0x13A00;
	s18 =	simm.s32 $0x10500  }
0x4: {  	s19 =	simm.s32 $0x20;
	s21 =	simm.s32 $0x11A00;
	s22 =	simm.s32 $0x80  }
0x5: {  	s24 =	simm.s32 $0x13F80;
	s29 =	simm.s32 $0x12A00;
	s31 =	simm.s32 $0x17F80  }
0x6: {  	s17 =	simm.s32 $0x2;
	s20 =	simm.s32 $0x4;
	s1 =	sand.u32 $0x1, s1  }
0x7: {  	s2 =	sshll.u32 s10, $0x1;
	[smem:$0x7FF] =	sst s3;
	s3 =	sadd.s32 $0x51400, s0  }
0x8: {  	s4 =	sadd.s32 $0x61400, s0;
	s5 =	sadd.s32 $0x71400, s0;
	s6 =	sadd.s32 $0x181400, s0  }
0x9: {  	s7 =	sadd.s32 $0x81400, s0;
	s8 =	sadd.s32 $0x201400, s0;
	s30 =	sshll.u32 s10, $0x8  }
0xa: {  	s2 =	sor.u32 s1, s2;
	_ =	strace $0x80000047;
	s1 =	ssub.s32 $0x2, s1  }
.Ltmp0:
0xb: {  	s25 =	sshll.u32 s2, $0xD;
	s26 =	sshrl.u32 s1, $0x1;
	(pc) =	sbr.rel .LBB2_1-.Ltmp0, $4  }
0xc: {  	v0 =	vlaneseq.u32;
	s10 =	sshll.u32 s2, $0x6;
	s9 =	sadd.s32 s25, s0;
	s0 =	ssub.s32 s1, s26  }
0xd: {  	vm0 =	vmmov $0x1;
	v2 =	vor.u32 $0x10, v0;
	v3 =	vor.u32 $0x20, v0;
	s1 =	sand.u32 $0xC00, s30;
	s26 =	simm.s32 $0x10D00;
	s28 =	sadd.s32 $0x11400, s9  }
0xe: {  	v4 =	vor.u32 $0x30, v0;
	v5 =	vor.u32 $0x40, v0;
	s0 =	smax.u32 s0, $0x1;
	v1 =	vmov s1;
	s1 =	simm.s32 $0x3;
	[dreg:$0x2] =	wrdreg s28  }
0xf: {  	v6 =	vor.u32 $0x50, v0;
	v7 =	vor.u32 $0x60, v0;
	v8 =	vor.u32 $0x70, v0;
	s9 =	simm.s32 $0x0;
	[dreg:$0x3] =	wrdreg s0;
	s0 =	simm.s32 $0x1  }
.LBB2_12:
0x10: {  	s9 =	rddreg [dreg:$0x4]  }
0x11: {  	s2 =	rddreg [dreg:$0x3];
	s9 =	sadd.s32 $0x1, s9  }
0x12: {  	p0 =	sne.s32 s9, s2  }
.Ltmp1:
0x13: {  	_ = 	snop;
	(pc) =	sbr.rel @!p0 .LBB2_13-.Ltmp1, $1  }
0x14: {  	_ =	sdelay $0x3  }
.LBB2_1:
0x15: {  	[dreg:$0x4] =	wrdreg s9  }
0x16: {  	s2 =	simm.s32 $0x0;
	s28 =	rddreg [dreg:$0x2];
	s30 =	simm.s32 $0x5  }
0x17: {  	[tilespmem:s2], [sflag:$0x5] =	stream.linear.gather [hbm4b:s28+s2], $0x10000, $0x38;
	[tilespmem:$0x1BF80] =	vst v63  }
0x18: {  	_ =	swait.ge [sflag:s30], $0x10000  }
0x19: {  	[sflag:s30] =	ssyncset.done $0x0  }
0x1a: {  	[sflag:s30] =	ssyncadd.s32 $0xFFFF0000  }
0x1b: {  	v12 =	vld [tilespmem:s2+$0x0]  }
0x1c: {  	v11 =	vimm.s32 $0x0;
	s9 =	simm.s32 $0x10;
	v10 =	vimm.s32 $0x0;
	v9 =	vimm.s32 $0x0;
	s11 =	simm.s32 $0x0;
	s2 =	simm.s32 $0x0  }
.LBB2_2:
0x1d: {  	p0 =	sne.s32 s9, $0x3F0;
	_ =	sdelay $0x2  }
0x1e: {  	v13 =	vand.u32 $0x1, v12;
	v14 =	vand.u32 $0x2, v12  }
0x1f: {  	v12 =	vand.u32 $0x4, v12;
	v15 =	vshrl.u32 v14, $0x1;
	(xrf0) =	vadd.scan.msk.s32 $0xffff, v13  }
0x20: {  	v16 =	vshrl.u32 v12, $0x2;
	(xrf0) =	vadd.scan.msk.s32 $0xffff, v15  }
0x21: {  	(xrf0) =	vadd.scan.msk.s32 $0xffff, v16;
	_ =	sdelay $0x3  }
0x22: {  	v15, _, _ =	vpop (xrf0)  }
0x23: {  	vm1 =	veq.s32 v13, $0x1;
	v13 =	vadd.s32 v15, v11;
	v15, _, _ =	vpop (xrf0)  }
0x24: {  	vm2 =	vne.s32 v14, $0x0;
	v13 =	vadd.s32 $0xFFFFFFFF, v13;
	v14 =	vadd.s32 v15, v10;
	v15, _, _ =	vpop (xrf0)  }
0x25: {  	vm3 =	vgt.s32 v13, $0x0;
	v14 =	vadd.s32 $0xFFFFFFFF, v14;
	v15 =	vadd.s32 v15, v9  }
0x26: {  	v13 =	vnsel vm3, $0x0, v13;
	vm3 =	vgt.s32 v14, $0x0;
	v15 =	vadd.s32 $0xFFFFFFFF, v15  }
0x27: {  	v13 =	vmin.u32 v13, $0x40F;
	v14 =	vnsel vm3, $0x0, v14;
	vm3 =	vgt.s32 v15, $0x0  }
0x28: {  	vm4 =	vne.s32 v12, $0x0;
	v14 =	vmin.u32 v14, $0x40F;
	v12 =	vnsel vm3, $0x0, v15  }
0x29: {  	v16 =	vmpcnt.ones.xlane vm2;
	v15 =	vmpcnt.ones.xlane vm1;
	v12 =	vmin.u32 v12, $0x40F  }
0x2a: {  	v17 =	vmpcnt.ones.xlane vm4  }
0x2b: {  	v18 =	vor.u32 s2, v0;
	s2 =	smov.u32 s9;
	v10 =	vadd.s32 v10, v16;
	v11 =	vadd.s32 v11, v15  }
.Ltmp2:
0x2c: {  	v9 =	vadd.s32 v9, v17;
	[tilespmem:v13+s13+$0x0] =	vst.idx.msk vm1, v18;
	(pc) =	sbr.rel @p0 .LBB2_2-.Ltmp2, $4  }
0x2d: {  	[tilespmem:v14+s14+$0x0] =	vst.idx.msk vm2, v18  }
0x2e: {  	s11 =	sadd.s32 $0x10, s11;
	[tilespmem:v12+s15+$0x0] =	vst.idx.msk vm4, v18  }
0x2f: {  	v12 =	vld [tilespmem:s11+$0x0]  }
0x30: {  	s9 =	sadd.s32 $0x10, s9  }
0x31: {  	_ =	sdelay $0x2  }
0x32: {  	v13 =	vand.u32 $0x1, v12;
	v14 =	vand.u32 $0x2, v12  }
0x33: {  	v12 =	vand.u32 $0x4, v12;
	v15 =	vshrl.u32 v14, $0x1;
	(xrf0) =	vadd.scan.msk.s32 $0xffff, v13  }
0x34: {  	v16 =	vshrl.u32 v12, $0x2;
	(xrf0) =	vadd.scan.msk.s32 $0xffff, v15  }
0x35: {  	(xrf0) =	vadd.scan.msk.s32 $0xffff, v16;
	_ =	sdelay $0x3  }
0x36: {  	v15, _, _ =	vpop (xrf0)  }
0x37: {  	vm1 =	veq.s32 v13, $0x1;
	v13 =	vadd.s32 v15, v11;
	v15, _, _ =	vpop (xrf0)  }
0x38: {  	vm2 =	vne.s32 v14, $0x0;
	v13 =	vadd.s32 $0xFFFFFFFF, v13;
	v14 =	vadd.s32 v15, v10;
	v15, _, _ =	vpop (xrf0)  }
0x39: {  	vm3 =	vgt.s32 v13, $0x0;
	v14 =	vadd.s32 $0xFFFFFFFF, v14;
	v15 =	vadd.s32 v15, v9  }
0x3a: {  	v13 =	vnsel vm3, $0x0, v13;
	vm3 =	vgt.s32 v14, $0x0;
	v15 =	vadd.s32 $0xFFFFFFFF, v15  }
0x3b: {  	v13 =	vmin.u32 v13, $0x40F;
	v14 =	vnsel vm3, $0x0, v14;
	vm3 =	vgt.s32 v15, $0x0  }
0x3c: {  	vm4 =	vne.s32 v12, $0x0;
	v14 =	vmin.u32 v14, $0x40F;
	v12 =	vnsel vm3, $0x0, v15  }
0x3d: {  	v12 =	vmin.u32 v12, $0x40F;
	_ =	sdelay $0x1  }
0x3e: {  	v15 =	vor.u32 s2, v0  }
0x3f: {  	[tilespmem:v13+s13+$0x0] =	vst.idx.msk vm1, v15  }
0x40: {  	[tilespmem:v14+s14+$0x0] =	vst.idx.msk vm2, v15  }
0x41: {  	[tilespmem:v12+s15+$0x0] =	vst.idx.msk vm4, v15  }
0x42: {  	v12 =	vld [tilespmem:$0x10000];
	_ =	sdelay $0x1  }
0x43: {  	v13 =	vld [tilespmem:$0x11500];
	_ =	sdelay $0x2  }
0x44: {  	v14 =	vnsel vm0, $0x0, v12  }
0x45: {  	(xrf0) =	vadd.scan.msk.s32 $0xffff, v14  }
0x46: {  	v14 =	vnsel vm0, $0x0, v13  }
0x47: {  	(xrf0) =	vadd.scan.msk.s32 $0xffff, v14;
	v14 =	vld [tilespmem:$0x13A00];
	_ =	sdelay $0x2  }
0x48: {  	v15 =	vmpcnt.ones.xlane vm1  }
0x49: {  	v55 =	vmpcnt.ones.xlane vm2;
	v17, _, _ =	vpop (xrf0)  }
0x4a: {  	v11 =	vadd.s32 v11, v15;
	v18 =	vnsel vm0, $0x0, v14;
	v15 =	vbroadcast v17, $0xF  }
0x4b: {  	v10 =	vadd.s32 v10, v55;
	vm1 =	veq.s32 v11, $0x0;
	v56, _, _ =	vpop (xrf0);
	(xrf0) =	vadd.scan.msk.s32 $0xffff, v18  }
0x4c: {  	v57 =	vbroadcast v56, $0xF;
	v15 =	vsel vm1, $0x3FF, v15;
	vm1 =	vgt.s32 v11, v0  }
0x4d: {  	vm2 =	veq.s32 v10, $0x0;
	v11 =	vsel vm1, v12, v15;
	v15 =	vmpcnt.ones.xlane vm4  }
0x4e: {  	v12 =	vsel vm2, $0x3FF, v57;
	vm1 =	vgt.s32 v10, v0  }
0x4f: {  	v58 =	vld [tilespmem:$0x11510];
	v11 =	vadd.s32 v1, v11;
	v13 =	vsel vm1, v13, v12  }
0x50: {  	vm1 =	vgt.s32 v11, $0x0;
	v13 =	vadd.s32 v1, v13  }
0x51: {  	v59 =	vld [tilespmem:$0x13A10];
	v9 =	vadd.s32 v9, v15;
	v11 =	vnsel vm1, $0x0, v11;
	vm1 =	vgt.s32 v13, $0x0;
	v15, _, _ =	vpop (xrf0)  }
0x52: {  	vm2 =	veq.s32 v9, $0x0;
	v13 =	vnsel vm1, $0x0, v13;
	v15 =	vbroadcast v15, $0xF  }
0x53: {  	v11 =	vmin.u32 v11, $0xFFF;
	vm1 =	vgt.s32 v10, v2;
	v13 =	vmin.u32 v13, $0xFFF  }
0x54: {  	v10 =	vsel vm1, v58, v12;
	vm1 =	vgt.s32 v9, v0;
	v12 =	vsel vm2, $0x3FF, v15  }
0x55: {  	v10 =	vadd.s32 v1, v10;
	v15 =	vld [tilespmem:$0x13A20];
	v14 =	vsel vm1, v14, v12;
	vm1 =	vgt.s32 v9, v2  }
0x56: {  	v61 =	vld [tilespmem:$0x13A30];
	vm2 =	vgt.s32 v10, $0x0;
	v14 =	vadd.s32 v1, v14;
	v60 =	vsel vm1, v59, v12  }
0x57: {  	v62 =	vld [tilespmem:$0x13A40];
	v10 =	vnsel vm2, $0x0, v10;
	vm1 =	vgt.s32 v14, $0x0;
	v16 =	vadd.s32 v1, v60  }
0x58: {  	v10 =	vmin.u32 v10, $0xFFF;
	v14 =	vnsel vm1, $0x0, v14;
	vm1 =	vgt.s32 v16, $0x0  }
0x59: {  	v14 =	vmin.u32 v14, $0xFFF;
	v16 =	vnsel vm1, $0x0, v16;
	vm1 =	vgt.s32 v9, v3  }
0x5a: {  	v16 =	vmin.u32 v16, $0xFFF;
	v15 =	vsel vm1, v15, v12;
	vm1 =	vgt.s32 v9, v4  }
0x5b: {  	v19 =	vld [tilespmem:$0x13A50];
	v15 =	vadd.s32 v1, v15;
	v17 =	vsel vm1, v61, v12;
	vm1 =	vgt.s32 v9, v5  }
0x5c: {  	v20 =	vld [tilespmem:$0x13A60];
	vm2 =	vgt.s32 v15, $0x0;
	v17 =	vadd.s32 v1, v17;
	v18 =	vsel vm1, v62, v12  }
0x5d: {  	v63 =	vld [tilespmem:$0x13A70];
	[tilespmem:$0x10480] =	vst v11;
	v11 =	vnsel vm2, $0x0, v15;
	vm1 =	vgt.s32 v17, $0x0;
	v15 =	vadd.s32 v1, v18  }
0x5e: {  	[tilespmem:$0x11980] =	vst v13;
	v11 =	vmin.u32 v11, $0xFFF;
	v13 =	vnsel vm1, $0x0, v17;
	vm1 =	vgt.s32 v15, $0x0  }
0x5f: {  	[tilespmem:$0x11990] =	vst v10;
	v10 =	vmin.u32 v13, $0xFFF;
	v13 =	vnsel vm1, $0x0, v15;
	vm1 =	vgt.s32 v9, v6  }
0x60: {  	[tilespmem:$0x13E80] =	vst v14;
	v13 =	vmin.u32 v13, $0xFFF;
	v14 =	vsel vm1, v19, v12;
	vm1 =	vgt.s32 v9, v7  }
0x61: {  	[tilespmem:$0x13E90] =	vst v16;
	v14 =	vadd.s32 v1, v14;
	v15 =	vsel vm1, v20, v12;
	vm1 =	vgt.s32 v9, v8  }
0x62: {  	[tilespmem:$0x13EA0] =	vst v11;
	vm2 =	vgt.s32 v14, $0x0;
	v9 =	vadd.s32 v1, v15;
	v11 =	vsel vm1, v63, v12  }
0x63: {  	[tilespmem:$0x13EB0] =	vst v10;
	v10 =	vnsel vm2, $0x0, v14;
	vm1 =	vgt.s32 v9, $0x0;
	v11 =	vadd.s32 v1, v11  }
0x64: {  	[tilespmem:$0x13EC0] =	vst v13;
	v10 =	vmin.u32 v10, $0xFFF;
	v9 =	vnsel vm1, $0x0, v9;
	vm1 =	vgt.s32 v11, $0x0  }
0x65: {  	[tilespmem:$0x13ED0] =	vst v10;
	v9 =	vmin.u32 v9, $0xFFF;
	v10 =	vnsel vm1, $0x0, v11  }
0x66: {  	[tilespmem:$0x13EE0] =	vst v9;
	v9 =	vmin.u32 v10, $0xFFF  }
0x67: {  	s23 =	simm.s32 $0x10;
	s9 =	simm.s32 $0x10480;
	[tilespmem:$0x13EF0] =	vst v9  }
0x68: {  	[tilespmem:s18], [sflag:$0x1] =	stream.indirect.gather [hbm4b:s3+s23], $0x80, s9, s23, $0xb8;
	[tilespmem:$0x1BF80] =	vst v63  }
0x69: {  	s25 =	simm.s32 $0x11980;
	s2 =	simm.s32 $0x0  }
0x6a: {  	[tilespmem:s21], [sflag:$0x1] =	stream.indirect.gather [hbm4b:s4+s19], $0x80, s25, s19, $0xb8;
	[tilespmem:$0x1BF80] =	vst v63  }
0x6b: {  	s28 =	simm.s32 $0x13E80;
	s30 =	sand.u32 $0x3F0, s2  }
0x6c: {  	[tilespmem:s24], [sflag:$0x1] =	stream.indirect.gather [hbm4b:s5+s22], $0x80, s28, s22, $0xb8;
	[tilespmem:$0x1BF80] =	vst v63  }
0x6d: {  	v11 =	vimm.s32 $0x0;
	v10 =	vimm.s32 $0x0;
	v9 =	vimm.s32 $0x0;
	s9 =	simm.s32 $0x10;
	v12 =	vld [tilespmem:s30+$0x400]  }
.LBB2_4:
0x6e: {  	p0 =	sne.s32 s9, $0x3F0;
	_ =	sdelay $0x3  }
0x6f: {  	v13 =	vand.u32 $0x1, v12;
	v14 =	vand.u32 $0x2, v12  }
0x70: {  	v12 =	vand.u32 $0x4, v12;
	v15 =	vshrl.u32 v14, $0x1;
	(xrf0) =	vadd.scan.msk.s32 $0xffff, v13  }
0x71: {  	v16 =	vshrl.u32 v12, $0x2;
	(xrf0) =	vadd.scan.msk.s32 $0xffff, v15  }
0x72: {  	(xrf0) =	vadd.scan.msk.s32 $0xffff, v16;
	_ =	sdelay $0x3  }
0x73: {  	v15, _, _ =	vpop (xrf0)  }
0x74: {  	vm1 =	veq.s32 v13, $0x1;
	v13 =	vadd.s32 v15, v11;
	v15, _, _ =	vpop (xrf0)  }
0x75: {  	vm2 =	vne.s32 v14, $0x0;
	v13 =	vadd.s32 $0xFFFFFFFF, v13;
	v14 =	vadd.s32 v15, v10;
	v15, _, _ =	vpop (xrf0)  }
0x76: {  	vm3 =	vgt.s32 v13, $0x0;
	v14 =	vadd.s32 $0xFFFFFFFF, v14;
	v15 =	vadd.s32 v15, v9  }
0x77: {  	v13 =	vnsel vm3, $0x0, v13;
	vm3 =	vgt.s32 v14, $0x0;
	v15 =	vadd.s32 $0xFFFFFFFF, v15  }
0x78: {  	v13 =	vmin.u32 v13, $0x40F;
	v14 =	vnsel vm3, $0x0, v14;
	vm3 =	vgt.s32 v15, $0x0  }
0x79: {  	vm4 =	vne.s32 v12, $0x0;
	v14 =	vmin.u32 v14, $0x40F;
	v12 =	vnsel vm3, $0x0, v15  }
0x7a: {  	v16 =	vmpcnt.ones.xlane vm2;
	v15 =	vmpcnt.ones.xlane vm1;
	v12 =	vmin.u32 v12, $0x40F  }
0x7b: {  	v17 =	vmpcnt.ones.xlane vm4  }
.Ltmp3:
0x7c: {  	v18 =	vor.u32 s2, v0;
	s2 =	smov.u32 s9;
	v10 =	vadd.s32 v10, v16;
	v11 =	vadd.s32 v11, v15;
	(pc) =	sbr.rel @p0 .LBB2_4-.Ltmp3, $4  }
0x7d: {  	v9 =	vadd.s32 v9, v17;
	[tilespmem:v13+s13+$0x0] =	vst.idx.msk vm1, v18  }
0x7e: {  	[tilespmem:v14+s14+$0x0] =	vst.idx.msk vm2, v18  }
0x7f: {  	s11 =	sand.u32 $0x3F0, s9;
	[tilespmem:v12+s15+$0x0] =	vst.idx.msk vm4, v18  }
0x80: {  	s9 =	sadd.s32 $0x10, s9;
	v12 =	vld [tilespmem:s11+$0x400]  }
0x81: {  	_ =	sdelay $0x3  }
0x82: {  	v13 =	vand.u32 $0x1, v12;
	v14 =	vand.u32 $0x2, v12  }
0x83: {  	v32 =	vand.u32 $0x4, v12;
	v15 =	vshrl.u32 v14, $0x1;
	(xrf0) =	vadd.scan.msk.s32 $0xffff, v13  }
0x84: {  	v16 =	vshrl.u32 v32, $0x2;
	(xrf0) =	vadd.scan.msk.s32 $0xffff, v15  }
0x85: {  	(xrf0) =	vadd.scan.msk.s32 $0xffff, v16;
	_ =	sdelay $0x3  }
0x86: {  	v33, _, _ =	vpop (xrf0)  }
0x87: {  	vm1 =	veq.s32 v13, $0x1;
	v34 =	vadd.s32 v33, v11;
	v35, _, _ =	vpop (xrf0)  }
0x88: {  	vm2 =	vne.s32 v14, $0x0;
	v13 =	vadd.s32 $0xFFFFFFFF, v34;
	v36 =	vadd.s32 v35, v10;
	v37, _, _ =	vpop (xrf0)  }
0x89: {  	vm3 =	vgt.s32 v13, $0x0;
	v14 =	vadd.s32 $0xFFFFFFFF, v36;
	v15 =	vadd.s32 v37, v9  }
0x8a: {  	v13 =	vnsel vm3, $0x0, v13;
	vm3 =	vgt.s32 v14, $0x0;
	v15 =	vadd.s32 $0xFFFFFFFF, v15  }
0x8b: {  	v13 =	vmin.u32 v13, $0x40F;
	v14 =	vnsel vm3, $0x0, v14;
	vm3 =	vgt.s32 v15, $0x0  }
0x8c: {  	vm4 =	vne.s32 v32, $0x0;
	v14 =	vmin.u32 v14, $0x40F;
	v38 =	vnsel vm3, $0x0, v15  }
0x8d: {  	v12 =	vmin.u32 v38, $0x40F;
	_ =	sdelay $0x1  }
0x8e: {  	v39 =	vor.u32 s2, v0  }
0x8f: {  	[tilespmem:v13+s13+$0x0] =	vst.idx.msk vm1, v39  }
0x90: {  	[tilespmem:v14+s14+$0x0] =	vst.idx.msk vm2, v39  }
0x91: {  	[tilespmem:v12+s15+$0x0] =	vst.idx.msk vm4, v39  }
0x92: {  	v12 =	vld [tilespmem:$0x10000]  }
0x93: {  	v13 =	vld [tilespmem:$0x11500];
	_ =	sdelay $0x3  }
0x94: {  	v40 =	vnsel vm0, $0x0, v12  }
0x95: {  	v41 =	vnsel vm0, $0x0, v13;
	(xrf0) =	vadd.scan.msk.s32 $0xffff, v40  }
0x96: {  	v42 =	vld [tilespmem:$0x13A00];
	(xrf0) =	vadd.scan.msk.s32 $0xffff, v41;
	_ =	sdelay $0x3  }
0x97: {  	v43 =	vmpcnt.ones.xlane vm1  }
0x98: {  	v44 =	vmpcnt.ones.xlane vm2;
	v18 =	vnsel vm0, $0x0, v42;
	v17, _, _ =	vpop (xrf0)  }
0x99: {  	v11 =	vadd.s32 v11, v43;
	(xrf0) =	vadd.scan.msk.s32 $0xffff, v18;
	v45 =	vbroadcast v17, $0xF;
	v46, _, _ =	vpop (xrf0)  }
0x9a: {  	v10 =	vadd.s32 v10, v44;
	vm1 =	veq.s32 v11, $0x0;
	v47 =	vbroadcast v46, $0xF  }
0x9b: {  	vm2 =	veq.s32 v10, $0x0;
	v15 =	vsel vm1, $0x3FF, v45;
	vm1 =	vgt.s32 v11, v0  }
0x9c: {  	v11 =	vsel vm1, v12, v15;
	v48 =	vsel vm2, $0x3FF, v47;
	vm1 =	vgt.s32 v10, v0  }
0x9d: {  	v49 =	vmpcnt.ones.xlane vm4;
	v50 =	vld [tilespmem:$0x11510];
	v11 =	vadd.s32 v1, v11;
	v13 =	vsel vm1, v13, v48  }
0x9e: {  	vm1 =	vgt.s32 v11, $0x0;
	v13 =	vadd.s32 v1, v13  }
0x9f: {  	v9 =	vadd.s32 v9, v49;
	v52 =	vld [tilespmem:$0x13A10];
	v51, _, _ =	vpop (xrf0);
	v11 =	vnsel vm1, $0x0, v11;
	vm1 =	vgt.s32 v13, $0x0  }
0xa0: {  	vm2 =	veq.s32 v9, $0x0;
	v15 =	vbroadcast v51, $0xF;
	v13 =	vnsel vm1, $0x0, v13  }
0xa1: {  	v11 =	vmin.u32 v11, $0xFFF;
	vm1 =	vgt.s32 v10, v2;
	v13 =	vmin.u32 v13, $0xFFF  }
0xa2: {  	v10 =	vsel vm1, v50, v48;
	v53 =	vsel vm2, $0x3FF, v15;
	vm1 =	vgt.s32 v9, v0  }
0xa3: {  	v54 =	vld [tilespmem:$0x13A20];
	v10 =	vadd.s32 v1, v10;
	v14 =	vsel vm1, v42, v53;
	vm1 =	vgt.s32 v9, v2  }
0xa4: {  	v56 =	vld [tilespmem:$0x13A30];
	vm2 =	vgt.s32 v10, $0x0;
	v14 =	vadd.s32 v1, v14;
	v55 =	vsel vm1, v52, v53  }
0xa5: {  	v57 =	vld [tilespmem:$0x13A40];
	v10 =	vnsel vm2, $0x0, v10;
	vm1 =	vgt.s32 v14, $0x0;
	v16 =	vadd.s32 v1, v55  }
0xa6: {  	v10 =	vmin.u32 v10, $0xFFF;
	v14 =	vnsel vm1, $0x0, v14;
	vm1 =	vgt.s32 v16, $0x0  }
0xa7: {  	v14 =	vmin.u32 v14, $0xFFF;
	v16 =	vnsel vm1, $0x0, v16;
	vm1 =	vgt.s32 v9, v3  }
0xa8: {  	v16 =	vmin.u32 v16, $0xFFF;
	v15 =	vsel vm1, v54, v53;
	vm1 =	vgt.s32 v9, v4  }
0xa9: {  	v19 =	vld [tilespmem:$0x13A50];
	v15 =	vadd.s32 v1, v15;
	v17 =	vsel vm1, v56, v53;
	vm1 =	vgt.s32 v9, v5  }
0xaa: {  	v20 =	vld [tilespmem:$0x13A60];
	vm2 =	vgt.s32 v15, $0x0;
	v17 =	vadd.s32 v1, v17;
	v18 =	vsel vm1, v57, v53  }
0xab: {  	v59 =	vld [tilespmem:$0x13A70];
	[tilespmem:$0x10490] =	vst v11;
	v11 =	vnsel vm2, $0x0, v15;
	vm1 =	vgt.s32 v17, $0x0;
	v58 =	vadd.s32 v1, v18  }
0xac: {  	[tilespmem:$0x119A0] =	vst v13;
	v11 =	vmin.u32 v11, $0xFFF;
	v60 =	vnsel vm1, $0x0, v17;
	vm1 =	vgt.s32 v58, $0x0  }
0xad: {  	[tilespmem:$0x119B0] =	vst v10;
	v10 =	vmin.u32 v60, $0xFFF;
	v61 =	vnsel vm1, $0x0, v58;
	vm1 =	vgt.s32 v9, v6  }
0xae: {  	[tilespmem:$0x13F00] =	vst v14;
	v13 =	vmin.u32 v61, $0xFFF;
	v62 =	vsel vm1, v19, v53;
	vm1 =	vgt.s32 v9, v7  }
0xaf: {  	[tilespmem:$0x13F10] =	vst v16;
	v14 =	vadd.s32 v1, v62;
	v63 =	vsel vm1, v20, v53;
	vm1 =	vgt.s32 v9, v8  }
0xb0: {  	[tilespmem:$0x13F20] =	vst v11;
	vm2 =	vgt.s32 v14, $0x0;
	v9 =	vadd.s32 v1, v63;
	v11 =	vsel vm1, v59, v53  }
0xb1: {  	[tilespmem:$0x13F30] =	vst v10;
	v10 =	vnsel vm2, $0x0, v14;
	vm1 =	vgt.s32 v9, $0x0;
	v11 =	vadd.s32 v1, v11  }
0xb2: {  	[tilespmem:$0x13F40] =	vst v13;
	v10 =	vmin.u32 v10, $0xFFF;
	v9 =	vnsel vm1, $0x0, v9;
	vm1 =	vgt.s32 v11, $0x0  }
0xb3: {  	[tilespmem:$0x13F50] =	vst v10;
	v9 =	vmin.u32 v9, $0xFFF;
	v10 =	vnsel vm1, $0x0, v11  }
0xb4: {  	[tilespmem:$0x13F60] =	vst v9;
	v9 =	vmin.u32 v10, $0xFFF  }
0xb5: {  	s25 =	simm.s32 $0x10;
	s9 =	simm.s32 $0x10490;
	[tilespmem:$0x13F70] =	vst v9  }
0xb6: {  	[tilespmem:s26], [sflag:$0x2] =	stream.indirect.gather [hbm4b:s3+s25], $0x80, s9, s25, $0xb8;
	[tilespmem:$0x1BF80] =	vst v63  }
0xb7: {  	s28 =	simm.s32 $0x119A0  }
0xb8: {  	[tilespmem:s29], [sflag:$0x2] =	stream.indirect.gather [hbm4b:s4+s19], $0x80, s28, s19, $0xb8;
	[tilespmem:$0x1BF80] =	vst v63  }
0xb9: {  	s30 =	simm.s32 $0x13F00;
	s2 =	simm.s32 $0x0;
	s9 =	simm.s32 $0x0  }
0xba: {  	[tilespmem:s31], [sflag:$0x2] =	stream.indirect.gather [hbm4b:s5+s22], $0x80, s30, s22, $0xb8;
	[tilespmem:$0x1BF80] =	vst v63  }
.LBB2_6:
0xbb: {  	s11 =	sshll.u32 s9, $0x1  }
0xbc: {  	_ =	swait.ge [sflag:s0], $0x5800;
	s12 =	sor.u32 s10, s11  }
0xbd: {  	[sflag:s0] =	ssyncset.done $0x0;
	s16 =	sshll.u32 s12, $0x8  }
0xbe: {  	[sflag:s0] =	ssyncadd.s32 $0xFFFFA800;
	s25 =	sshll.u32 s12, $0x9;
	s16 =	sadd.s32 s6, s16  }
0xbf: {  	[hbm4b:s16+s2] =	stream.linear.scatter [tilespmem:s18], [sflag:$0x3], $0x800, $0x38;
	[tilespmem:$0x1BF80] =	vst v63  }
0xc0: {  	s23 =	sshll.u32 s12, $0xB;
	s16 =	sadd.s32 s7, s25  }
0xc1: {  	[hbm4b:s16+s2] =	stream.linear.scatter [tilespmem:s21], [sflag:$0x3], $0x1000, $0x38;
	[tilespmem:$0x1BF80] =	vst v63  }
0xc2: {  	s25 =	smin.u32 s11, $0x3D;
	s16 =	sadd.s32 s8, s23  }
0xc3: {  	[hbm4b:s16+s2] =	stream.linear.scatter [tilespmem:s24], [sflag:$0x3], $0x4000, $0x38;
	[tilespmem:$0x1BF80] =	vst v63  }
0xc4: {  	s16 =	sshll.u32 s25, $0xA  }
0xc5: {  	s23 =	sadd.s32 $0x800, s16;
	s16 =	sand.u32 $0x380, s2  }
0xc6: {  	s25 =	sand.u32 $0x70, s2;
	s16 =	sadd.s32 s16, s23  }
0xc7: {  	s16 =	sadd.s32 s25, s16  }
0xc8: {  	v9 =	vld [tilespmem:s16+$0x0];
	_ =	sdelay $0x4  }
0xc9: {  	v10 =	vand.u32 $0x1, v9;
	v11 =	vand.u32 $0x2, v9  }
0xca: {  	v12 =	vshrl.u32 v11, $0x1;
	(xrf0) =	vadd.scan.msk.s32 $0xffff, v10  }
0xcb: {  	(xrf0) =	vadd.scan.msk.s32 $0xffff, v12  }
0xcc: {  	v9 =	vand.u32 $0x4, v9  }
0xcd: {  	v12 =	vshrl.u32 v9, $0x2  }
0xce: {  	(xrf0) =	vadd.scan.msk.s32 $0xffff, v12;
	_ =	sdelay $0x1  }
0xcf: {  	v14 =	vimm.s32 $0x0;
	v12, _, _ =	vpop (xrf0)  }
0xd0: {  	v12 =	vadd.s32 v12, v14;
	v13, _, _ =	vpop (xrf0)  }
0xd1: {  	v12 =	vadd.s32 $0xFFFFFFFF, v12;
	v13 =	vadd.s32 v13, v14  }
0xd2: {  	vm2 =	veq.s32 v10, $0x1;
	vm1 =	vgt.s32 v12, $0x0;
	v13 =	vadd.s32 $0xFFFFFFFF, v13  }
0xd3: {  	vm3 =	vne.s32 v11, $0x0;
	v11, _, _ =	vpop (xrf0);
	v10 =	vnsel vm1, $0x0, v12;
	vm1 =	vgt.s32 v13, $0x0  }
0xd4: {  	v11 =	vadd.s32 v11, v14;
	v15 =	vmin.u32 v10, $0x40F;
	v10 =	vnsel vm1, $0x0, v13  }
0xd5: {  	v16 =	vmin.u32 v10, $0x40F;
	v10 =	vadd.s32 $0xFFFFFFFF, v11  }
0xd6: {  	vm4 =	vgt.s32 v10, $0x0  }
0xd7: {  	vm1 =	vne.s32 v9, $0x0;
	v13 =	vnsel vm4, $0x0, v10  }
0xd8: {  	v13 =	vmin.u32 v13, $0x40F  }
0xd9: {  	v9 =	vmpcnt.ones.xlane vm2  }
0xda: {  	s25 =	simm.s32 $0x10;
	v12 =	vor.u32 s2, v0;
	v11 =	vmpcnt.ones.xlane vm3;
	v17 =	vmpcnt.ones.xlane vm1  }
0xdb: {  	s16 =	sand.u32 $0x380, s25;
	v10 =	vadd.s32 v14, v9;
	[tilespmem:v15+s13+$0x0] =	vst.idx.msk vm2, v12  }
0xdc: {  	s28 =	simm.s32 $0x20;
	s30 =	sand.u32 $0x70, s25;
	s16 =	sadd.s32 s16, s23;
	v11 =	vadd.s32 v14, v11;
	v9 =	vadd.s32 v14, v17;
	[tilespmem:v16+s14+$0x0] =	vst.idx.msk vm3, v12  }
.LBB2_7:
0xdd: {  	p0 =	sne.s32 s28, $0x3F0;
	s16 =	sadd.s32 s30, s16;
	[tilespmem:v13+s15+$0x0] =	vst.idx.msk vm1, v12  }
0xde: {  	v12 =	vld [tilespmem:s16+$0x0];
	_ =	sdelay $0x4  }
0xdf: {  	v13 =	vand.u32 $0x1, v12;
	v14 =	vand.u32 $0x2, v12  }
0xe0: {  	v12 =	vand.u32 $0x4, v12;
	v15 =	vshrl.u32 v14, $0x1;
	(xrf0) =	vadd.scan.msk.s32 $0xffff, v13  }
0xe1: {  	v16 =	vshrl.u32 v12, $0x2;
	(xrf0) =	vadd.scan.msk.s32 $0xffff, v15  }
0xe2: {  	(xrf0) =	vadd.scan.msk.s32 $0xffff, v16;
	_ =	sdelay $0x3  }
0xe3: {  	v15, _, _ =	vpop (xrf0)  }
0xe4: {  	vm3 =	veq.s32 v13, $0x1;
	v13 =	vadd.s32 v15, v10;
	v15, _, _ =	vpop (xrf0)  }
0xe5: {  	vm2 =	vne.s32 v14, $0x0;
	v13 =	vadd.s32 $0xFFFFFFFF, v13;
	v14 =	vadd.s32 v15, v11;
	v15, _, _ =	vpop (xrf0)  }
0xe6: {  	vm1 =	vgt.s32 v13, $0x0;
	v14 =	vadd.s32 $0xFFFFFFFF, v14;
	v15 =	vadd.s32 v15, v9  }
0xe7: {  	v13 =	vnsel vm1, $0x0, v13;
	vm1 =	vgt.s32 v14, $0x0;
	v15 =	vadd.s32 $0xFFFFFFFF, v15  }
0xe8: {  	v16 =	vmin.u32 v13, $0x40F;
	v13 =	vnsel vm1, $0x0, v14;
	vm4 =	vgt.s32 v15, $0x0  }
0xe9: {  	vm1 =	vne.s32 v12, $0x0;
	v14 =	vmin.u32 v13, $0x40F;
	v12 =	vnsel vm4, $0x0, v15  }
.Ltmp4:
0xea: {  	v17 =	vmpcnt.ones.xlane vm2;
	v15 =	vmpcnt.ones.xlane vm3;
	v13 =	vmin.u32 v12, $0x40F;
	(pc) =	sbr.rel @p0 .LBB2_7-.Ltmp4, $4  }
0xeb: {  	v18 =	vmpcnt.ones.xlane vm1  }
0xec: {  	v11 =	vadd.s32 v11, v17;
	v12 =	vor.u32 s25, v0;
	s25 =	smov.u32 s28;
	v10 =	vadd.s32 v10, v15  }
0xed: {  	s16 =	sand.u32 $0x380, s28;
	v9 =	vadd.s32 v9, v18;
	[tilespmem:v16+s13+$0x0] =	vst.idx.msk vm3, v12  }
0xee: {  	s16 =	sadd.s32 s16, s23;
	s28 =	sadd.s32 $0x10, s28;
	s30 =	sand.u32 $0x70, s25;
	[tilespmem:v14+s14+$0x0] =	vst.idx.msk vm2, v12  }
0xef: {  	_ =	sdelay $0x4  }
0xf0: {  	s16 =	sadd.s32 s30, s16;
	[tilespmem:v13+s15+$0x0] =	vst.idx.msk vm1, v12  }
0xf1: {  	v12 =	vld [tilespmem:s16+$0x0];
	_ =	sdelay $0x4  }
0xf2: {  	v13 =	vand.u32 $0x1, v12;
	v14 =	vand.u32 $0x2, v12  }
0xf3: {  	v12 =	vand.u32 $0x4, v12;
	v15 =	vshrl.u32 v14, $0x1;
	(xrf0) =	vadd.scan.msk.s32 $0xffff, v13  }
0xf4: {  	v16 =	vshrl.u32 v12, $0x2;
	(xrf0) =	vadd.scan.msk.s32 $0xffff, v15  }
0xf5: {  	(xrf0) =	vadd.scan.msk.s32 $0xffff, v16;
	_ =	sdelay $0x3  }
0xf6: {  	v15, _, _ =	vpop (xrf0)  }
0xf7: {  	vm1 =	veq.s32 v13, $0x1;
	v13 =	vadd.s32 v15, v10;
	v15, _, _ =	vpop (xrf0)  }
0xf8: {  	vm2 =	vne.s32 v14, $0x0;
	v13 =	vadd.s32 $0xFFFFFFFF, v13;
	v14 =	vadd.s32 v15, v11;
	v15, _, _ =	vpop (xrf0)  }
0xf9: {  	vm3 =	vgt.s32 v13, $0x0;
	v14 =	vadd.s32 $0xFFFFFFFF, v14;
	v15 =	vadd.s32 v15, v9  }
0xfa: {  	v13 =	vnsel vm3, $0x0, v13;
	vm3 =	vgt.s32 v14, $0x0;
	v15 =	vadd.s32 $0xFFFFFFFF, v15  }
0xfb: {  	v13 =	vmin.u32 v13, $0x40F;
	v14 =	vnsel vm3, $0x0, v14;
	vm3 =	vgt.s32 v15, $0x0  }
0xfc: {  	vm4 =	vne.s32 v12, $0x0;
	v14 =	vmin.u32 v14, $0x40F;
	v12 =	vnsel vm3, $0x0, v15  }
0xfd: {  	v12 =	vmin.u32 v12, $0x40F;
	_ =	sdelay $0x1  }
0xfe: {  	v15 =	vor.u32 s25, v0  }
0xff: {  	[tilespmem:v13+s13+$0x0] =	vst.idx.msk vm1, v15  }
0x100: {  	[tilespmem:v14+s14+$0x0] =	vst.idx.msk vm2, v15  }
0x101: {  	[tilespmem:v12+s15+$0x0] =	vst.idx.msk vm4, v15  }
0x102: {  	v12 =	vld [tilespmem:$0x10000];
	_ =	sdelay $0x1  }
0x103: {  	v13 =	vld [tilespmem:$0x11500];
	_ =	sdelay $0x2  }
0x104: {  	v14 =	vnsel vm0, $0x0, v12  }
0x105: {  	(xrf0) =	vadd.scan.msk.s32 $0xffff, v14  }
0x106: {  	v14 =	vnsel vm0, $0x0, v13  }
0x107: {  	(xrf0) =	vadd.scan.msk.s32 $0xffff, v14;
	v14 =	vld [tilespmem:$0x13A00];
	_ =	sdelay $0x2  }
0x108: {  	v15 =	vmpcnt.ones.xlane vm1  }
0x109: {  	v53 =	vmpcnt.ones.xlane vm2;
	v17, _, _ =	vpop (xrf0)  }
0x10a: {  	v10 =	vadd.s32 v10, v15;
	v18 =	vnsel vm0, $0x0, v14;
	v15 =	vbroadcast v17, $0xF  }
0x10b: {  	v11 =	vadd.s32 v11, v53;
	vm1 =	veq.s32 v10, $0x0;
	v54, _, _ =	vpop (xrf0);
	(xrf0) =	vadd.scan.msk.s32 $0xffff, v18  }
0x10c: {  	v55 =	vbroadcast v54, $0xF;
	v15 =	vsel vm1, $0x3FF, v15;
	vm1 =	vgt.s32 v10, v0  }
0x10d: {  	vm2 =	veq.s32 v11, $0x0;
	v10 =	vsel vm1, v12, v15;
	v15 =	vmpcnt.ones.xlane vm4  }
0x10e: {  	v12 =	vsel vm2, $0x3FF, v55;
	vm1 =	vgt.s32 v11, v0  }
0x10f: {  	v56 =	vld [tilespmem:$0x11510];
	v10 =	vadd.s32 v1, v10;
	v13 =	vsel vm1, v13, v12  }
0x110: {  	vm1 =	vgt.s32 v10, $0x0;
	v13 =	vadd.s32 v1, v13  }
0x111: {  	v57 =	vld [tilespmem:$0x13A10];
	v9 =	vadd.s32 v9, v15;
	v10 =	vnsel vm1, $0x0, v10;
	vm1 =	vgt.s32 v13, $0x0;
	v15, _, _ =	vpop (xrf0)  }
0x112: {  	vm2 =	veq.s32 v9, $0x0;
	v13 =	vnsel vm1, $0x0, v13;
	v15 =	vbroadcast v15, $0xF  }
0x113: {  	v10 =	vmin.u32 v10, $0xFFF;
	vm1 =	vgt.s32 v11, v2;
	v13 =	vmin.u32 v13, $0xFFF  }
0x114: {  	v11 =	vsel vm1, v56, v12;
	vm1 =	vgt.s32 v9, v0;
	v12 =	vsel vm2, $0x3FF, v15  }
0x115: {  	v11 =	vadd.s32 v1, v11;
	v15 =	vld [tilespmem:$0x13A20];
	v14 =	vsel vm1, v14, v12;
	vm1 =	vgt.s32 v9, v2  }
0x116: {  	v59 =	vld [tilespmem:$0x13A30];
	vm2 =	vgt.s32 v11, $0x0;
	v14 =	vadd.s32 v1, v14;
	v58 =	vsel vm1, v57, v12  }
0x117: {  	v60 =	vld [tilespmem:$0x13A40];
	v11 =	vnsel vm2, $0x0, v11;
	vm1 =	vgt.s32 v14, $0x0;
	v16 =	vadd.s32 v1, v58  }
0x118: {  	v11 =	vmin.u32 v11, $0xFFF;
	v14 =	vnsel vm1, $0x0, v14;
	vm1 =	vgt.s32 v16, $0x0  }
0x119: {  	v14 =	vmin.u32 v14, $0xFFF;
	v16 =	vnsel vm1, $0x0, v16;
	vm1 =	vgt.s32 v9, v3  }
0x11a: {  	v16 =	vmin.u32 v16, $0xFFF;
	v15 =	vsel vm1, v15, v12;
	vm1 =	vgt.s32 v9, v4  }
0x11b: {  	v19 =	vld [tilespmem:$0x13A50];
	v15 =	vadd.s32 v1, v15;
	v17 =	vsel vm1, v59, v12;
	vm1 =	vgt.s32 v9, v5  }
0x11c: {  	v20 =	vld [tilespmem:$0x13A60];
	vm2 =	vgt.s32 v15, $0x0;
	v17 =	vadd.s32 v1, v17;
	v18 =	vsel vm1, v60, v12  }
0x11d: {  	v61 =	vld [tilespmem:$0x13A70];
	[tilespmem:$0x10480] =	vst v10;
	v10 =	vnsel vm2, $0x0, v15;
	vm1 =	vgt.s32 v17, $0x0;
	v15 =	vadd.s32 v1, v18  }
0x11e: {  	[tilespmem:$0x11980] =	vst v13;
	v10 =	vmin.u32 v10, $0xFFF;
	v13 =	vnsel vm1, $0x0, v17;
	vm1 =	vgt.s32 v15, $0x0  }
0x11f: {  	[tilespmem:$0x11990] =	vst v11;
	v11 =	vmin.u32 v13, $0xFFF;
	v13 =	vnsel vm1, $0x0, v15;
	vm1 =	vgt.s32 v9, v6  }
0x120: {  	[tilespmem:$0x13E80] =	vst v14;
	v13 =	vmin.u32 v13, $0xFFF;
	v14 =	vsel vm1, v19, v12;
	vm1 =	vgt.s32 v9, v7  }
0x121: {  	[tilespmem:$0x13E90] =	vst v16;
	v14 =	vadd.s32 v1, v14;
	v15 =	vsel vm1, v20, v12;
	vm1 =	vgt.s32 v9, v8  }
0x122: {  	[tilespmem:$0x13EA0] =	vst v10;
	vm2 =	vgt.s32 v14, $0x0;
	v9 =	vadd.s32 v1, v15;
	v10 =	vsel vm1, v61, v12  }
0x123: {  	[tilespmem:$0x13EB0] =	vst v11;
	v11 =	vnsel vm2, $0x0, v14;
	vm1 =	vgt.s32 v9, $0x0;
	v10 =	vadd.s32 v1, v10  }
0x124: {  	[tilespmem:$0x13EC0] =	vst v13;
	v11 =	vmin.u32 v11, $0xFFF;
	v9 =	vnsel vm1, $0x0, v9;
	vm1 =	vgt.s32 v10, $0x0  }
0x125: {  	[tilespmem:$0x13ED0] =	vst v11;
	v9 =	vmin.u32 v9, $0xFFF;
	v10 =	vnsel vm1, $0x0, v10  }
0x126: {  	[tilespmem:$0x13EE0] =	vst v9;
	v9 =	vmin.u32 v10, $0xFFF  }
0x127: {  	[tilespmem:$0x13EF0] =	vst v9  }
0x128: {  	p0 =	seq.s32 s9, $0x1F;
	_ =	swait.ge [sflag:s1], $0x5800  }
0x129: {  	s12 =	sor.u32 $0x1, s12;
	s16 =	simm.s32 @!p0 $0x10;
	[sflag:s1] =	ssyncset.done $0x0  }
0x12a: {  	s23 =	simm.s32 @!p0 $0x10480;
	s25 =	simm.s32 @!p0 $0x10500;
	[sflag:s1] =	ssyncadd.s32 $0xFFFFA800  }
0x12b: {  	[tilespmem:s25], [sflag:$0x1] =	stream.indirect.gather @!p0 [hbm4b:s3+s16], $0x80, s23, s16, $0xb8;
	[tilespmem:$0x1BF80] =	vst v63  }
0x12c: {  	s16 =	simm.s32 @!p0 $0x20;
	s23 =	simm.s32 @!p0 $0x11980;
	s25 =	simm.s32 @!p0 $0x11A00  }
0x12d: {  	[tilespmem:s25], [sflag:$0x1] =	stream.indirect.gather @!p0 [hbm4b:s4+s16], $0x80, s23, s16, $0xb8;
	[tilespmem:$0x1BF80] =	vst v63  }
0x12e: {  	s16 =	simm.s32 @!p0 $0x80;
	s23 =	simm.s32 @!p0 $0x13E80;
	s25 =	simm.s32 @!p0 $0x13F80  }
0x12f: {  	[tilespmem:s25], [sflag:$0x1] =	stream.indirect.gather @!p0 [hbm4b:s5+s16], $0x80, s23, s16, $0xb8;
	[tilespmem:$0x1BF80] =	vst v63  }
0x130: {  	s28 =	sshll.u32 s12, $0x8;
	_ =	swait.ge [sflag:s17], $0x5800  }
0x131: {  	s30 =	sshll.u32 s12, $0x9;
	s16 =	sand.u32 $0x1FFFFF00, s28;
	[sflag:s17] =	ssyncset.done $0x0  }
0x132: {  	s23 =	simm.s32 $0x0;
	s16 =	sadd.s32 s6, s16;
	[sflag:s17] =	ssyncadd.s32 $0xFFFFA800  }
0x133: {  	[hbm4b:s16+s23] =	stream.linear.scatter [tilespmem:s26], [sflag:$0x4], $0x800, $0x38;
	[tilespmem:$0x1BF80] =	vst v63  }
0x134: {  	s11 =	smin.u32 s11, $0x3C;
	s12 =	sshll.u32 s12, $0xB;
	s16 =	sand.u32 $0x1FFFFE00, s30  }
0x135: {  	s11 =	sshll.u32 s11, $0xA;
	s12 =	sand.u32 $0x1FFFF800, s12;
	s16 =	sadd.s32 s7, s16  }
0x136: {  	[hbm4b:s16+s23] =	stream.linear.scatter [tilespmem:s29], [sflag:$0x4], $0x1000, $0x38;
	[tilespmem:$0x1BF80] =	vst v63  }
0x137: {  	s11 =	sadd.s32 $0xC00, s11;
	s12 =	sadd.s32 s8, s12;
	s25 =	sand.u32 $0x380, s23  }
0x138: {  	[hbm4b:s12+s23] =	stream.linear.scatter [tilespmem:s31], [sflag:$0x4], $0x4000, $0x38;
	[tilespmem:$0x1BF80] =	vst v63  }
0x139: {  	s28 =	sand.u32 $0x70, s23;
	s12 =	sadd.s32 s25, s11  }
0x13a: {  	s12 =	sadd.s32 s28, s12  }
0x13b: {  	v9 =	vld [tilespmem:s12+$0x0];
	_ =	sdelay $0x4  }
0x13c: {  	v10 =	vand.u32 $0x1, v9;
	v11 =	vand.u32 $0x2, v9  }
0x13d: {  	v12 =	vshrl.u32 v11, $0x1;
	(xrf0) =	vadd.scan.msk.s32 $0xffff, v10  }
0x13e: {  	(xrf0) =	vadd.scan.msk.s32 $0xffff, v12  }
0x13f: {  	v9 =	vand.u32 $0x4, v9  }
0x140: {  	v12 =	vshrl.u32 v9, $0x2  }
0x141: {  	(xrf0) =	vadd.scan.msk.s32 $0xffff, v12;
	_ =	sdelay $0x1  }
0x142: {  	v14 =	vimm.s32 $0x0;
	v12, _, _ =	vpop (xrf0)  }
0x143: {  	v12 =	vadd.s32 v12, v14;
	v13, _, _ =	vpop (xrf0)  }
0x144: {  	v12 =	vadd.s32 $0xFFFFFFFF, v12;
	v13 =	vadd.s32 v13, v14  }
0x145: {  	vm2 =	veq.s32 v10, $0x1;
	vm1 =	vgt.s32 v12, $0x0;
	v13 =	vadd.s32 $0xFFFFFFFF, v13  }
0x146: {  	vm3 =	vne.s32 v11, $0x0;
	v11, _, _ =	vpop (xrf0);
	v10 =	vnsel vm1, $0x0, v12;
	vm1 =	vgt.s32 v13, $0x0  }
0x147: {  	v11 =	vadd.s32 v11, v14;
	v15 =	vmin.u32 v10, $0x40F;
	v10 =	vnsel vm1, $0x0, v13  }
0x148: {  	v62 =	vmin.u32 v10, $0x40F;
	v10 =	vadd.s32 $0xFFFFFFFF, v11  }
0x149: {  	vm15 =	vgt.s32 v10, $0x0  }
0x14a: {  	vm1 =	vne.s32 v9, $0x0;
	v13 =	vnsel vm15, $0x0, v10  }
0x14b: {  	v13 =	vmin.u32 v13, $0x40F  }
0x14c: {  	v9 =	vmpcnt.ones.xlane vm2  }
0x14d: {  	s12 =	simm.s32 $0x10;
	v12 =	vor.u32 s23, v0;
	v11 =	vmpcnt.ones.xlane vm3;
	v63 =	vmpcnt.ones.xlane vm1  }
0x14e: {  	s30 =	sand.u32 $0x380, s12;
	v10 =	vadd.s32 v14, v9;
	[tilespmem:v15+s13+$0x0] =	vst.idx.msk vm2, v12  }
0x14f: {  	s25 =	sand.u32 $0x70, s12;
	s16 =	sadd.s32 s30, s11;
	s23 =	simm.s32 $0x20;
	v11 =	vadd.s32 v14, v11;
	v9 =	vadd.s32 v14, v63;
	[tilespmem:v62+s14+$0x0] =	vst.idx.msk vm3, v12  }
.LBB2_9:
0x150: {  	p1 =	sne.s32 s23, $0x3F0;
	s16 =	sadd.s32 s25, s16;
	[tilespmem:v13+s15+$0x0] =	vst.idx.msk vm1, v12  }
0x151: {  	v12 =	vld [tilespmem:s16+$0x0];
	_ =	sdelay $0x4  }
0x152: {  	v13 =	vand.u32 $0x1, v12;
	v14 =	vand.u32 $0x2, v12  }
0x153: {  	v12 =	vand.u32 $0x4, v12;
	v15 =	vshrl.u32 v14, $0x1;
	(xrf0) =	vadd.scan.msk.s32 $0xffff, v13  }
0x154: {  	v16 =	vshrl.u32 v12, $0x2;
	(xrf0) =	vadd.scan.msk.s32 $0xffff, v15  }
0x155: {  	(xrf0) =	vadd.scan.msk.s32 $0xffff, v16;
	_ =	sdelay $0x3  }
0x156: {  	v15, _, _ =	vpop (xrf0)  }
0x157: {  	vm3 =	veq.s32 v13, $0x1;
	v13 =	vadd.s32 v15, v10;
	v15, _, _ =	vpop (xrf0)  }
0x158: {  	vm2 =	vne.s32 v14, $0x0;
	v13 =	vadd.s32 $0xFFFFFFFF, v13;
	v14 =	vadd.s32 v15, v11;
	v15, _, _ =	vpop (xrf0)  }
0x159: {  	vm1 =	vgt.s32 v13, $0x0;
	v14 =	vadd.s32 $0xFFFFFFFF, v14;
	v15 =	vadd.s32 v15, v9  }
0x15a: {  	v13 =	vnsel vm1, $0x0, v13;
	vm1 =	vgt.s32 v14, $0x0;
	v15 =	vadd.s32 $0xFFFFFFFF, v15  }
0x15b: {  	v16 =	vmin.u32 v13, $0x40F;
	v13 =	vnsel vm1, $0x0, v14;
	vm4 =	vgt.s32 v15, $0x0  }
0x15c: {  	vm1 =	vne.s32 v12, $0x0;
	v14 =	vmin.u32 v13, $0x40F;
	v12 =	vnsel vm4, $0x0, v15  }
.Ltmp5:
0x15d: {  	v17 =	vmpcnt.ones.xlane vm2;
	v15 =	vmpcnt.ones.xlane vm3;
	v13 =	vmin.u32 v12, $0x40F;
	(pc) =	sbr.rel @p1 .LBB2_9-.Ltmp5, $4  }
0x15e: {  	v18 =	vmpcnt.ones.xlane vm1  }
0x15f: {  	v11 =	vadd.s32 v11, v17;
	v12 =	vor.u32 s12, v0;
	s12 =	smov.u32 s23;
	v10 =	vadd.s32 v10, v15  }
0x160: {  	s16 =	sand.u32 $0x380, s23;
	v9 =	vadd.s32 v9, v18;
	[tilespmem:v16+s13+$0x0] =	vst.idx.msk vm3, v12  }
0x161: {  	s16 =	sadd.s32 s16, s11;
	s23 =	sadd.s32 $0x10, s23;
	s25 =	sand.u32 $0x70, s12;
	[tilespmem:v14+s14+$0x0] =	vst.idx.msk vm2, v12  }
0x162: {  	_ =	sdelay $0x4  }
0x163: {  	s11 =	sadd.s32 s25, s16;
	[tilespmem:v13+s15+$0x0] =	vst.idx.msk vm1, v12  }
0x164: {  	v12 =	vld [tilespmem:s11+$0x0];
	_ =	sdelay $0x4  }
0x165: {  	v32 =	vand.u32 $0x1, v12;
	v14 =	vand.u32 $0x2, v12  }
0x166: {  	v12 =	vand.u32 $0x4, v12;
	v15 =	vshrl.u32 v14, $0x1;
	(xrf0) =	vadd.scan.msk.s32 $0xffff, v32  }
0x167: {  	v16 =	vshrl.u32 v12, $0x2;
	(xrf0) =	vadd.scan.msk.s32 $0xffff, v15  }
0x168: {  	(xrf0) =	vadd.scan.msk.s32 $0xffff, v16;
	_ =	sdelay $0x3  }
0x169: {  	v33, _, _ =	vpop (xrf0)  }
0x16a: {  	vm1 =	veq.s32 v32, $0x1;
	v34 =	vadd.s32 v33, v10;
	v35, _, _ =	vpop (xrf0)  }
0x16b: {  	vm2 =	vne.s32 v14, $0x0;
	v13 =	vadd.s32 $0xFFFFFFFF, v34;
	v36 =	vadd.s32 v35, v11;
	v37, _, _ =	vpop (xrf0)  }
0x16c: {  	vm3 =	vgt.s32 v13, $0x0;
	v14 =	vadd.s32 $0xFFFFFFFF, v36;
	v15 =	vadd.s32 v37, v9  }
0x16d: {  	v13 =	vnsel vm3, $0x0, v13;
	vm3 =	vgt.s32 v14, $0x0;
	v15 =	vadd.s32 $0xFFFFFFFF, v15  }
0x16e: {  	v13 =	vmin.u32 v13, $0x40F;
	v14 =	vnsel vm3, $0x0, v14;
	vm3 =	vgt.s32 v15, $0x0  }
0x16f: {  	vm4 =	vne.s32 v12, $0x0;
	v14 =	vmin.u32 v14, $0x40F;
	v38 =	vnsel vm3, $0x0, v15  }
0x170: {  	v12 =	vmin.u32 v38, $0x40F;
	_ =	sdelay $0x1  }
0x171: {  	v39 =	vor.u32 s12, v0  }
0x172: {  	[tilespmem:v13+s13+$0x0] =	vst.idx.msk vm1, v39  }
0x173: {  	[tilespmem:v14+s14+$0x0] =	vst.idx.msk vm2, v39  }
0x174: {  	[tilespmem:v12+s15+$0x0] =	vst.idx.msk vm4, v39  }
0x175: {  	v12 =	vld [tilespmem:$0x10000]  }
0x176: {  	v13 =	vld [tilespmem:$0x11500];
	_ =	sdelay $0x3  }
0x177: {  	v40 =	vnsel vm0, $0x0, v12  }
0x178: {  	v41 =	vnsel vm0, $0x0, v13;
	(xrf0) =	vadd.scan.msk.s32 $0xffff, v40  }
0x179: {  	v42 =	vld [tilespmem:$0x13A00];
	(xrf0) =	vadd.scan.msk.s32 $0xffff, v41;
	_ =	sdelay $0x3  }
0x17a: {  	v43 =	vmpcnt.ones.xlane vm1  }
0x17b: {  	v44 =	vmpcnt.ones.xlane vm2;
	v18 =	vnsel vm0, $0x0, v42;
	v17, _, _ =	vpop (xrf0)  }
0x17c: {  	v10 =	vadd.s32 v10, v43;
	(xrf0) =	vadd.scan.msk.s32 $0xffff, v18;
	v45 =	vbroadcast v17, $0xF;
	v46, _, _ =	vpop (xrf0)  }
0x17d: {  	v11 =	vadd.s32 v11, v44;
	vm1 =	veq.s32 v10, $0x0;
	v47 =	vbroadcast v46, $0xF  }
0x17e: {  	vm2 =	veq.s32 v11, $0x0;
	v15 =	vsel vm1, $0x3FF, v45;
	vm1 =	vgt.s32 v10, v0  }
0x17f: {  	v10 =	vsel vm1, v12, v15;
	v48 =	vsel vm2, $0x3FF, v47;
	vm1 =	vgt.s32 v11, v0  }
0x180: {  	v49 =	vmpcnt.ones.xlane vm4;
	v50 =	vld [tilespmem:$0x11510];
	v10 =	vadd.s32 v1, v10;
	v13 =	vsel vm1, v13, v48  }
0x181: {  	vm1 =	vgt.s32 v10, $0x0;
	v13 =	vadd.s32 v1, v13  }
0x182: {  	v9 =	vadd.s32 v9, v49;
	v52 =	vld [tilespmem:$0x13A10];
	v51, _, _ =	vpop (xrf0);
	v10 =	vnsel vm1, $0x0, v10;
	vm1 =	vgt.s32 v13, $0x0  }
0x183: {  	vm2 =	veq.s32 v9, $0x0;
	v15 =	vbroadcast v51, $0xF;
	v13 =	vnsel vm1, $0x0, v13  }
0x184: {  	v10 =	vmin.u32 v10, $0xFFF;
	vm1 =	vgt.s32 v11, v2;
	v13 =	vmin.u32 v13, $0xFFF  }
0x185: {  	v11 =	vsel vm1, v50, v48;
	v53 =	vsel vm2, $0x3FF, v15;
	vm1 =	vgt.s32 v9, v0  }
0x186: {  	v54 =	vld [tilespmem:$0x13A20];
	v11 =	vadd.s32 v1, v11;
	v14 =	vsel vm1, v42, v53;
	vm1 =	vgt.s32 v9, v2  }
0x187: {  	v56 =	vld [tilespmem:$0x13A30];
	vm2 =	vgt.s32 v11, $0x0;
	v14 =	vadd.s32 v1, v14;
	v55 =	vsel vm1, v52, v53  }
0x188: {  	v57 =	vld [tilespmem:$0x13A40];
	v11 =	vnsel vm2, $0x0, v11;
	vm1 =	vgt.s32 v14, $0x0;
	v16 =	vadd.s32 v1, v55  }
0x189: {  	v11 =	vmin.u32 v11, $0xFFF;
	v14 =	vnsel vm1, $0x0, v14;
	vm1 =	vgt.s32 v16, $0x0  }
0x18a: {  	v14 =	vmin.u32 v14, $0xFFF;
	v16 =	vnsel vm1, $0x0, v16;
	vm1 =	vgt.s32 v9, v3  }
0x18b: {  	v16 =	vmin.u32 v16, $0xFFF;
	v15 =	vsel vm1, v54, v53;
	vm1 =	vgt.s32 v9, v4  }
0x18c: {  	v19 =	vld [tilespmem:$0x13A50];
	v15 =	vadd.s32 v1, v15;
	v17 =	vsel vm1, v56, v53;
	vm1 =	vgt.s32 v9, v5  }
0x18d: {  	v20 =	vld [tilespmem:$0x13A60];
	vm2 =	vgt.s32 v15, $0x0;
	v17 =	vadd.s32 v1, v17;
	v18 =	vsel vm1, v57, v53  }
0x18e: {  	v59 =	vld [tilespmem:$0x13A70];
	[tilespmem:$0x10490] =	vst v10;
	v10 =	vnsel vm2, $0x0, v15;
	vm1 =	vgt.s32 v17, $0x0;
	v58 =	vadd.s32 v1, v18  }
0x18f: {  	[tilespmem:$0x119A0] =	vst v13;
	v10 =	vmin.u32 v10, $0xFFF;
	v60 =	vnsel vm1, $0x0, v17;
	vm1 =	vgt.s32 v58, $0x0  }
0x190: {  	[tilespmem:$0x119B0] =	vst v11;
	v11 =	vmin.u32 v60, $0xFFF;
	v61 =	vnsel vm1, $0x0, v58;
	vm1 =	vgt.s32 v9, v6  }
0x191: {  	[tilespmem:$0x13F00] =	vst v14;
	v13 =	vmin.u32 v61, $0xFFF;
	v62 =	vsel vm1, v19, v53;
	vm1 =	vgt.s32 v9, v7  }
0x192: {  	[tilespmem:$0x13F10] =	vst v16;
	v14 =	vadd.s32 v1, v62;
	v63 =	vsel vm1, v20, v53;
	vm1 =	vgt.s32 v9, v8  }
0x193: {  	[tilespmem:$0x13F20] =	vst v10;
	vm2 =	vgt.s32 v14, $0x0;
	v9 =	vadd.s32 v1, v63;
	v10 =	vsel vm1, v59, v53  }
0x194: {  	[tilespmem:$0x13F30] =	vst v11;
	v11 =	vnsel vm2, $0x0, v14;
	vm1 =	vgt.s32 v9, $0x0;
	v10 =	vadd.s32 v1, v10  }
0x195: {  	[tilespmem:$0x13F40] =	vst v13;
	v11 =	vmin.u32 v11, $0xFFF;
	v9 =	vnsel vm1, $0x0, v9;
	vm1 =	vgt.s32 v10, $0x0  }
0x196: {  	[tilespmem:$0x13F50] =	vst v11;
	v9 =	vmin.u32 v9, $0xFFF;
	v10 =	vnsel vm1, $0x0, v10  }
.Ltmp6:
0x197: {  	[tilespmem:$0x13F60] =	vst v9;
	v9 =	vmin.u32 v10, $0xFFF;
	(pc) =	sbr.rel @p0 .LBB2_12-.Ltmp6, $4  }
0x198: {  	[tilespmem:$0x13F70] =	vst v9  }
0x199: {  	_ =	swait.ge [sflag:s20], $0x5800  }
0x19a: {  	[sflag:s20] =	ssyncset.done $0x0  }
0x19b: {  	[sflag:s20] =	ssyncadd.s32 $0xFFFFA800  }
0x19c: {  	s11 =	simm.s32 $0x10;
	s12 =	simm.s32 $0x10490  }
0x19d: {  	[tilespmem:s26], [sflag:$0x2] =	stream.indirect.gather [hbm4b:s3+s11], $0x80, s12, s11, $0xb8;
	[tilespmem:$0x1BF80] =	vst v63  }
.Ltmp7:
0x19e: {  	_ = 	snop;
	(pc) =	sbr.rel .LBB2_6-.Ltmp7, $4  }
0x19f: {  	s28 =	simm.s32 $0x119A0  }
0x1a0: {  	[tilespmem:s29], [sflag:$0x2] =	stream.indirect.gather [hbm4b:s4+s19], $0x80, s28, s19, $0xb8;
	[tilespmem:$0x1BF80] =	vst v63  }
0x1a1: {  	s30 =	simm.s32 $0x13F00;
	s9 =	sadd.s32 $0x1, s9  }
0x1a2: {  	[tilespmem:s31], [sflag:$0x2] =	stream.indirect.gather [hbm4b:s5+s22], $0x80, s30, s22, $0xb8;
	[tilespmem:$0x1BF80] =	vst v63  }
.LBB2_13:
0x1a3: {  	_ =	sfence.sel $0x180000  }
0x1a4: {  	[bflag:$0x0] =	sbarrier.arrive $0xFFFF  }
0x1a5: {  	_ =	strace $0x90000047  }
0x1a6: {  	s0 =	stileid.u32;
	[bflag:$0x2] =	sbarrier.arrive $0xFFFF  }
0x1a7: {  	p0 =	sne.s32 s0, $0x0;
	s0 =	rddreg [dreg:$0x1]  }
0x1a8: {  	s0 =	sadd.s32 @!p0 $0x100000, s0  }
0x1a9: {  	[sflag:s0] =	ssyncadd.tile.s32 @!p0 $0x1;
	_ =	shalt  }
.Lfunc_end2:
_tile_overlayer_lowered:
.L_overlay_start_2:
0x1aa: {  	(tag) =	ssettag $0x2  }
0x1ab: {  	s0 =	rddreg [dreg:$0x0];
	s2 =	stileid.u32  }
0x1ac: {  	s1 =	rddreg [dreg:$0x1];
	p0 =	sne.s32 s2, $0x0  }
0x1ad: {  	s3 =	rddreg [dreg:$0x2];
	[bflag:$0x3] =	sbarrier.arrive $0xFFFF;
	s2 =	simm.s32 @!p0 $0x1C05  }
0x1ae: {  	[timem:s3], [sflag:s2] =	dma.local @!p0 [hbm:s0], s1  }
0x1af: {  	s0 =	simm.s32 @!p0 $0x5  }
0x1b0: {  	_ =	swait.ge @!p0 [sflag:s0], s1  }
0x1b1: {  	s1 =	ssub.s32 @!p0 $0x0, s1;
	[sflag:s0] =	ssyncset.done @!p0 $0x0  }
0x1b2: {  	[sflag:s0] =	ssyncadd.s32 @!p0 s1  }
0x1b3: {  	[bflag:$0x3] =	sbarrier.arrive $0xFFFF  }
0x1b4: {  	_ =	shalt  }

// kernel: kernel.20.cloned.1.call-start
scs
__scs_entry_jumppad:
0x0: {  	(pc) =	sbr.rel $0x88, $3  }
0x1: {  	(tag) =	ssettag $0x0;
	lr =	simm.s32 $0x1  }
0x2: {  	[smem:$0x3F42] =	sst lr;
	_ =	strace $0xD0000000  }
0x3: {  	_ = 	snop  }
0x4: {  	_ = 	snop  }
0x5: {  	_ = 	snop  }
0x6: {  	_ = 	snop  }
0x7: {  	_ = 	snop  }
__scs_overlays_trampoline_lowered:
0x8: {  	[smem:$0x3F51] =	sst s0  }
0x9: {  	[smem:$0x3F52] =	sst s1  }
0xa: {  	[smem:$0x3F53] =	sst s2  }
0xb: {  	[smem:$0x3F54] =	sst s3  }
0xc: {  	[smem:$0x3F55] =	sst s4  }
0xd: {  	[smem:$0x3F56] =	sst s5  }
0xe: {  	[smem:$0x3F57] =	sst s6  }
0xf: {  	[smem:$0x3F58] =	sst s7  }
0x10: {  	[smem:$0x3F59] =	sst s8  }
0x11: {  	[smem:$0x3F5A] =	sst s9;
	s0 =	simm.s32 @!p0 $0x0  }
0x12: {  	s1 =	sld [smem:$0x3F40];
	s0 =	simm.s32 @p0 $0x1  }
0x13: {  	[smem:$0x3F5B] =	sst s0;
	s0 =	simm.s32 @!p1 $0x0  }
0x14: {  	s2 =	sld [smem:$0x3F3F];
	s0 =	simm.s32 @p1 $0x1  }
0x15: {  	[smem:$0x3F5C] =	sst s0;
	s0 =	simm.s32 @!p2 $0x0  }
0x16: {  	s3 =	sld [smem:$0x3FDB];
	s0 =	simm.s32 @p2 $0x1  }
0x17: {  	s4 =	simm.s32 $0x1BF5;
	[smem:$0x3F5E] =	sst s0  }
0x18: {  	s0 =	sld [smem:$0x3F41];
	_ =	swait.ge [sflag:s4], $0x0  }
0x19: {  	s7 =	sld [smem:$0x3F42]  }
0x1a: {  	s8 =	sadd.s32 $0xFFFFE003, lr  }
0x1b: {  	s9 =	sadd.s32 $0xFFFFFEF7, lr;
	s5 =	simm.s32 $0xFFFFFFFF;
	p2 =	slt.u32 s8, $0xFFFFF086  }
0x1c: {  	p1 =	slt.u32 s9, $0xF7A;
	s5 =	simm.s32 @!p2 $0x0  }
0x1d: {  	s5 =	simm.s32 @p1 $0x1;
	p0 =	seq.s32 s7, s2  }
0x1e: {  	s7 =	smul.u32 @!p0 $0xF7A, s2;
	p2 =	seq.s32 @!p0 s5, $0x0  }
0x1f: {  	s9 =	smul.u32 $0xF7A, s1;
	s8 =	simm.s32 @!p0 $0x1BF5;
	p2 =	por !p2, p0  }
0x20: {  	[sflag:s8] =	ssyncset.s32 @!p0 $0xFFFFF086;
	s6 =	sadd.s32 @!p0 s3, s7;
	s7 =	simm.s32 @!p0 $0x108  }
0x21: {  	s3 =	sadd.s32 s3, s9;
	s6 =	sadd.s32 @!p0 $0x88, s6;
	s7 =	simm.s32 @p2 $0x1082  }
0x22: {  	[simem:s7], [sflag:s8] =	dma.local @!p0 [hbm:s6], $0xF7A  }
0x23: {  	s9 =	sor.u32 $0xD0000000, s2;
	s6 =	simm.s32 $0x108;
	_ =	swait.ge @!p0 [sflag:s8], $0x0  }
0x24: {  	s3 =	sadd.s32 $0x88, s3;
	s6 =	simm.s32 @!p1 $0x1082;
	[sflag:s4] =	ssyncset.s32 $0xFFFFF086  }
0x25: {  	[simem:s6], [sflag:s4] =	dma.local [hbm:s3], $0xF7A  }
0x26: {  	[smem:$0x3F42] =	sst s1;
	(tag) =	ssettag s2;
	_ =	strace s9  }
0x27: {  	s1 =	sld [smem:$0x3F52]  }
0x28: {  	s2 =	sld [smem:$0x3F53]  }
0x29: {  	s4 =	sld [smem:$0x3F55]  }
0x2a: {  	p0 =	seq.s32 s5, $0x0;
	s5 =	sld [smem:$0x3F56]  }
0x2b: {  	s6 =	sld [smem:$0x3F57]  }
0x2c: {  	s7 =	sld [smem:$0x3F58]  }
0x2d: {  	s3 =	simm.s32 $0x108;
	s8 =	sld [smem:$0x3F59]  }
0x2e: {  	s3 =	simm.s32 @!p0 $0x1082;
	s9 =	sld [smem:$0x3F5A]  }
0x2f: {  	lr =	sadd.s32 s0, s3;
	s0 =	sld [smem:$0x3F51]  }
0x30: {  	s3 =	sld [smem:$0x3F54]  }
0x31: {  	[smem:$0x3F5D] =	sst s10  }
0x32: {  	s10 =	sld [smem:$0x3F5B];
	_ =	sdelay $0x3  }
0x33: {  	p0 =	seq.s32 s10, $0x1;
	s10 =	sld [smem:$0x3F5D];
	_ =	sdelay $0x3  }
0x34: {  	[smem:$0x3F5D] =	sst s10  }
0x35: {  	s10 =	sld [smem:$0x3F5C];
	_ =	sdelay $0x3  }
0x36: {  	p1 =	seq.s32 s10, $0x1;
	s10 =	sld [smem:$0x3F5D];
	_ =	sdelay $0x3  }
0x37: {  	[smem:$0x3F5D] =	sst s10  }
0x38: {  	s10 =	sld [smem:$0x3F5E]  }
0x39: {  	_ = 	snop;
	(pc) =	sbr.ind lr, $3  }
0x3a: {  	_ = 	snop  }
0x3b: {  	_ = 	snop  }
0x3c: {  	p2 =	seq.s32 s10, $0x1;
	s10 =	sld [smem:$0x3F5D]  }
0x3d: {  	_ =	shalt  }
0x3e: {  	_ =	shalt  }
0x3f: {  	_ =	shalt  }
0x40: {  	_ =	shalt  }
0x41: {  	_ =	shalt  }
0x42: {  	_ =	shalt  }
0x43: {  	_ =	shalt  }
0x44: {  	_ =	shalt  }
0x45: {  	_ =	shalt  }
0x46: {  	_ =	shalt  }
0x47: {  	_ =	shalt  }
0x48: {  	_ =	shalt  }
0x49: {  	_ =	shalt  }
0x4a: {  	_ =	shalt  }
0x4b: {  	_ =	shalt  }
0x4c: {  	_ =	shalt  }
0x4d: {  	_ =	shalt  }
0x4e: {  	_ =	shalt  }
0x4f: {  	_ =	shalt  }
0x50: {  	_ =	shalt  }
0x51: {  	_ =	shalt  }
0x52: {  	_ =	shalt  }
0x53: {  	_ =	shalt  }
0x54: {  	_ =	shalt  }
0x55: {  	_ =	shalt  }
0x56: {  	_ =	shalt  }
0x57: {  	_ =	shalt  }
0x58: {  	_ =	shalt  }
0x59: {  	_ =	shalt  }
0x5a: {  	_ =	shalt  }
0x5b: {  	_ =	shalt  }
0x5c: {  	_ =	shalt  }
0x5d: {  	_ =	shalt  }
0x5e: {  	_ =	shalt  }
0x5f: {  	_ =	shalt  }
0x60: {  	_ =	shalt  }
0x61: {  	_ =	shalt  }
0x62: {  	_ =	shalt  }
0x63: {  	_ =	shalt  }
0x64: {  	_ =	shalt  }
0x65: {  	_ =	shalt  }
0x66: {  	_ =	shalt  }
0x67: {  	_ =	shalt  }
0x68: {  	_ =	shalt  }
0x69: {  	_ =	shalt  }
0x6a: {  	_ =	shalt  }
0x6b: {  	_ =	shalt  }
0x6c: {  	_ =	shalt  }
0x6d: {  	_ =	shalt  }
0x6e: {  	_ =	shalt  }
0x6f: {  	_ =	shalt  }
0x70: {  	_ =	shalt  }
0x71: {  	_ =	shalt  }
0x72: {  	_ =	shalt  }
0x73: {  	_ =	shalt  }
0x74: {  	_ =	shalt  }
0x75: {  	_ =	shalt  }
0x76: {  	_ =	shalt  }
0x77: {  	_ =	shalt  }
0x78: {  	_ =	shalt  }
0x79: {  	_ =	shalt  }
0x7a: {  	_ =	shalt  }
0x7b: {  	_ =	shalt  }
0x7c: {  	_ =	shalt  }
0x7d: {  	_ =	shalt  }
0x7e: {  	_ =	shalt  }
0x7f: {  	_ =	shalt  }
0x80: {  	_ =	shalt  }
0x81: {  	_ =	shalt  }
0x82: {  	_ =	shalt  }
0x83: {  	_ =	shalt  }
0x84: {  	_ =	shalt  }
0x85: {  	_ =	shalt  }
0x86: {  	_ =	shalt  }
0x87: {  	_ =	shalt  }
.Lfunc_end0:
.L_simem_size_0:
called_computation.1_lowered:
.L_overlay_start_0:
0x88: {  	s2 =	sld [smem:$0x3FD9]  }
0x89: {  	s3 =	sld [smem:$0x3FFE];
	_ =	sdelay $0x1  }
0x8a: {  	s1 =	srdreg.scid  }
0x8b: {  	s0 =	sand.u32 $0x1, s1  }
0x8c: {  	s16 =	sshll.u32 s0, $0xA;
	s2 =	sadd.s32 s3, s2  }
0x8d: {  	s2 =	sadd.s32 s2, s16  }
0x8e: {  	[smem:$0x3F69] =	sst s2  }
0x8f: {  	_ = 	snop  }
0x90: {  	(tm) =	ssettm $0x1  }
0x91: {  	s17 =	sld [smem:$0x3FFB];
	_ =	sdelay $0x3  }
0x92: {  	_ =	strace s17  }
0x93: {  	s2 =	sld [smem:$0x3FFC];
	_ =	sdelay $0x3  }
0x94: {  	_ =	strace s2  }
0x95: {  	s2 =	sld [smem:$0x3FFD];
	_ =	sdelay $0x3  }
0x96: {  	_ =	strace s2  }
0x97: {  	_ =	strace $0x8FFFFFFF  }
0x98: {  	s18 =	sld [smem:$0x3FDB];
	_ =	sdelay $0x1  }
0x99: {  	s19 =	simm.s32 $_scs_section_size  }
0x9a: {  	s4 =	simm.s32 $_size__tile_overlayer_lowered;
	s5 =	simm.s32 $_tile_overlayer_lowered  }
0x9b: {  	s22 =	simm.s32 $0x1BFF;
	s21 =	sshll.u32 s5, $0x1;
	s2 =	sadd.s32 s19, s18  }
0x9c: {  	s6 =	simm.s32 $0x0;
	s20 =	sshll.u32 s4, $0x1;
	s4 =	sadd.s32 s21, s2  }
0x9d: {  	[timem:s6], [sflag:s22] =	dma.local [hbm:s4], s20  }
0x9e: {  	_ =	swait.ge [sflag:s22], s20  }
0x9f: {  	s3 =	ssub.s32 $0x0, s20;
	[sflag:s22] =	ssyncset.done $0x0  }
0xa0: {  	[sflag:s22] =	ssyncadd.s32 s3;
	_ =	sdelay $0x1  }
0xa1: {  	s23 =	simm.s32 $0x1B8B  }
0xa2: {  	_ =	swait.ge [sflag:s23], $0x1  }
0xa3: {  	[sflag:s23] =	ssyncset.done $0x0  }
0xa4: {  	s25 =	simm.s32 $0x1B8E;
	s24 =	sld [smem:$0x3FFE];
	[sflag:s23] =	ssyncadd.s32 $0xFFFFFFFF  }
0xa5: {  	s26 =	simm.s32 $execute0_lowered;
	[smem:$0x3FD2] =	sst s25  }
0xa6: {  	s4 =	sshll.u32 s26, $0x1;
	_ =	strace $0x80000049;
	[dreg:$0x1] =	wrdreg $0xFFFFFFFF  }
0xa7: {  	s28 =	simm.s32 $_size_execute0_lowered;
	s2 =	sadd.s32 s2, s4;
	[dreg:$0x0] =	wrdreg $0x0  }
0xa8: {  	s4 =	sshll.u32 s28, $0x1;
	[dreg:$0x2] =	wrdreg s2  }
0xa9: {  	[dreg:$0x3] =	wrdreg s4  }
0xaa: {  	[dreg:$0x4] =	wrdreg $0xC0  }
0xab: {  	_ =	task [dreg:s6], $0x5FFFF  }
0xac: {  	[dreg:$0x1] =	wrdreg $0xFFFFFFFF  }
0xad: {  	[dreg:$0x0] =	wrdreg $0x60  }
0xae: {  	[dreg:$0x2] =	wrdreg s24  }
0xaf: {  	[dreg:$0x3] =	wrdreg $0x9  }
0xb0: {  	_ =	task.clear_ibuf [dreg:s6], $0x4FFFF;
	_ =	strace $0x90000049  }
0xb1: {  	s29 =	simm.s32 $0x9;
	_ =	strace $0x8000004B  }
0xb2: {  	_ =	swait.ge [sflag:s29], $0x1  }
0xb3: {  	[sflag:s29] =	ssyncadd.s32 $0xFFFFFFFF  }
0xb4: {  	_ =	strace $0x9000004B  }
0xb5: {  	_ =	sfence  }
0xb6: {  	s30 =	sld [smem:$0x0];
	_ =	sdelay $0x2  }
0xb7: {  	s31 =	sshll.u32 s1, $0xD;
	s1 =	sshrl.u32 s1, $0x2  }
0xb8: {  	s3 =	sand.u32 $0x4000, s31;
	s1 =	sadd.s32 s1, s30  }
0xb9: {  	s0 =	sor.u32 s3, s0;
	s1 =	sshll.u32 s1, $0x11  }
0xba: {  	s0 =	sor.u32 s1, s0  }
0xbb: {  	s0 =	sadd.s32 $0x8F2B, s0  }
0xbc: {  	[sflag:s0] =	ssyncadd.remote.s32 $0x1  }
0xbd: {  	_ =	sfence.sel $0xFFFF  }
0xbe: {  	[dreg:$0x0] =	wrdreg $0xFFFFFFFF;
	(pc) =	sbr.abs _section_cstart, $3  }
0xbf: {  	[dreg:$0x1] =	wrdreg $0xFFFFFFFF  }
0xc0: {  	_ =	task.clear_ibuf [dreg:s6], $0x2FFFF;
	_ =	strace $0x9FFFFFFF  }
0xc1: {  	(tm) =	ssettm $0x7FFFFFFF  }
tec
execute0_lowered:
.L_overlay_start_1:
0x0: {  	(tag) =	ssettag $0x1  }
0x1: {  	s0 =	rddreg [dreg:$0x0];
	s1 =	srdreg.scid  }
0x2: {  	s10 =	stileid.u32;
	s3 =	simm.s32 $0x0;
	s13 =	simm.s32 $0x2000  }
0x3: {  	s14 =	simm.s32 $0x4300;
	s15 =	simm.s32 $0x8600;
	s18 =	simm.s32 $0x2300  }
0x4: {  	s19 =	simm.s32 $0x40;
	s21 =	simm.s32 $0x4600;
	s22 =	simm.s32 $0x80  }
0x5: {  	s24 =	simm.s32 $0x8980;
	s29 =	simm.s32 $0x6600;
	s31 =	simm.s32 $0xC980  }
0x6: {  	s17 =	simm.s32 $0x2;
	s20 =	simm.s32 $0x4;
	s1 =	sand.u32 $0x1, s1  }
0x7: {  	s2 =	sshll.u32 s10, $0x1;
	[smem:$0x7FF] =	sst s3;
	s3 =	sadd.s32 $0x11400, s0  }
0x8: {  	s4 =	sadd.s32 $0x19400, s0;
	s5 =	sadd.s32 $0x21400, s0;
	s6 =	sadd.s32 $0xA9400, s0  }
0x9: {  	s7 =	sadd.s32 $0x29400, s0;
	s8 =	sadd.s32 $0xE9400, s0;
	s30 =	sshll.u32 s10, $0x7  }
0xa: {  	s2 =	sor.u32 s1, s2;
	_ =	strace $0x8000004A;
	s1 =	ssub.s32 $0x2, s1  }
.Ltmp0:
0xb: {  	s25 =	sshll.u32 s2, $0xA;
	s26 =	sshrl.u32 s1, $0x1;
	(pc) =	sbr.rel .LBB2_1-.Ltmp0, $4  }
0xc: {  	v0 =	vlaneseq.u32;
	s10 =	sshll.u32 s2, $0x4;
	s9 =	sadd.s32 s25, s0;
	s0 =	ssub.s32 s1, s26  }
0xd: {  	vm0 =	vmmov $0x1;
	v2 =	vor.u32 $0x10, v0;
	v3 =	vor.u32 $0x20, v0;
	s1 =	sand.u32 $0x600, s30;
	s26 =	simm.s32 $0x3300;
	s28 =	sadd.s32 $0x601400, s9  }
0xe: {  	v4 =	vor.u32 $0x30, v0;
	v5 =	vor.u32 $0x40, v0;
	s0 =	smax.u32 s0, $0x1;
	v1 =	vmov s1;
	s1 =	simm.s32 $0x3;
	[dreg:$0x2] =	wrdreg s28  }
0xf: {  	v6 =	vor.u32 $0x50, v0;
	v7 =	vor.u32 $0x60, v0;
	v8 =	vor.u32 $0x70, v0;
	s9 =	simm.s32 $0x0;
	[dreg:$0x3] =	wrdreg s0;
	s0 =	simm.s32 $0x1  }
.LBB2_12:
0x10: {  	s9 =	rddreg [dreg:$0x4]  }
0x11: {  	s2 =	rddreg [dreg:$0x3];
	s9 =	sadd.s32 $0x1, s9  }
0x12: {  	p0 =	sne.s32 s9, s2  }
.Ltmp1:
0x13: {  	_ = 	snop;
	(pc) =	sbr.rel @!p0 .LBB2_13-.Ltmp1, $1  }
0x14: {  	_ =	sdelay $0x3  }
.LBB2_1:
0x15: {  	[dreg:$0x4] =	wrdreg s9  }
0x16: {  	s2 =	simm.s32 $0x0;
	s28 =	rddreg [dreg:$0x2];
	s30 =	simm.s32 $0x5  }
0x17: {  	[tilespmem:s2], [sflag:$0x5] =	stream.linear.gather [hbm4b:s28+s2], $0x2000, $0x38;
	[tilespmem:$0x10980] =	vst v63  }
0x18: {  	_ =	swait.ge [sflag:s30], $0x2000  }
0x19: {  	[sflag:s30] =	ssyncset.done $0x0  }
0x1a: {  	[sflag:s30] =	ssyncadd.s32 $0xFFFFE000  }
0x1b: {  	v12 =	vld [tilespmem:s2+$0x0]  }
0x1c: {  	v11 =	vimm.s32 $0x0;
	s9 =	simm.s32 $0x10;
	v10 =	vimm.s32 $0x0;
	v9 =	vimm.s32 $0x0;
	s11 =	simm.s32 $0x0;
	s2 =	simm.s32 $0x0  }
.LBB2_2:
0x1d: {  	p0 =	sne.s32 s9, $0x1F0;
	_ =	sdelay $0x2  }
0x1e: {  	v13 =	vand.u32 $0x1, v12;
	v14 =	vand.u32 $0x2, v12  }
0x1f: {  	v12 =	vand.u32 $0x4, v12;
	v15 =	vshrl.u32 v14, $0x1;
	(xrf0) =	vadd.scan.msk.s32 $0xffff, v13  }
0x20: {  	v16 =	vshrl.u32 v12, $0x2;
	(xrf0) =	vadd.scan.msk.s32 $0xffff, v15  }
0x21: {  	(xrf0) =	vadd.scan.msk.s32 $0xffff, v16;
	_ =	sdelay $0x3  }
0x22: {  	v15, _, _ =	vpop (xrf0)  }
0x23: {  	vm1 =	veq.s32 v13, $0x1;
	v13 =	vadd.s32 v15, v11;
	v15, _, _ =	vpop (xrf0)  }
0x24: {  	vm2 =	vne.s32 v14, $0x0;
	v13 =	vadd.s32 $0xFFFFFFFF, v13;
	v14 =	vadd.s32 v15, v10;
	v15, _, _ =	vpop (xrf0)  }
0x25: {  	vm3 =	vgt.s32 v13, $0x0;
	v14 =	vadd.s32 $0xFFFFFFFF, v14;
	v15 =	vadd.s32 v15, v9  }
0x26: {  	v13 =	vnsel vm3, $0x0, v13;
	vm3 =	vgt.s32 v14, $0x0;
	v15 =	vadd.s32 $0xFFFFFFFF, v15  }
0x27: {  	v13 =	vmin.u32 v13, $0x20F;
	v14 =	vnsel vm3, $0x0, v14;
	vm3 =	vgt.s32 v15, $0x0  }
0x28: {  	vm4 =	vne.s32 v12, $0x0;
	v14 =	vmin.u32 v14, $0x20F;
	v12 =	vnsel vm3, $0x0, v15  }
0x29: {  	v16 =	vmpcnt.ones.xlane vm2;
	v15 =	vmpcnt.ones.xlane vm1;
	v12 =	vmin.u32 v12, $0x20F  }
0x2a: {  	v17 =	vmpcnt.ones.xlane vm4  }
0x2b: {  	v18 =	vor.u32 s2, v0;
	s2 =	smov.u32 s9;
	v10 =	vadd.s32 v10, v16;
	v11 =	vadd.s32 v11, v15  }
.Ltmp2:
0x2c: {  	v9 =	vadd.s32 v9, v17;
	[tilespmem:v13+s13+$0x0] =	vst.idx.msk vm1, v18;
	(pc) =	sbr.rel @p0 .LBB2_2-.Ltmp2, $4  }
0x2d: {  	[tilespmem:v14+s14+$0x0] =	vst.idx.msk vm2, v18  }
0x2e: {  	s11 =	sadd.s32 $0x10, s11;
	[tilespmem:v12+s15+$0x0] =	vst.idx.msk vm4, v18  }
0x2f: {  	v12 =	vld [tilespmem:s11+$0x0]  }
0x30: {  	s9 =	sadd.s32 $0x10, s9  }
0x31: {  	_ =	sdelay $0x2  }
0x32: {  	v13 =	vand.u32 $0x1, v12;
	v14 =	vand.u32 $0x2, v12  }
0x33: {  	v12 =	vand.u32 $0x4, v12;
	v15 =	vshrl.u32 v14, $0x1;
	(xrf0) =	vadd.scan.msk.s32 $0xffff, v13  }
0x34: {  	v16 =	vshrl.u32 v12, $0x2;
	(xrf0) =	vadd.scan.msk.s32 $0xffff, v15  }
0x35: {  	(xrf0) =	vadd.scan.msk.s32 $0xffff, v16;
	_ =	sdelay $0x3  }
0x36: {  	v15, _, _ =	vpop (xrf0)  }
0x37: {  	vm2 =	veq.s32 v13, $0x1;
	v13 =	vadd.s32 v15, v11;
	v15, _, _ =	vpop (xrf0)  }
0x38: {  	vm1 =	vne.s32 v14, $0x0;
	v13 =	vadd.s32 $0xFFFFFFFF, v13;
	v14 =	vadd.s32 v15, v10;
	v15, _, _ =	vpop (xrf0)  }
0x39: {  	vm3 =	vgt.s32 v13, $0x0;
	v14 =	vadd.s32 $0xFFFFFFFF, v14;
	v15 =	vadd.s32 v15, v9  }
0x3a: {  	v13 =	vnsel vm3, $0x0, v13;
	vm3 =	vgt.s32 v14, $0x0;
	v15 =	vadd.s32 $0xFFFFFFFF, v15  }
0x3b: {  	v13 =	vmin.u32 v13, $0x20F;
	v14 =	vnsel vm3, $0x0, v14;
	vm3 =	vgt.s32 v15, $0x0  }
0x3c: {  	vm4 =	vne.s32 v12, $0x0;
	v14 =	vmin.u32 v14, $0x20F;
	v12 =	vnsel vm3, $0x0, v15  }
0x3d: {  	v12 =	vmin.u32 v12, $0x20F;
	_ =	sdelay $0x1  }
0x3e: {  	v15 =	vor.u32 s2, v0  }
0x3f: {  	[tilespmem:v13+s13+$0x0] =	vst.idx.msk vm2, v15  }
0x40: {  	[tilespmem:v14+s14+$0x0] =	vst.idx.msk vm1, v15  }
0x41: {  	[tilespmem:v12+s15+$0x0] =	vst.idx.msk vm4, v15  }
0x42: {  	v12 =	vld [tilespmem:$0x2000];
	_ =	sdelay $0x4  }
0x43: {  	v13 =	vnsel vm0, $0x0, v12  }
0x44: {  	(xrf0) =	vadd.scan.msk.s32 $0xffff, v13  }
0x45: {  	v13 =	vld [tilespmem:$0x4300];
	_ =	sdelay $0x3  }
0x46: {  	v14 =	vmpcnt.ones.xlane vm2  }
0x47: {  	v52 =	vnsel vm0, $0x0, v13;
	v15, _, _ =	vpop (xrf0)  }
0x48: {  	v11 =	vadd.s32 v11, v14;
	v53 =	vld [tilespmem:$0x8600];
	(xrf0) =	vadd.scan.msk.s32 $0xffff, v52;
	v14 =	vbroadcast v15, $0xF  }
0x49: {  	vm2 =	veq.s32 v11, $0x0;
	v15 =	vld [tilespmem:$0x2010]  }
0x4a: {  	v14 =	vsel vm2, $0x1FF, v14;
	vm2 =	vgt.s32 v11, v0  }
0x4b: {  	v17 =	vmpcnt.ones.xlane vm1;
	v12 =	vsel vm2, v12, v14  }
0x4c: {  	v18 =	vmpcnt.ones.xlane vm4;
	v12 =	vadd.s32 v1, v12  }
0x4d: {  	v10 =	vadd.s32 v10, v17;
	vm2 =	vgt.s32 v11, v2;
	vm1 =	vgt.s32 v12, $0x0  }
0x4e: {  	v55 =	vnsel vm0, $0x0, v53;
	v11 =	vnsel vm1, $0x0, v12;
	v12 =	vsel vm2, v15, v14;
	v14, _, _ =	vpop (xrf0);
	v15 =	vld [tilespmem:$0x4310]  }
0x4f: {  	v9 =	vadd.s32 v9, v18;
	v54 =	vld [tilespmem:$0x4320];
	(xrf0) =	vadd.scan.msk.s32 $0xffff, v55;
	v12 =	vadd.s32 v1, v12;
	v14 =	vbroadcast v14, $0xF  }
0x50: {  	vm2 =	veq.s32 v10, $0x0;
	v11 =	vmin.u32 v11, $0x7FF;
	vm1 =	vgt.s32 v12, $0x0  }
0x51: {  	v12 =	vnsel vm1, $0x0, v12;
	v14 =	vsel vm2, $0x1FF, v14;
	vm1 =	vgt.s32 v10, v0  }
0x52: {  	v12 =	vmin.u32 v12, $0x7FF;
	v13 =	vsel vm1, v13, v14;
	vm1 =	vgt.s32 v10, v2  }
0x53: {  	v13 =	vadd.s32 v1, v13;
	v15 =	vsel vm1, v15, v14;
	vm1 =	vgt.s32 v10, v3  }
0x54: {  	v56 =	vld [tilespmem:$0x4330];
	vm2 =	vgt.s32 v13, $0x0;
	v15 =	vadd.s32 v1, v15;
	v17 =	vsel vm1, v54, v14  }
0x55: {  	v19, _, _ =	vpop (xrf0);
	v13 =	vnsel vm2, $0x0, v13;
	vm1 =	vgt.s32 v15, $0x0;
	v17 =	vadd.s32 v1, v17  }
0x56: {  	v20 =	vld [tilespmem:$0x8610];
	v19 =	vbroadcast v19, $0xF;
	v15 =	vnsel vm1, $0x0, v15;
	vm1 =	vgt.s32 v17, $0x0  }
0x57: {  	vm2 =	veq.s32 v9, $0x0;
	v13 =	vmin.u32 v13, $0x7FF;
	v17 =	vnsel vm1, $0x0, v17  }
0x58: {  	v15 =	vmin.u32 v15, $0x7FF;
	vm1 =	vgt.s32 v10, v4;
	v17 =	vmin.u32 v17, $0x7FF  }
0x59: {  	v10 =	vsel vm1, v56, v14;
	v14 =	vsel vm2, $0x1FF, v19;
	vm1 =	vgt.s32 v9, v0  }
0x5a: {  	v57 =	vld [tilespmem:$0x8620];
	v10 =	vadd.s32 v1, v10;
	v16 =	vsel vm1, v53, v14;
	vm1 =	vgt.s32 v9, v2  }
0x5b: {  	v58 =	vld [tilespmem:$0x8630];
	vm2 =	vgt.s32 v10, $0x0;
	v16 =	vadd.s32 v1, v16;
	v19 =	vsel vm1, v20, v14  }
0x5c: {  	v21 =	vld [tilespmem:$0x8640];
	v10 =	vnsel vm2, $0x0, v10;
	vm1 =	vgt.s32 v16, $0x0;
	v19 =	vadd.s32 v1, v19  }
0x5d: {  	v10 =	vmin.u32 v10, $0x7FF;
	v16 =	vnsel vm1, $0x0, v16;
	vm1 =	vgt.s32 v19, $0x0  }
0x5e: {  	v16 =	vmin.u32 v16, $0x7FF;
	v19 =	vnsel vm1, $0x0, v19;
	vm1 =	vgt.s32 v9, v3  }
0x5f: {  	[tilespmem:$0x2280] =	vst v11;
	v11 =	vmin.u32 v19, $0x7FF;
	v18 =	vsel vm1, v57, v14;
	vm1 =	vgt.s32 v9, v4  }
0x60: {  	v60 =	vld [tilespmem:$0x8650];
	[tilespmem:$0x2290] =	vst v12;
	v12 =	vadd.s32 v1, v18;
	v59 =	vsel vm1, v58, v14;
	vm1 =	vgt.s32 v9, v5  }
0x61: {  	v62 =	vld [tilespmem:$0x8660];
	[tilespmem:$0x4580] =	vst v13;
	vm2 =	vgt.s32 v12, $0x0;
	v13 =	vadd.s32 v1, v59;
	v61 =	vsel vm1, v21, v14  }
0x62: {  	v63 =	vld [tilespmem:$0x8670];
	[tilespmem:$0x4590] =	vst v15;
	v12 =	vnsel vm2, $0x0, v12;
	vm1 =	vgt.s32 v13, $0x0;
	v15 =	vadd.s32 v1, v61  }
0x63: {  	[tilespmem:$0x45A0] =	vst v17;
	v12 =	vmin.u32 v12, $0x7FF;
	v13 =	vnsel vm1, $0x0, v13;
	vm1 =	vgt.s32 v15, $0x0  }
0x64: {  	[tilespmem:$0x45B0] =	vst v10;
	v10 =	vmin.u32 v13, $0x7FF;
	v13 =	vnsel vm1, $0x0, v15;
	vm1 =	vgt.s32 v9, v6  }
0x65: {  	[tilespmem:$0x8880] =	vst v16;
	v13 =	vmin.u32 v13, $0x7FF;
	v15 =	vsel vm1, v60, v14;
	vm1 =	vgt.s32 v9, v7  }
0x66: {  	[tilespmem:$0x8890] =	vst v11;
	v11 =	vadd.s32 v1, v15;
	v15 =	vsel vm1, v62, v14;
	vm1 =	vgt.s32 v9, v8  }
0x67: {  	[tilespmem:$0x88A0] =	vst v12;
	vm2 =	vgt.s32 v11, $0x0;
	v9 =	vadd.s32 v1, v15;
	v12 =	vsel vm1, v63, v14  }
0x68: {  	[tilespmem:$0x88B0] =	vst v10;
	v10 =	vnsel vm2, $0x0, v11;
	vm1 =	vgt.s32 v9, $0x0;
	v11 =	vadd.s32 v1, v12  }
0x69: {  	[tilespmem:$0x88C0] =	vst v13;
	v10 =	vmin.u32 v10, $0x7FF;
	v9 =	vnsel vm1, $0x0, v9;
	vm1 =	vgt.s32 v11, $0x0  }
0x6a: {  	[tilespmem:$0x88D0] =	vst v10;
	v9 =	vmin.u32 v9, $0x7FF;
	v10 =	vnsel vm1, $0x0, v11  }
0x6b: {  	[tilespmem:$0x88E0] =	vst v9;
	v9 =	vmin.u32 v10, $0x7FF  }
0x6c: {  	s23 =	simm.s32 $0x20;
	s9 =	simm.s32 $0x2280;
	[tilespmem:$0x88F0] =	vst v9  }
0x6d: {  	[tilespmem:s18], [sflag:$0x1] =	stream.indirect.gather [hbm4b:s3+s23], $0x80, s9, s23, $0xb8;
	[tilespmem:$0x10980] =	vst v63  }
0x6e: {  	s25 =	simm.s32 $0x4580;
	s2 =	simm.s32 $0x0  }
0x6f: {  	[tilespmem:s21], [sflag:$0x1] =	stream.indirect.gather [hbm4b:s4+s19], $0x80, s25, s19, $0xb8;
	[tilespmem:$0x10980] =	vst v63  }
0x70: {  	s28 =	simm.s32 $0x8880;
	s30 =	sand.u32 $0x1F0, s2  }
0x71: {  	[tilespmem:s24], [sflag:$0x1] =	stream.indirect.gather [hbm4b:s5+s22], $0x80, s28, s22, $0xb8;
	[tilespmem:$0x10980] =	vst v63  }
0x72: {  	v11 =	vimm.s32 $0x0;
	v10 =	vimm.s32 $0x0;
	v9 =	vimm.s32 $0x0;
	s9 =	simm.s32 $0x10;
	v12 =	vld [tilespmem:s30+$0x200]  }
.LBB2_4:
0x73: {  	p0 =	sne.s32 s9, $0x1F0;
	_ =	sdelay $0x3  }
0x74: {  	v13 =	vand.u32 $0x1, v12;
	v14 =	vand.u32 $0x2, v12  }
0x75: {  	v12 =	vand.u32 $0x4, v12;
	v15 =	vshrl.u32 v14, $0x1;
	(xrf0) =	vadd.scan.msk.s32 $0xffff, v13  }
0x76: {  	v16 =	vshrl.u32 v12, $0x2;
	(xrf0) =	vadd.scan.msk.s32 $0xffff, v15  }
0x77: {  	(xrf0) =	vadd.scan.msk.s32 $0xffff, v16;
	_ =	sdelay $0x3  }
0x78: {  	v15, _, _ =	vpop (xrf0)  }
0x79: {  	vm1 =	veq.s32 v13, $0x1;
	v13 =	vadd.s32 v15, v11;
	v15, _, _ =	vpop (xrf0)  }
0x7a: {  	vm2 =	vne.s32 v14, $0x0;
	v13 =	vadd.s32 $0xFFFFFFFF, v13;
	v14 =	vadd.s32 v15, v10;
	v15, _, _ =	vpop (xrf0)  }
0x7b: {  	vm3 =	vgt.s32 v13, $0x0;
	v14 =	vadd.s32 $0xFFFFFFFF, v14;
	v15 =	vadd.s32 v15, v9  }
0x7c: {  	v13 =	vnsel vm3, $0x0, v13;
	vm3 =	vgt.s32 v14, $0x0;
	v15 =	vadd.s32 $0xFFFFFFFF, v15  }
0x7d: {  	v13 =	vmin.u32 v13, $0x20F;
	v14 =	vnsel vm3, $0x0, v14;
	vm3 =	vgt.s32 v15, $0x0  }
0x7e: {  	vm4 =	vne.s32 v12, $0x0;
	v14 =	vmin.u32 v14, $0x20F;
	v12 =	vnsel vm3, $0x0, v15  }
0x7f: {  	v16 =	vmpcnt.ones.xlane vm2;
	v15 =	vmpcnt.ones.xlane vm1;
	v12 =	vmin.u32 v12, $0x20F  }
0x80: {  	v17 =	vmpcnt.ones.xlane vm4  }
.Ltmp3:
0x81: {  	v18 =	vor.u32 s2, v0;
	s2 =	smov.u32 s9;
	v10 =	vadd.s32 v10, v16;
	v11 =	vadd.s32 v11, v15;
	(pc) =	sbr.rel @p0 .LBB2_4-.Ltmp3, $4  }
0x82: {  	v9 =	vadd.s32 v9, v17;
	[tilespmem:v13+s13+$0x0] =	vst.idx.msk vm1, v18  }
0x83: {  	[tilespmem:v14+s14+$0x0] =	vst.idx.msk vm2, v18  }
0x84: {  	s11 =	sand.u32 $0x1F0, s9;
	[tilespmem:v12+s15+$0x0] =	vst.idx.msk vm4, v18  }
0x85: {  	s9 =	sadd.s32 $0x10, s9;
	v12 =	vld [tilespmem:s11+$0x200]  }
0x86: {  	_ =	sdelay $0x3  }
0x87: {  	v13 =	vand.u32 $0x1, v12;
	v14 =	vand.u32 $0x2, v12  }
0x88: {  	v27 =	vand.u32 $0x4, v12;
	v15 =	vshrl.u32 v14, $0x1;
	(xrf0) =	vadd.scan.msk.s32 $0xffff, v13  }
0x89: {  	v16 =	vshrl.u32 v27, $0x2;
	(xrf0) =	vadd.scan.msk.s32 $0xffff, v15  }
0x8a: {  	(xrf0) =	vadd.scan.msk.s32 $0xffff, v16;
	_ =	sdelay $0x3  }
0x8b: {  	v28, _, _ =	vpop (xrf0)  }
0x8c: {  	vm2 =	veq.s32 v13, $0x1;
	v29 =	vadd.s32 v28, v11;
	v30, _, _ =	vpop (xrf0)  }
0x8d: {  	vm1 =	vne.s32 v14, $0x0;
	v13 =	vadd.s32 $0xFFFFFFFF, v29;
	v31 =	vadd.s32 v30, v10;
	v32, _, _ =	vpop (xrf0)  }
0x8e: {  	vm3 =	vgt.s32 v13, $0x0;
	v14 =	vadd.s32 $0xFFFFFFFF, v31;
	v15 =	vadd.s32 v32, v9  }
0x8f: {  	v13 =	vnsel vm3, $0x0, v13;
	vm3 =	vgt.s32 v14, $0x0;
	v15 =	vadd.s32 $0xFFFFFFFF, v15  }
0x90: {  	v13 =	vmin.u32 v13, $0x20F;
	v14 =	vnsel vm3, $0x0, v14;
	vm3 =	vgt.s32 v15, $0x0  }
0x91: {  	vm4 =	vne.s32 v27, $0x0;
	v14 =	vmin.u32 v14, $0x20F;
	v33 =	vnsel vm3, $0x0, v15  }
0x92: {  	v12 =	vmin.u32 v33, $0x20F;
	_ =	sdelay $0x1  }
0x93: {  	v34 =	vor.u32 s2, v0  }
0x94: {  	[tilespmem:v13+s13+$0x0] =	vst.idx.msk vm2, v34  }
0x95: {  	[tilespmem:v14+s14+$0x0] =	vst.idx.msk vm1, v34  }
0x96: {  	[tilespmem:v12+s15+$0x0] =	vst.idx.msk vm4, v34  }
0x97: {  	v12 =	vld [tilespmem:$0x2000];
	_ =	sdelay $0x4  }
0x98: {  	v35 =	vnsel vm0, $0x0, v12  }
0x99: {  	v36 =	vld [tilespmem:$0x4300];
	(xrf0) =	vadd.scan.msk.s32 $0xffff, v35;
	_ =	sdelay $0x4  }
0x9a: {  	v37 =	vmpcnt.ones.xlane vm2;
	v39 =	vnsel vm0, $0x0, v36  }
0x9b: {  	v41 =	vld [tilespmem:$0x2010];
	v38, _, _ =	vpop (xrf0);
	(xrf0) =	vadd.scan.msk.s32 $0xffff, v39  }
0x9c: {  	v11 =	vadd.s32 v11, v37;
	v42 =	vld [tilespmem:$0x8600];
	v40 =	vbroadcast v38, $0xF  }
0x9d: {  	v17 =	vmpcnt.ones.xlane vm1;
	vm2 =	veq.s32 v11, $0x0  }
0x9e: {  	v18 =	vmpcnt.ones.xlane vm4;
	v14 =	vsel vm2, $0x1FF, v40;
	vm2 =	vgt.s32 v11, v0  }
0x9f: {  	v10 =	vadd.s32 v10, v17;
	v12 =	vsel vm2, v12, v14  }
0xa0: {  	v9 =	vadd.s32 v9, v18;
	vm2 =	vgt.s32 v11, v2;
	v12 =	vadd.s32 v1, v12  }
0xa1: {  	v45 =	vld [tilespmem:$0x4310];
	v47 =	vnsel vm0, $0x0, v42;
	v43 =	vsel vm2, v41, v14;
	vm1 =	vgt.s32 v12, $0x0;
	v44, _, _ =	vpop (xrf0)  }
0xa2: {  	v46 =	vld [tilespmem:$0x4320];
	(xrf0) =	vadd.scan.msk.s32 $0xffff, v47;
	v11 =	vnsel vm1, $0x0, v12;
	v12 =	vadd.s32 v1, v43;
	v14 =	vbroadcast v44, $0xF  }
0xa3: {  	vm2 =	veq.s32 v10, $0x0;
	v11 =	vmin.u32 v11, $0x7FF;
	vm1 =	vgt.s32 v12, $0x0  }
0xa4: {  	v12 =	vnsel vm1, $0x0, v12;
	v14 =	vsel vm2, $0x1FF, v14;
	vm1 =	vgt.s32 v10, v0  }
0xa5: {  	v12 =	vmin.u32 v12, $0x7FF;
	v13 =	vsel vm1, v36, v14;
	vm1 =	vgt.s32 v10, v2  }
0xa6: {  	v13 =	vadd.s32 v1, v13;
	v15 =	vsel vm1, v45, v14;
	vm1 =	vgt.s32 v10, v3  }
0xa7: {  	v48 =	vld [tilespmem:$0x4330];
	vm2 =	vgt.s32 v13, $0x0;
	v15 =	vadd.s32 v1, v15;
	v17 =	vsel vm1, v46, v14  }
0xa8: {  	v19, _, _ =	vpop (xrf0);
	v13 =	vnsel vm2, $0x0, v13;
	vm1 =	vgt.s32 v15, $0x0;
	v17 =	vadd.s32 v1, v17  }
0xa9: {  	v20 =	vld [tilespmem:$0x8610];
	v19 =	vbroadcast v19, $0xF;
	vm2 =	veq.s32 v9, $0x0;
	v15 =	vnsel vm1, $0x0, v15  }
0xaa: {  	v13 =	vmin.u32 v13, $0x7FF;
	vm1 =	vgt.s32 v17, $0x0;
	v15 =	vmin.u32 v15, $0x7FF  }
0xab: {  	v17 =	vnsel vm1, $0x0, v17;
	vm1 =	vgt.s32 v10, v4;
	v49 =	vsel vm2, $0x1FF, v19  }
0xac: {  	v17 =	vmin.u32 v17, $0x7FF;
	v10 =	vsel vm1, v48, v14;
	vm1 =	vgt.s32 v9, v0  }
0xad: {  	v50 =	vld [tilespmem:$0x8620];
	v10 =	vadd.s32 v1, v10;
	v16 =	vsel vm1, v42, v49;
	vm1 =	vgt.s32 v9, v2  }
0xae: {  	v51 =	vld [tilespmem:$0x8630];
	vm2 =	vgt.s32 v10, $0x0;
	v16 =	vadd.s32 v1, v16;
	v19 =	vsel vm1, v20, v49  }
0xaf: {  	v21 =	vld [tilespmem:$0x8640];
	v10 =	vnsel vm2, $0x0, v10;
	vm1 =	vgt.s32 v16, $0x0;
	v19 =	vadd.s32 v1, v19  }
0xb0: {  	v10 =	vmin.u32 v10, $0x7FF;
	v16 =	vnsel vm1, $0x0, v16;
	vm1 =	vgt.s32 v19, $0x0  }
0xb1: {  	v16 =	vmin.u32 v16, $0x7FF;
	v19 =	vnsel vm1, $0x0, v19;
	vm1 =	vgt.s32 v9, v3  }
0xb2: {  	[tilespmem:$0x22A0] =	vst v11;
	v11 =	vmin.u32 v19, $0x7FF;
	v18 =	vsel vm1, v50, v49;
	vm1 =	vgt.s32 v9, v4  }
0xb3: {  	v54 =	vld [tilespmem:$0x8650];
	[tilespmem:$0x22B0] =	vst v12;
	v52 =	vadd.s32 v1, v18;
	v53 =	vsel vm1, v51, v49;
	vm1 =	vgt.s32 v9, v5  }
0xb4: {  	v57 =	vld [tilespmem:$0x8660];
	[tilespmem:$0x45C0] =	vst v13;
	vm2 =	vgt.s32 v52, $0x0;
	v55 =	vadd.s32 v1, v53;
	v56 =	vsel vm1, v21, v49  }
0xb5: {  	v59 =	vld [tilespmem:$0x8670];
	[tilespmem:$0x45D0] =	vst v15;
	v12 =	vnsel vm2, $0x0, v52;
	vm1 =	vgt.s32 v55, $0x0;
	v58 =	vadd.s32 v1, v56  }
0xb6: {  	[tilespmem:$0x45E0] =	vst v17;
	v12 =	vmin.u32 v12, $0x7FF;
	v13 =	vnsel vm1, $0x0, v55;
	vm1 =	vgt.s32 v58, $0x0  }
0xb7: {  	[tilespmem:$0x45F0] =	vst v10;
	v10 =	vmin.u32 v13, $0x7FF;
	v60 =	vnsel vm1, $0x0, v58;
	vm1 =	vgt.s32 v9, v6  }
0xb8: {  	[tilespmem:$0x8900] =	vst v16;
	v13 =	vmin.u32 v60, $0x7FF;
	v61 =	vsel vm1, v54, v49;
	vm1 =	vgt.s32 v9, v7  }
0xb9: {  	[tilespmem:$0x8910] =	vst v11;
	v11 =	vadd.s32 v1, v61;
	v62 =	vsel vm1, v57, v49;
	vm1 =	vgt.s32 v9, v8  }
0xba: {  	[tilespmem:$0x8920] =	vst v12;
	vm2 =	vgt.s32 v11, $0x0;
	v9 =	vadd.s32 v1, v62;
	v63 =	vsel vm1, v59, v49  }
0xbb: {  	[tilespmem:$0x8930] =	vst v10;
	v10 =	vnsel vm2, $0x0, v11;
	vm1 =	vgt.s32 v9, $0x0;
	v11 =	vadd.s32 v1, v63  }
0xbc: {  	[tilespmem:$0x8940] =	vst v13;
	v10 =	vmin.u32 v10, $0x7FF;
	v9 =	vnsel vm1, $0x0, v9;
	vm1 =	vgt.s32 v11, $0x0  }
0xbd: {  	[tilespmem:$0x8950] =	vst v10;
	v9 =	vmin.u32 v9, $0x7FF;
	v10 =	vnsel vm1, $0x0, v11  }
0xbe: {  	[tilespmem:$0x8960] =	vst v9;
	v9 =	vmin.u32 v10, $0x7FF  }
0xbf: {  	s25 =	simm.s32 $0x20;
	s9 =	simm.s32 $0x22A0;
	[tilespmem:$0x8970] =	vst v9  }
0xc0: {  	[tilespmem:s26], [sflag:$0x2] =	stream.indirect.gather [hbm4b:s3+s25], $0x80, s9, s25, $0xb8;
	[tilespmem:$0x10980] =	vst v63  }
0xc1: {  	s28 =	simm.s32 $0x45C0  }
0xc2: {  	[tilespmem:s29], [sflag:$0x2] =	stream.indirect.gather [hbm4b:s4+s19], $0x80, s28, s19, $0xb8;
	[tilespmem:$0x10980] =	vst v63  }
0xc3: {  	s30 =	simm.s32 $0x8900;
	s2 =	simm.s32 $0x0;
	s9 =	simm.s32 $0x0  }
0xc4: {  	[tilespmem:s31], [sflag:$0x2] =	stream.indirect.gather [hbm4b:s5+s22], $0x80, s30, s22, $0xb8;
	[tilespmem:$0x10980] =	vst v63  }
.LBB2_6:
0xc5: {  	s11 =	sshll.u32 s9, $0x1  }
0xc6: {  	_ =	swait.ge [sflag:s0], $0x7000;
	s12 =	sor.u32 s10, s11  }
0xc7: {  	[sflag:s0] =	ssyncset.done $0x0;
	s16 =	sshll.u32 s12, $0x9  }
0xc8: {  	[sflag:s0] =	ssyncadd.s32 $0xFFFF9000;
	s25 =	sshll.u32 s12, $0xA;
	s16 =	sadd.s32 s6, s16  }
0xc9: {  	[hbm4b:s16+s2] =	stream.linear.scatter [tilespmem:s18], [sflag:$0x3], $0x1000, $0x38;
	[tilespmem:$0x10980] =	vst v63  }
0xca: {  	s23 =	sshll.u32 s12, $0xB;
	s16 =	sadd.s32 s7, s25  }
0xcb: {  	[hbm4b:s16+s2] =	stream.linear.scatter [tilespmem:s21], [sflag:$0x3], $0x2000, $0x38;
	[tilespmem:$0x10980] =	vst v63  }
0xcc: {  	s25 =	smin.u32 s11, $0xD;
	s16 =	sadd.s32 s8, s23  }
0xcd: {  	[hbm4b:s16+s2] =	stream.linear.scatter [tilespmem:s24], [sflag:$0x3], $0x4000, $0x38;
	[tilespmem:$0x10980] =	vst v63  }
0xce: {  	s16 =	sshll.u32 s25, $0x9  }
0xcf: {  	s23 =	sadd.s32 $0x400, s16;
	s16 =	sand.u32 $0x180, s2  }
0xd0: {  	s25 =	sand.u32 $0x70, s2;
	s16 =	sadd.s32 s16, s23  }
0xd1: {  	s16 =	sadd.s32 s25, s16  }
0xd2: {  	v9 =	vld [tilespmem:s16+$0x0];
	_ =	sdelay $0x4  }
0xd3: {  	v10 =	vand.u32 $0x1, v9;
	v11 =	vand.u32 $0x2, v9  }
0xd4: {  	v9 =	vand.u32 $0x4, v9;
	v12 =	vshrl.u32 v11, $0x1;
	(xrf0) =	vadd.scan.msk.s32 $0xffff, v10  }
0xd5: {  	(xrf0) =	vadd.scan.msk.s32 $0xffff, v12;
	v12 =	vshrl.u32 v9, $0x2  }
0xd6: {  	(xrf0) =	vadd.scan.msk.s32 $0xffff, v12;
	_ =	sdelay $0x3  }
0xd7: {  	v14 =	vimm.s32 $0x0;
	v12, _, _ =	vpop (xrf0)  }
0xd8: {  	vm2 =	veq.s32 v10, $0x1;
	v12 =	vadd.s32 v12, v14;
	v13, _, _ =	vpop (xrf0)  }
0xd9: {  	vm3 =	vne.s32 v11, $0x0;
	v12 =	vadd.s32 $0xFFFFFFFF, v12;
	v13 =	vadd.s32 v13, v14;
	v11, _, _ =	vpop (xrf0)  }
0xda: {  	vm1 =	vgt.s32 v12, $0x0;
	v13 =	vadd.s32 $0xFFFFFFFF, v13;
	v11 =	vadd.s32 v11, v14  }
0xdb: {  	v10 =	vnsel vm1, $0x0, v12;
	vm1 =	vgt.s32 v13, $0x0;
	v11 =	vadd.s32 $0xFFFFFFFF, v11  }
0xdc: {  	v10 =	vmin.u32 v10, $0x20F;
	v12 =	vnsel vm1, $0x0, v13;
	vm4 =	vgt.s32 v11, $0x0  }
0xdd: {  	vm1 =	vne.s32 v9, $0x0;
	v15 =	vmin.u32 v12, $0x20F;
	v13 =	vnsel vm4, $0x0, v11  }
0xde: {  	v13 =	vmin.u32 v13, $0x20F  }
0xdf: {  	v9 =	vmpcnt.ones.xlane vm2  }
0xe0: {  	s25 =	simm.s32 $0x10;
	v16 =	vmpcnt.ones.xlane vm3;
	v17 =	vmpcnt.ones.xlane vm1;
	v12 =	vor.u32 s2, v0  }
0xe1: {  	s16 =	sand.u32 $0x180, s25;
	v11 =	vadd.s32 v14, v9;
	[tilespmem:v10+s13+$0x0] =	vst.idx.msk vm2, v12  }
0xe2: {  	s28 =	simm.s32 $0x20;
	s30 =	sand.u32 $0x70, s25;
	s16 =	sadd.s32 s16, s23;
	v9 =	vadd.s32 v14, v17;
	v10 =	vadd.s32 v14, v16;
	[tilespmem:v15+s14+$0x0] =	vst.idx.msk vm3, v12  }
.LBB2_7:
0xe3: {  	p0 =	sne.s32 s28, $0x1F0;
	s16 =	sadd.s32 s30, s16;
	[tilespmem:v13+s15+$0x0] =	vst.idx.msk vm1, v12  }
0xe4: {  	v12 =	vld [tilespmem:s16+$0x0];
	_ =	sdelay $0x4  }
0xe5: {  	v13 =	vand.u32 $0x1, v12;
	v14 =	vand.u32 $0x2, v12  }
0xe6: {  	v12 =	vand.u32 $0x4, v12;
	v15 =	vshrl.u32 v14, $0x1;
	(xrf0) =	vadd.scan.msk.s32 $0xffff, v13  }
0xe7: {  	v16 =	vshrl.u32 v12, $0x2;
	(xrf0) =	vadd.scan.msk.s32 $0xffff, v15  }
0xe8: {  	(xrf0) =	vadd.scan.msk.s32 $0xffff, v16;
	_ =	sdelay $0x3  }
0xe9: {  	v15, _, _ =	vpop (xrf0)  }
0xea: {  	vm3 =	veq.s32 v13, $0x1;
	v13 =	vadd.s32 v15, v11;
	v15, _, _ =	vpop (xrf0)  }
0xeb: {  	vm2 =	vne.s32 v14, $0x0;
	v13 =	vadd.s32 $0xFFFFFFFF, v13;
	v14 =	vadd.s32 v15, v10;
	v15, _, _ =	vpop (xrf0)  }
0xec: {  	vm1 =	vgt.s32 v13, $0x0;
	v14 =	vadd.s32 $0xFFFFFFFF, v14;
	v15 =	vadd.s32 v15, v9  }
0xed: {  	v13 =	vnsel vm1, $0x0, v13;
	vm1 =	vgt.s32 v14, $0x0;
	v15 =	vadd.s32 $0xFFFFFFFF, v15  }
0xee: {  	v16 =	vmin.u32 v13, $0x20F;
	v13 =	vnsel vm1, $0x0, v14;
	vm4 =	vgt.s32 v15, $0x0  }
0xef: {  	vm1 =	vne.s32 v12, $0x0;
	v14 =	vmin.u32 v13, $0x20F;
	v12 =	vnsel vm4, $0x0, v15  }
.Ltmp4:
0xf0: {  	v17 =	vmpcnt.ones.xlane vm2;
	v15 =	vmpcnt.ones.xlane vm3;
	v13 =	vmin.u32 v12, $0x20F;
	(pc) =	sbr.rel @p0 .LBB2_7-.Ltmp4, $4  }
0xf1: {  	v18 =	vmpcnt.ones.xlane vm1  }
0xf2: {  	v10 =	vadd.s32 v10, v17;
	v12 =	vor.u32 s25, v0;
	s25 =	smov.u32 s28;
	v11 =	vadd.s32 v11, v15  }
0xf3: {  	s16 =	sand.u32 $0x180, s28;
	v9 =	vadd.s32 v9, v18;
	[tilespmem:v16+s13+$0x0] =	vst.idx.msk vm3, v12  }
0xf4: {  	s16 =	sadd.s32 s16, s23;
	s28 =	sadd.s32 $0x10, s28;
	s30 =	sand.u32 $0x70, s25;
	[tilespmem:v14+s14+$0x0] =	vst.idx.msk vm2, v12  }
0xf5: {  	_ =	sdelay $0x4  }
0xf6: {  	s16 =	sadd.s32 s30, s16;
	[tilespmem:v13+s15+$0x0] =	vst.idx.msk vm1, v12  }
0xf7: {  	v12 =	vld [tilespmem:s16+$0x0];
	_ =	sdelay $0x4  }
0xf8: {  	v13 =	vand.u32 $0x1, v12;
	v14 =	vand.u32 $0x2, v12  }
0xf9: {  	v12 =	vand.u32 $0x4, v12;
	v15 =	vshrl.u32 v14, $0x1;
	(xrf0) =	vadd.scan.msk.s32 $0xffff, v13  }
0xfa: {  	v16 =	vshrl.u32 v12, $0x2;
	(xrf0) =	vadd.scan.msk.s32 $0xffff, v15  }
0xfb: {  	(xrf0) =	vadd.scan.msk.s32 $0xffff, v16;
	_ =	sdelay $0x3  }
0xfc: {  	v15, _, _ =	vpop (xrf0)  }
0xfd: {  	vm2 =	veq.s32 v13, $0x1;
	v13 =	vadd.s32 v15, v11;
	v15, _, _ =	vpop (xrf0)  }
0xfe: {  	vm1 =	vne.s32 v14, $0x0;
	v13 =	vadd.s32 $0xFFFFFFFF, v13;
	v14 =	vadd.s32 v15, v10;
	v15, _, _ =	vpop (xrf0)  }
0xff: {  	vm3 =	vgt.s32 v13, $0x0;
	v14 =	vadd.s32 $0xFFFFFFFF, v14;
	v15 =	vadd.s32 v15, v9  }
0x100: {  	v13 =	vnsel vm3, $0x0, v13;
	vm3 =	vgt.s32 v14, $0x0;
	v15 =	vadd.s32 $0xFFFFFFFF, v15  }
0x101: {  	v13 =	vmin.u32 v13, $0x20F;
	v14 =	vnsel vm3, $0x0, v14;
	vm3 =	vgt.s32 v15, $0x0  }
0x102: {  	vm4 =	vne.s32 v12, $0x0;
	v14 =	vmin.u32 v14, $0x20F;
	v12 =	vnsel vm3, $0x0, v15  }
0x103: {  	v12 =	vmin.u32 v12, $0x20F;
	_ =	sdelay $0x1  }
0x104: {  	v15 =	vor.u32 s25, v0  }
0x105: {  	[tilespmem:v13+s13+$0x0] =	vst.idx.msk vm2, v15  }
0x106: {  	[tilespmem:v14+s14+$0x0] =	vst.idx.msk vm1, v15  }
0x107: {  	[tilespmem:v12+s15+$0x0] =	vst.idx.msk vm4, v15  }
0x108: {  	v12 =	vld [tilespmem:$0x2000];
	_ =	sdelay $0x4  }
0x109: {  	v13 =	vnsel vm0, $0x0, v12  }
0x10a: {  	(xrf0) =	vadd.scan.msk.s32 $0xffff, v13  }
0x10b: {  	v13 =	vld [tilespmem:$0x4300];
	_ =	sdelay $0x2  }
0x10c: {  	v51 =	vld [tilespmem:$0x8600]  }
0x10d: {  	v14 =	vmpcnt.ones.xlane vm2  }
0x10e: {  	v50 =	vnsel vm0, $0x0, v13;
	v15, _, _ =	vpop (xrf0)  }
0x10f: {  	v11 =	vadd.s32 v11, v14;
	(xrf0) =	vadd.scan.msk.s32 $0xffff, v50;
	v14 =	vbroadcast v15, $0xF  }
0x110: {  	vm2 =	veq.s32 v11, $0x0;
	v15 =	vld [tilespmem:$0x2010]  }
0x111: {  	v53 =	vnsel vm0, $0x0, v51;
	v14 =	vsel vm2, $0x1FF, v14;
	vm2 =	vgt.s32 v11, v0  }
0x112: {  	(xrf0) =	vadd.scan.msk.s32 $0xffff, v53;
	v12 =	vsel vm2, v12, v14  }
0x113: {  	v17 =	vmpcnt.ones.xlane vm1;
	v12 =	vadd.s32 v1, v12  }
0x114: {  	v18 =	vmpcnt.ones.xlane vm4;
	vm2 =	vgt.s32 v11, v2;
	vm1 =	vgt.s32 v12, $0x0  }
0x115: {  	v10 =	vadd.s32 v10, v17;
	v11 =	vnsel vm1, $0x0, v12;
	v12 =	vsel vm2, v15, v14;
	v14, _, _ =	vpop (xrf0);
	v15 =	vld [tilespmem:$0x4310]  }
0x116: {  	v9 =	vadd.s32 v9, v18;
	v52 =	vld [tilespmem:$0x4320];
	v12 =	vadd.s32 v1, v12;
	v14 =	vbroadcast v14, $0xF  }
0x117: {  	vm2 =	veq.s32 v10, $0x0;
	v11 =	vmin.u32 v11, $0x7FF;
	vm1 =	vgt.s32 v12, $0x0  }
0x118: {  	v19, _, _ =	vpop (xrf0);
	v12 =	vnsel vm1, $0x0, v12;
	v14 =	vsel vm2, $0x1FF, v14;
	vm1 =	vgt.s32 v10, v0  }
0x119: {  	v19 =	vbroadcast v19, $0xF;
	v13 =	vsel vm1, v13, v14;
	vm1 =	vgt.s32 v10, v2  }
0x11a: {  	v12 =	vmin.u32 v12, $0x7FF;
	v15 =	vsel vm1, v15, v14;
	vm1 =	vgt.s32 v10, v3  }
0x11b: {  	v54 =	vld [tilespmem:$0x4330];
	v13 =	vadd.s32 v1, v13;
	v15 =	vadd.s32 v1, v15;
	v17 =	vsel vm1, v52, v14  }
0x11c: {  	vm2 =	vgt.s32 v13, $0x0;
	vm1 =	vgt.s32 v15, $0x0;
	v17 =	vadd.s32 v1, v17  }
0x11d: {  	v20 =	vld [tilespmem:$0x8610];
	v13 =	vnsel vm2, $0x0, v13;
	v15 =	vnsel vm1, $0x0, v15;
	vm1 =	vgt.s32 v17, $0x0  }
0x11e: {  	vm2 =	veq.s32 v9, $0x0;
	v13 =	vmin.u32 v13, $0x7FF;
	v17 =	vnsel vm1, $0x0, v17  }
0x11f: {  	v15 =	vmin.u32 v15, $0x7FF;
	vm1 =	vgt.s32 v10, v4;
	v17 =	vmin.u32 v17, $0x7FF  }
0x120: {  	v10 =	vsel vm1, v54, v14;
	v14 =	vsel vm2, $0x1FF, v19;
	vm1 =	vgt.s32 v9, v0  }
0x121: {  	v55 =	vld [tilespmem:$0x8620];
	v10 =	vadd.s32 v1, v10;
	v16 =	vsel vm1, v51, v14;
	vm1 =	vgt.s32 v9, v2  }
0x122: {  	v56 =	vld [tilespmem:$0x8630];
	vm2 =	vgt.s32 v10, $0x0;
	v16 =	vadd.s32 v1, v16;
	v19 =	vsel vm1, v20, v14  }
0x123: {  	v21 =	vld [tilespmem:$0x8640];
	v10 =	vnsel vm2, $0x0, v10;
	vm1 =	vgt.s32 v16, $0x0;
	v19 =	vadd.s32 v1, v19  }
0x124: {  	v10 =	vmin.u32 v10, $0x7FF;
	v16 =	vnsel vm1, $0x0, v16;
	vm1 =	vgt.s32 v19, $0x0  }
0x125: {  	v16 =	vmin.u32 v16, $0x7FF;
	v19 =	vnsel vm1, $0x0, v19;
	vm1 =	vgt.s32 v9, v3  }
0x126: {  	[tilespmem:$0x2280] =	vst v11;
	v11 =	vmin.u32 v19, $0x7FF;
	v18 =	vsel vm1, v55, v14;
	vm1 =	vgt.s32 v9, v4  }
0x127: {  	v58 =	vld [tilespmem:$0x8650];
	[tilespmem:$0x2290] =	vst v12;
	v12 =	vadd.s32 v1, v18;
	v57 =	vsel vm1, v56, v14;
	vm1 =	vgt.s32 v9, v5  }
0x128: {  	v60 =	vld [tilespmem:$0x8660];
	[tilespmem:$0x4580] =	vst v13;
	vm2 =	vgt.s32 v12, $0x0;
	v13 =	vadd.s32 v1, v57;
	v59 =	vsel vm1, v21, v14  }
0x129: {  	v61 =	vld [tilespmem:$0x8670];
	[tilespmem:$0x4590] =	vst v15;
	v12 =	vnsel vm2, $0x0, v12;
	vm1 =	vgt.s32 v13, $0x0;
	v15 =	vadd.s32 v1, v59  }
0x12a: {  	[tilespmem:$0x45A0] =	vst v17;
	v12 =	vmin.u32 v12, $0x7FF;
	v13 =	vnsel vm1, $0x0, v13;
	vm1 =	vgt.s32 v15, $0x0  }
0x12b: {  	[tilespmem:$0x45B0] =	vst v10;
	v10 =	vmin.u32 v13, $0x7FF;
	v13 =	vnsel vm1, $0x0, v15;
	vm1 =	vgt.s32 v9, v6  }
0x12c: {  	[tilespmem:$0x8880] =	vst v16;
	v13 =	vmin.u32 v13, $0x7FF;
	v15 =	vsel vm1, v58, v14;
	vm1 =	vgt.s32 v9, v7  }
0x12d: {  	[tilespmem:$0x8890] =	vst v11;
	v11 =	vadd.s32 v1, v15;
	v15 =	vsel vm1, v60, v14;
	vm1 =	vgt.s32 v9, v8  }
0x12e: {  	[tilespmem:$0x88A0] =	vst v12;
	vm2 =	vgt.s32 v11, $0x0;
	v9 =	vadd.s32 v1, v15;
	v12 =	vsel vm1, v61, v14  }
0x12f: {  	[tilespmem:$0x88B0] =	vst v10;
	v10 =	vnsel vm2, $0x0, v11;
	vm1 =	vgt.s32 v9, $0x0;
	v11 =	vadd.s32 v1, v12  }
0x130: {  	[tilespmem:$0x88C0] =	vst v13;
	v10 =	vmin.u32 v10, $0x7FF;
	v9 =	vnsel vm1, $0x0, v9;
	vm1 =	vgt.s32 v11, $0x0  }
0x131: {  	[tilespmem:$0x88D0] =	vst v10;
	v9 =	vmin.u32 v9, $0x7FF;
	v10 =	vnsel vm1, $0x0, v11  }
0x132: {  	[tilespmem:$0x88E0] =	vst v9;
	v9 =	vmin.u32 v10, $0x7FF  }
0x133: {  	[tilespmem:$0x88F0] =	vst v9  }
0x134: {  	p0 =	seq.s32 s9, $0x7;
	_ =	swait.ge [sflag:s1], $0x7000  }
0x135: {  	s12 =	sor.u32 $0x1, s12;
	s16 =	simm.s32 @!p0 $0x20;
	[sflag:s1] =	ssyncset.done $0x0  }
0x136: {  	s23 =	simm.s32 @!p0 $0x2280;
	s25 =	simm.s32 @!p0 $0x2300;
	[sflag:s1] =	ssyncadd.s32 $0xFFFF9000  }
0x137: {  	[tilespmem:s25], [sflag:$0x1] =	stream.indirect.gather @!p0 [hbm4b:s3+s16], $0x80, s23, s16, $0xb8;
	[tilespmem:$0x10980] =	vst v63  }
0x138: {  	s16 =	simm.s32 @!p0 $0x40;
	s23 =	simm.s32 @!p0 $0x4580;
	s25 =	simm.s32 @!p0 $0x4600  }
0x139: {  	[tilespmem:s25], [sflag:$0x1] =	stream.indirect.gather @!p0 [hbm4b:s4+s16], $0x80, s23, s16, $0xb8;
	[tilespmem:$0x10980] =	vst v63  }
0x13a: {  	s16 =	simm.s32 @!p0 $0x80;
	s23 =	simm.s32 @!p0 $0x8880;
	s25 =	simm.s32 @!p0 $0x8980  }
0x13b: {  	[tilespmem:s25], [sflag:$0x1] =	stream.indirect.gather @!p0 [hbm4b:s5+s16], $0x80, s23, s16, $0xb8;
	[tilespmem:$0x10980] =	vst v63  }
0x13c: {  	s28 =	sshll.u32 s12, $0x9;
	_ =	swait.ge [sflag:s17], $0x7000  }
0x13d: {  	s30 =	sshll.u32 s12, $0xA;
	s16 =	sand.u32 $0x1FFFFE00, s28;
	[sflag:s17] =	ssyncset.done $0x0  }
0x13e: {  	s23 =	simm.s32 $0x0;
	s16 =	sadd.s32 s6, s16;
	[sflag:s17] =	ssyncadd.s32 $0xFFFF9000  }
0x13f: {  	[hbm4b:s16+s23] =	stream.linear.scatter [tilespmem:s26], [sflag:$0x4], $0x1000, $0x38;
	[tilespmem:$0x10980] =	vst v63  }
0x140: {  	s11 =	smin.u32 s11, $0xC;
	s12 =	sshll.u32 s12, $0xB;
	s16 =	sand.u32 $0x1FFFFC00, s30  }
0x141: {  	s11 =	sshll.u32 s11, $0x9;
	s12 =	sand.u32 $0x1FFFF800, s12;
	s16 =	sadd.s32 s7, s16  }
0x142: {  	[hbm4b:s16+s23] =	stream.linear.scatter [tilespmem:s29], [sflag:$0x4], $0x2000, $0x38;
	[tilespmem:$0x10980] =	vst v63  }
0x143: {  	s11 =	sadd.s32 $0x600, s11;
	s12 =	sadd.s32 s8, s12;
	s25 =	sand.u32 $0x180, s23  }
0x144: {  	[hbm4b:s12+s23] =	stream.linear.scatter [tilespmem:s31], [sflag:$0x4], $0x4000, $0x38;
	[tilespmem:$0x10980] =	vst v63  }
0x145: {  	s28 =	sand.u32 $0x70, s23;
	s12 =	sadd.s32 s25, s11  }
0x146: {  	s12 =	sadd.s32 s28, s12  }
0x147: {  	v9 =	vld [tilespmem:s12+$0x0];
	_ =	sdelay $0x4  }
0x148: {  	v10 =	vand.u32 $0x1, v9;
	v11 =	vand.u32 $0x2, v9  }
0x149: {  	v9 =	vand.u32 $0x4, v9;
	v12 =	vshrl.u32 v11, $0x1;
	(xrf0) =	vadd.scan.msk.s32 $0xffff, v10  }
0x14a: {  	(xrf0) =	vadd.scan.msk.s32 $0xffff, v12;
	v12 =	vshrl.u32 v9, $0x2  }
0x14b: {  	(xrf0) =	vadd.scan.msk.s32 $0xffff, v12;
	_ =	sdelay $0x3  }
0x14c: {  	v14 =	vimm.s32 $0x0;
	v12, _, _ =	vpop (xrf0)  }
0x14d: {  	vm2 =	veq.s32 v10, $0x1;
	v12 =	vadd.s32 v12, v14;
	v13, _, _ =	vpop (xrf0)  }
0x14e: {  	vm3 =	vne.s32 v11, $0x0;
	v12 =	vadd.s32 $0xFFFFFFFF, v12;
	v13 =	vadd.s32 v13, v14;
	v11, _, _ =	vpop (xrf0)  }
0x14f: {  	vm1 =	vgt.s32 v12, $0x0;
	v13 =	vadd.s32 $0xFFFFFFFF, v13;
	v11 =	vadd.s32 v11, v14  }
0x150: {  	v10 =	vnsel vm1, $0x0, v12;
	vm1 =	vgt.s32 v13, $0x0;
	v11 =	vadd.s32 $0xFFFFFFFF, v11  }
0x151: {  	v10 =	vmin.u32 v10, $0x20F;
	v12 =	vnsel vm1, $0x0, v13;
	vm15 =	vgt.s32 v11, $0x0  }
0x152: {  	vm1 =	vne.s32 v9, $0x0;
	v15 =	vmin.u32 v12, $0x20F;
	v13 =	vnsel vm15, $0x0, v11  }
0x153: {  	v13 =	vmin.u32 v13, $0x20F  }
0x154: {  	v9 =	vmpcnt.ones.xlane vm2  }
0x155: {  	s12 =	simm.s32 $0x10;
	v62 =	vmpcnt.ones.xlane vm3;
	v63 =	vmpcnt.ones.xlane vm1;
	v12 =	vor.u32 s23, v0  }
0x156: {  	s30 =	sand.u32 $0x180, s12;
	v11 =	vadd.s32 v14, v9;
	[tilespmem:v10+s13+$0x0] =	vst.idx.msk vm2, v12  }
0x157: {  	s25 =	sand.u32 $0x70, s12;
	s16 =	sadd.s32 s30, s11;
	s23 =	simm.s32 $0x20;
	v9 =	vadd.s32 v14, v63;
	v10 =	vadd.s32 v14, v62;
	[tilespmem:v15+s14+$0x0] =	vst.idx.msk vm3, v12  }
.LBB2_9:
0x158: {  	p1 =	sne.s32 s23, $0x1F0;
	s16 =	sadd.s32 s25, s16;
	[tilespmem:v13+s15+$0x0] =	vst.idx.msk vm1, v12  }
0x159: {  	v12 =	vld [tilespmem:s16+$0x0];
	_ =	sdelay $0x4  }
0x15a: {  	v13 =	vand.u32 $0x1, v12;
	v14 =	vand.u32 $0x2, v12  }
0x15b: {  	v12 =	vand.u32 $0x4, v12;
	v15 =	vshrl.u32 v14, $0x1;
	(xrf0) =	vadd.scan.msk.s32 $0xffff, v13  }
0x15c: {  	v16 =	vshrl.u32 v12, $0x2;
	(xrf0) =	vadd.scan.msk.s32 $0xffff, v15  }
0x15d: {  	(xrf0) =	vadd.scan.msk.s32 $0xffff, v16;
	_ =	sdelay $0x3  }
0x15e: {  	v15, _, _ =	vpop (xrf0)  }
0x15f: {  	vm3 =	veq.s32 v13, $0x1;
	v13 =	vadd.s32 v15, v11;
	v15, _, _ =	vpop (xrf0)  }
0x160: {  	vm2 =	vne.s32 v14, $0x0;
	v13 =	vadd.s32 $0xFFFFFFFF, v13;
	v14 =	vadd.s32 v15, v10;
	v15, _, _ =	vpop (xrf0)  }
0x161: {  	vm1 =	vgt.s32 v13, $0x0;
	v14 =	vadd.s32 $0xFFFFFFFF, v14;
	v15 =	vadd.s32 v15, v9  }
0x162: {  	v13 =	vnsel vm1, $0x0, v13;
	vm1 =	vgt.s32 v14, $0x0;
	v15 =	vadd.s32 $0xFFFFFFFF, v15  }
0x163: {  	v16 =	vmin.u32 v13, $0x20F;
	v13 =	vnsel vm1, $0x0, v14;
	vm4 =	vgt.s32 v15, $0x0  }
0x164: {  	vm1 =	vne.s32 v12, $0x0;
	v14 =	vmin.u32 v13, $0x20F;
	v12 =	vnsel vm4, $0x0, v15  }
.Ltmp5:
0x165: {  	v17 =	vmpcnt.ones.xlane vm2;
	v15 =	vmpcnt.ones.xlane vm3;
	v13 =	vmin.u32 v12, $0x20F;
	(pc) =	sbr.rel @p1 .LBB2_9-.Ltmp5, $4  }
0x166: {  	v18 =	vmpcnt.ones.xlane vm1  }
0x167: {  	v10 =	vadd.s32 v10, v17;
	v12 =	vor.u32 s12, v0;
	s12 =	smov.u32 s23;
	v11 =	vadd.s32 v11, v15  }
0x168: {  	s16 =	sand.u32 $0x180, s23;
	v9 =	vadd.s32 v9, v18;
	[tilespmem:v16+s13+$0x0] =	vst.idx.msk vm3, v12  }
0x169: {  	s16 =	sadd.s32 s16, s11;
	s23 =	sadd.s32 $0x10, s23;
	s25 =	sand.u32 $0x70, s12;
	[tilespmem:v14+s14+$0x0] =	vst.idx.msk vm2, v12  }
0x16a: {  	_ =	sdelay $0x4  }
0x16b: {  	s11 =	sadd.s32 s25, s16;
	[tilespmem:v13+s15+$0x0] =	vst.idx.msk vm1, v12  }
0x16c: {  	v12 =	vld [tilespmem:s11+$0x0];
	_ =	sdelay $0x4  }
0x16d: {  	v27 =	vand.u32 $0x1, v12;
	v14 =	vand.u32 $0x2, v12  }
0x16e: {  	v12 =	vand.u32 $0x4, v12;
	v15 =	vshrl.u32 v14, $0x1;
	(xrf0) =	vadd.scan.msk.s32 $0xffff, v27  }
0x16f: {  	v16 =	vshrl.u32 v12, $0x2;
	(xrf0) =	vadd.scan.msk.s32 $0xffff, v15  }
0x170: {  	(xrf0) =	vadd.scan.msk.s32 $0xffff, v16;
	_ =	sdelay $0x3  }
0x171: {  	v28, _, _ =	vpop (xrf0)  }
0x172: {  	vm2 =	veq.s32 v27, $0x1;
	v29 =	vadd.s32 v28, v11;
	v30, _, _ =	vpop (xrf0)  }
0x173: {  	vm1 =	vne.s32 v14, $0x0;
	v13 =	vadd.s32 $0xFFFFFFFF, v29;
	v31 =	vadd.s32 v30, v10;
	v32, _, _ =	vpop (xrf0)  }
0x174: {  	vm3 =	vgt.s32 v13, $0x0;
	v14 =	vadd.s32 $0xFFFFFFFF, v31;
	v15 =	vadd.s32 v32, v9  }
0x175: {  	v13 =	vnsel vm3, $0x0, v13;
	vm3 =	vgt.s32 v14, $0x0;
	v15 =	vadd.s32 $0xFFFFFFFF, v15  }
0x176: {  	v13 =	vmin.u32 v13, $0x20F;
	v14 =	vnsel vm3, $0x0, v14;
	vm3 =	vgt.s32 v15, $0x0  }
0x177: {  	vm4 =	vne.s32 v12, $0x0;
	v14 =	vmin.u32 v14, $0x20F;
	v33 =	vnsel vm3, $0x0, v15  }
0x178: {  	v12 =	vmin.u32 v33, $0x20F;
	_ =	sdelay $0x1  }
0x179: {  	v34 =	vor.u32 s12, v0  }
0x17a: {  	[tilespmem:v13+s13+$0x0] =	vst.idx.msk vm2, v34  }
0x17b: {  	[tilespmem:v14+s14+$0x0] =	vst.idx.msk vm1, v34  }
0x17c: {  	[tilespmem:v12+s15+$0x0] =	vst.idx.msk vm4, v34  }
0x17d: {  	v12 =	vld [tilespmem:$0x2000];
	_ =	sdelay $0x4  }
0x17e: {  	v35 =	vnsel vm0, $0x0, v12  }
0x17f: {  	v36 =	vld [tilespmem:$0x4300];
	(xrf0) =	vadd.scan.msk.s32 $0xffff, v35;
	_ =	sdelay $0x4  }
0x180: {  	v37 =	vmpcnt.ones.xlane vm2;
	v39 =	vnsel vm0, $0x0, v36  }
0x181: {  	v41 =	vld [tilespmem:$0x2010];
	v38, _, _ =	vpop (xrf0);
	(xrf0) =	vadd.scan.msk.s32 $0xffff, v39  }
0x182: {  	v11 =	vadd.s32 v11, v37;
	v42 =	vld [tilespmem:$0x8600];
	v40 =	vbroadcast v38, $0xF  }
0x183: {  	v17 =	vmpcnt.ones.xlane vm1;
	vm2 =	veq.s32 v11, $0x0  }
0x184: {  	v18 =	vmpcnt.ones.xlane vm4;
	v14 =	vsel vm2, $0x1FF, v40;
	vm2 =	vgt.s32 v11, v0  }
0x185: {  	v10 =	vadd.s32 v10, v17;
	v12 =	vsel vm2, v12, v14  }
0x186: {  	v9 =	vadd.s32 v9, v18;
	vm2 =	vgt.s32 v11, v2;
	v12 =	vadd.s32 v1, v12  }
0x187: {  	v45 =	vld [tilespmem:$0x4310];
	v47 =	vnsel vm0, $0x0, v42;
	v43 =	vsel vm2, v41, v14;
	vm1 =	vgt.s32 v12, $0x0;
	v44, _, _ =	vpop (xrf0)  }
0x188: {  	v46 =	vld [tilespmem:$0x4320];
	(xrf0) =	vadd.scan.msk.s32 $0xffff, v47;
	v11 =	vnsel vm1, $0x0, v12;
	v12 =	vadd.s32 v1, v43;
	v14 =	vbroadcast v44, $0xF  }
0x189: {  	vm2 =	veq.s32 v10, $0x0;
	v11 =	vmin.u32 v11, $0x7FF;
	vm1 =	vgt.s32 v12, $0x0  }
0x18a: {  	v12 =	vnsel vm1, $0x0, v12;
	v14 =	vsel vm2, $0x1FF, v14;
	vm1 =	vgt.s32 v10, v0  }
0x18b: {  	v12 =	vmin.u32 v12, $0x7FF;
	v13 =	vsel vm1, v36, v14;
	vm1 =	vgt.s32 v10, v2  }
0x18c: {  	v13 =	vadd.s32 v1, v13;
	v15 =	vsel vm1, v45, v14;
	vm1 =	vgt.s32 v10, v3  }
0x18d: {  	v48 =	vld [tilespmem:$0x4330];
	vm2 =	vgt.s32 v13, $0x0;
	v15 =	vadd.s32 v1, v15;
	v17 =	vsel vm1, v46, v14  }
0x18e: {  	v19, _, _ =	vpop (xrf0);
	v13 =	vnsel vm2, $0x0, v13;
	vm1 =	vgt.s32 v15, $0x0;
	v17 =	vadd.s32 v1, v17  }
0x18f: {  	v20 =	vld [tilespmem:$0x8610];
	v19 =	vbroadcast v19, $0xF;
	vm2 =	veq.s32 v9, $0x0;
	v15 =	vnsel vm1, $0x0, v15  }
0x190: {  	v13 =	vmin.u32 v13, $0x7FF;
	vm1 =	vgt.s32 v17, $0x0;
	v15 =	vmin.u32 v15, $0x7FF  }
0x191: {  	v17 =	vnsel vm1, $0x0, v17;
	vm1 =	vgt.s32 v10, v4;
	v49 =	vsel vm2, $0x1FF, v19  }
0x192: {  	v17 =	vmin.u32 v17, $0x7FF;
	v10 =	vsel vm1, v48, v14;
	vm1 =	vgt.s32 v9, v0  }
0x193: {  	v50 =	vld [tilespmem:$0x8620];
	v10 =	vadd.s32 v1, v10;
	v16 =	vsel vm1, v42, v49;
	vm1 =	vgt.s32 v9, v2  }
0x194: {  	v51 =	vld [tilespmem:$0x8630];
	vm2 =	vgt.s32 v10, $0x0;
	v16 =	vadd.s32 v1, v16;
	v19 =	vsel vm1, v20, v49  }
0x195: {  	v21 =	vld [tilespmem:$0x8640];
	v10 =	vnsel vm2, $0x0, v10;
	vm1 =	vgt.s32 v16, $0x0;
	v19 =	vadd.s32 v1, v19  }
0x196: {  	v10 =	vmin.u32 v10, $0x7FF;
	v16 =	vnsel vm1, $0x0, v16;
	vm1 =	vgt.s32 v19, $0x0  }
0x197: {  	v16 =	vmin.u32 v16, $0x7FF;
	v19 =	vnsel vm1, $0x0, v19;
	vm1 =	vgt.s32 v9, v3  }
0x198: {  	[tilespmem:$0x22A0] =	vst v11;
	v11 =	vmin.u32 v19, $0x7FF;
	v18 =	vsel vm1, v50, v49;
	vm1 =	vgt.s32 v9, v4  }
0x199: {  	v54 =	vld [tilespmem:$0x8650];
	[tilespmem:$0x22B0] =	vst v12;
	v52 =	vadd.s32 v1, v18;
	v53 =	vsel vm1, v51, v49;
	vm1 =	vgt.s32 v9, v5  }
0x19a: {  	v57 =	vld [tilespmem:$0x8660];
	[tilespmem:$0x45C0] =	vst v13;
	vm2 =	vgt.s32 v52, $0x0;
	v55 =	vadd.s32 v1, v53;
	v56 =	vsel vm1, v21, v49  }
0x19b: {  	v59 =	vld [tilespmem:$0x8670];
	[tilespmem:$0x45D0] =	vst v15;
	v12 =	vnsel vm2, $0x0, v52;
	vm1 =	vgt.s32 v55, $0x0;
	v58 =	vadd.s32 v1, v56  }
0x19c: {  	[tilespmem:$0x45E0] =	vst v17;
	v12 =	vmin.u32 v12, $0x7FF;
	v13 =	vnsel vm1, $0x0, v55;
	vm1 =	vgt.s32 v58, $0x0  }
0x19d: {  	[tilespmem:$0x45F0] =	vst v10;
	v10 =	vmin.u32 v13, $0x7FF;
	v60 =	vnsel vm1, $0x0, v58;
	vm1 =	vgt.s32 v9, v6  }
0x19e: {  	[tilespmem:$0x8900] =	vst v16;
	v13 =	vmin.u32 v60, $0x7FF;
	v61 =	vsel vm1, v54, v49;
	vm1 =	vgt.s32 v9, v7  }
0x19f: {  	[tilespmem:$0x8910] =	vst v11;
	v11 =	vadd.s32 v1, v61;
	v62 =	vsel vm1, v57, v49;
	vm1 =	vgt.s32 v9, v8  }
0x1a0: {  	[tilespmem:$0x8920] =	vst v12;
	vm2 =	vgt.s32 v11, $0x0;
	v9 =	vadd.s32 v1, v62;
	v63 =	vsel vm1, v59, v49  }
0x1a1: {  	[tilespmem:$0x8930] =	vst v10;
	v10 =	vnsel vm2, $0x0, v11;
	vm1 =	vgt.s32 v9, $0x0;
	v11 =	vadd.s32 v1, v63  }
0x1a2: {  	[tilespmem:$0x8940] =	vst v13;
	v10 =	vmin.u32 v10, $0x7FF;
	v9 =	vnsel vm1, $0x0, v9;
	vm1 =	vgt.s32 v11, $0x0  }
0x1a3: {  	[tilespmem:$0x8950] =	vst v10;
	v9 =	vmin.u32 v9, $0x7FF;
	v10 =	vnsel vm1, $0x0, v11  }
.Ltmp6:
0x1a4: {  	[tilespmem:$0x8960] =	vst v9;
	v9 =	vmin.u32 v10, $0x7FF;
	(pc) =	sbr.rel @p0 .LBB2_12-.Ltmp6, $4  }
0x1a5: {  	[tilespmem:$0x8970] =	vst v9  }
0x1a6: {  	_ =	swait.ge [sflag:s20], $0x7000  }
0x1a7: {  	[sflag:s20] =	ssyncset.done $0x0  }
0x1a8: {  	[sflag:s20] =	ssyncadd.s32 $0xFFFF9000  }
0x1a9: {  	s11 =	simm.s32 $0x20;
	s12 =	simm.s32 $0x22A0  }
0x1aa: {  	[tilespmem:s26], [sflag:$0x2] =	stream.indirect.gather [hbm4b:s3+s11], $0x80, s12, s11, $0xb8;
	[tilespmem:$0x10980] =	vst v63  }
.Ltmp7:
0x1ab: {  	_ = 	snop;
	(pc) =	sbr.rel .LBB2_6-.Ltmp7, $4  }
0x1ac: {  	s28 =	simm.s32 $0x45C0  }
0x1ad: {  	[tilespmem:s29], [sflag:$0x2] =	stream.indirect.gather [hbm4b:s4+s19], $0x80, s28, s19, $0xb8;
	[tilespmem:$0x10980] =	vst v63  }
0x1ae: {  	s30 =	simm.s32 $0x8900;
	s9 =	sadd.s32 $0x1, s9  }
0x1af: {  	[tilespmem:s31], [sflag:$0x2] =	stream.indirect.gather [hbm4b:s5+s22], $0x80, s30, s22, $0xb8;
	[tilespmem:$0x10980] =	vst v63  }
.LBB2_13:
0x1b0: {  	_ =	sfence.sel $0x180000  }
0x1b1: {  	[bflag:$0x0] =	sbarrier.arrive $0xFFFF  }
0x1b2: {  	_ =	strace $0x9000004A  }
0x1b3: {  	s0 =	stileid.u32;
	[bflag:$0x2] =	sbarrier.arrive $0xFFFF  }
0x1b4: {  	p0 =	sne.s32 s0, $0x0;
	s0 =	rddreg [dreg:$0x1]  }
0x1b5: {  	s0 =	sadd.s32 @!p0 $0x100000, s0  }
0x1b6: {  	[sflag:s0] =	ssyncadd.tile.s32 @!p0 $0x1;
	_ =	shalt  }
.Lfunc_end2:
_tile_overlayer_lowered:
.L_overlay_start_2:
0x1b7: {  	(tag) =	ssettag $0x2  }
0x1b8: {  	s0 =	rddreg [dreg:$0x0];
	s2 =	stileid.u32  }
0x1b9: {  	s1 =	rddreg [dreg:$0x1];
	p0 =	sne.s32 s2, $0x0  }
0x1ba: {  	s3 =	rddreg [dreg:$0x2];
	[bflag:$0x3] =	sbarrier.arrive $0xFFFF;
	s2 =	simm.s32 @!p0 $0x1C05  }
0x1bb: {  	[timem:s3], [sflag:s2] =	dma.local @!p0 [hbm:s0], s1  }
0x1bc: {  	s0 =	simm.s32 @!p0 $0x5  }
0x1bd: {  	_ =	swait.ge @!p0 [sflag:s0], s1  }
0x1be: {  	s1 =	ssub.s32 @!p0 $0x0, s1;
	[sflag:s0] =	ssyncset.done @!p0 $0x0  }
0x1bf: {  	[sflag:s0] =	ssyncadd.s32 @!p0 s1  }
0x1c0: {  	[bflag:$0x3] =	sbarrier.arrive $0xFFFF  }
0x1c1: {  	_ =	shalt  }

</sc_bundles>
